<compile_context>
chip_gen: v7x
topology: tpu7x:2x2x1
jax: 0.10.2.dev20260603
libtpu: 0.0.44.dev20260713+nightly
codegen_flags: <defaults>
</compile_context>

<pallas_src>
import functools

import jax
import jax.numpy as jnp
from jax import lax
from jax.experimental import pallas as pl
from jax.experimental.pallas import tpu as pltpu
from jax.experimental.pallas import tpu_sc as plsc

N = 10000
E = 320000
D = 128
CH = 64


def _sc_segment_sums(WA0, WA1, src, dst):
  info = plsc.get_sparse_core_info()
  ns = info.num_subcores
  e_per_tile = E // ns
  n_main = e_per_tile // CH
  tail = e_per_tile - n_main * CH
  zrows = 40
  n_rowch = N // zrows
  max_per_tile = -(-n_rowch // ns)

  NSETS = 5
  GA = 3
  SLAG = 1
  IA = 4
  n_groups = n_main // NSETS

  mesh = plsc.VectorSubcoreMesh(core_axis_name="c", subcore_axis_name="s")

  scratch = []
  for _ in range(NSETS):
    scratch += [
        pltpu.VMEM((CH,), jnp.int32),
        pltpu.VMEM((CH,), jnp.int32),
        pltpu.VMEM((CH, D), jnp.float32),
        pltpu.SemaphoreType.DMA,
        pltpu.SemaphoreType.DMA,
        pltpu.SemaphoreType.DMA,
    ]
  scratch += [
      pltpu.VMEM((zrows, D), jnp.float32),
      pltpu.VMEM_SHARED((N, D), jnp.float32),
  ]
  if tail:
    scratch += [
        pltpu.VMEM((tail,), jnp.int32),
        pltpu.VMEM((tail,), jnp.int32),
    ]

  @functools.partial(
      pl.kernel,
      out_type=[
          jax.ShapeDtypeStruct((N, D), jnp.float32),
          jax.ShapeDtypeStruct((N, D), jnp.float32),
      ],
      mesh=mesh,
      scratch_types=scratch,
  )
  def body(wa0_hbm, wa1_hbm, src_hbm, dst_hbm, out0_hbm, out1_hbm, *bufs):
    sets = [bufs[6 * m:6 * m + 6] for m in range(NSETS)]
    zbuf = bufs[6 * NSETS]
    acc_sh = bufs[6 * NSETS + 1]
    tailbufs = bufs[6 * NSETS + 2:]
    cid = lax.axis_index("c")
    sid = lax.axis_index("s")
    ebase = pl.multiple_of(sid * e_per_tile, 8)

    z16 = jnp.zeros((16,), jnp.float32)

    def zrow(r, carry):
      for l in range(D // 16):
        zbuf[r, pl.ds(l * 16, 16)] = z16
      return carry

    lax.fori_loop(0, zrows, zrow, 0)
    zsem = sets[0][5]
    for k in range(max_per_tile):
      j = k * ns + sid

      @pl.when(j < n_rowch)
      def _():
        pltpu.async_copy(zbuf, acc_sh.at[pl.ds(pl.multiple_of(j * zrows, 8),
                                               zrows)], zsem)
    for k in range(max_per_tile):
      j = k * ns + sid

      @pl.when(j < n_rowch)
      def _():
        pltpu.make_async_copy(zbuf,
                              acc_sh.at[pl.ds(pl.multiple_of(j * zrows, 8),
                                              zrows)], zsem).wait()

    def idx_start(j, s):
      srcv, dstv, _, isem, _, _ = s
      base = pl.multiple_of(ebase + j * CH, 8)
      pltpu.async_copy(src_hbm.at[pl.ds(base, CH)], srcv, isem)
      pltpu.async_copy(dst_hbm.at[pl.ds(base, CH)], dstv, isem)

    def idx_wait(j, s):
      srcv, dstv, _, isem, _, _ = s
      base = pl.multiple_of(ebase + j * CH, 8)
      pltpu.make_async_copy(src_hbm.at[pl.ds(base, CH)], srcv, isem).wait()
      pltpu.make_async_copy(dst_hbm.at[pl.ds(base, CH)], dstv, isem).wait()

    for jj in range(IA):
      idx_start(jj, sets[jj])
    plsc.subcore_barrier()

    def accumulate(table_hbm):
      def gather_start(s):
        srcv, _, rows, _, gsem, _ = s
        pltpu.async_copy(table_hbm.at[srcv], rows, gsem)

      def gather_wait(s):
        srcv, _, rows, _, gsem, _ = s
        pltpu.make_async_copy(table_hbm.at[srcv], rows, gsem).wait()

      def scatter_start(s):
        _, dstv, rows, _, _, ssem = s
        pltpu.async_copy(rows, acc_sh.at[dstv], ssem, add=True)

      def scatter_wait(s):
        _, dstv, rows, _, _, ssem = s
        pltpu.make_async_copy(rows, acc_sh.at[dstv], ssem).wait()

      for jj in range(GA):
        idx_wait(jj, sets[jj])
        gather_start(sets[jj])

      def group(i, carry):
        for m in range(NSETS):
          j = i * NSETS + m
          X = sets[m]
          W = sets[(m + GA) % NSETS]
          V = sets[(m + IA) % NSETS]
          gather_wait(X)
          scatter_start(X)

          def next_gather(j=j, W=W):
            idx_wait(j + GA, W)
            gather_start(W)

          tg = (n_main - 1 - GA - m) // NSETS
          if tg >= n_groups - 1:
            next_gather()
          else:
            @pl.when(i <= tg)
            def _():
              next_gather()

          if m < SLAG:
            @pl.when(i > 0)
            def _():
              scatter_wait(V)
          else:
            scatter_wait(V)

          def next_idx(j=j, V=V):
            idx_start(j + IA, V)

          ti = (n_main - 1 - IA - m) // NSETS
          if ti >= n_groups - 1:
            next_idx()
          else:
            @pl.when(i <= ti)
            def _():
              next_idx()
        return carry

      lax.fori_loop(0, n_groups, group, 0)

      for j in range(n_groups * NSETS, n_main):
        X = sets[j % NSETS]
        gather_wait(X)
        scatter_start(X)
        scatter_wait(sets[(j - SLAG) % NSETS])

      if tail:
        srcv_t, dstv_t = tailbufs
        rows_t = sets[0][2].at[pl.ds(0, tail)]
        base_t = pl.multiple_of(ebase + n_main * CH, 8)
        isem0 = sets[0][3]
        pltpu.async_copy(src_hbm.at[pl.ds(base_t, tail)], srcv_t, isem0)
        pltpu.async_copy(dst_hbm.at[pl.ds(base_t, tail)], dstv_t, isem0)
        pltpu.make_async_copy(src_hbm.at[pl.ds(base_t, tail)], srcv_t,
                              isem0).wait()
        pltpu.make_async_copy(dst_hbm.at[pl.ds(base_t, tail)], dstv_t,
                              isem0).wait()
        pltpu.async_copy(table_hbm.at[srcv_t], rows_t, sets[0][4]).wait()
        pltpu.sync_copy(rows_t, acc_sh.at[dstv_t], add=True)
      for jj in range(SLAG, 0, -1):
        scatter_wait(sets[(n_main - jj) % NSETS])

    @pl.when(cid == 0)
    def _():
      accumulate(wa0_hbm)

    @pl.when(cid == 1)
    def _():
      accumulate(wa1_hbm)

    plsc.subcore_barrier()

    def writeback(out_hbm):
      wsem = sets[0][5]
      for k in range(max_per_tile):
        j = k * ns + sid

        @pl.when(j < n_rowch)
        def _():
          off = pl.multiple_of(j * zrows, 8)
          pltpu.async_copy(acc_sh.at[pl.ds(off, zrows)],
                           out_hbm.at[pl.ds(off, zrows)], wsem)
      for k in range(max_per_tile):
        j = k * ns + sid

        @pl.when(j < n_rowch)
        def _():
          off = pl.multiple_of(j * zrows, 8)
          pltpu.make_async_copy(acc_sh.at[pl.ds(off, zrows)],
                                out_hbm.at[pl.ds(off, zrows)], wsem).wait()

    @pl.when(cid == 0)
    def _():
      writeback(out0_hbm)

    @pl.when(cid == 1)
    def _():
      writeback(out1_hbm)

  return body(WA0, WA1, src, dst)


def _dense_body(x_ref, pos_ref, hA0_ref, hA1_ref, sty_ref,
                WX0, bX0, Wf0, bf0, Wg0, Wb0, Wo0, bo0,
                WX1, bX1, Wf1, bf1, Wg1, Wb1, Wo1, bo1,
                out_ref):
  f32 = jnp.float32
  x = x_ref[...]
  xp = jnp.concatenate([x, pos_ref[...]], axis=1)
  st = sty_ref[...]

  def block(hin_p, hA, WX, bX, Wf, bf, Wg, Wb, Wo, bo, s):
    hX = jax.nn.relu(jnp.dot(hin_p, WX[...], preferred_element_type=f32)
                     + bX[...][None, :])
    hcat = jnp.concatenate([hA, hX], axis=1)
    h = jax.nn.relu(jnp.dot(hcat, Wf[...], preferred_element_type=f32)
                    + bf[...][None, :] + hA + hX)
    gamma = 1.0 + jnp.dot(s, Wg[...], preferred_element_type=f32)
    beta = jnp.dot(s, Wb[...], preferred_element_type=f32)
    h = h * gamma + beta
    return jax.nn.relu(jnp.dot(h, Wo[...], preferred_element_type=f32)
                       + bo[...][None, :])

  s0 = (st[0:1, :] + st[1:2, :]) * 0.5
  s1 = (st[2:3, :] + st[3:4, :]) * 0.5
  h0 = block(xp, hA0_ref[...], WX0, bX0, Wf0, bf0, Wg0, Wb0, Wo0, bo0, s0)
  hp = jnp.concatenate([h0, pos_ref[...]], axis=1)
  h1 = block(hp, hA1_ref[...], WX1, bX1, Wf1, bf1, Wg1, Wb1, Wo1, bo1, s1)
  out_ref[:, :D] = h1
  out_ref[:, D:] = x


def _dense(x, pos, hA0, hA1, styles, weights):
  BN = 2000
  grid = (N // BN,)
  row = lambda shape: pl.BlockSpec(shape, lambda i: (i, 0))
  full2 = lambda shape: pl.BlockSpec(shape, lambda i: (0, 0))
  full1 = lambda shape: pl.BlockSpec(shape, lambda i: (0,))
  in_specs = [
      row((BN, D)), row((BN, 3)), row((BN, D)), row((BN, D)),
      full2((4, 64)),
  ]
  for _ in range(2):
    in_specs += [
        full2((D + 3, D)), full1((D,)),
        full2((2 * D, D)), full1((D,)),
        full2((64, D)), full2((64, D)),
        full2((D, D)), full1((D,)),
    ]
  return pl.pallas_call(
      _dense_body,
      grid=grid,
      in_specs=in_specs,
      out_specs=pl.BlockSpec((BN, 2 * D), lambda i: (i, 0)),
      out_shape=jax.ShapeDtypeStruct((N, 2 * D), jnp.float32),
  )(x, pos, hA0, hA1, styles, *weights)


def kernel(x, pos, edge_index, batch, styles,
           WA0, WX0, bX0, Wf0, bf0, Wg0, Wb0, Wo0, bo0,
           WA1, WX1, bX1, Wf1, bf1, Wg1, Wb1, Wo1, bo1):
  src = edge_index[0]
  dst = edge_index[1]
  hA0, hA1 = _sc_segment_sums(WA0, WA1, src, dst)
  weights = [WX0, bX0, Wf0, bf0, Wg0, Wb0, Wo0, bo0,
             WX1, bX1, Wf1, bf1, Wg1, Wb1, Wo1, bo1]
  return _dense(x, pos, hA0, hA1, styles, weights)

# --- scband reference (transcript-rebuilt; emitter-appended) ---
"""Pipeline reference for scband-feature-network-13967233647640 (READ-ONLY COPY).

The authoritative reference and input builder live on the scoring server;
editing this copy changes nothing except your own understanding.
"""

import jax, jax.numpy as jnp
import numpy as np

N = 10000
E = 320000
IN = 128
HID = 128
OUT = 128
STY = 64
SPL = 2  # styles per layer (synthethic_layers)


def setup_inputs(seed: int = 0) -> dict:
    key = jax.random.key(seed)
    ks = jax.random.split(key, 40)
    inp = {}
    inp["x"] = jax.random.normal(ks[0], (N, IN), dtype=jnp.float32)
    inp["pos"] = jax.random.normal(ks[1], (N, 3), dtype=jnp.float32)
    inp["edge_index"] = jax.random.randint(ks[2], (2, E), 0, N, dtype=jnp.int32)
    inp["batch"] = jnp.zeros((N,), dtype=jnp.int32)
    inp["styles"] = jax.random.normal(ks[3], (2 * SPL, STY), dtype=jnp.float32)
    # Two LINKX blocks: layers = [IN] + [HID] + [OUT] -> pairwise (IN,HID), (HID,OUT)
    kk = 4
    for i, (in_c, out_c) in enumerate([(IN, HID), (HID, OUT)]):
        hid = out_c
        inp[f"WA{i}"] = jax.random.normal(ks[kk + 0], (N, hid), dtype=jnp.float32) * 0.02
        inp[f"WX{i}"] = jax.random.normal(ks[kk + 1], (in_c + 3, hid), dtype=jnp.float32) / np.sqrt(in_c + 3)
        inp[f"bX{i}"] = jnp.zeros((hid,), dtype=jnp.float32)
        inp[f"Wf{i}"] = jax.random.normal(ks[kk + 2], (2 * hid, hid), dtype=jnp.float32) / np.sqrt(2 * hid)
        inp[f"bf{i}"] = jnp.zeros((hid,), dtype=jnp.float32)
        inp[f"Wg{i}"] = jax.random.normal(ks[kk + 3], (STY, hid), dtype=jnp.float32) / np.sqrt(STY)
        inp[f"Wb{i}"] = jax.random.normal(ks[kk + 4], (STY, hid), dtype=jnp.float32) / np.sqrt(STY)
        inp[f"Wo{i}"] = jax.random.normal(ks[kk + 5], (hid, out_c), dtype=jnp.float32) / np.sqrt(hid)
        inp[f"bo{i}"] = jnp.zeros((out_c,), dtype=jnp.float32)
        kk += 6
    return inp


def _linkx_block(x, pos, edge_index, style, WA, bX, WX, bf, Wf, Wg, Wb, Wo, bo):
    src = edge_index[0]
    dst = edge_index[1]
    # LINKX adjacency branch: h_A = A @ W_A  (scatter-add of per-node rows, memory-bound)
    hA = jax.ops.segment_sum(jnp.take(WA, src, axis=0), dst, num_segments=N)
    # Feature branch over node features + positions
    hX = jax.nn.relu(jnp.concatenate([x, pos], axis=-1) @ WX + bX)
    # LINKX fusion: sigma(W_f [h_A || h_X] + h_A + h_X)
    h = jax.nn.relu(jnp.concatenate([hA, hX], axis=-1) @ Wf + bf + hA + hX)
    # Style modulation (FiLM) from the synthethic style chunk for this layer
    s = jnp.mean(style, axis=0)
    h = h * (1.0 + s @ Wg) + (s @ Wb)
    return jax.nn.relu(h @ Wo + bo)


def reference(x, pos, edge_index, batch, styles,
              WA0, WX0, bX0, Wf0, bf0, Wg0, Wb0, Wo0, bo0,
              WA1, WX1, bX1, Wf1, bf1, Wg1, Wb1, Wo1, bo1):
    x_ = x
    style0 = styles[0:SPL]
    style1 = styles[SPL:2 * SPL]
    h = _linkx_block(x, pos, edge_index, style0, WA0, bX0, WX0, bf0, Wf0, Wg0, Wb0, Wo0, bo0)
    h = _linkx_block(h, pos, edge_index, style1, WA1, bX1, WX1, bf1, Wf1, Wg1, Wb1, Wo1, bo1)
    return jnp.concatenate([h, x_], axis=-1)

if __name__ == "__main__":
    import jax
    _d = setup_inputs()
    print(jax.jit(kernel)(*tuple(_d.values())))

</pallas_src>

<mosaic_0001>
#map = affine_map<(d0, d1) -> (0, 0)>
#map1 = affine_map<(d0, d1) -> (0)>
module attributes {stable_mosaic.version = 14 : i64} {
  func.func @body(%arg0: i32, %arg1: i32, %arg2: memref<10000x128xf32, #tpu.memory_space<hbm>>, %arg3: memref<10000x128xf32, #tpu.memory_space<hbm>>, %arg4: memref<320000xi32, #tpu.memory_space<hbm>>, %arg5: memref<320000xi32, #tpu.memory_space<hbm>>, %arg6: memref<10000x128xf32, #tpu.memory_space<hbm>>, %arg7: memref<10000x128xf32, #tpu.memory_space<hbm>>, %arg8: memref<64xi32, #tpu.memory_space<vmem>>, %arg9: memref<64xi32, #tpu.memory_space<vmem>>, %arg10: memref<64x128xf32, #tpu.memory_space<vmem>>, %arg11: memref<!tpu.dma_semaphore, #tpu.memory_space<semaphore_mem>>, %arg12: memref<!tpu.dma_semaphore, #tpu.memory_space<semaphore_mem>>, %arg13: memref<!tpu.dma_semaphore, #tpu.memory_space<semaphore_mem>>, %arg14: memref<64xi32, #tpu.memory_space<vmem>>, %arg15: memref<64xi32, #tpu.memory_space<vmem>>, %arg16: memref<64x128xf32, #tpu.memory_space<vmem>>, %arg17: memref<!tpu.dma_semaphore, #tpu.memory_space<semaphore_mem>>, %arg18: memref<!tpu.dma_semaphore, #tpu.memory_space<semaphore_mem>>, %arg19: memref<!tpu.dma_semaphore, #tpu.memory_space<semaphore_mem>>, %arg20: memref<64xi32, #tpu.memory_space<vmem>>, %arg21: memref<64xi32, #tpu.memory_space<vmem>>, %arg22: memref<64x128xf32, #tpu.memory_space<vmem>>, %arg23: memref<!tpu.dma_semaphore, #tpu.memory_space<semaphore_mem>>, %arg24: memref<!tpu.dma_semaphore, #tpu.memory_space<semaphore_mem>>, %arg25: memref<!tpu.dma_semaphore, #tpu.memory_space<semaphore_mem>>, %arg26: memref<64xi32, #tpu.memory_space<vmem>>, %arg27: memref<64xi32, #tpu.memory_space<vmem>>, %arg28: memref<64x128xf32, #tpu.memory_space<vmem>>, %arg29: memref<!tpu.dma_semaphore, #tpu.memory_space<semaphore_mem>>, %arg30: memref<!tpu.dma_semaphore, #tpu.memory_space<semaphore_mem>>, %arg31: memref<!tpu.dma_semaphore, #tpu.memory_space<semaphore_mem>>, %arg32: memref<64xi32, #tpu.memory_space<vmem>>, %arg33: memref<64xi32, #tpu.memory_space<vmem>>, %arg34: memref<64x128xf32, #tpu.memory_space<vmem>>, %arg35: memref<!tpu.dma_semaphore, #tpu.memory_space<semaphore_mem>>, %arg36: memref<!tpu.dma_semaphore, #tpu.memory_space<semaphore_mem>>, %arg37: memref<!tpu.dma_semaphore, #tpu.memory_space<semaphore_mem>>, %arg38: memref<40x128xf32, #tpu.memory_space<vmem>>, %arg39: memref<10000x128xf32, #tpu.memory_space<vmem_shared>>, %arg40: memref<32xi32, #tpu.memory_space<vmem>>, %arg41: memref<32xi32, #tpu.memory_space<vmem>>) attributes {dimension_semantics = [#tpu.dimension_semantics<core_parallel>, #tpu.dimension_semantics<subcore_parallel>], iteration_bounds = array<i64: 2, 16>, scalar_prefetch = 0 : i64, scratch_operands = 34 : i64, tpu.core_type = #tpu.core_type<sc_vector_subcore>, window_params = [{transform_indices = #map}, {transform_indices = #map}, {transform_indices = #map1}, {transform_indices = #map1}, {transform_indices = #map}, {transform_indices = #map}]} {
    %mul3A = arith.constant 20000 : i32
    %mul3A_0 = arith.muli %arg1, %mul3A : i32
    %multiple_of3A = tpu.assume_multiple %mul3A_0, 8 : i32
    %broadcast_in_dim3A = arith.constant 0.000000e+00 : f32
    %broadcast_in_dim3A_1 = vector.broadcast %broadcast_in_dim3A : f32 to vector<16xf32>
    %scan3A = arith.constant 0 : i32
    %scan3A_2 = arith.constant 0 : i32
    %scan3A_3 = arith.constant 40 : i32
    %scan3A_4 = arith.addi %scan3A_2, %scan3A_3 : i32
    %scan3A_5 = arith.constant 1 : i32
    scf.for %scan3A_274 = %scan3A_2 to %scan3A_4 step %scan3A_5  : i32 {
      %swap3A = arith.index_cast %scan3A_274 : i32 to index
      %swap3A_275 = arith.constant 0 : index
      %swap3A_276 = tpu.vector_load %arg38[%swap3A, %swap3A_275] {strides = array<i32>} : memref<40x128xf32, #tpu.memory_space<vmem>>, vector<1x16xf32>,
      %swap3A_277 = vector.shape_cast %swap3A_276 : vector<1x16xf32> to vector<16xf32>
      %swap3A_278 = vector.shape_cast %broadcast_in_dim3A_1 : vector<16xf32> to vector<1x16xf32>
      tpu.vector_store %arg38[%swap3A, %swap3A_275], %swap3A_278 {strides = array<i32>} : memref<40x128xf32, #tpu.memory_space<vmem>>, vector<1x16xf32>,
      %swap3A_279 = arith.index_cast %scan3A_274 : i32 to index
      %swap3A_280 = arith.constant 16 : index
      %swap3A_281 = tpu.vector_load %arg38[%swap3A_279, %swap3A_280] {strides = array<i32>} : memref<40x128xf32, #tpu.memory_space<vmem>>, vector<1x16xf32>,
      %swap3A_282 = vector.shape_cast %swap3A_281 : vector<1x16xf32> to vector<16xf32>
      %swap3A_283 = vector.shape_cast %broadcast_in_dim3A_1 : vector<16xf32> to vector<1x16xf32>
      tpu.vector_store %arg38[%swap3A_279, %swap3A_280], %swap3A_283 {strides = array<i32>} : memref<40x128xf32, #tpu.memory_space<vmem>>, vector<1x16xf32>,
      %swap3A_284 = arith.index_cast %scan3A_274 : i32 to index
      %swap3A_285 = arith.constant 32 : index
      %swap3A_286 = tpu.vector_load %arg38[%swap3A_284, %swap3A_285] {strides = array<i32>} : memref<40x128xf32, #tpu.memory_space<vmem>>, vector<1x16xf32>,
      %swap3A_287 = vector.shape_cast %swap3A_286 : vector<1x16xf32> to vector<16xf32>
      %swap3A_288 = vector.shape_cast %broadcast_in_dim3A_1 : vector<16xf32> to vector<1x16xf32>
      tpu.vector_store %arg38[%swap3A_284, %swap3A_285], %swap3A_288 {strides = array<i32>} : memref<40x128xf32, #tpu.memory_space<vmem>>, vector<1x16xf32>,
      %swap3A_289 = arith.index_cast %scan3A_274 : i32 to index
      %swap3A_290 = arith.constant 48 : index
      %swap3A_291 = tpu.vector_load %arg38[%swap3A_289, %swap3A_290] {strides = array<i32>} : memref<40x128xf32, #tpu.memory_space<vmem>>, vector<1x16xf32>,
      %swap3A_292 = vector.shape_cast %swap3A_291 : vector<1x16xf32> to vector<16xf32>
      %swap3A_293 = vector.shape_cast %broadcast_in_dim3A_1 : vector<16xf32> to vector<1x16xf32>
      tpu.vector_store %arg38[%swap3A_289, %swap3A_290], %swap3A_293 {strides = array<i32>} : memref<40x128xf32, #tpu.memory_space<vmem>>, vector<1x16xf32>,
      %swap3A_294 = arith.index_cast %scan3A_274 : i32 to index
      %swap3A_295 = arith.constant 64 : index
      %swap3A_296 = tpu.vector_load %arg38[%swap3A_294, %swap3A_295] {strides = array<i32>} : memref<40x128xf32, #tpu.memory_space<vmem>>, vector<1x16xf32>,
      %swap3A_297 = vector.shape_cast %swap3A_296 : vector<1x16xf32> to vector<16xf32>
      %swap3A_298 = vector.shape_cast %broadcast_in_dim3A_1 : vector<16xf32> to vector<1x16xf32>
      tpu.vector_store %arg38[%swap3A_294, %swap3A_295], %swap3A_298 {strides = array<i32>} : memref<40x128xf32, #tpu.memory_space<vmem>>, vector<1x16xf32>,
      %swap3A_299 = arith.index_cast %scan3A_274 : i32 to index
      %swap3A_300 = arith.constant 80 : index
      %swap3A_301 = tpu.vector_load %arg38[%swap3A_299, %swap3A_300] {strides = array<i32>} : memref<40x128xf32, #tpu.memory_space<vmem>>, vector<1x16xf32>,
      %swap3A_302 = vector.shape_cast %swap3A_301 : vector<1x16xf32> to vector<16xf32>
      %swap3A_303 = vector.shape_cast %broadcast_in_dim3A_1 : vector<16xf32> to vector<1x16xf32>
      tpu.vector_store %arg38[%swap3A_299, %swap3A_300], %swap3A_303 {strides = array<i32>} : memref<40x128xf32, #tpu.memory_space<vmem>>, vector<1x16xf32>,
      %swap3A_304 = arith.index_cast %scan3A_274 : i32 to index
      %swap3A_305 = arith.constant 96 : index
      %swap3A_306 = tpu.vector_load %arg38[%swap3A_304, %swap3A_305] {strides = array<i32>} : memref<40x128xf32, #tpu.memory_space<vmem>>, vector<1x16xf32>,
      %swap3A_307 = vector.shape_cast %swap3A_306 : vector<1x16xf32> to vector<16xf32>
      %swap3A_308 = vector.shape_cast %broadcast_in_dim3A_1 : vector<16xf32> to vector<1x16xf32>
      tpu.vector_store %arg38[%swap3A_304, %swap3A_305], %swap3A_308 {strides = array<i32>} : memref<40x128xf32, #tpu.memory_space<vmem>>, vector<1x16xf32>,
      %swap3A_309 = arith.index_cast %scan3A_274 : i32 to index
      %swap3A_310 = arith.constant 112 : index
      %swap3A_311 = tpu.vector_load %arg38[%swap3A_309, %swap3A_310] {strides = array<i32>} : memref<40x128xf32, #tpu.memory_space<vmem>>, vector<1x16xf32>,
      %swap3A_312 = vector.shape_cast %swap3A_311 : vector<1x16xf32> to vector<16xf32>
      %swap3A_313 = vector.shape_cast %broadcast_in_dim3A_1 : vector<16xf32> to vector<1x16xf32>
      tpu.vector_store %arg38[%swap3A_309, %swap3A_310], %swap3A_313 {strides = array<i32>} : memref<40x128xf32, #tpu.memory_space<vmem>>, vector<1x16xf32>,
    }
    %scan3A_6 = arith.constant 40 : i32
    %add3A = arith.constant 0 : i32
    %add3A_7 = arith.addi %add3A, %arg1 : i32
    %lt3A = arith.constant 250 : i32
    %lt3A_8 = arith.cmpi slt, %add3A_7, %lt3A : i32
    %convert_element_type3A = arith.extui %lt3A_8 : i1 to i32
    %cond3A = arith.constant 0 : i32
    %cond3A_9 = arith.cmpi ne, %convert_element_type3A, %cond3A : i32
    scf.if %cond3A_9 {
      %mul3A_274 = arith.constant 40 : i32
      %mul3A_275 = arith.muli %add3A_7, %mul3A_274 : i32
      %multiple_of3A_276 = tpu.assume_multiple %mul3A_275, 8 : i32
      %dma_start3A_277 = arith.constant 0 : i32
      %dma_start3A_278 = tpu.memref_slice %arg39[%multiple_of3A_276, %dma_start3A_277] : memref<10000x128xf32, #tpu.memory_space<vmem_shared>> -> memref<40x128xf32, #tpu.memory_space<vmem_shared>>
      %dma_start3A_279 = arith.constant 0 : i32
      %dma_start3A_280 = tpu.memref_slice %arg39[%multiple_of3A_276, %dma_start3A_279] : memref<10000x128xf32, #tpu.memory_space<vmem_shared>> -> memref<40x128xf32, #tpu.memory_space<vmem_shared>>
      tpu.enqueue_dma source(%arg38 : memref<40x128xf32, #tpu.memory_space<vmem>>) target(%dma_start3A_280 : memref<40x128xf32, #tpu.memory_space<vmem_shared>>) target_semaphore(%arg13 : memref<!tpu.dma_semaphore, #tpu.memory_space<semaphore_mem>>)
    } else {
    }
    %add3A_10 = arith.constant 16 : i32
    %add3A_11 = arith.addi %add3A_10, %arg1 : i32
    %lt3A_12 = arith.constant 250 : i32
    %lt3A_13 = arith.cmpi slt, %add3A_11, %lt3A_12 : i32
    %convert_element_type3A_14 = arith.extui %lt3A_13 : i1 to i32
    %cond3A_15 = arith.constant 0 : i32
    %cond3A_16 = arith.cmpi ne, %convert_element_type3A_14, %cond3A_15 : i32
    scf.if %cond3A_16 {
      %mul3A_274 = arith.constant 40 : i32
      %mul3A_275 = arith.muli %add3A_11, %mul3A_274 : i32
      %multiple_of3A_276 = tpu.assume_multiple %mul3A_275, 8 : i32
      %dma_start3A_277 = arith.constant 0 : i32
      %dma_start3A_278 = tpu.memref_slice %arg39[%multiple_of3A_276, %dma_start3A_277] : memref<10000x128xf32, #tpu.memory_space<vmem_shared>> -> memref<40x128xf32, #tpu.memory_space<vmem_shared>>
      %dma_start3A_279 = arith.constant 0 : i32
      %dma_start3A_280 = tpu.memref_slice %arg39[%multiple_of3A_276, %dma_start3A_279] : memref<10000x128xf32, #tpu.memory_space<vmem_shared>> -> memref<40x128xf32, #tpu.memory_space<vmem_shared>>
      tpu.enqueue_dma source(%arg38 : memref<40x128xf32, #tpu.memory_space<vmem>>) target(%dma_start3A_280 : memref<40x128xf32, #tpu.memory_space<vmem_shared>>) target_semaphore(%arg13 : memref<!tpu.dma_semaphore, #tpu.memory_space<semaphore_mem>>)
    } else {
    }
    %add3A_17 = arith.constant 32 : i32
    %add3A_18 = arith.addi %add3A_17, %arg1 : i32
    %lt3A_19 = arith.constant 250 : i32
    %lt3A_20 = arith.cmpi slt, %add3A_18, %lt3A_19 : i32
    %convert_element_type3A_21 = arith.extui %lt3A_20 : i1 to i32
    %cond3A_22 = arith.constant 0 : i32
    %cond3A_23 = arith.cmpi ne, %convert_element_type3A_21, %cond3A_22 : i32
    scf.if %cond3A_23 {
      %mul3A_274 = arith.constant 40 : i32
      %mul3A_275 = arith.muli %add3A_18, %mul3A_274 : i32
      %multiple_of3A_276 = tpu.assume_multiple %mul3A_275, 8 : i32
      %dma_start3A_277 = arith.constant 0 : i32
      %dma_start3A_278 = tpu.memref_slice %arg39[%multiple_of3A_276, %dma_start3A_277] : memref<10000x128xf32, #tpu.memory_space<vmem_shared>> -> memref<40x128xf32, #tpu.memory_space<vmem_shared>>
      %dma_start3A_279 = arith.constant 0 : i32
      %dma_start3A_280 = tpu.memref_slice %arg39[%multiple_of3A_276, %dma_start3A_279] : memref<10000x128xf32, #tpu.memory_space<vmem_shared>> -> memref<40x128xf32, #tpu.memory_space<vmem_shared>>
      tpu.enqueue_dma source(%arg38 : memref<40x128xf32, #tpu.memory_space<vmem>>) target(%dma_start3A_280 : memref<40x128xf32, #tpu.memory_space<vmem_shared>>) target_semaphore(%arg13 : memref<!tpu.dma_semaphore, #tpu.memory_space<semaphore_mem>>)
    } else {
    }
    %add3A_24 = arith.constant 48 : i32
    %add3A_25 = arith.addi %add3A_24, %arg1 : i32
    %lt3A_26 = arith.constant 250 : i32
    %lt3A_27 = arith.cmpi slt, %add3A_25, %lt3A_26 : i32
    %convert_element_type3A_28 = arith.extui %lt3A_27 : i1 to i32
    %cond3A_29 = arith.constant 0 : i32
    %cond3A_30 = arith.cmpi ne, %convert_element_type3A_28, %cond3A_29 : i32
    scf.if %cond3A_30 {
      %mul3A_274 = arith.constant 40 : i32
      %mul3A_275 = arith.muli %add3A_25, %mul3A_274 : i32
      %multiple_of3A_276 = tpu.assume_multiple %mul3A_275, 8 : i32
      %dma_start3A_277 = arith.constant 0 : i32
      %dma_start3A_278 = tpu.memref_slice %arg39[%multiple_of3A_276, %dma_start3A_277] : memref<10000x128xf32, #tpu.memory_space<vmem_shared>> -> memref<40x128xf32, #tpu.memory_space<vmem_shared>>
      %dma_start3A_279 = arith.constant 0 : i32
      %dma_start3A_280 = tpu.memref_slice %arg39[%multiple_of3A_276, %dma_start3A_279] : memref<10000x128xf32, #tpu.memory_space<vmem_shared>> -> memref<40x128xf32, #tpu.memory_space<vmem_shared>>
      tpu.enqueue_dma source(%arg38 : memref<40x128xf32, #tpu.memory_space<vmem>>) target(%dma_start3A_280 : memref<40x128xf32, #tpu.memory_space<vmem_shared>>) target_semaphore(%arg13 : memref<!tpu.dma_semaphore, #tpu.memory_space<semaphore_mem>>)
    } else {
    }
    %add3A_31 = arith.constant 64 : i32
    %add3A_32 = arith.addi %add3A_31, %arg1 : i32
    %lt3A_33 = arith.constant 250 : i32
    %lt3A_34 = arith.cmpi slt, %add3A_32, %lt3A_33 : i32
    %convert_element_type3A_35 = arith.extui %lt3A_34 : i1 to i32
    %cond3A_36 = arith.constant 0 : i32
    %cond3A_37 = arith.cmpi ne, %convert_element_type3A_35, %cond3A_36 : i32
    scf.if %cond3A_37 {
      %mul3A_274 = arith.constant 40 : i32
      %mul3A_275 = arith.muli %add3A_32, %mul3A_274 : i32
      %multiple_of3A_276 = tpu.assume_multiple %mul3A_275, 8 : i32
      %dma_start3A_277 = arith.constant 0 : i32
      %dma_start3A_278 = tpu.memref_slice %arg39[%multiple_of3A_276, %dma_start3A_277] : memref<10000x128xf32, #tpu.memory_space<vmem_shared>> -> memref<40x128xf32, #tpu.memory_space<vmem_shared>>
      %dma_start3A_279 = arith.constant 0 : i32
      %dma_start3A_280 = tpu.memref_slice %arg39[%multiple_of3A_276, %dma_start3A_279] : memref<10000x128xf32, #tpu.memory_space<vmem_shared>> -> memref<40x128xf32, #tpu.memory_space<vmem_shared>>
      tpu.enqueue_dma source(%arg38 : memref<40x128xf32, #tpu.memory_space<vmem>>) target(%dma_start3A_280 : memref<40x128xf32, #tpu.memory_space<vmem_shared>>) target_semaphore(%arg13 : memref<!tpu.dma_semaphore, #tpu.memory_space<semaphore_mem>>)
    } else {
    }
    %add3A_38 = arith.constant 80 : i32
    %add3A_39 = arith.addi %add3A_38, %arg1 : i32
    %lt3A_40 = arith.constant 250 : i32
    %lt3A_41 = arith.cmpi slt, %add3A_39, %lt3A_40 : i32
    %convert_element_type3A_42 = arith.extui %lt3A_41 : i1 to i32
    %cond3A_43 = arith.constant 0 : i32
    %cond3A_44 = arith.cmpi ne, %convert_element_type3A_42, %cond3A_43 : i32
    scf.if %cond3A_44 {
      %mul3A_274 = arith.constant 40 : i32
      %mul3A_275 = arith.muli %add3A_39, %mul3A_274 : i32
      %multiple_of3A_276 = tpu.assume_multiple %mul3A_275, 8 : i32
      %dma_start3A_277 = arith.constant 0 : i32
      %dma_start3A_278 = tpu.memref_slice %arg39[%multiple_of3A_276, %dma_start3A_277] : memref<10000x128xf32, #tpu.memory_space<vmem_shared>> -> memref<40x128xf32, #tpu.memory_space<vmem_shared>>
      %dma_start3A_279 = arith.constant 0 : i32
      %dma_start3A_280 = tpu.memref_slice %arg39[%multiple_of3A_276, %dma_start3A_279] : memref<10000x128xf32, #tpu.memory_space<vmem_shared>> -> memref<40x128xf32, #tpu.memory_space<vmem_shared>>
      tpu.enqueue_dma source(%arg38 : memref<40x128xf32, #tpu.memory_space<vmem>>) target(%dma_start3A_280 : memref<40x128xf32, #tpu.memory_space<vmem_shared>>) target_semaphore(%arg13 : memref<!tpu.dma_semaphore, #tpu.memory_space<semaphore_mem>>)
    } else {
    }
    %add3A_45 = arith.constant 96 : i32
    %add3A_46 = arith.addi %add3A_45, %arg1 : i32
    %lt3A_47 = arith.constant 250 : i32
    %lt3A_48 = arith.cmpi slt, %add3A_46, %lt3A_47 : i32
    %convert_element_type3A_49 = arith.extui %lt3A_48 : i1 to i32
    %cond3A_50 = arith.constant 0 : i32
    %cond3A_51 = arith.cmpi ne, %convert_element_type3A_49, %cond3A_50 : i32
    scf.if %cond3A_51 {
      %mul3A_274 = arith.constant 40 : i32
      %mul3A_275 = arith.muli %add3A_46, %mul3A_274 : i32
      %multiple_of3A_276 = tpu.assume_multiple %mul3A_275, 8 : i32
      %dma_start3A_277 = arith.constant 0 : i32
      %dma_start3A_278 = tpu.memref_slice %arg39[%multiple_of3A_276, %dma_start3A_277] : memref<10000x128xf32, #tpu.memory_space<vmem_shared>> -> memref<40x128xf32, #tpu.memory_space<vmem_shared>>
      %dma_start3A_279 = arith.constant 0 : i32
      %dma_start3A_280 = tpu.memref_slice %arg39[%multiple_of3A_276, %dma_start3A_279] : memref<10000x128xf32, #tpu.memory_space<vmem_shared>> -> memref<40x128xf32, #tpu.memory_space<vmem_shared>>
      tpu.enqueue_dma source(%arg38 : memref<40x128xf32, #tpu.memory_space<vmem>>) target(%dma_start3A_280 : memref<40x128xf32, #tpu.memory_space<vmem_shared>>) target_semaphore(%arg13 : memref<!tpu.dma_semaphore, #tpu.memory_space<semaphore_mem>>)
    } else {
    }
    %add3A_52 = arith.constant 112 : i32
    %add3A_53 = arith.addi %add3A_52, %arg1 : i32
    %lt3A_54 = arith.constant 250 : i32
    %lt3A_55 = arith.cmpi slt, %add3A_53, %lt3A_54 : i32
    %convert_element_type3A_56 = arith.extui %lt3A_55 : i1 to i32
    %cond3A_57 = arith.constant 0 : i32
    %cond3A_58 = arith.cmpi ne, %convert_element_type3A_56, %cond3A_57 : i32
    scf.if %cond3A_58 {
      %mul3A_274 = arith.constant 40 : i32
      %mul3A_275 = arith.muli %add3A_53, %mul3A_274 : i32
      %multiple_of3A_276 = tpu.assume_multiple %mul3A_275, 8 : i32
      %dma_start3A_277 = arith.constant 0 : i32
      %dma_start3A_278 = tpu.memref_slice %arg39[%multiple_of3A_276, %dma_start3A_277] : memref<10000x128xf32, #tpu.memory_space<vmem_shared>> -> memref<40x128xf32, #tpu.memory_space<vmem_shared>>
      %dma_start3A_279 = arith.constant 0 : i32
      %dma_start3A_280 = tpu.memref_slice %arg39[%multiple_of3A_276, %dma_start3A_279] : memref<10000x128xf32, #tpu.memory_space<vmem_shared>> -> memref<40x128xf32, #tpu.memory_space<vmem_shared>>
      tpu.enqueue_dma source(%arg38 : memref<40x128xf32, #tpu.memory_space<vmem>>) target(%dma_start3A_280 : memref<40x128xf32, #tpu.memory_space<vmem_shared>>) target_semaphore(%arg13 : memref<!tpu.dma_semaphore, #tpu.memory_space<semaphore_mem>>)
    } else {
    }
    %add3A_59 = arith.constant 128 : i32
    %add3A_60 = arith.addi %add3A_59, %arg1 : i32
    %lt3A_61 = arith.constant 250 : i32
    %lt3A_62 = arith.cmpi slt, %add3A_60, %lt3A_61 : i32
    %convert_element_type3A_63 = arith.extui %lt3A_62 : i1 to i32
    %cond3A_64 = arith.constant 0 : i32
    %cond3A_65 = arith.cmpi ne, %convert_element_type3A_63, %cond3A_64 : i32
    scf.if %cond3A_65 {
      %mul3A_274 = arith.constant 40 : i32
      %mul3A_275 = arith.muli %add3A_60, %mul3A_274 : i32
      %multiple_of3A_276 = tpu.assume_multiple %mul3A_275, 8 : i32
      %dma_start3A_277 = arith.constant 0 : i32
      %dma_start3A_278 = tpu.memref_slice %arg39[%multiple_of3A_276, %dma_start3A_277] : memref<10000x128xf32, #tpu.memory_space<vmem_shared>> -> memref<40x128xf32, #tpu.memory_space<vmem_shared>>
      %dma_start3A_279 = arith.constant 0 : i32
      %dma_start3A_280 = tpu.memref_slice %arg39[%multiple_of3A_276, %dma_start3A_279] : memref<10000x128xf32, #tpu.memory_space<vmem_shared>> -> memref<40x128xf32, #tpu.memory_space<vmem_shared>>
      tpu.enqueue_dma source(%arg38 : memref<40x128xf32, #tpu.memory_space<vmem>>) target(%dma_start3A_280 : memref<40x128xf32, #tpu.memory_space<vmem_shared>>) target_semaphore(%arg13 : memref<!tpu.dma_semaphore, #tpu.memory_space<semaphore_mem>>)
    } else {
    }
    %add3A_66 = arith.constant 144 : i32
    %add3A_67 = arith.addi %add3A_66, %arg1 : i32
    %lt3A_68 = arith.constant 250 : i32
    %lt3A_69 = arith.cmpi slt, %add3A_67, %lt3A_68 : i32
    %convert_element_type3A_70 = arith.extui %lt3A_69 : i1 to i32
    %cond3A_71 = arith.constant 0 : i32
    %cond3A_72 = arith.cmpi ne, %convert_element_type3A_70, %cond3A_71 : i32
    scf.if %cond3A_72 {
      %mul3A_274 = arith.constant 40 : i32
      %mul3A_275 = arith.muli %add3A_67, %mul3A_274 : i32
      %multiple_of3A_276 = tpu.assume_multiple %mul3A_275, 8 : i32
      %dma_start3A_277 = arith.constant 0 : i32
      %dma_start3A_278 = tpu.memref_slice %arg39[%multiple_of3A_276, %dma_start3A_277] : memref<10000x128xf32, #tpu.memory_space<vmem_shared>> -> memref<40x128xf32, #tpu.memory_space<vmem_shared>>
      %dma_start3A_279 = arith.constant 0 : i32
      %dma_start3A_280 = tpu.memref_slice %arg39[%multiple_of3A_276, %dma_start3A_279] : memref<10000x128xf32, #tpu.memory_space<vmem_shared>> -> memref<40x128xf32, #tpu.memory_space<vmem_shared>>
      tpu.enqueue_dma source(%arg38 : memref<40x128xf32, #tpu.memory_space<vmem>>) target(%dma_start3A_280 : memref<40x128xf32, #tpu.memory_space<vmem_shared>>) target_semaphore(%arg13 : memref<!tpu.dma_semaphore, #tpu.memory_space<semaphore_mem>>)
    } else {
    }
    %add3A_73 = arith.constant 160 : i32
    %add3A_74 = arith.addi %add3A_73, %arg1 : i32
    %lt3A_75 = arith.constant 250 : i32
    %lt3A_76 = arith.cmpi slt, %add3A_74, %lt3A_75 : i32
    %convert_element_type3A_77 = arith.extui %lt3A_76 : i1 to i32
    %cond3A_78 = arith.constant 0 : i32
    %cond3A_79 = arith.cmpi ne, %convert_element_type3A_77, %cond3A_78 : i32
    scf.if %cond3A_79 {
      %mul3A_274 = arith.constant 40 : i32
      %mul3A_275 = arith.muli %add3A_74, %mul3A_274 : i32
      %multiple_of3A_276 = tpu.assume_multiple %mul3A_275, 8 : i32
      %dma_start3A_277 = arith.constant 0 : i32
      %dma_start3A_278 = tpu.memref_slice %arg39[%multiple_of3A_276, %dma_start3A_277] : memref<10000x128xf32, #tpu.memory_space<vmem_shared>> -> memref<40x128xf32, #tpu.memory_space<vmem_shared>>
      %dma_start3A_279 = arith.constant 0 : i32
      %dma_start3A_280 = tpu.memref_slice %arg39[%multiple_of3A_276, %dma_start3A_279] : memref<10000x128xf32, #tpu.memory_space<vmem_shared>> -> memref<40x128xf32, #tpu.memory_space<vmem_shared>>
      tpu.enqueue_dma source(%arg38 : memref<40x128xf32, #tpu.memory_space<vmem>>) target(%dma_start3A_280 : memref<40x128xf32, #tpu.memory_space<vmem_shared>>) target_semaphore(%arg13 : memref<!tpu.dma_semaphore, #tpu.memory_space<semaphore_mem>>)
    } else {
    }
    %add3A_80 = arith.constant 176 : i32
    %add3A_81 = arith.addi %add3A_80, %arg1 : i32
    %lt3A_82 = arith.constant 250 : i32
    %lt3A_83 = arith.cmpi slt, %add3A_81, %lt3A_82 : i32
    %convert_element_type3A_84 = arith.extui %lt3A_83 : i1 to i32
    %cond3A_85 = arith.constant 0 : i32
    %cond3A_86 = arith.cmpi ne, %convert_element_type3A_84, %cond3A_85 : i32
    scf.if %cond3A_86 {
      %mul3A_274 = arith.constant 40 : i32
      %mul3A_275 = arith.muli %add3A_81, %mul3A_274 : i32
      %multiple_of3A_276 = tpu.assume_multiple %mul3A_275, 8 : i32
      %dma_start3A_277 = arith.constant 0 : i32
      %dma_start3A_278 = tpu.memref_slice %arg39[%multiple_of3A_276, %dma_start3A_277] : memref<10000x128xf32, #tpu.memory_space<vmem_shared>> -> memref<40x128xf32, #tpu.memory_space<vmem_shared>>
      %dma_start3A_279 = arith.constant 0 : i32
      %dma_start3A_280 = tpu.memref_slice %arg39[%multiple_of3A_276, %dma_start3A_279] : memref<10000x128xf32, #tpu.memory_space<vmem_shared>> -> memref<40x128xf32, #tpu.memory_space<vmem_shared>>
      tpu.enqueue_dma source(%arg38 : memref<40x128xf32, #tpu.memory_space<vmem>>) target(%dma_start3A_280 : memref<40x128xf32, #tpu.memory_space<vmem_shared>>) target_semaphore(%arg13 : memref<!tpu.dma_semaphore, #tpu.memory_space<semaphore_mem>>)
    } else {
    }
    %add3A_87 = arith.constant 192 : i32
    %add3A_88 = arith.addi %add3A_87, %arg1 : i32
    %lt3A_89 = arith.constant 250 : i32
    %lt3A_90 = arith.cmpi slt, %add3A_88, %lt3A_89 : i32
    %convert_element_type3A_91 = arith.extui %lt3A_90 : i1 to i32
    %cond3A_92 = arith.constant 0 : i32
    %cond3A_93 = arith.cmpi ne, %convert_element_type3A_91, %cond3A_92 : i32
    scf.if %cond3A_93 {
      %mul3A_274 = arith.constant 40 : i32
      %mul3A_275 = arith.muli %add3A_88, %mul3A_274 : i32
      %multiple_of3A_276 = tpu.assume_multiple %mul3A_275, 8 : i32
      %dma_start3A_277 = arith.constant 0 : i32
      %dma_start3A_278 = tpu.memref_slice %arg39[%multiple_of3A_276, %dma_start3A_277] : memref<10000x128xf32, #tpu.memory_space<vmem_shared>> -> memref<40x128xf32, #tpu.memory_space<vmem_shared>>
      %dma_start3A_279 = arith.constant 0 : i32
      %dma_start3A_280 = tpu.memref_slice %arg39[%multiple_of3A_276, %dma_start3A_279] : memref<10000x128xf32, #tpu.memory_space<vmem_shared>> -> memref<40x128xf32, #tpu.memory_space<vmem_shared>>
      tpu.enqueue_dma source(%arg38 : memref<40x128xf32, #tpu.memory_space<vmem>>) target(%dma_start3A_280 : memref<40x128xf32, #tpu.memory_space<vmem_shared>>) target_semaphore(%arg13 : memref<!tpu.dma_semaphore, #tpu.memory_space<semaphore_mem>>)
    } else {
    }
    %add3A_94 = arith.constant 208 : i32
    %add3A_95 = arith.addi %add3A_94, %arg1 : i32
    %lt3A_96 = arith.constant 250 : i32
    %lt3A_97 = arith.cmpi slt, %add3A_95, %lt3A_96 : i32
    %convert_element_type3A_98 = arith.extui %lt3A_97 : i1 to i32
    %cond3A_99 = arith.constant 0 : i32
    %cond3A_100 = arith.cmpi ne, %convert_element_type3A_98, %cond3A_99 : i32
    scf.if %cond3A_100 {
      %mul3A_274 = arith.constant 40 : i32
      %mul3A_275 = arith.muli %add3A_95, %mul3A_274 : i32
      %multiple_of3A_276 = tpu.assume_multiple %mul3A_275, 8 : i32
      %dma_start3A_277 = arith.constant 0 : i32
      %dma_start3A_278 = tpu.memref_slice %arg39[%multiple_of3A_276, %dma_start3A_277] : memref<10000x128xf32, #tpu.memory_space<vmem_shared>> -> memref<40x128xf32, #tpu.memory_space<vmem_shared>>
      %dma_start3A_279 = arith.constant 0 : i32
      %dma_start3A_280 = tpu.memref_slice %arg39[%multiple_of3A_276, %dma_start3A_279] : memref<10000x128xf32, #tpu.memory_space<vmem_shared>> -> memref<40x128xf32, #tpu.memory_space<vmem_shared>>
      tpu.enqueue_dma source(%arg38 : memref<40x128xf32, #tpu.memory_space<vmem>>) target(%dma_start3A_280 : memref<40x128xf32, #tpu.memory_space<vmem_shared>>) target_semaphore(%arg13 : memref<!tpu.dma_semaphore, #tpu.memory_space<semaphore_mem>>)
    } else {
    }
    %add3A_101 = arith.constant 224 : i32
    %add3A_102 = arith.addi %add3A_101, %arg1 : i32
    %lt3A_103 = arith.constant 250 : i32
    %lt3A_104 = arith.cmpi slt, %add3A_102, %lt3A_103 : i32
    %convert_element_type3A_105 = arith.extui %lt3A_104 : i1 to i32
    %cond3A_106 = arith.constant 0 : i32
    %cond3A_107 = arith.cmpi ne, %convert_element_type3A_105, %cond3A_106 : i32
    scf.if %cond3A_107 {
      %mul3A_274 = arith.constant 40 : i32
      %mul3A_275 = arith.muli %add3A_102, %mul3A_274 : i32
      %multiple_of3A_276 = tpu.assume_multiple %mul3A_275, 8 : i32
      %dma_start3A_277 = arith.constant 0 : i32
      %dma_start3A_278 = tpu.memref_slice %arg39[%multiple_of3A_276, %dma_start3A_277] : memref<10000x128xf32, #tpu.memory_space<vmem_shared>> -> memref<40x128xf32, #tpu.memory_space<vmem_shared>>
      %dma_start3A_279 = arith.constant 0 : i32
      %dma_start3A_280 = tpu.memref_slice %arg39[%multiple_of3A_276, %dma_start3A_279] : memref<10000x128xf32, #tpu.memory_space<vmem_shared>> -> memref<40x128xf32, #tpu.memory_space<vmem_shared>>
      tpu.enqueue_dma source(%arg38 : memref<40x128xf32, #tpu.memory_space<vmem>>) target(%dma_start3A_280 : memref<40x128xf32, #tpu.memory_space<vmem_shared>>) target_semaphore(%arg13 : memref<!tpu.dma_semaphore, #tpu.memory_space<semaphore_mem>>)
    } else {
    }
    %add3A_108 = arith.constant 240 : i32
    %add3A_109 = arith.addi %add3A_108, %arg1 : i32
    %lt3A_110 = arith.constant 250 : i32
    %lt3A_111 = arith.cmpi slt, %add3A_109, %lt3A_110 : i32
    %convert_element_type3A_112 = arith.extui %lt3A_111 : i1 to i32
    %cond3A_113 = arith.constant 0 : i32
    %cond3A_114 = arith.cmpi ne, %convert_element_type3A_112, %cond3A_113 : i32
    scf.if %cond3A_114 {
      %mul3A_274 = arith.constant 40 : i32
      %mul3A_275 = arith.muli %add3A_109, %mul3A_274 : i32
      %multiple_of3A_276 = tpu.assume_multiple %mul3A_275, 8 : i32
      %dma_start3A_277 = arith.constant 0 : i32
      %dma_start3A_278 = tpu.memref_slice %arg39[%multiple_of3A_276, %dma_start3A_277] : memref<10000x128xf32, #tpu.memory_space<vmem_shared>> -> memref<40x128xf32, #tpu.memory_space<vmem_shared>>
      %dma_start3A_279 = arith.constant 0 : i32
      %dma_start3A_280 = tpu.memref_slice %arg39[%multiple_of3A_276, %dma_start3A_279] : memref<10000x128xf32, #tpu.memory_space<vmem_shared>> -> memref<40x128xf32, #tpu.memory_space<vmem_shared>>
      tpu.enqueue_dma source(%arg38 : memref<40x128xf32, #tpu.memory_space<vmem>>) target(%dma_start3A_280 : memref<40x128xf32, #tpu.memory_space<vmem_shared>>) target_semaphore(%arg13 : memref<!tpu.dma_semaphore, #tpu.memory_space<semaphore_mem>>)
    } else {
    }
    %add3A_115 = arith.constant 0 : i32
    %add3A_116 = arith.addi %add3A_115, %arg1 : i32
    %lt3A_117 = arith.constant 250 : i32
    %lt3A_118 = arith.cmpi slt, %add3A_116, %lt3A_117 : i32
    %convert_element_type3A_119 = arith.extui %lt3A_118 : i1 to i32
    %cond3A_120 = arith.constant 0 : i32
    %cond3A_121 = arith.cmpi ne, %convert_element_type3A_119, %cond3A_120 : i32
    scf.if %cond3A_121 {
      %mul3A_274 = arith.constant 40 : i32
      %mul3A_275 = arith.muli %add3A_116, %mul3A_274 : i32
      %multiple_of3A_276 = tpu.assume_multiple %mul3A_275, 8 : i32
      %dma_wait3A = arith.constant 0 : i32
      %dma_wait3A_277 = tpu.memref_slice %arg39[%multiple_of3A_276, %dma_wait3A] : memref<10000x128xf32, #tpu.memory_space<vmem_shared>> -> memref<40x128xf32, #tpu.memory_space<vmem_shared>>
      %dma_wait3A_278 = arith.constant 0 : i32
      %dma_wait3A_279 = tpu.memref_slice %arg39[%multiple_of3A_276, %dma_wait3A_278] : memref<10000x128xf32, #tpu.memory_space<vmem_shared>> -> memref<40x128xf32, #tpu.memory_space<vmem_shared>>
      tpu.wait_dma2 semaphore(%arg13 : memref<!tpu.dma_semaphore, #tpu.memory_space<semaphore_mem>>) src(%arg38 : memref<40x128xf32, #tpu.memory_space<vmem>>) dst(%dma_wait3A_279 : memref<40x128xf32, #tpu.memory_space<vmem_shared>>)
    } else {
    }
    %add3A_122 = arith.constant 16 : i32
    %add3A_123 = arith.addi %add3A_122, %arg1 : i32
    %lt3A_124 = arith.constant 250 : i32
    %lt3A_125 = arith.cmpi slt, %add3A_123, %lt3A_124 : i32
    %convert_element_type3A_126 = arith.extui %lt3A_125 : i1 to i32
    %cond3A_127 = arith.constant 0 : i32
    %cond3A_128 = arith.cmpi ne, %convert_element_type3A_126, %cond3A_127 : i32
    scf.if %cond3A_128 {
      %mul3A_274 = arith.constant 40 : i32
      %mul3A_275 = arith.muli %add3A_123, %mul3A_274 : i32
      %multiple_of3A_276 = tpu.assume_multiple %mul3A_275, 8 : i32
      %dma_wait3A = arith.constant 0 : i32
      %dma_wait3A_277 = tpu.memref_slice %arg39[%multiple_of3A_276, %dma_wait3A] : memref<10000x128xf32, #tpu.memory_space<vmem_shared>> -> memref<40x128xf32, #tpu.memory_space<vmem_shared>>
      %dma_wait3A_278 = arith.constant 0 : i32
      %dma_wait3A_279 = tpu.memref_slice %arg39[%multiple_of3A_276, %dma_wait3A_278] : memref<10000x128xf32, #tpu.memory_space<vmem_shared>> -> memref<40x128xf32, #tpu.memory_space<vmem_shared>>
      tpu.wait_dma2 semaphore(%arg13 : memref<!tpu.dma_semaphore, #tpu.memory_space<semaphore_mem>>) src(%arg38 : memref<40x128xf32, #tpu.memory_space<vmem>>) dst(%dma_wait3A_279 : memref<40x128xf32, #tpu.memory_space<vmem_shared>>)
    } else {
    }
    %add3A_129 = arith.constant 32 : i32
    %add3A_130 = arith.addi %add3A_129, %arg1 : i32
    %lt3A_131 = arith.constant 250 : i32
    %lt3A_132 = arith.cmpi slt, %add3A_130, %lt3A_131 : i32
    %convert_element_type3A_133 = arith.extui %lt3A_132 : i1 to i32
    %cond3A_134 = arith.constant 0 : i32
    %cond3A_135 = arith.cmpi ne, %convert_element_type3A_133, %cond3A_134 : i32
    scf.if %cond3A_135 {
      %mul3A_274 = arith.constant 40 : i32
      %mul3A_275 = arith.muli %add3A_130, %mul3A_274 : i32
      %multiple_of3A_276 = tpu.assume_multiple %mul3A_275, 8 : i32
      %dma_wait3A = arith.constant 0 : i32
      %dma_wait3A_277 = tpu.memref_slice %arg39[%multiple_of3A_276, %dma_wait3A] : memref<10000x128xf32, #tpu.memory_space<vmem_shared>> -> memref<40x128xf32, #tpu.memory_space<vmem_shared>>
      %dma_wait3A_278 = arith.constant 0 : i32
      %dma_wait3A_279 = tpu.memref_slice %arg39[%multiple_of3A_276, %dma_wait3A_278] : memref<10000x128xf32, #tpu.memory_space<vmem_shared>> -> memref<40x128xf32, #tpu.memory_space<vmem_shared>>
      tpu.wait_dma2 semaphore(%arg13 : memref<!tpu.dma_semaphore, #tpu.memory_space<semaphore_mem>>) src(%arg38 : memref<40x128xf32, #tpu.memory_space<vmem>>) dst(%dma_wait3A_279 : memref<40x128xf32, #tpu.memory_space<vmem_shared>>)
    } else {
    }
    %add3A_136 = arith.constant 48 : i32
    %add3A_137 = arith.addi %add3A_136, %arg1 : i32
    %lt3A_138 = arith.constant 250 : i32
    %lt3A_139 = arith.cmpi slt, %add3A_137, %lt3A_138 : i32
    %convert_element_type3A_140 = arith.extui %lt3A_139 : i1 to i32
    %cond3A_141 = arith.constant 0 : i32
    %cond3A_142 = arith.cmpi ne, %convert_element_type3A_140, %cond3A_141 : i32
    scf.if %cond3A_142 {
      %mul3A_274 = arith.constant 40 : i32
      %mul3A_275 = arith.muli %add3A_137, %mul3A_274 : i32
      %multiple_of3A_276 = tpu.assume_multiple %mul3A_275, 8 : i32
      %dma_wait3A = arith.constant 0 : i32
      %dma_wait3A_277 = tpu.memref_slice %arg39[%multiple_of3A_276, %dma_wait3A] : memref<10000x128xf32, #tpu.memory_space<vmem_shared>> -> memref<40x128xf32, #tpu.memory_space<vmem_shared>>
      %dma_wait3A_278 = arith.constant 0 : i32
      %dma_wait3A_279 = tpu.memref_slice %arg39[%multiple_of3A_276, %dma_wait3A_278] : memref<10000x128xf32, #tpu.memory_space<vmem_shared>> -> memref<40x128xf32, #tpu.memory_space<vmem_shared>>
      tpu.wait_dma2 semaphore(%arg13 : memref<!tpu.dma_semaphore, #tpu.memory_space<semaphore_mem>>) src(%arg38 : memref<40x128xf32, #tpu.memory_space<vmem>>) dst(%dma_wait3A_279 : memref<40x128xf32, #tpu.memory_space<vmem_shared>>)
    } else {
    }
    %add3A_143 = arith.constant 64 : i32
    %add3A_144 = arith.addi %add3A_143, %arg1 : i32
    %lt3A_145 = arith.constant 250 : i32
    %lt3A_146 = arith.cmpi slt, %add3A_144, %lt3A_145 : i32
    %convert_element_type3A_147 = arith.extui %lt3A_146 : i1 to i32
    %cond3A_148 = arith.constant 0 : i32
    %cond3A_149 = arith.cmpi ne, %convert_element_type3A_147, %cond3A_148 : i32
    scf.if %cond3A_149 {
      %mul3A_274 = arith.constant 40 : i32
      %mul3A_275 = arith.muli %add3A_144, %mul3A_274 : i32
      %multiple_of3A_276 = tpu.assume_multiple %mul3A_275, 8 : i32
      %dma_wait3A = arith.constant 0 : i32
      %dma_wait3A_277 = tpu.memref_slice %arg39[%multiple_of3A_276, %dma_wait3A] : memref<10000x128xf32, #tpu.memory_space<vmem_shared>> -> memref<40x128xf32, #tpu.memory_space<vmem_shared>>
      %dma_wait3A_278 = arith.constant 0 : i32
      %dma_wait3A_279 = tpu.memref_slice %arg39[%multiple_of3A_276, %dma_wait3A_278] : memref<10000x128xf32, #tpu.memory_space<vmem_shared>> -> memref<40x128xf32, #tpu.memory_space<vmem_shared>>
      tpu.wait_dma2 semaphore(%arg13 : memref<!tpu.dma_semaphore, #tpu.memory_space<semaphore_mem>>) src(%arg38 : memref<40x128xf32, #tpu.memory_space<vmem>>) dst(%dma_wait3A_279 : memref<40x128xf32, #tpu.memory_space<vmem_shared>>)
    } else {
    }
    %add3A_150 = arith.constant 80 : i32
    %add3A_151 = arith.addi %add3A_150, %arg1 : i32
    %lt3A_152 = arith.constant 250 : i32
    %lt3A_153 = arith.cmpi slt, %add3A_151, %lt3A_152 : i32
    %convert_element_type3A_154 = arith.extui %lt3A_153 : i1 to i32
    %cond3A_155 = arith.constant 0 : i32
    %cond3A_156 = arith.cmpi ne, %convert_element_type3A_154, %cond3A_155 : i32
    scf.if %cond3A_156 {
      %mul3A_274 = arith.constant 40 : i32
      %mul3A_275 = arith.muli %add3A_151, %mul3A_274 : i32
      %multiple_of3A_276 = tpu.assume_multiple %mul3A_275, 8 : i32
      %dma_wait3A = arith.constant 0 : i32
      %dma_wait3A_277 = tpu.memref_slice %arg39[%multiple_of3A_276, %dma_wait3A] : memref<10000x128xf32, #tpu.memory_space<vmem_shared>> -> memref<40x128xf32, #tpu.memory_space<vmem_shared>>
      %dma_wait3A_278 = arith.constant 0 : i32
      %dma_wait3A_279 = tpu.memref_slice %arg39[%multiple_of3A_276, %dma_wait3A_278] : memref<10000x128xf32, #tpu.memory_space<vmem_shared>> -> memref<40x128xf32, #tpu.memory_space<vmem_shared>>
      tpu.wait_dma2 semaphore(%arg13 : memref<!tpu.dma_semaphore, #tpu.memory_space<semaphore_mem>>) src(%arg38 : memref<40x128xf32, #tpu.memory_space<vmem>>) dst(%dma_wait3A_279 : memref<40x128xf32, #tpu.memory_space<vmem_shared>>)
    } else {
    }
    %add3A_157 = arith.constant 96 : i32
    %add3A_158 = arith.addi %add3A_157, %arg1 : i32
    %lt3A_159 = arith.constant 250 : i32
    %lt3A_160 = arith.cmpi slt, %add3A_158, %lt3A_159 : i32
    %convert_element_type3A_161 = arith.extui %lt3A_160 : i1 to i32
    %cond3A_162 = arith.constant 0 : i32
    %cond3A_163 = arith.cmpi ne, %convert_element_type3A_161, %cond3A_162 : i32
    scf.if %cond3A_163 {
      %mul3A_274 = arith.constant 40 : i32
      %mul3A_275 = arith.muli %add3A_158, %mul3A_274 : i32
      %multiple_of3A_276 = tpu.assume_multiple %mul3A_275, 8 : i32
      %dma_wait3A = arith.constant 0 : i32
      %dma_wait3A_277 = tpu.memref_slice %arg39[%multiple_of3A_276, %dma_wait3A] : memref<10000x128xf32, #tpu.memory_space<vmem_shared>> -> memref<40x128xf32, #tpu.memory_space<vmem_shared>>
      %dma_wait3A_278 = arith.constant 0 : i32
      %dma_wait3A_279 = tpu.memref_slice %arg39[%multiple_of3A_276, %dma_wait3A_278] : memref<10000x128xf32, #tpu.memory_space<vmem_shared>> -> memref<40x128xf32, #tpu.memory_space<vmem_shared>>
      tpu.wait_dma2 semaphore(%arg13 : memref<!tpu.dma_semaphore, #tpu.memory_space<semaphore_mem>>) src(%arg38 : memref<40x128xf32, #tpu.memory_space<vmem>>) dst(%dma_wait3A_279 : memref<40x128xf32, #tpu.memory_space<vmem_shared>>)
    } else {
    }
    %add3A_164 = arith.constant 112 : i32
    %add3A_165 = arith.addi %add3A_164, %arg1 : i32
    %lt3A_166 = arith.constant 250 : i32
    %lt3A_167 = arith.cmpi slt, %add3A_165, %lt3A_166 : i32
    %convert_element_type3A_168 = arith.extui %lt3A_167 : i1 to i32
    %cond3A_169 = arith.constant 0 : i32
    %cond3A_170 = arith.cmpi ne, %convert_element_type3A_168, %cond3A_169 : i32
    scf.if %cond3A_170 {
      %mul3A_274 = arith.constant 40 : i32
      %mul3A_275 = arith.muli %add3A_165, %mul3A_274 : i32
      %multiple_of3A_276 = tpu.assume_multiple %mul3A_275, 8 : i32
      %dma_wait3A = arith.constant 0 : i32
      %dma_wait3A_277 = tpu.memref_slice %arg39[%multiple_of3A_276, %dma_wait3A] : memref<10000x128xf32, #tpu.memory_space<vmem_shared>> -> memref<40x128xf32, #tpu.memory_space<vmem_shared>>
      %dma_wait3A_278 = arith.constant 0 : i32
      %dma_wait3A_279 = tpu.memref_slice %arg39[%multiple_of3A_276, %dma_wait3A_278] : memref<10000x128xf32, #tpu.memory_space<vmem_shared>> -> memref<40x128xf32, #tpu.memory_space<vmem_shared>>
      tpu.wait_dma2 semaphore(%arg13 : memref<!tpu.dma_semaphore, #tpu.memory_space<semaphore_mem>>) src(%arg38 : memref<40x128xf32, #tpu.memory_space<vmem>>) dst(%dma_wait3A_279 : memref<40x128xf32, #tpu.memory_space<vmem_shared>>)
    } else {
    }
    %add3A_171 = arith.constant 128 : i32
    %add3A_172 = arith.addi %add3A_171, %arg1 : i32
    %lt3A_173 = arith.constant 250 : i32
    %lt3A_174 = arith.cmpi slt, %add3A_172, %lt3A_173 : i32
    %convert_element_type3A_175 = arith.extui %lt3A_174 : i1 to i32
    %cond3A_176 = arith.constant 0 : i32
    %cond3A_177 = arith.cmpi ne, %convert_element_type3A_175, %cond3A_176 : i32
    scf.if %cond3A_177 {
      %mul3A_274 = arith.constant 40 : i32
      %mul3A_275 = arith.muli %add3A_172, %mul3A_274 : i32
      %multiple_of3A_276 = tpu.assume_multiple %mul3A_275, 8 : i32
      %dma_wait3A = arith.constant 0 : i32
      %dma_wait3A_277 = tpu.memref_slice %arg39[%multiple_of3A_276, %dma_wait3A] : memref<10000x128xf32, #tpu.memory_space<vmem_shared>> -> memref<40x128xf32, #tpu.memory_space<vmem_shared>>
      %dma_wait3A_278 = arith.constant 0 : i32
      %dma_wait3A_279 = tpu.memref_slice %arg39[%multiple_of3A_276, %dma_wait3A_278] : memref<10000x128xf32, #tpu.memory_space<vmem_shared>> -> memref<40x128xf32, #tpu.memory_space<vmem_shared>>
      tpu.wait_dma2 semaphore(%arg13 : memref<!tpu.dma_semaphore, #tpu.memory_space<semaphore_mem>>) src(%arg38 : memref<40x128xf32, #tpu.memory_space<vmem>>) dst(%dma_wait3A_279 : memref<40x128xf32, #tpu.memory_space<vmem_shared>>)
    } else {
    }
    %add3A_178 = arith.constant 144 : i32
    %add3A_179 = arith.addi %add3A_178, %arg1 : i32
    %lt3A_180 = arith.constant 250 : i32
    %lt3A_181 = arith.cmpi slt, %add3A_179, %lt3A_180 : i32
    %convert_element_type3A_182 = arith.extui %lt3A_181 : i1 to i32
    %cond3A_183 = arith.constant 0 : i32
    %cond3A_184 = arith.cmpi ne, %convert_element_type3A_182, %cond3A_183 : i32
    scf.if %cond3A_184 {
      %mul3A_274 = arith.constant 40 : i32
      %mul3A_275 = arith.muli %add3A_179, %mul3A_274 : i32
      %multiple_of3A_276 = tpu.assume_multiple %mul3A_275, 8 : i32
      %dma_wait3A = arith.constant 0 : i32
      %dma_wait3A_277 = tpu.memref_slice %arg39[%multiple_of3A_276, %dma_wait3A] : memref<10000x128xf32, #tpu.memory_space<vmem_shared>> -> memref<40x128xf32, #tpu.memory_space<vmem_shared>>
      %dma_wait3A_278 = arith.constant 0 : i32
      %dma_wait3A_279 = tpu.memref_slice %arg39[%multiple_of3A_276, %dma_wait3A_278] : memref<10000x128xf32, #tpu.memory_space<vmem_shared>> -> memref<40x128xf32, #tpu.memory_space<vmem_shared>>
      tpu.wait_dma2 semaphore(%arg13 : memref<!tpu.dma_semaphore, #tpu.memory_space<semaphore_mem>>) src(%arg38 : memref<40x128xf32, #tpu.memory_space<vmem>>) dst(%dma_wait3A_279 : memref<40x128xf32, #tpu.memory_space<vmem_shared>>)
    } else {
    }
    %add3A_185 = arith.constant 160 : i32
    %add3A_186 = arith.addi %add3A_185, %arg1 : i32
    %lt3A_187 = arith.constant 250 : i32
    %lt3A_188 = arith.cmpi slt, %add3A_186, %lt3A_187 : i32
    %convert_element_type3A_189 = arith.extui %lt3A_188 : i1 to i32
    %cond3A_190 = arith.constant 0 : i32
    %cond3A_191 = arith.cmpi ne, %convert_element_type3A_189, %cond3A_190 : i32
    scf.if %cond3A_191 {
      %mul3A_274 = arith.constant 40 : i32
      %mul3A_275 = arith.muli %add3A_186, %mul3A_274 : i32
      %multiple_of3A_276 = tpu.assume_multiple %mul3A_275, 8 : i32
      %dma_wait3A = arith.constant 0 : i32
      %dma_wait3A_277 = tpu.memref_slice %arg39[%multiple_of3A_276, %dma_wait3A] : memref<10000x128xf32, #tpu.memory_space<vmem_shared>> -> memref<40x128xf32, #tpu.memory_space<vmem_shared>>
      %dma_wait3A_278 = arith.constant 0 : i32
      %dma_wait3A_279 = tpu.memref_slice %arg39[%multiple_of3A_276, %dma_wait3A_278] : memref<10000x128xf32, #tpu.memory_space<vmem_shared>> -> memref<40x128xf32, #tpu.memory_space<vmem_shared>>
      tpu.wait_dma2 semaphore(%arg13 : memref<!tpu.dma_semaphore, #tpu.memory_space<semaphore_mem>>) src(%arg38 : memref<40x128xf32, #tpu.memory_space<vmem>>) dst(%dma_wait3A_279 : memref<40x128xf32, #tpu.memory_space<vmem_shared>>)
    } else {
    }
    %add3A_192 = arith.constant 176 : i32
    %add3A_193 = arith.addi %add3A_192, %arg1 : i32
    %lt3A_194 = arith.constant 250 : i32
    %lt3A_195 = arith.cmpi slt, %add3A_193, %lt3A_194 : i32
    %convert_element_type3A_196 = arith.extui %lt3A_195 : i1 to i32
    %cond3A_197 = arith.constant 0 : i32
    %cond3A_198 = arith.cmpi ne, %convert_element_type3A_196, %cond3A_197 : i32
    scf.if %cond3A_198 {
      %mul3A_274 = arith.constant 40 : i32
      %mul3A_275 = arith.muli %add3A_193, %mul3A_274 : i32
      %multiple_of3A_276 = tpu.assume_multiple %mul3A_275, 8 : i32
      %dma_wait3A = arith.constant 0 : i32
      %dma_wait3A_277 = tpu.memref_slice %arg39[%multiple_of3A_276, %dma_wait3A] : memref<10000x128xf32, #tpu.memory_space<vmem_shared>> -> memref<40x128xf32, #tpu.memory_space<vmem_shared>>
      %dma_wait3A_278 = arith.constant 0 : i32
      %dma_wait3A_279 = tpu.memref_slice %arg39[%multiple_of3A_276, %dma_wait3A_278] : memref<10000x128xf32, #tpu.memory_space<vmem_shared>> -> memref<40x128xf32, #tpu.memory_space<vmem_shared>>
      tpu.wait_dma2 semaphore(%arg13 : memref<!tpu.dma_semaphore, #tpu.memory_space<semaphore_mem>>) src(%arg38 : memref<40x128xf32, #tpu.memory_space<vmem>>) dst(%dma_wait3A_279 : memref<40x128xf32, #tpu.memory_space<vmem_shared>>)
    } else {
    }
    %add3A_199 = arith.constant 192 : i32
    %add3A_200 = arith.addi %add3A_199, %arg1 : i32
    %lt3A_201 = arith.constant 250 : i32
    %lt3A_202 = arith.cmpi slt, %add3A_200, %lt3A_201 : i32
    %convert_element_type3A_203 = arith.extui %lt3A_202 : i1 to i32
    %cond3A_204 = arith.constant 0 : i32
    %cond3A_205 = arith.cmpi ne, %convert_element_type3A_203, %cond3A_204 : i32
    scf.if %cond3A_205 {
      %mul3A_274 = arith.constant 40 : i32
      %mul3A_275 = arith.muli %add3A_200, %mul3A_274 : i32
      %multiple_of3A_276 = tpu.assume_multiple %mul3A_275, 8 : i32
      %dma_wait3A = arith.constant 0 : i32
      %dma_wait3A_277 = tpu.memref_slice %arg39[%multiple_of3A_276, %dma_wait3A] : memref<10000x128xf32, #tpu.memory_space<vmem_shared>> -> memref<40x128xf32, #tpu.memory_space<vmem_shared>>
      %dma_wait3A_278 = arith.constant 0 : i32
      %dma_wait3A_279 = tpu.memref_slice %arg39[%multiple_of3A_276, %dma_wait3A_278] : memref<10000x128xf32, #tpu.memory_space<vmem_shared>> -> memref<40x128xf32, #tpu.memory_space<vmem_shared>>
      tpu.wait_dma2 semaphore(%arg13 : memref<!tpu.dma_semaphore, #tpu.memory_space<semaphore_mem>>) src(%arg38 : memref<40x128xf32, #tpu.memory_space<vmem>>) dst(%dma_wait3A_279 : memref<40x128xf32, #tpu.memory_space<vmem_shared>>)
    } else {
    }
    %add3A_206 = arith.constant 208 : i32
    %add3A_207 = arith.addi %add3A_206, %arg1 : i32
    %lt3A_208 = arith.constant 250 : i32
    %lt3A_209 = arith.cmpi slt, %add3A_207, %lt3A_208 : i32
    %convert_element_type3A_210 = arith.extui %lt3A_209 : i1 to i32
    %cond3A_211 = arith.constant 0 : i32
    %cond3A_212 = arith.cmpi ne, %convert_element_type3A_210, %cond3A_211 : i32
    scf.if %cond3A_212 {
      %mul3A_274 = arith.constant 40 : i32
      %mul3A_275 = arith.muli %add3A_207, %mul3A_274 : i32
      %multiple_of3A_276 = tpu.assume_multiple %mul3A_275, 8 : i32
      %dma_wait3A = arith.constant 0 : i32
      %dma_wait3A_277 = tpu.memref_slice %arg39[%multiple_of3A_276, %dma_wait3A] : memref<10000x128xf32, #tpu.memory_space<vmem_shared>> -> memref<40x128xf32, #tpu.memory_space<vmem_shared>>
      %dma_wait3A_278 = arith.constant 0 : i32
      %dma_wait3A_279 = tpu.memref_slice %arg39[%multiple_of3A_276, %dma_wait3A_278] : memref<10000x128xf32, #tpu.memory_space<vmem_shared>> -> memref<40x128xf32, #tpu.memory_space<vmem_shared>>
      tpu.wait_dma2 semaphore(%arg13 : memref<!tpu.dma_semaphore, #tpu.memory_space<semaphore_mem>>) src(%arg38 : memref<40x128xf32, #tpu.memory_space<vmem>>) dst(%dma_wait3A_279 : memref<40x128xf32, #tpu.memory_space<vmem_shared>>)
    } else {
    }
    %add3A_213 = arith.constant 224 : i32
    %add3A_214 = arith.addi %add3A_213, %arg1 : i32
    %lt3A_215 = arith.constant 250 : i32
    %lt3A_216 = arith.cmpi slt, %add3A_214, %lt3A_215 : i32
    %convert_element_type3A_217 = arith.extui %lt3A_216 : i1 to i32
    %cond3A_218 = arith.constant 0 : i32
    %cond3A_219 = arith.cmpi ne, %convert_element_type3A_217, %cond3A_218 : i32
    scf.if %cond3A_219 {
      %mul3A_274 = arith.constant 40 : i32
      %mul3A_275 = arith.muli %add3A_214, %mul3A_274 : i32
      %multiple_of3A_276 = tpu.assume_multiple %mul3A_275, 8 : i32
      %dma_wait3A = arith.constant 0 : i32
      %dma_wait3A_277 = tpu.memref_slice %arg39[%multiple_of3A_276, %dma_wait3A] : memref<10000x128xf32, #tpu.memory_space<vmem_shared>> -> memref<40x128xf32, #tpu.memory_space<vmem_shared>>
      %dma_wait3A_278 = arith.constant 0 : i32
      %dma_wait3A_279 = tpu.memref_slice %arg39[%multiple_of3A_276, %dma_wait3A_278] : memref<10000x128xf32, #tpu.memory_space<vmem_shared>> -> memref<40x128xf32, #tpu.memory_space<vmem_shared>>
      tpu.wait_dma2 semaphore(%arg13 : memref<!tpu.dma_semaphore, #tpu.memory_space<semaphore_mem>>) src(%arg38 : memref<40x128xf32, #tpu.memory_space<vmem>>) dst(%dma_wait3A_279 : memref<40x128xf32, #tpu.memory_space<vmem_shared>>)
    } else {
    }
    %add3A_220 = arith.constant 240 : i32
    %add3A_221 = arith.addi %add3A_220, %arg1 : i32
    %lt3A_222 = arith.constant 250 : i32
    %lt3A_223 = arith.cmpi slt, %add3A_221, %lt3A_222 : i32
    %convert_element_type3A_224 = arith.extui %lt3A_223 : i1 to i32
    %cond3A_225 = arith.constant 0 : i32
    %cond3A_226 = arith.cmpi ne, %convert_element_type3A_224, %cond3A_225 : i32
    scf.if %cond3A_226 {
      %mul3A_274 = arith.constant 40 : i32
      %mul3A_275 = arith.muli %add3A_221, %mul3A_274 : i32
      %multiple_of3A_276 = tpu.assume_multiple %mul3A_275, 8 : i32
      %dma_wait3A = arith.constant 0 : i32
      %dma_wait3A_277 = tpu.memref_slice %arg39[%multiple_of3A_276, %dma_wait3A] : memref<10000x128xf32, #tpu.memory_space<vmem_shared>> -> memref<40x128xf32, #tpu.memory_space<vmem_shared>>
      %dma_wait3A_278 = arith.constant 0 : i32
      %dma_wait3A_279 = tpu.memref_slice %arg39[%multiple_of3A_276, %dma_wait3A_278] : memref<10000x128xf32, #tpu.memory_space<vmem_shared>> -> memref<40x128xf32, #tpu.memory_space<vmem_shared>>
      tpu.wait_dma2 semaphore(%arg13 : memref<!tpu.dma_semaphore, #tpu.memory_space<semaphore_mem>>) src(%arg38 : memref<40x128xf32, #tpu.memory_space<vmem>>) dst(%dma_wait3A_279 : memref<40x128xf32, #tpu.memory_space<vmem_shared>>)
    } else {
    }
    %add3A_227 = arith.constant 0 : i32
    %add3A_228 = arith.addi %multiple_of3A, %add3A_227 : i32
    %multiple_of3A_229 = tpu.assume_multiple %add3A_228, 8 : i32
    %dma_start3A = tpu.memref_slice %arg4[%multiple_of3A_229] : memref<320000xi32, #tpu.memory_space<hbm>> -> memref<64xi32, #tpu.memory_space<hbm>>
    %dma_start3A_230 = tpu.memref_slice %arg4[%multiple_of3A_229] : memref<320000xi32, #tpu.memory_space<hbm>> -> memref<64xi32, #tpu.memory_space<hbm>>
    tpu.enqueue_dma source(%dma_start3A_230 : memref<64xi32, #tpu.memory_space<hbm>>) target(%arg8 : memref<64xi32, #tpu.memory_space<vmem>>) target_semaphore(%arg11 : memref<!tpu.dma_semaphore, #tpu.memory_space<semaphore_mem>>)
    %dma_start3A_231 = tpu.memref_slice %arg5[%multiple_of3A_229] : memref<320000xi32, #tpu.memory_space<hbm>> -> memref<64xi32, #tpu.memory_space<hbm>>
    %dma_start3A_232 = tpu.memref_slice %arg5[%multiple_of3A_229] : memref<320000xi32, #tpu.memory_space<hbm>> -> memref<64xi32, #tpu.memory_space<hbm>>
    tpu.enqueue_dma source(%dma_start3A_232 : memref<64xi32, #tpu.memory_space<hbm>>) target(%arg9 : memref<64xi32, #tpu.memory_space<vmem>>) target_semaphore(%arg11 : memref<!tpu.dma_semaphore, #tpu.memory_space<semaphore_mem>>)
    %add3A_233 = arith.constant 64 : i32
    %add3A_234 = arith.addi %multiple_of3A, %add3A_233 : i32
    %multiple_of3A_235 = tpu.assume_multiple %add3A_234, 8 : i32
    %dma_start3A_236 = tpu.memref_slice %arg4[%multiple_of3A_235] : memref<320000xi32, #tpu.memory_space<hbm>> -> memref<64xi32, #tpu.memory_space<hbm>>
    %dma_start3A_237 = tpu.memref_slice %arg4[%multiple_of3A_235] : memref<320000xi32, #tpu.memory_space<hbm>> -> memref<64xi32, #tpu.memory_space<hbm>>
    tpu.enqueue_dma source(%dma_start3A_237 : memref<64xi32, #tpu.memory_space<hbm>>) target(%arg14 : memref<64xi32, #tpu.memory_space<vmem>>) target_semaphore(%arg17 : memref<!tpu.dma_semaphore, #tpu.memory_space<semaphore_mem>>)
    %dma_start3A_238 = tpu.memref_slice %arg5[%multiple_of3A_235] : memref<320000xi32, #tpu.memory_space<hbm>> -> memref<64xi32, #tpu.memory_space<hbm>>
    %dma_start3A_239 = tpu.memref_slice %arg5[%multiple_of3A_235] : memref<320000xi32, #tpu.memory_space<hbm>> -> memref<64xi32, #tpu.memory_space<hbm>>
    tpu.enqueue_dma source(%dma_start3A_239 : memref<64xi32, #tpu.memory_space<hbm>>) target(%arg15 : memref<64xi32, #tpu.memory_space<vmem>>) target_semaphore(%arg17 : memref<!tpu.dma_semaphore, #tpu.memory_space<semaphore_mem>>)
    %add3A_240 = arith.constant 128 : i32
    %add3A_241 = arith.addi %multiple_of3A, %add3A_240 : i32
    %multiple_of3A_242 = tpu.assume_multiple %add3A_241, 8 : i32
    %dma_start3A_243 = tpu.memref_slice %arg4[%multiple_of3A_242] : memref<320000xi32, #tpu.memory_space<hbm>> -> memref<64xi32, #tpu.memory_space<hbm>>
    %dma_start3A_244 = tpu.memref_slice %arg4[%multiple_of3A_242] : memref<320000xi32, #tpu.memory_space<hbm>> -> memref<64xi32, #tpu.memory_space<hbm>>
    tpu.enqueue_dma source(%dma_start3A_244 : memref<64xi32, #tpu.memory_space<hbm>>) target(%arg20 : memref<64xi32, #tpu.memory_space<vmem>>) target_semaphore(%arg23 : memref<!tpu.dma_semaphore, #tpu.memory_space<semaphore_mem>>)
    %dma_start3A_245 = tpu.memref_slice %arg5[%multiple_of3A_242] : memref<320000xi32, #tpu.memory_space<hbm>> -> memref<64xi32, #tpu.memory_space<hbm>>
    %dma_start3A_246 = tpu.memref_slice %arg5[%multiple_of3A_242] : memref<320000xi32, #tpu.memory_space<hbm>> -> memref<64xi32, #tpu.memory_space<hbm>>
    tpu.enqueue_dma source(%dma_start3A_246 : memref<64xi32, #tpu.memory_space<hbm>>) target(%arg21 : memref<64xi32, #tpu.memory_space<vmem>>) target_semaphore(%arg23 : memref<!tpu.dma_semaphore, #tpu.memory_space<semaphore_mem>>)
    %add3A_247 = arith.constant 192 : i32
    %add3A_248 = arith.addi %multiple_of3A, %add3A_247 : i32
    %multiple_of3A_249 = tpu.assume_multiple %add3A_248, 8 : i32
    %dma_start3A_250 = tpu.memref_slice %arg4[%multiple_of3A_249] : memref<320000xi32, #tpu.memory_space<hbm>> -> memref<64xi32, #tpu.memory_space<hbm>>
    %dma_start3A_251 = tpu.memref_slice %arg4[%multiple_of3A_249] : memref<320000xi32, #tpu.memory_space<hbm>> -> memref<64xi32, #tpu.memory_space<hbm>>
    tpu.enqueue_dma source(%dma_start3A_251 : memref<64xi32, #tpu.memory_space<hbm>>) target(%arg26 : memref<64xi32, #tpu.memory_space<vmem>>) target_semaphore(%arg29 : memref<!tpu.dma_semaphore, #tpu.memory_space<semaphore_mem>>)
    %dma_start3A_252 = tpu.memref_slice %arg5[%multiple_of3A_249] : memref<320000xi32, #tpu.memory_space<hbm>> -> memref<64xi32, #tpu.memory_space<hbm>>
    %dma_start3A_253 = tpu.memref_slice %arg5[%multiple_of3A_249] : memref<320000xi32, #tpu.memory_space<hbm>> -> memref<64xi32, #tpu.memory_space<hbm>>
    tpu.enqueue_dma source(%dma_start3A_253 : memref<64xi32, #tpu.memory_space<hbm>>) target(%arg27 : memref<64xi32, #tpu.memory_space<vmem>>) target_semaphore(%arg29 : memref<!tpu.dma_semaphore, #tpu.memory_space<semaphore_mem>>)
    %barrier3A = arith.constant 0 : index
    tpu.barrier barrier_id(%barrier3A)
    %eq3A = arith.constant 0 : i32
    %eq3A_254 = arith.cmpi eq, %arg0, %eq3A : i32
    %convert_element_type3A_255 = arith.extui %eq3A_254 : i1 to i32
    %cond3A_256 = arith.constant 0 : i32
    %cond3A_257 = arith.cmpi ne, %convert_element_type3A_255, %cond3A_256 : i32
    scf.if %cond3A_257 {
      %add3A_274 = arith.constant 0 : i32
      %add3A_275 = arith.addi %multiple_of3A, %add3A_274 : i32
      %multiple_of3A_276 = tpu.assume_multiple %add3A_275, 8 : i32
      %dma_wait3A = tpu.memref_slice %arg4[%multiple_of3A_276] : memref<320000xi32, #tpu.memory_space<hbm>> -> memref<64xi32, #tpu.memory_space<hbm>>
      %dma_wait3A_277 = tpu.memref_slice %arg4[%multiple_of3A_276] : memref<320000xi32, #tpu.memory_space<hbm>> -> memref<64xi32, #tpu.memory_space<hbm>>
      tpu.wait_dma2 semaphore(%arg11 : memref<!tpu.dma_semaphore, #tpu.memory_space<semaphore_mem>>) src(%dma_wait3A_277 : memref<64xi32, #tpu.memory_space<hbm>>) dst(%arg8 : memref<64xi32, #tpu.memory_space<vmem>>)
      %dma_wait3A_278 = tpu.memref_slice %arg5[%multiple_of3A_276] : memref<320000xi32, #tpu.memory_space<hbm>> -> memref<64xi32, #tpu.memory_space<hbm>>
      %dma_wait3A_279 = tpu.memref_slice %arg5[%multiple_of3A_276] : memref<320000xi32, #tpu.memory_space<hbm>> -> memref<64xi32, #tpu.memory_space<hbm>>
      tpu.wait_dma2 semaphore(%arg11 : memref<!tpu.dma_semaphore, #tpu.memory_space<semaphore_mem>>) src(%dma_wait3A_279 : memref<64xi32, #tpu.memory_space<hbm>>) dst(%arg9 : memref<64xi32, #tpu.memory_space<vmem>>)
      %dma_start3A_280 = arith.constant 0 : i32
      %dma_start3A_281 = arith.constant 0 : i32
      %dma_start3A_282 = tpu.memref_slice %arg2[%dma_start3A_280, %dma_start3A_281] : memref<10000x128xf32, #tpu.memory_space<hbm>> -> memref<10000x128xf32, #tpu.memory_space<hbm>>
      tpu.enqueue_indirect_dma source(%dma_start3A_282 : memref<10000x128xf32, #tpu.memory_space<hbm>>) target(%arg10 : memref<64x128xf32, #tpu.memory_space<vmem>>) offsets(%arg8 : memref<64xi32, #tpu.memory_space<vmem>>) semaphore(%arg12 : memref<!tpu.dma_semaphore, #tpu.memory_space<semaphore_mem>>)
      %add3A_283 = arith.constant 64 : i32
      %add3A_284 = arith.addi %multiple_of3A, %add3A_283 : i32
      %multiple_of3A_285 = tpu.assume_multiple %add3A_284, 8 : i32
      %dma_wait3A_286 = tpu.memref_slice %arg4[%multiple_of3A_285] : memref<320000xi32, #tpu.memory_space<hbm>> -> memref<64xi32, #tpu.memory_space<hbm>>
      %dma_wait3A_287 = tpu.memref_slice %arg4[%multiple_of3A_285] : memref<320000xi32, #tpu.memory_space<hbm>> -> memref<64xi32, #tpu.memory_space<hbm>>
      tpu.wait_dma2 semaphore(%arg17 : memref<!tpu.dma_semaphore, #tpu.memory_space<semaphore_mem>>) src(%dma_wait3A_287 : memref<64xi32, #tpu.memory_space<hbm>>) dst(%arg14 : memref<64xi32, #tpu.memory_space<vmem>>)
      %dma_wait3A_288 = tpu.memref_slice %arg5[%multiple_of3A_285] : memref<320000xi32, #tpu.memory_space<hbm>> -> memref<64xi32, #tpu.memory_space<hbm>>
      %dma_wait3A_289 = tpu.memref_slice %arg5[%multiple_of3A_285] : memref<320000xi32, #tpu.memory_space<hbm>> -> memref<64xi32, #tpu.memory_space<hbm>>
      tpu.wait_dma2 semaphore(%arg17 : memref<!tpu.dma_semaphore, #tpu.memory_space<semaphore_mem>>) src(%dma_wait3A_289 : memref<64xi32, #tpu.memory_space<hbm>>) dst(%arg15 : memref<64xi32, #tpu.memory_space<vmem>>)
      %dma_start3A_290 = arith.constant 0 : i32
      %dma_start3A_291 = arith.constant 0 : i32
      %dma_start3A_292 = tpu.memref_slice %arg2[%dma_start3A_290, %dma_start3A_291] : memref<10000x128xf32, #tpu.memory_space<hbm>> -> memref<10000x128xf32, #tpu.memory_space<hbm>>
      tpu.enqueue_indirect_dma source(%dma_start3A_292 : memref<10000x128xf32, #tpu.memory_space<hbm>>) target(%arg16 : memref<64x128xf32, #tpu.memory_space<vmem>>) offsets(%arg14 : memref<64xi32, #tpu.memory_space<vmem>>) semaphore(%arg18 : memref<!tpu.dma_semaphore, #tpu.memory_space<semaphore_mem>>)
      %add3A_293 = arith.constant 128 : i32
      %add3A_294 = arith.addi %multiple_of3A, %add3A_293 : i32
      %multiple_of3A_295 = tpu.assume_multiple %add3A_294, 8 : i32
      %dma_wait3A_296 = tpu.memref_slice %arg4[%multiple_of3A_295] : memref<320000xi32, #tpu.memory_space<hbm>> -> memref<64xi32, #tpu.memory_space<hbm>>
      %dma_wait3A_297 = tpu.memref_slice %arg4[%multiple_of3A_295] : memref<320000xi32, #tpu.memory_space<hbm>> -> memref<64xi32, #tpu.memory_space<hbm>>
      tpu.wait_dma2 semaphore(%arg23 : memref<!tpu.dma_semaphore, #tpu.memory_space<semaphore_mem>>) src(%dma_wait3A_297 : memref<64xi32, #tpu.memory_space<hbm>>) dst(%arg20 : memref<64xi32, #tpu.memory_space<vmem>>)
      %dma_wait3A_298 = tpu.memref_slice %arg5[%multiple_of3A_295] : memref<320000xi32, #tpu.memory_space<hbm>> -> memref<64xi32, #tpu.memory_space<hbm>>
      %dma_wait3A_299 = tpu.memref_slice %arg5[%multiple_of3A_295] : memref<320000xi32, #tpu.memory_space<hbm>> -> memref<64xi32, #tpu.memory_space<hbm>>
      tpu.wait_dma2 semaphore(%arg23 : memref<!tpu.dma_semaphore, #tpu.memory_space<semaphore_mem>>) src(%dma_wait3A_299 : memref<64xi32, #tpu.memory_space<hbm>>) dst(%arg21 : memref<64xi32, #tpu.memory_space<vmem>>)
      %dma_start3A_300 = arith.constant 0 : i32
      %dma_start3A_301 = arith.constant 0 : i32
      %dma_start3A_302 = tpu.memref_slice %arg2[%dma_start3A_300, %dma_start3A_301] : memref<10000x128xf32, #tpu.memory_space<hbm>> -> memref<10000x128xf32, #tpu.memory_space<hbm>>
      tpu.enqueue_indirect_dma source(%dma_start3A_302 : memref<10000x128xf32, #tpu.memory_space<hbm>>) target(%arg22 : memref<64x128xf32, #tpu.memory_space<vmem>>) offsets(%arg20 : memref<64xi32, #tpu.memory_space<vmem>>) semaphore(%arg24 : memref<!tpu.dma_semaphore, #tpu.memory_space<semaphore_mem>>)
      %scan3A_303 = arith.constant 0 : i32
      %scan3A_304 = arith.constant 0 : i32
      %scan3A_305 = arith.constant 62 : i32
      %scan3A_306 = arith.addi %scan3A_304, %scan3A_305 : i32
      %scan3A_307 = arith.constant 1 : i32
      scf.for %scan3A_353 = %scan3A_304 to %scan3A_306 step %scan3A_307  : i32 {
        %mul3A_354 = arith.constant 5 : i32
        %mul3A_355 = arith.muli %scan3A_353, %mul3A_354 : i32
        %add3A_356 = arith.constant 0 : i32
        %add3A_357 = arith.addi %mul3A_355, %add3A_356 : i32
        %dma_wait3A_358 = arith.constant 0 : i32
        %dma_wait3A_359 = arith.constant 0 : i32
        %dma_wait3A_360 = tpu.memref_slice %arg2[%dma_wait3A_358, %dma_wait3A_359] : memref<10000x128xf32, #tpu.memory_space<hbm>> -> memref<10000x128xf32, #tpu.memory_space<hbm>>
        tpu.wait_indirect_dma semaphore(%arg12 : memref<!tpu.dma_semaphore, #tpu.memory_space<semaphore_mem>>) src(%dma_wait3A_360 : memref<10000x128xf32, #tpu.memory_space<hbm>>) dst(%arg10 : memref<64x128xf32, #tpu.memory_space<vmem>>)
        %dma_start3A_361 = arith.constant 0 : i32
        %dma_start3A_362 = arith.constant 0 : i32
        %dma_start3A_363 = tpu.memref_slice %arg39[%dma_start3A_361, %dma_start3A_362] : memref<10000x128xf32, #tpu.memory_space<vmem_shared>> -> memref<10000x128xf32, #tpu.memory_space<vmem_shared>>
        tpu.enqueue_indirect_dma source(%arg10 : memref<64x128xf32, #tpu.memory_space<vmem>>) target(%dma_start3A_363 : memref<10000x128xf32, #tpu.memory_space<vmem_shared>>) offsets(%arg9 : memref<64xi32, #tpu.memory_space<vmem>>) semaphore(%arg13 : memref<!tpu.dma_semaphore, #tpu.memory_space<semaphore_mem>>) {add = true}
        %add3A_364 = arith.constant 3 : i32
        %add3A_365 = arith.addi %add3A_357, %add3A_364 : i32
        %mul3A_366 = arith.constant 64 : i32
        %mul3A_367 = arith.muli %add3A_365, %mul3A_366 : i32
        %add3A_368 = arith.addi %multiple_of3A, %mul3A_367 : i32
        %multiple_of3A_369 = tpu.assume_multiple %add3A_368, 8 : i32
        %dma_wait3A_370 = tpu.memref_slice %arg4[%multiple_of3A_369] : memref<320000xi32, #tpu.memory_space<hbm>> -> memref<64xi32, #tpu.memory_space<hbm>>
        %dma_wait3A_371 = tpu.memref_slice %arg4[%multiple_of3A_369] : memref<320000xi32, #tpu.memory_space<hbm>> -> memref<64xi32, #tpu.memory_space<hbm>>
        tpu.wait_dma2 semaphore(%arg29 : memref<!tpu.dma_semaphore, #tpu.memory_space<semaphore_mem>>) src(%dma_wait3A_371 : memref<64xi32, #tpu.memory_space<hbm>>) dst(%arg26 : memref<64xi32, #tpu.memory_space<vmem>>)
        %dma_wait3A_372 = tpu.memref_slice %arg5[%multiple_of3A_369] : memref<320000xi32, #tpu.memory_space<hbm>> -> memref<64xi32, #tpu.memory_space<hbm>>
        %dma_wait3A_373 = tpu.memref_slice %arg5[%multiple_of3A_369] : memref<320000xi32, #tpu.memory_space<hbm>> -> memref<64xi32, #tpu.memory_space<hbm>>
        tpu.wait_dma2 semaphore(%arg29 : memref<!tpu.dma_semaphore, #tpu.memory_space<semaphore_mem>>) src(%dma_wait3A_373 : memref<64xi32, #tpu.memory_space<hbm>>) dst(%arg27 : memref<64xi32, #tpu.memory_space<vmem>>)
        %dma_start3A_374 = arith.constant 0 : i32
        %dma_start3A_375 = arith.constant 0 : i32
        %dma_start3A_376 = tpu.memref_slice %arg2[%dma_start3A_374, %dma_start3A_375] : memref<10000x128xf32, #tpu.memory_space<hbm>> -> memref<10000x128xf32, #tpu.memory_space<hbm>>
        tpu.enqueue_indirect_dma source(%dma_start3A_376 : memref<10000x128xf32, #tpu.memory_space<hbm>>) target(%arg28 : memref<64x128xf32, #tpu.memory_space<vmem>>) offsets(%arg26 : memref<64xi32, #tpu.memory_space<vmem>>) semaphore(%arg30 : memref<!tpu.dma_semaphore, #tpu.memory_space<semaphore_mem>>)
        %gt3A = arith.constant 0 : i32
        %gt3A_377 = arith.cmpi sgt, %scan3A_353, %gt3A : i32
        %convert_element_type3A_378 = arith.extui %gt3A_377 : i1 to i32
        %cond3A_379 = arith.constant 0 : i32
        %cond3A_380 = arith.cmpi ne, %convert_element_type3A_378, %cond3A_379 : i32
        scf.if %cond3A_380 {
          %dma_wait3A_516 = arith.constant 0 : i32
          %dma_wait3A_517 = arith.constant 0 : i32
          %dma_wait3A_518 = tpu.memref_slice %arg39[%dma_wait3A_516, %dma_wait3A_517] : memref<10000x128xf32, #tpu.memory_space<vmem_shared>> -> memref<10000x128xf32, #tpu.memory_space<vmem_shared>>
          tpu.wait_indirect_dma semaphore(%arg37 : memref<!tpu.dma_semaphore, #tpu.memory_space<semaphore_mem>>) src(%arg34 : memref<64x128xf32, #tpu.memory_space<vmem>>) dst(%dma_wait3A_518 : memref<10000x128xf32, #tpu.memory_space<vmem_shared>>)
        } else {
        }
        %add3A_381 = arith.constant 4 : i32
        %add3A_382 = arith.addi %add3A_357, %add3A_381 : i32
        %mul3A_383 = arith.constant 64 : i32
        %mul3A_384 = arith.muli %add3A_382, %mul3A_383 : i32
        %add3A_385 = arith.addi %multiple_of3A, %mul3A_384 : i32
        %multiple_of3A_386 = tpu.assume_multiple %add3A_385, 8 : i32
        %dma_start3A_387 = tpu.memref_slice %arg4[%multiple_of3A_386] : memref<320000xi32, #tpu.memory_space<hbm>> -> memref<64xi32, #tpu.memory_space<hbm>>
        %dma_start3A_388 = tpu.memref_slice %arg4[%multiple_of3A_386] : memref<320000xi32, #tpu.memory_space<hbm>> -> memref<64xi32, #tpu.memory_space<hbm>>
        tpu.enqueue_dma source(%dma_start3A_388 : memref<64xi32, #tpu.memory_space<hbm>>) target(%arg32 : memref<64xi32, #tpu.memory_space<vmem>>) target_semaphore(%arg35 : memref<!tpu.dma_semaphore, #tpu.memory_space<semaphore_mem>>)
        %dma_start3A_389 = tpu.memref_slice %arg5[%multiple_of3A_386] : memref<320000xi32, #tpu.memory_space<hbm>> -> memref<64xi32, #tpu.memory_space<hbm>>
        %dma_start3A_390 = tpu.memref_slice %arg5[%multiple_of3A_386] : memref<320000xi32, #tpu.memory_space<hbm>> -> memref<64xi32, #tpu.memory_space<hbm>>
        tpu.enqueue_dma source(%dma_start3A_390 : memref<64xi32, #tpu.memory_space<hbm>>) target(%arg33 : memref<64xi32, #tpu.memory_space<vmem>>) target_semaphore(%arg35 : memref<!tpu.dma_semaphore, #tpu.memory_space<semaphore_mem>>)
        %mul3A_391 = arith.constant 5 : i32
        %mul3A_392 = arith.muli %scan3A_353, %mul3A_391 : i32
        %add3A_393 = arith.constant 1 : i32
        %add3A_394 = arith.addi %mul3A_392, %add3A_393 : i32
        %dma_wait3A_395 = arith.constant 0 : i32
        %dma_wait3A_396 = arith.constant 0 : i32
        %dma_wait3A_397 = tpu.memref_slice %arg2[%dma_wait3A_395, %dma_wait3A_396] : memref<10000x128xf32, #tpu.memory_space<hbm>> -> memref<10000x128xf32, #tpu.memory_space<hbm>>
        tpu.wait_indirect_dma semaphore(%arg18 : memref<!tpu.dma_semaphore, #tpu.memory_space<semaphore_mem>>) src(%dma_wait3A_397 : memref<10000x128xf32, #tpu.memory_space<hbm>>) dst(%arg16 : memref<64x128xf32, #tpu.memory_space<vmem>>)
        %dma_start3A_398 = arith.constant 0 : i32
        %dma_start3A_399 = arith.constant 0 : i32
        %dma_start3A_400 = tpu.memref_slice %arg39[%dma_start3A_398, %dma_start3A_399] : memref<10000x128xf32, #tpu.memory_space<vmem_shared>> -> memref<10000x128xf32, #tpu.memory_space<vmem_shared>>
        tpu.enqueue_indirect_dma source(%arg16 : memref<64x128xf32, #tpu.memory_space<vmem>>) target(%dma_start3A_400 : memref<10000x128xf32, #tpu.memory_space<vmem_shared>>) offsets(%arg15 : memref<64xi32, #tpu.memory_space<vmem>>) semaphore(%arg19 : memref<!tpu.dma_semaphore, #tpu.memory_space<semaphore_mem>>) {add = true}
        %add3A_401 = arith.constant 3 : i32
        %add3A_402 = arith.addi %add3A_394, %add3A_401 : i32
        %mul3A_403 = arith.constant 64 : i32
        %mul3A_404 = arith.muli %add3A_402, %mul3A_403 : i32
        %add3A_405 = arith.addi %multiple_of3A, %mul3A_404 : i32
        %multiple_of3A_406 = tpu.assume_multiple %add3A_405, 8 : i32
        %dma_wait3A_407 = tpu.memref_slice %arg4[%multiple_of3A_406] : memref<320000xi32, #tpu.memory_space<hbm>> -> memref<64xi32, #tpu.memory_space<hbm>>
        %dma_wait3A_408 = tpu.memref_slice %arg4[%multiple_of3A_406] : memref<320000xi32, #tpu.memory_space<hbm>> -> memref<64xi32, #tpu.memory_space<hbm>>
        tpu.wait_dma2 semaphore(%arg35 : memref<!tpu.dma_semaphore, #tpu.memory_space<semaphore_mem>>) src(%dma_wait3A_408 : memref<64xi32, #tpu.memory_space<hbm>>) dst(%arg32 : memref<64xi32, #tpu.memory_space<vmem>>)
        %dma_wait3A_409 = tpu.memref_slice %arg5[%multiple_of3A_406] : memref<320000xi32, #tpu.memory_space<hbm>> -> memref<64xi32, #tpu.memory_space<hbm>>
        %dma_wait3A_410 = tpu.memref_slice %arg5[%multiple_of3A_406] : memref<320000xi32, #tpu.memory_space<hbm>> -> memref<64xi32, #tpu.memory_space<hbm>>
        tpu.wait_dma2 semaphore(%arg35 : memref<!tpu.dma_semaphore, #tpu.memory_space<semaphore_mem>>) src(%dma_wait3A_410 : memref<64xi32, #tpu.memory_space<hbm>>) dst(%arg33 : memref<64xi32, #tpu.memory_space<vmem>>)
        %dma_start3A_411 = arith.constant 0 : i32
        %dma_start3A_412 = arith.constant 0 : i32
        %dma_start3A_413 = tpu.memref_slice %arg2[%dma_start3A_411, %dma_start3A_412] : memref<10000x128xf32, #tpu.memory_space<hbm>> -> memref<10000x128xf32, #tpu.memory_space<hbm>>
        tpu.enqueue_indirect_dma source(%dma_start3A_413 : memref<10000x128xf32, #tpu.memory_space<hbm>>) target(%arg34 : memref<64x128xf32, #tpu.memory_space<vmem>>) offsets(%arg32 : memref<64xi32, #tpu.memory_space<vmem>>) semaphore(%arg36 : memref<!tpu.dma_semaphore, #tpu.memory_space<semaphore_mem>>)
        %dma_wait3A_414 = arith.constant 0 : i32
        %dma_wait3A_415 = arith.constant 0 : i32
        %dma_wait3A_416 = tpu.memref_slice %arg39[%dma_wait3A_414, %dma_wait3A_415] : memref<10000x128xf32, #tpu.memory_space<vmem_shared>> -> memref<10000x128xf32, #tpu.memory_space<vmem_shared>>
        tpu.wait_indirect_dma semaphore(%arg13 : memref<!tpu.dma_semaphore, #tpu.memory_space<semaphore_mem>>) src(%arg10 : memref<64x128xf32, #tpu.memory_space<vmem>>) dst(%dma_wait3A_416 : memref<10000x128xf32, #tpu.memory_space<vmem_shared>>)
        %add3A_417 = arith.constant 4 : i32
        %add3A_418 = arith.addi %add3A_394, %add3A_417 : i32
        %mul3A_419 = arith.constant 64 : i32
        %mul3A_420 = arith.muli %add3A_418, %mul3A_419 : i32
        %add3A_421 = arith.addi %multiple_of3A, %mul3A_420 : i32
        %multiple_of3A_422 = tpu.assume_multiple %add3A_421, 8 : i32
        %dma_start3A_423 = tpu.memref_slice %arg4[%multiple_of3A_422] : memref<320000xi32, #tpu.memory_space<hbm>> -> memref<64xi32, #tpu.memory_space<hbm>>
        %dma_start3A_424 = tpu.memref_slice %arg4[%multiple_of3A_422] : memref<320000xi32, #tpu.memory_space<hbm>> -> memref<64xi32, #tpu.memory_space<hbm>>
        tpu.enqueue_dma source(%dma_start3A_424 : memref<64xi32, #tpu.memory_space<hbm>>) target(%arg8 : memref<64xi32, #tpu.memory_space<vmem>>) target_semaphore(%arg11 : memref<!tpu.dma_semaphore, #tpu.memory_space<semaphore_mem>>)
        %dma_start3A_425 = tpu.memref_slice %arg5[%multiple_of3A_422] : memref<320000xi32, #tpu.memory_space<hbm>> -> memref<64xi32, #tpu.memory_space<hbm>>
        %dma_start3A_426 = tpu.memref_slice %arg5[%multiple_of3A_422] : memref<320000xi32, #tpu.memory_space<hbm>> -> memref<64xi32, #tpu.memory_space<hbm>>
        tpu.enqueue_dma source(%dma_start3A_426 : memref<64xi32, #tpu.memory_space<hbm>>) target(%arg9 : memref<64xi32, #tpu.memory_space<vmem>>) target_semaphore(%arg11 : memref<!tpu.dma_semaphore, #tpu.memory_space<semaphore_mem>>)
        %mul3A_427 = arith.constant 5 : i32
        %mul3A_428 = arith.muli %scan3A_353, %mul3A_427 : i32
        %add3A_429 = arith.constant 2 : i32
        %add3A_430 = arith.addi %mul3A_428, %add3A_429 : i32
        %dma_wait3A_431 = arith.constant 0 : i32
        %dma_wait3A_432 = arith.constant 0 : i32
        %dma_wait3A_433 = tpu.memref_slice %arg2[%dma_wait3A_431, %dma_wait3A_432] : memref<10000x128xf32, #tpu.memory_space<hbm>> -> memref<10000x128xf32, #tpu.memory_space<hbm>>
        tpu.wait_indirect_dma semaphore(%arg24 : memref<!tpu.dma_semaphore, #tpu.memory_space<semaphore_mem>>) src(%dma_wait3A_433 : memref<10000x128xf32, #tpu.memory_space<hbm>>) dst(%arg22 : memref<64x128xf32, #tpu.memory_space<vmem>>)
        %dma_start3A_434 = arith.constant 0 : i32
        %dma_start3A_435 = arith.constant 0 : i32
        %dma_start3A_436 = tpu.memref_slice %arg39[%dma_start3A_434, %dma_start3A_435] : memref<10000x128xf32, #tpu.memory_space<vmem_shared>> -> memref<10000x128xf32, #tpu.memory_space<vmem_shared>>
        tpu.enqueue_indirect_dma source(%arg22 : memref<64x128xf32, #tpu.memory_space<vmem>>) target(%dma_start3A_436 : memref<10000x128xf32, #tpu.memory_space<vmem_shared>>) offsets(%arg21 : memref<64xi32, #tpu.memory_space<vmem>>) semaphore(%arg25 : memref<!tpu.dma_semaphore, #tpu.memory_space<semaphore_mem>>) {add = true}
        %add3A_437 = arith.constant 3 : i32
        %add3A_438 = arith.addi %add3A_430, %add3A_437 : i32
        %mul3A_439 = arith.constant 64 : i32
        %mul3A_440 = arith.muli %add3A_438, %mul3A_439 : i32
        %add3A_441 = arith.addi %multiple_of3A, %mul3A_440 : i32
        %multiple_of3A_442 = tpu.assume_multiple %add3A_441, 8 : i32
        %dma_wait3A_443 = tpu.memref_slice %arg4[%multiple_of3A_442] : memref<320000xi32, #tpu.memory_space<hbm>> -> memref<64xi32, #tpu.memory_space<hbm>>
        %dma_wait3A_444 = tpu.memref_slice %arg4[%multiple_of3A_442] : memref<320000xi32, #tpu.memory_space<hbm>> -> memref<64xi32, #tpu.memory_space<hbm>>
        tpu.wait_dma2 semaphore(%arg11 : memref<!tpu.dma_semaphore, #tpu.memory_space<semaphore_mem>>) src(%dma_wait3A_444 : memref<64xi32, #tpu.memory_space<hbm>>) dst(%arg8 : memref<64xi32, #tpu.memory_space<vmem>>)
        %dma_wait3A_445 = tpu.memref_slice %arg5[%multiple_of3A_442] : memref<320000xi32, #tpu.memory_space<hbm>> -> memref<64xi32, #tpu.memory_space<hbm>>
        %dma_wait3A_446 = tpu.memref_slice %arg5[%multiple_of3A_442] : memref<320000xi32, #tpu.memory_space<hbm>> -> memref<64xi32, #tpu.memory_space<hbm>>
        tpu.wait_dma2 semaphore(%arg11 : memref<!tpu.dma_semaphore, #tpu.memory_space<semaphore_mem>>) src(%dma_wait3A_446 : memref<64xi32, #tpu.memory_space<hbm>>) dst(%arg9 : memref<64xi32, #tpu.memory_space<vmem>>)
        %dma_start3A_447 = arith.constant 0 : i32
        %dma_start3A_448 = arith.constant 0 : i32
        %dma_start3A_449 = tpu.memref_slice %arg2[%dma_start3A_447, %dma_start3A_448] : memref<10000x128xf32, #tpu.memory_space<hbm>> -> memref<10000x128xf32, #tpu.memory_space<hbm>>
        tpu.enqueue_indirect_dma source(%dma_start3A_449 : memref<10000x128xf32, #tpu.memory_space<hbm>>) target(%arg10 : memref<64x128xf32, #tpu.memory_space<vmem>>) offsets(%arg8 : memref<64xi32, #tpu.memory_space<vmem>>) semaphore(%arg12 : memref<!tpu.dma_semaphore, #tpu.memory_space<semaphore_mem>>)
        %dma_wait3A_450 = arith.constant 0 : i32
        %dma_wait3A_451 = arith.constant 0 : i32
        %dma_wait3A_452 = tpu.memref_slice %arg39[%dma_wait3A_450, %dma_wait3A_451] : memref<10000x128xf32, #tpu.memory_space<vmem_shared>> -> memref<10000x128xf32, #tpu.memory_space<vmem_shared>>
        tpu.wait_indirect_dma semaphore(%arg19 : memref<!tpu.dma_semaphore, #tpu.memory_space<semaphore_mem>>) src(%arg16 : memref<64x128xf32, #tpu.memory_space<vmem>>) dst(%dma_wait3A_452 : memref<10000x128xf32, #tpu.memory_space<vmem_shared>>)
        %add3A_453 = arith.constant 4 : i32
        %add3A_454 = arith.addi %add3A_430, %add3A_453 : i32
        %mul3A_455 = arith.constant 64 : i32
        %mul3A_456 = arith.muli %add3A_454, %mul3A_455 : i32
        %add3A_457 = arith.addi %multiple_of3A, %mul3A_456 : i32
        %multiple_of3A_458 = tpu.assume_multiple %add3A_457, 8 : i32
        %dma_start3A_459 = tpu.memref_slice %arg4[%multiple_of3A_458] : memref<320000xi32, #tpu.memory_space<hbm>> -> memref<64xi32, #tpu.memory_space<hbm>>
        %dma_start3A_460 = tpu.memref_slice %arg4[%multiple_of3A_458] : memref<320000xi32, #tpu.memory_space<hbm>> -> memref<64xi32, #tpu.memory_space<hbm>>
        tpu.enqueue_dma source(%dma_start3A_460 : memref<64xi32, #tpu.memory_space<hbm>>) target(%arg14 : memref<64xi32, #tpu.memory_space<vmem>>) target_semaphore(%arg17 : memref<!tpu.dma_semaphore, #tpu.memory_space<semaphore_mem>>)
        %dma_start3A_461 = tpu.memref_slice %arg5[%multiple_of3A_458] : memref<320000xi32, #tpu.memory_space<hbm>> -> memref<64xi32, #tpu.memory_space<hbm>>
        %dma_start3A_462 = tpu.memref_slice %arg5[%multiple_of3A_458] : memref<320000xi32, #tpu.memory_space<hbm>> -> memref<64xi32, #tpu.memory_space<hbm>>
        tpu.enqueue_dma source(%dma_start3A_462 : memref<64xi32, #tpu.memory_space<hbm>>) target(%arg15 : memref<64xi32, #tpu.memory_space<vmem>>) target_semaphore(%arg17 : memref<!tpu.dma_semaphore, #tpu.memory_space<semaphore_mem>>)
        %mul3A_463 = arith.constant 5 : i32
        %mul3A_464 = arith.muli %scan3A_353, %mul3A_463 : i32
        %add3A_465 = arith.constant 3 : i32
        %add3A_466 = arith.addi %mul3A_464, %add3A_465 : i32
        %dma_wait3A_467 = arith.constant 0 : i32
        %dma_wait3A_468 = arith.constant 0 : i32
        %dma_wait3A_469 = tpu.memref_slice %arg2[%dma_wait3A_467, %dma_wait3A_468] : memref<10000x128xf32, #tpu.memory_space<hbm>> -> memref<10000x128xf32, #tpu.memory_space<hbm>>
        tpu.wait_indirect_dma semaphore(%arg30 : memref<!tpu.dma_semaphore, #tpu.memory_space<semaphore_mem>>) src(%dma_wait3A_469 : memref<10000x128xf32, #tpu.memory_space<hbm>>) dst(%arg28 : memref<64x128xf32, #tpu.memory_space<vmem>>)
        %dma_start3A_470 = arith.constant 0 : i32
        %dma_start3A_471 = arith.constant 0 : i32
        %dma_start3A_472 = tpu.memref_slice %arg39[%dma_start3A_470, %dma_start3A_471] : memref<10000x128xf32, #tpu.memory_space<vmem_shared>> -> memref<10000x128xf32, #tpu.memory_space<vmem_shared>>
        tpu.enqueue_indirect_dma source(%arg28 : memref<64x128xf32, #tpu.memory_space<vmem>>) target(%dma_start3A_472 : memref<10000x128xf32, #tpu.memory_space<vmem_shared>>) offsets(%arg27 : memref<64xi32, #tpu.memory_space<vmem>>) semaphore(%arg31 : memref<!tpu.dma_semaphore, #tpu.memory_space<semaphore_mem>>) {add = true}
        %add3A_473 = arith.constant 3 : i32
        %add3A_474 = arith.addi %add3A_466, %add3A_473 : i32
        %mul3A_475 = arith.constant 64 : i32
        %mul3A_476 = arith.muli %add3A_474, %mul3A_475 : i32
        %add3A_477 = arith.addi %multiple_of3A, %mul3A_476 : i32
        %multiple_of3A_478 = tpu.assume_multiple %add3A_477, 8 : i32
        %dma_wait3A_479 = tpu.memref_slice %arg4[%multiple_of3A_478] : memref<320000xi32, #tpu.memory_space<hbm>> -> memref<64xi32, #tpu.memory_space<hbm>>
        %dma_wait3A_480 = tpu.memref_slice %arg4[%multiple_of3A_478] : memref<320000xi32, #tpu.memory_space<hbm>> -> memref<64xi32, #tpu.memory_space<hbm>>
        tpu.wait_dma2 semaphore(%arg17 : memref<!tpu.dma_semaphore, #tpu.memory_space<semaphore_mem>>) src(%dma_wait3A_480 : memref<64xi32, #tpu.memory_space<hbm>>) dst(%arg14 : memref<64xi32, #tpu.memory_space<vmem>>)
        %dma_wait3A_481 = tpu.memref_slice %arg5[%multiple_of3A_478] : memref<320000xi32, #tpu.memory_space<hbm>> -> memref<64xi32, #tpu.memory_space<hbm>>
        %dma_wait3A_482 = tpu.memref_slice %arg5[%multiple_of3A_478] : memref<320000xi32, #tpu.memory_space<hbm>> -> memref<64xi32, #tpu.memory_space<hbm>>
        tpu.wait_dma2 semaphore(%arg17 : memref<!tpu.dma_semaphore, #tpu.memory_space<semaphore_mem>>) src(%dma_wait3A_482 : memref<64xi32, #tpu.memory_space<hbm>>) dst(%arg15 : memref<64xi32, #tpu.memory_space<vmem>>)
        %dma_start3A_483 = arith.constant 0 : i32
        %dma_start3A_484 = arith.constant 0 : i32
        %dma_start3A_485 = tpu.memref_slice %arg2[%dma_start3A_483, %dma_start3A_484] : memref<10000x128xf32, #tpu.memory_space<hbm>> -> memref<10000x128xf32, #tpu.memory_space<hbm>>
        tpu.enqueue_indirect_dma source(%dma_start3A_485 : memref<10000x128xf32, #tpu.memory_space<hbm>>) target(%arg16 : memref<64x128xf32, #tpu.memory_space<vmem>>) offsets(%arg14 : memref<64xi32, #tpu.memory_space<vmem>>) semaphore(%arg18 : memref<!tpu.dma_semaphore, #tpu.memory_space<semaphore_mem>>)
        %dma_wait3A_486 = arith.constant 0 : i32
        %dma_wait3A_487 = arith.constant 0 : i32
        %dma_wait3A_488 = tpu.memref_slice %arg39[%dma_wait3A_486, %dma_wait3A_487] : memref<10000x128xf32, #tpu.memory_space<vmem_shared>> -> memref<10000x128xf32, #tpu.memory_space<vmem_shared>>
        tpu.wait_indirect_dma semaphore(%arg25 : memref<!tpu.dma_semaphore, #tpu.memory_space<semaphore_mem>>) src(%arg22 : memref<64x128xf32, #tpu.memory_space<vmem>>) dst(%dma_wait3A_488 : memref<10000x128xf32, #tpu.memory_space<vmem_shared>>)
        %le3A = arith.constant 60 : i32
        %le3A_489 = arith.cmpi sle, %scan3A_353, %le3A : i32
        %convert_element_type3A_490 = arith.extui %le3A_489 : i1 to i32
        %cond3A_491 = arith.constant 0 : i32
        %cond3A_492 = arith.cmpi ne, %convert_element_type3A_490, %cond3A_491 : i32
        scf.if %cond3A_492 {
          %add3A_516 = arith.constant 4 : i32
          %add3A_517 = arith.addi %add3A_466, %add3A_516 : i32
          %mul3A_518 = arith.constant 64 : i32
          %mul3A_519 = arith.muli %add3A_517, %mul3A_518 : i32
          %add3A_520 = arith.addi %multiple_of3A, %mul3A_519 : i32
          %multiple_of3A_521 = tpu.assume_multiple %add3A_520, 8 : i32
          %dma_start3A_522 = tpu.memref_slice %arg4[%multiple_of3A_521] : memref<320000xi32, #tpu.memory_space<hbm>> -> memref<64xi32, #tpu.memory_space<hbm>>
          %dma_start3A_523 = tpu.memref_slice %arg4[%multiple_of3A_521] : memref<320000xi32, #tpu.memory_space<hbm>> -> memref<64xi32, #tpu.memory_space<hbm>>
          tpu.enqueue_dma source(%dma_start3A_523 : memref<64xi32, #tpu.memory_space<hbm>>) target(%arg20 : memref<64xi32, #tpu.memory_space<vmem>>) target_semaphore(%arg23 : memref<!tpu.dma_semaphore, #tpu.memory_space<semaphore_mem>>)
          %dma_start3A_524 = tpu.memref_slice %arg5[%multiple_of3A_521] : memref<320000xi32, #tpu.memory_space<hbm>> -> memref<64xi32, #tpu.memory_space<hbm>>
          %dma_start3A_525 = tpu.memref_slice %arg5[%multiple_of3A_521] : memref<320000xi32, #tpu.memory_space<hbm>> -> memref<64xi32, #tpu.memory_space<hbm>>
          tpu.enqueue_dma source(%dma_start3A_525 : memref<64xi32, #tpu.memory_space<hbm>>) target(%arg21 : memref<64xi32, #tpu.memory_space<vmem>>) target_semaphore(%arg23 : memref<!tpu.dma_semaphore, #tpu.memory_space<semaphore_mem>>)
        } else {
        }
        %mul3A_493 = arith.constant 5 : i32
        %mul3A_494 = arith.muli %scan3A_353, %mul3A_493 : i32
        %add3A_495 = arith.constant 4 : i32
        %add3A_496 = arith.addi %mul3A_494, %add3A_495 : i32
        %dma_wait3A_497 = arith.constant 0 : i32
        %dma_wait3A_498 = arith.constant 0 : i32
        %dma_wait3A_499 = tpu.memref_slice %arg2[%dma_wait3A_497, %dma_wait3A_498] : memref<10000x128xf32, #tpu.memory_space<hbm>> -> memref<10000x128xf32, #tpu.memory_space<hbm>>
        tpu.wait_indirect_dma semaphore(%arg36 : memref<!tpu.dma_semaphore, #tpu.memory_space<semaphore_mem>>) src(%dma_wait3A_499 : memref<10000x128xf32, #tpu.memory_space<hbm>>) dst(%arg34 : memref<64x128xf32, #tpu.memory_space<vmem>>)
        %dma_start3A_500 = arith.constant 0 : i32
        %dma_start3A_501 = arith.constant 0 : i32
        %dma_start3A_502 = tpu.memref_slice %arg39[%dma_start3A_500, %dma_start3A_501] : memref<10000x128xf32, #tpu.memory_space<vmem_shared>> -> memref<10000x128xf32, #tpu.memory_space<vmem_shared>>
        tpu.enqueue_indirect_dma source(%arg34 : memref<64x128xf32, #tpu.memory_space<vmem>>) target(%dma_start3A_502 : memref<10000x128xf32, #tpu.memory_space<vmem_shared>>) offsets(%arg33 : memref<64xi32, #tpu.memory_space<vmem>>) semaphore(%arg37 : memref<!tpu.dma_semaphore, #tpu.memory_space<semaphore_mem>>) {add = true}
        %le3A_503 = arith.constant 60 : i32
        %le3A_504 = arith.cmpi sle, %scan3A_353, %le3A_503 : i32
        %convert_element_type3A_505 = arith.extui %le3A_504 : i1 to i32
        %cond3A_506 = arith.constant 0 : i32
        %cond3A_507 = arith.cmpi ne, %convert_element_type3A_505, %cond3A_506 : i32
        scf.if %cond3A_507 {
          %add3A_516 = arith.constant 3 : i32
          %add3A_517 = arith.addi %add3A_496, %add3A_516 : i32
          %mul3A_518 = arith.constant 64 : i32
          %mul3A_519 = arith.muli %add3A_517, %mul3A_518 : i32
          %add3A_520 = arith.addi %multiple_of3A, %mul3A_519 : i32
          %multiple_of3A_521 = tpu.assume_multiple %add3A_520, 8 : i32
          %dma_wait3A_522 = tpu.memref_slice %arg4[%multiple_of3A_521] : memref<320000xi32, #tpu.memory_space<hbm>> -> memref<64xi32, #tpu.memory_space<hbm>>
          %dma_wait3A_523 = tpu.memref_slice %arg4[%multiple_of3A_521] : memref<320000xi32, #tpu.memory_space<hbm>> -> memref<64xi32, #tpu.memory_space<hbm>>
          tpu.wait_dma2 semaphore(%arg23 : memref<!tpu.dma_semaphore, #tpu.memory_space<semaphore_mem>>) src(%dma_wait3A_523 : memref<64xi32, #tpu.memory_space<hbm>>) dst(%arg20 : memref<64xi32, #tpu.memory_space<vmem>>)
          %dma_wait3A_524 = tpu.memref_slice %arg5[%multiple_of3A_521] : memref<320000xi32, #tpu.memory_space<hbm>> -> memref<64xi32, #tpu.memory_space<hbm>>
          %dma_wait3A_525 = tpu.memref_slice %arg5[%multiple_of3A_521] : memref<320000xi32, #tpu.memory_space<hbm>> -> memref<64xi32, #tpu.memory_space<hbm>>
          tpu.wait_dma2 semaphore(%arg23 : memref<!tpu.dma_semaphore, #tpu.memory_space<semaphore_mem>>) src(%dma_wait3A_525 : memref<64xi32, #tpu.memory_space<hbm>>) dst(%arg21 : memref<64xi32, #tpu.memory_space<vmem>>)
          %dma_start3A_526 = arith.constant 0 : i32
          %dma_start3A_527 = arith.constant 0 : i32
          %dma_start3A_528 = tpu.memref_slice %arg2[%dma_start3A_526, %dma_start3A_527] : memref<10000x128xf32, #tpu.memory_space<hbm>> -> memref<10000x128xf32, #tpu.memory_space<hbm>>
          tpu.enqueue_indirect_dma source(%dma_start3A_528 : memref<10000x128xf32, #tpu.memory_space<hbm>>) target(%arg22 : memref<64x128xf32, #tpu.memory_space<vmem>>) offsets(%arg20 : memref<64xi32, #tpu.memory_space<vmem>>) semaphore(%arg24 : memref<!tpu.dma_semaphore, #tpu.memory_space<semaphore_mem>>)
        } else {
        }
        %dma_wait3A_508 = arith.constant 0 : i32
        %dma_wait3A_509 = arith.constant 0 : i32
        %dma_wait3A_510 = tpu.memref_slice %arg39[%dma_wait3A_508, %dma_wait3A_509] : memref<10000x128xf32, #tpu.memory_space<vmem_shared>> -> memref<10000x128xf32, #tpu.memory_space<vmem_shared>>
        tpu.wait_indirect_dma semaphore(%arg31 : memref<!tpu.dma_semaphore, #tpu.memory_space<semaphore_mem>>) src(%arg28 : memref<64x128xf32, #tpu.memory_space<vmem>>) dst(%dma_wait3A_510 : memref<10000x128xf32, #tpu.memory_space<vmem_shared>>)
        %le3A_511 = arith.constant 60 : i32
        %le3A_512 = arith.cmpi sle, %scan3A_353, %le3A_511 : i32
        %convert_element_type3A_513 = arith.extui %le3A_512 : i1 to i32
        %cond3A_514 = arith.constant 0 : i32
        %cond3A_515 = arith.cmpi ne, %convert_element_type3A_513, %cond3A_514 : i32
        scf.if %cond3A_515 {
          %add3A_516 = arith.constant 4 : i32
          %add3A_517 = arith.addi %add3A_496, %add3A_516 : i32
          %mul3A_518 = arith.constant 64 : i32
          %mul3A_519 = arith.muli %add3A_517, %mul3A_518 : i32
          %add3A_520 = arith.addi %multiple_of3A, %mul3A_519 : i32
          %multiple_of3A_521 = tpu.assume_multiple %add3A_520, 8 : i32
          %dma_start3A_522 = tpu.memref_slice %arg4[%multiple_of3A_521] : memref<320000xi32, #tpu.memory_space<hbm>> -> memref<64xi32, #tpu.memory_space<hbm>>
          %dma_start3A_523 = tpu.memref_slice %arg4[%multiple_of3A_521] : memref<320000xi32, #tpu.memory_space<hbm>> -> memref<64xi32, #tpu.memory_space<hbm>>
          tpu.enqueue_dma source(%dma_start3A_523 : memref<64xi32, #tpu.memory_space<hbm>>) target(%arg26 : memref<64xi32, #tpu.memory_space<vmem>>) target_semaphore(%arg29 : memref<!tpu.dma_semaphore, #tpu.memory_space<semaphore_mem>>)
          %dma_start3A_524 = tpu.memref_slice %arg5[%multiple_of3A_521] : memref<320000xi32, #tpu.memory_space<hbm>> -> memref<64xi32, #tpu.memory_space<hbm>>
          %dma_start3A_525 = tpu.memref_slice %arg5[%multiple_of3A_521] : memref<320000xi32, #tpu.memory_space<hbm>> -> memref<64xi32, #tpu.memory_space<hbm>>
          tpu.enqueue_dma source(%dma_start3A_525 : memref<64xi32, #tpu.memory_space<hbm>>) target(%arg27 : memref<64xi32, #tpu.memory_space<vmem>>) target_semaphore(%arg29 : memref<!tpu.dma_semaphore, #tpu.memory_space<semaphore_mem>>)
        } else {
        }
      }
      %scan3A_308 = arith.constant 62 : i32
      %dma_wait3A_309 = arith.constant 0 : i32
      %dma_wait3A_310 = arith.constant 0 : i32
      %dma_wait3A_311 = tpu.memref_slice %arg2[%dma_wait3A_309, %dma_wait3A_310] : memref<10000x128xf32, #tpu.memory_space<hbm>> -> memref<10000x128xf32, #tpu.memory_space<hbm>>
      tpu.wait_indirect_dma semaphore(%arg12 : memref<!tpu.dma_semaphore, #tpu.memory_space<semaphore_mem>>) src(%dma_wait3A_311 : memref<10000x128xf32, #tpu.memory_space<hbm>>) dst(%arg10 : memref<64x128xf32, #tpu.memory_space<vmem>>)
      %dma_start3A_312 = arith.constant 0 : i32
      %dma_start3A_313 = arith.constant 0 : i32
      %dma_start3A_314 = tpu.memref_slice %arg39[%dma_start3A_312, %dma_start3A_313] : memref<10000x128xf32, #tpu.memory_space<vmem_shared>> -> memref<10000x128xf32, #tpu.memory_space<vmem_shared>>
      tpu.enqueue_indirect_dma source(%arg10 : memref<64x128xf32, #tpu.memory_space<vmem>>) target(%dma_start3A_314 : memref<10000x128xf32, #tpu.memory_space<vmem_shared>>) offsets(%arg9 : memref<64xi32, #tpu.memory_space<vmem>>) semaphore(%arg13 : memref<!tpu.dma_semaphore, #tpu.memory_space<semaphore_mem>>) {add = true}
      %dma_wait3A_315 = arith.constant 0 : i32
      %dma_wait3A_316 = arith.constant 0 : i32
      %dma_wait3A_317 = tpu.memref_slice %arg39[%dma_wait3A_315, %dma_wait3A_316] : memref<10000x128xf32, #tpu.memory_space<vmem_shared>> -> memref<10000x128xf32, #tpu.memory_space<vmem_shared>>
      tpu.wait_indirect_dma semaphore(%arg37 : memref<!tpu.dma_semaphore, #tpu.memory_space<semaphore_mem>>) src(%arg34 : memref<64x128xf32, #tpu.memory_space<vmem>>) dst(%dma_wait3A_317 : memref<10000x128xf32, #tpu.memory_space<vmem_shared>>)
      %dma_wait3A_318 = arith.constant 0 : i32
      %dma_wait3A_319 = arith.constant 0 : i32
      %dma_wait3A_320 = tpu.memref_slice %arg2[%dma_wait3A_318, %dma_wait3A_319] : memref<10000x128xf32, #tpu.memory_space<hbm>> -> memref<10000x128xf32, #tpu.memory_space<hbm>>
      tpu.wait_indirect_dma semaphore(%arg18 : memref<!tpu.dma_semaphore, #tpu.memory_space<semaphore_mem>>) src(%dma_wait3A_320 : memref<10000x128xf32, #tpu.memory_space<hbm>>) dst(%arg16 : memref<64x128xf32, #tpu.memory_space<vmem>>)
      %dma_start3A_321 = arith.constant 0 : i32
      %dma_start3A_322 = arith.constant 0 : i32
      %dma_start3A_323 = tpu.memref_slice %arg39[%dma_start3A_321, %dma_start3A_322] : memref<10000x128xf32, #tpu.memory_space<vmem_shared>> -> memref<10000x128xf32, #tpu.memory_space<vmem_shared>>
      tpu.enqueue_indirect_dma source(%arg16 : memref<64x128xf32, #tpu.memory_space<vmem>>) target(%dma_start3A_323 : memref<10000x128xf32, #tpu.memory_space<vmem_shared>>) offsets(%arg15 : memref<64xi32, #tpu.memory_space<vmem>>) semaphore(%arg19 : memref<!tpu.dma_semaphore, #tpu.memory_space<semaphore_mem>>) {add = true}
      %dma_wait3A_324 = arith.constant 0 : i32
      %dma_wait3A_325 = arith.constant 0 : i32
      %dma_wait3A_326 = tpu.memref_slice %arg39[%dma_wait3A_324, %dma_wait3A_325] : memref<10000x128xf32, #tpu.memory_space<vmem_shared>> -> memref<10000x128xf32, #tpu.memory_space<vmem_shared>>
      tpu.wait_indirect_dma semaphore(%arg13 : memref<!tpu.dma_semaphore, #tpu.memory_space<semaphore_mem>>) src(%arg10 : memref<64x128xf32, #tpu.memory_space<vmem>>) dst(%dma_wait3A_326 : memref<10000x128xf32, #tpu.memory_space<vmem_shared>>)
      %add3A_327 = arith.constant 19968 : i32
      %add3A_328 = arith.addi %multiple_of3A, %add3A_327 : i32
      %multiple_of3A_329 = tpu.assume_multiple %add3A_328, 8 : i32
      %dma_start3A_330 = tpu.memref_slice %arg4[%multiple_of3A_329] : memref<320000xi32, #tpu.memory_space<hbm>> -> memref<32xi32, #tpu.memory_space<hbm>>
      %dma_start3A_331 = tpu.memref_slice %arg4[%multiple_of3A_329] : memref<320000xi32, #tpu.memory_space<hbm>> -> memref<32xi32, #tpu.memory_space<hbm>>
      tpu.enqueue_dma source(%dma_start3A_331 : memref<32xi32, #tpu.memory_space<hbm>>) target(%arg40 : memref<32xi32, #tpu.memory_space<vmem>>) target_semaphore(%arg11 : memref<!tpu.dma_semaphore, #tpu.memory_space<semaphore_mem>>)
      %dma_start3A_332 = tpu.memref_slice %arg5[%multiple_of3A_329] : memref<320000xi32, #tpu.memory_space<hbm>> -> memref<32xi32, #tpu.memory_space<hbm>>
      %dma_start3A_333 = tpu.memref_slice %arg5[%multiple_of3A_329] : memref<320000xi32, #tpu.memory_space<hbm>> -> memref<32xi32, #tpu.memory_space<hbm>>
      tpu.enqueue_dma source(%dma_start3A_333 : memref<32xi32, #tpu.memory_space<hbm>>) target(%arg41 : memref<32xi32, #tpu.memory_space<vmem>>) target_semaphore(%arg11 : memref<!tpu.dma_semaphore, #tpu.memory_space<semaphore_mem>>)
      %dma_wait3A_334 = tpu.memref_slice %arg4[%multiple_of3A_329] : memref<320000xi32, #tpu.memory_space<hbm>> -> memref<32xi32, #tpu.memory_space<hbm>>
      %dma_wait3A_335 = tpu.memref_slice %arg4[%multiple_of3A_329] : memref<320000xi32, #tpu.memory_space<hbm>> -> memref<32xi32, #tpu.memory_space<hbm>>
      tpu.wait_dma2 semaphore(%arg11 : memref<!tpu.dma_semaphore, #tpu.memory_space<semaphore_mem>>) src(%dma_wait3A_335 : memref<32xi32, #tpu.memory_space<hbm>>) dst(%arg40 : memref<32xi32, #tpu.memory_space<vmem>>)
      %dma_wait3A_336 = tpu.memref_slice %arg5[%multiple_of3A_329] : memref<320000xi32, #tpu.memory_space<hbm>> -> memref<32xi32, #tpu.memory_space<hbm>>
      %dma_wait3A_337 = tpu.memref_slice %arg5[%multiple_of3A_329] : memref<320000xi32, #tpu.memory_space<hbm>> -> memref<32xi32, #tpu.memory_space<hbm>>
      tpu.wait_dma2 semaphore(%arg11 : memref<!tpu.dma_semaphore, #tpu.memory_space<semaphore_mem>>) src(%dma_wait3A_337 : memref<32xi32, #tpu.memory_space<hbm>>) dst(%arg41 : memref<32xi32, #tpu.memory_space<vmem>>)
      %dma_start3A_338 = arith.constant 0 : i32
      %dma_start3A_339 = arith.constant 0 : i32
      %dma_start3A_340 = tpu.memref_slice %arg10[%dma_start3A_338, %dma_start3A_339] : memref<64x128xf32, #tpu.memory_space<vmem>> -> memref<32x128xf32, #tpu.memory_space<vmem>>
      %dma_start3A_341 = arith.constant 0 : i32
      %dma_start3A_342 = arith.constant 0 : i32
      %dma_start3A_343 = tpu.memref_slice %arg2[%dma_start3A_341, %dma_start3A_342] : memref<10000x128xf32, #tpu.memory_space<hbm>> -> memref<10000x128xf32, #tpu.memory_space<hbm>>
      tpu.enqueue_indirect_dma source(%dma_start3A_343 : memref<10000x128xf32, #tpu.memory_space<hbm>>) target(%dma_start3A_340 : memref<32x128xf32, #tpu.memory_space<vmem>>) offsets(%arg40 : memref<32xi32, #tpu.memory_space<vmem>>) semaphore(%arg12 : memref<!tpu.dma_semaphore, #tpu.memory_space<semaphore_mem>>)
      %dma_wait3A_344 = arith.constant 0 : i32
      %dma_wait3A_345 = arith.constant 0 : i32
      %dma_wait3A_346 = tpu.memref_slice %arg10[%dma_wait3A_344, %dma_wait3A_345] : memref<64x128xf32, #tpu.memory_space<vmem>> -> memref<32x128xf32, #tpu.memory_space<vmem>>
      %dma_wait3A_347 = arith.constant 0 : i32
      %dma_wait3A_348 = arith.constant 0 : i32
      %dma_wait3A_349 = tpu.memref_slice %arg2[%dma_wait3A_347, %dma_wait3A_348] : memref<10000x128xf32, #tpu.memory_space<hbm>> -> memref<10000x128xf32, #tpu.memory_space<hbm>>
      tpu.wait_indirect_dma semaphore(%arg12 : memref<!tpu.dma_semaphore, #tpu.memory_space<semaphore_mem>>) src(%dma_wait3A_349 : memref<10000x128xf32, #tpu.memory_space<hbm>>) dst(%dma_wait3A_346 : memref<32x128xf32, #tpu.memory_space<vmem>>)
      "tpu.region"() ({
        %run_scoped3A = tpu.sem_alloc : memref<!tpu.dma_semaphore, #tpu.memory_space<semaphore_mem>>
        %dma_start3A_353 = arith.constant 0 : i32
        %dma_start3A_354 = arith.constant 0 : i32
        %dma_start3A_355 = tpu.memref_slice %arg10[%dma_start3A_353, %dma_start3A_354] : memref<64x128xf32, #tpu.memory_space<vmem>> -> memref<32x128xf32, #tpu.memory_space<vmem>>
        %dma_start3A_356 = arith.constant 0 : i32
        %dma_start3A_357 = arith.constant 0 : i32
        %dma_start3A_358 = tpu.memref_slice %arg39[%dma_start3A_356, %dma_start3A_357] : memref<10000x128xf32, #tpu.memory_space<vmem_shared>> -> memref<10000x128xf32, #tpu.memory_space<vmem_shared>>
        tpu.enqueue_indirect_dma source(%dma_start3A_355 : memref<32x128xf32, #tpu.memory_space<vmem>>) target(%dma_start3A_358 : memref<10000x128xf32, #tpu.memory_space<vmem_shared>>) offsets(%arg41 : memref<32xi32, #tpu.memory_space<vmem>>) semaphore(%run_scoped3A : memref<!tpu.dma_semaphore, #tpu.memory_space<semaphore_mem>>) {add = true}
        %dma_wait3A_359 = arith.constant 0 : i32
        %dma_wait3A_360 = arith.constant 0 : i32
        %dma_wait3A_361 = tpu.memref_slice %arg10[%dma_wait3A_359, %dma_wait3A_360] : memref<64x128xf32, #tpu.memory_space<vmem>> -> memref<32x128xf32, #tpu.memory_space<vmem>>
        %dma_wait3A_362 = arith.constant 0 : i32
        %dma_wait3A_363 = arith.constant 0 : i32
        %dma_wait3A_364 = tpu.memref_slice %arg39[%dma_wait3A_362, %dma_wait3A_363] : memref<10000x128xf32, #tpu.memory_space<vmem_shared>> -> memref<10000x128xf32, #tpu.memory_space<vmem_shared>>
        tpu.wait_indirect_dma semaphore(%run_scoped3A : memref<!tpu.dma_semaphore, #tpu.memory_space<semaphore_mem>>) src(%dma_wait3A_361 : memref<32x128xf32, #tpu.memory_space<vmem>>) dst(%dma_wait3A_364 : memref<10000x128xf32, #tpu.memory_space<vmem_shared>>)
        tpu.yield
      }) : () -> ()
      %dma_wait3A_350 = arith.constant 0 : i32
      %dma_wait3A_351 = arith.constant 0 : i32
      %dma_wait3A_352 = tpu.memref_slice %arg39[%dma_wait3A_350, %dma_wait3A_351] : memref<10000x128xf32, #tpu.memory_space<vmem_shared>> -> memref<10000x128xf32, #tpu.memory_space<vmem_shared>>
      tpu.wait_indirect_dma semaphore(%arg19 : memref<!tpu.dma_semaphore, #tpu.memory_space<semaphore_mem>>) src(%arg16 : memref<64x128xf32, #tpu.memory_space<vmem>>) dst(%dma_wait3A_352 : memref<10000x128xf32, #tpu.memory_space<vmem_shared>>)
    } else {
    }
    %eq3A_258 = arith.constant 1 : i32
    %eq3A_259 = arith.cmpi eq, %arg0, %eq3A_258 : i32
    %convert_element_type3A_260 = arith.extui %eq3A_259 : i1 to i32
    %cond3A_261 = arith.constant 0 : i32
    %cond3A_262 = arith.cmpi ne, %convert_element_type3A_260, %cond3A_261 : i32
    scf.if %cond3A_262 {
      %add3A_274 = arith.constant 0 : i32
      %add3A_275 = arith.addi %multiple_of3A, %add3A_274 : i32
      %multiple_of3A_276 = tpu.assume_multiple %add3A_275, 8 : i32
      %dma_wait3A = tpu.memref_slice %arg4[%multiple_of3A_276] : memref<320000xi32, #tpu.memory_space<hbm>> -> memref<64xi32, #tpu.memory_space<hbm>>
      %dma_wait3A_277 = tpu.memref_slice %arg4[%multiple_of3A_276] : memref<320000xi32, #tpu.memory_space<hbm>> -> memref<64xi32, #tpu.memory_space<hbm>>
      tpu.wait_dma2 semaphore(%arg11 : memref<!tpu.dma_semaphore, #tpu.memory_space<semaphore_mem>>) src(%dma_wait3A_277 : memref<64xi32, #tpu.memory_space<hbm>>) dst(%arg8 : memref<64xi32, #tpu.memory_space<vmem>>)
      %dma_wait3A_278 = tpu.memref_slice %arg5[%multiple_of3A_276] : memref<320000xi32, #tpu.memory_space<hbm>> -> memref<64xi32, #tpu.memory_space<hbm>>
      %dma_wait3A_279 = tpu.memref_slice %arg5[%multiple_of3A_276] : memref<320000xi32, #tpu.memory_space<hbm>> -> memref<64xi32, #tpu.memory_space<hbm>>
      tpu.wait_dma2 semaphore(%arg11 : memref<!tpu.dma_semaphore, #tpu.memory_space<semaphore_mem>>) src(%dma_wait3A_279 : memref<64xi32, #tpu.memory_space<hbm>>) dst(%arg9 : memref<64xi32, #tpu.memory_space<vmem>>)
      %dma_start3A_280 = arith.constant 0 : i32
      %dma_start3A_281 = arith.constant 0 : i32
      %dma_start3A_282 = tpu.memref_slice %arg3[%dma_start3A_280, %dma_start3A_281] : memref<10000x128xf32, #tpu.memory_space<hbm>> -> memref<10000x128xf32, #tpu.memory_space<hbm>>
      tpu.enqueue_indirect_dma source(%dma_start3A_282 : memref<10000x128xf32, #tpu.memory_space<hbm>>) target(%arg10 : memref<64x128xf32, #tpu.memory_space<vmem>>) offsets(%arg8 : memref<64xi32, #tpu.memory_space<vmem>>) semaphore(%arg12 : memref<!tpu.dma_semaphore, #tpu.memory_space<semaphore_mem>>)
      %add3A_283 = arith.constant 64 : i32
      %add3A_284 = arith.addi %multiple_of3A, %add3A_283 : i32
      %multiple_of3A_285 = tpu.assume_multiple %add3A_284, 8 : i32
      %dma_wait3A_286 = tpu.memref_slice %arg4[%multiple_of3A_285] : memref<320000xi32, #tpu.memory_space<hbm>> -> memref<64xi32, #tpu.memory_space<hbm>>
      %dma_wait3A_287 = tpu.memref_slice %arg4[%multiple_of3A_285] : memref<320000xi32, #tpu.memory_space<hbm>> -> memref<64xi32, #tpu.memory_space<hbm>>
      tpu.wait_dma2 semaphore(%arg17 : memref<!tpu.dma_semaphore, #tpu.memory_space<semaphore_mem>>) src(%dma_wait3A_287 : memref<64xi32, #tpu.memory_space<hbm>>) dst(%arg14 : memref<64xi32, #tpu.memory_space<vmem>>)
      %dma_wait3A_288 = tpu.memref_slice %arg5[%multiple_of3A_285] : memref<320000xi32, #tpu.memory_space<hbm>> -> memref<64xi32, #tpu.memory_space<hbm>>
      %dma_wait3A_289 = tpu.memref_slice %arg5[%multiple_of3A_285] : memref<320000xi32, #tpu.memory_space<hbm>> -> memref<64xi32, #tpu.memory_space<hbm>>
      tpu.wait_dma2 semaphore(%arg17 : memref<!tpu.dma_semaphore, #tpu.memory_space<semaphore_mem>>) src(%dma_wait3A_289 : memref<64xi32, #tpu.memory_space<hbm>>) dst(%arg15 : memref<64xi32, #tpu.memory_space<vmem>>)
      %dma_start3A_290 = arith.constant 0 : i32
      %dma_start3A_291 = arith.constant 0 : i32
      %dma_start3A_292 = tpu.memref_slice %arg3[%dma_start3A_290, %dma_start3A_291] : memref<10000x128xf32, #tpu.memory_space<hbm>> -> memref<10000x128xf32, #tpu.memory_space<hbm>>
      tpu.enqueue_indirect_dma source(%dma_start3A_292 : memref<10000x128xf32, #tpu.memory_space<hbm>>) target(%arg16 : memref<64x128xf32, #tpu.memory_space<vmem>>) offsets(%arg14 : memref<64xi32, #tpu.memory_space<vmem>>) semaphore(%arg18 : memref<!tpu.dma_semaphore, #tpu.memory_space<semaphore_mem>>)
      %add3A_293 = arith.constant 128 : i32
      %add3A_294 = arith.addi %multiple_of3A, %add3A_293 : i32
      %multiple_of3A_295 = tpu.assume_multiple %add3A_294, 8 : i32
      %dma_wait3A_296 = tpu.memref_slice %arg4[%multiple_of3A_295] : memref<320000xi32, #tpu.memory_space<hbm>> -> memref<64xi32, #tpu.memory_space<hbm>>
      %dma_wait3A_297 = tpu.memref_slice %arg4[%multiple_of3A_295] : memref<320000xi32, #tpu.memory_space<hbm>> -> memref<64xi32, #tpu.memory_space<hbm>>
      tpu.wait_dma2 semaphore(%arg23 : memref<!tpu.dma_semaphore, #tpu.memory_space<semaphore_mem>>) src(%dma_wait3A_297 : memref<64xi32, #tpu.memory_space<hbm>>) dst(%arg20 : memref<64xi32, #tpu.memory_space<vmem>>)
      %dma_wait3A_298 = tpu.memref_slice %arg5[%multiple_of3A_295] : memref<320000xi32, #tpu.memory_space<hbm>> -> memref<64xi32, #tpu.memory_space<hbm>>
      %dma_wait3A_299 = tpu.memref_slice %arg5[%multiple_of3A_295] : memref<320000xi32, #tpu.memory_space<hbm>> -> memref<64xi32, #tpu.memory_space<hbm>>
      tpu.wait_dma2 semaphore(%arg23 : memref<!tpu.dma_semaphore, #tpu.memory_space<semaphore_mem>>) src(%dma_wait3A_299 : memref<64xi32, #tpu.memory_space<hbm>>) dst(%arg21 : memref<64xi32, #tpu.memory_space<vmem>>)
      %dma_start3A_300 = arith.constant 0 : i32
      %dma_start3A_301 = arith.constant 0 : i32
      %dma_start3A_302 = tpu.memref_slice %arg3[%dma_start3A_300, %dma_start3A_301] : memref<10000x128xf32, #tpu.memory_space<hbm>> -> memref<10000x128xf32, #tpu.memory_space<hbm>>
      tpu.enqueue_indirect_dma source(%dma_start3A_302 : memref<10000x128xf32, #tpu.memory_space<hbm>>) target(%arg22 : memref<64x128xf32, #tpu.memory_space<vmem>>) offsets(%arg20 : memref<64xi32, #tpu.memory_space<vmem>>) semaphore(%arg24 : memref<!tpu.dma_semaphore, #tpu.memory_space<semaphore_mem>>)
      %scan3A_303 = arith.constant 0 : i32
      %scan3A_304 = arith.constant 0 : i32
      %scan3A_305 = arith.constant 62 : i32
      %scan3A_306 = arith.addi %scan3A_304, %scan3A_305 : i32
      %scan3A_307 = arith.constant 1 : i32
      scf.for %scan3A_353 = %scan3A_304 to %scan3A_306 step %scan3A_307  : i32 {
        %mul3A_354 = arith.constant 5 : i32
        %mul3A_355 = arith.muli %scan3A_353, %mul3A_354 : i32
        %add3A_356 = arith.constant 0 : i32
        %add3A_357 = arith.addi %mul3A_355, %add3A_356 : i32
        %dma_wait3A_358 = arith.constant 0 : i32
        %dma_wait3A_359 = arith.constant 0 : i32
        %dma_wait3A_360 = tpu.memref_slice %arg3[%dma_wait3A_358, %dma_wait3A_359] : memref<10000x128xf32, #tpu.memory_space<hbm>> -> memref<10000x128xf32, #tpu.memory_space<hbm>>
        tpu.wait_indirect_dma semaphore(%arg12 : memref<!tpu.dma_semaphore, #tpu.memory_space<semaphore_mem>>) src(%dma_wait3A_360 : memref<10000x128xf32, #tpu.memory_space<hbm>>) dst(%arg10 : memref<64x128xf32, #tpu.memory_space<vmem>>)
        %dma_start3A_361 = arith.constant 0 : i32
        %dma_start3A_362 = arith.constant 0 : i32
        %dma_start3A_363 = tpu.memref_slice %arg39[%dma_start3A_361, %dma_start3A_362] : memref<10000x128xf32, #tpu.memory_space<vmem_shared>> -> memref<10000x128xf32, #tpu.memory_space<vmem_shared>>
        tpu.enqueue_indirect_dma source(%arg10 : memref<64x128xf32, #tpu.memory_space<vmem>>) target(%dma_start3A_363 : memref<10000x128xf32, #tpu.memory_space<vmem_shared>>) offsets(%arg9 : memref<64xi32, #tpu.memory_space<vmem>>) semaphore(%arg13 : memref<!tpu.dma_semaphore, #tpu.memory_space<semaphore_mem>>) {add = true}
        %add3A_364 = arith.constant 3 : i32
        %add3A_365 = arith.addi %add3A_357, %add3A_364 : i32
        %mul3A_366 = arith.constant 64 : i32
        %mul3A_367 = arith.muli %add3A_365, %mul3A_366 : i32
        %add3A_368 = arith.addi %multiple_of3A, %mul3A_367 : i32
        %multiple_of3A_369 = tpu.assume_multiple %add3A_368, 8 : i32
        %dma_wait3A_370 = tpu.memref_slice %arg4[%multiple_of3A_369] : memref<320000xi32, #tpu.memory_space<hbm>> -> memref<64xi32, #tpu.memory_space<hbm>>
        %dma_wait3A_371 = tpu.memref_slice %arg4[%multiple_of3A_369] : memref<320000xi32, #tpu.memory_space<hbm>> -> memref<64xi32, #tpu.memory_space<hbm>>
        tpu.wait_dma2 semaphore(%arg29 : memref<!tpu.dma_semaphore, #tpu.memory_space<semaphore_mem>>) src(%dma_wait3A_371 : memref<64xi32, #tpu.memory_space<hbm>>) dst(%arg26 : memref<64xi32, #tpu.memory_space<vmem>>)
        %dma_wait3A_372 = tpu.memref_slice %arg5[%multiple_of3A_369] : memref<320000xi32, #tpu.memory_space<hbm>> -> memref<64xi32, #tpu.memory_space<hbm>>
        %dma_wait3A_373 = tpu.memref_slice %arg5[%multiple_of3A_369] : memref<320000xi32, #tpu.memory_space<hbm>> -> memref<64xi32, #tpu.memory_space<hbm>>
        tpu.wait_dma2 semaphore(%arg29 : memref<!tpu.dma_semaphore, #tpu.memory_space<semaphore_mem>>) src(%dma_wait3A_373 : memref<64xi32, #tpu.memory_space<hbm>>) dst(%arg27 : memref<64xi32, #tpu.memory_space<vmem>>)
        %dma_start3A_374 = arith.constant 0 : i32
        %dma_start3A_375 = arith.constant 0 : i32
        %dma_start3A_376 = tpu.memref_slice %arg3[%dma_start3A_374, %dma_start3A_375] : memref<10000x128xf32, #tpu.memory_space<hbm>> -> memref<10000x128xf32, #tpu.memory_space<hbm>>
        tpu.enqueue_indirect_dma source(%dma_start3A_376 : memref<10000x128xf32, #tpu.memory_space<hbm>>) target(%arg28 : memref<64x128xf32, #tpu.memory_space<vmem>>) offsets(%arg26 : memref<64xi32, #tpu.memory_space<vmem>>) semaphore(%arg30 : memref<!tpu.dma_semaphore, #tpu.memory_space<semaphore_mem>>)
        %gt3A = arith.constant 0 : i32
        %gt3A_377 = arith.cmpi sgt, %scan3A_353, %gt3A : i32
        %convert_element_type3A_378 = arith.extui %gt3A_377 : i1 to i32
        %cond3A_379 = arith.constant 0 : i32
        %cond3A_380 = arith.cmpi ne, %convert_element_type3A_378, %cond3A_379 : i32
        scf.if %cond3A_380 {
          %dma_wait3A_516 = arith.constant 0 : i32
          %dma_wait3A_517 = arith.constant 0 : i32
          %dma_wait3A_518 = tpu.memref_slice %arg39[%dma_wait3A_516, %dma_wait3A_517] : memref<10000x128xf32, #tpu.memory_space<vmem_shared>> -> memref<10000x128xf32, #tpu.memory_space<vmem_shared>>
          tpu.wait_indirect_dma semaphore(%arg37 : memref<!tpu.dma_semaphore, #tpu.memory_space<semaphore_mem>>) src(%arg34 : memref<64x128xf32, #tpu.memory_space<vmem>>) dst(%dma_wait3A_518 : memref<10000x128xf32, #tpu.memory_space<vmem_shared>>)
        } else {
        }
        %add3A_381 = arith.constant 4 : i32
        %add3A_382 = arith.addi %add3A_357, %add3A_381 : i32
        %mul3A_383 = arith.constant 64 : i32
        %mul3A_384 = arith.muli %add3A_382, %mul3A_383 : i32
        %add3A_385 = arith.addi %multiple_of3A, %mul3A_384 : i32
        %multiple_of3A_386 = tpu.assume_multiple %add3A_385, 8 : i32
        %dma_start3A_387 = tpu.memref_slice %arg4[%multiple_of3A_386] : memref<320000xi32, #tpu.memory_space<hbm>> -> memref<64xi32, #tpu.memory_space<hbm>>
        %dma_start3A_388 = tpu.memref_slice %arg4[%multiple_of3A_386] : memref<320000xi32, #tpu.memory_space<hbm>> -> memref<64xi32, #tpu.memory_space<hbm>>
        tpu.enqueue_dma source(%dma_start3A_388 : memref<64xi32, #tpu.memory_space<hbm>>) target(%arg32 : memref<64xi32, #tpu.memory_space<vmem>>) target_semaphore(%arg35 : memref<!tpu.dma_semaphore, #tpu.memory_space<semaphore_mem>>)
        %dma_start3A_389 = tpu.memref_slice %arg5[%multiple_of3A_386] : memref<320000xi32, #tpu.memory_space<hbm>> -> memref<64xi32, #tpu.memory_space<hbm>>
        %dma_start3A_390 = tpu.memref_slice %arg5[%multiple_of3A_386] : memref<320000xi32, #tpu.memory_space<hbm>> -> memref<64xi32, #tpu.memory_space<hbm>>
        tpu.enqueue_dma source(%dma_start3A_390 : memref<64xi32, #tpu.memory_space<hbm>>) target(%arg33 : memref<64xi32, #tpu.memory_space<vmem>>) target_semaphore(%arg35 : memref<!tpu.dma_semaphore, #tpu.memory_space<semaphore_mem>>)
        %mul3A_391 = arith.constant 5 : i32
        %mul3A_392 = arith.muli %scan3A_353, %mul3A_391 : i32
        %add3A_393 = arith.constant 1 : i32
        %add3A_394 = arith.addi %mul3A_392, %add3A_393 : i32
        %dma_wait3A_395 = arith.constant 0 : i32
        %dma_wait3A_396 = arith.constant 0 : i32
        %dma_wait3A_397 = tpu.memref_slice %arg3[%dma_wait3A_395, %dma_wait3A_396] : memref<10000x128xf32, #tpu.memory_space<hbm>> -> memref<10000x128xf32, #tpu.memory_space<hbm>>
        tpu.wait_indirect_dma semaphore(%arg18 : memref<!tpu.dma_semaphore, #tpu.memory_space<semaphore_mem>>) src(%dma_wait3A_397 : memref<10000x128xf32, #tpu.memory_space<hbm>>) dst(%arg16 : memref<64x128xf32, #tpu.memory_space<vmem>>)
        %dma_start3A_398 = arith.constant 0 : i32
        %dma_start3A_399 = arith.constant 0 : i32
        %dma_start3A_400 = tpu.memref_slice %arg39[%dma_start3A_398, %dma_start3A_399] : memref<10000x128xf32, #tpu.memory_space<vmem_shared>> -> memref<10000x128xf32, #tpu.memory_space<vmem_shared>>
        tpu.enqueue_indirect_dma source(%arg16 : memref<64x128xf32, #tpu.memory_space<vmem>>) target(%dma_start3A_400 : memref<10000x128xf32, #tpu.memory_space<vmem_shared>>) offsets(%arg15 : memref<64xi32, #tpu.memory_space<vmem>>) semaphore(%arg19 : memref<!tpu.dma_semaphore, #tpu.memory_space<semaphore_mem>>) {add = true}
        %add3A_401 = arith.constant 3 : i32
        %add3A_402 = arith.addi %add3A_394, %add3A_401 : i32
        %mul3A_403 = arith.constant 64 : i32
        %mul3A_404 = arith.muli %add3A_402, %mul3A_403 : i32
        %add3A_405 = arith.addi %multiple_of3A, %mul3A_404 : i32
        %multiple_of3A_406 = tpu.assume_multiple %add3A_405, 8 : i32
        %dma_wait3A_407 = tpu.memref_slice %arg4[%multiple_of3A_406] : memref<320000xi32, #tpu.memory_space<hbm>> -> memref<64xi32, #tpu.memory_space<hbm>>
        %dma_wait3A_408 = tpu.memref_slice %arg4[%multiple_of3A_406] : memref<320000xi32, #tpu.memory_space<hbm>> -> memref<64xi32, #tpu.memory_space<hbm>>
        tpu.wait_dma2 semaphore(%arg35 : memref<!tpu.dma_semaphore, #tpu.memory_space<semaphore_mem>>) src(%dma_wait3A_408 : memref<64xi32, #tpu.memory_space<hbm>>) dst(%arg32 : memref<64xi32, #tpu.memory_space<vmem>>)
        %dma_wait3A_409 = tpu.memref_slice %arg5[%multiple_of3A_406] : memref<320000xi32, #tpu.memory_space<hbm>> -> memref<64xi32, #tpu.memory_space<hbm>>
        %dma_wait3A_410 = tpu.memref_slice %arg5[%multiple_of3A_406] : memref<320000xi32, #tpu.memory_space<hbm>> -> memref<64xi32, #tpu.memory_space<hbm>>
        tpu.wait_dma2 semaphore(%arg35 : memref<!tpu.dma_semaphore, #tpu.memory_space<semaphore_mem>>) src(%dma_wait3A_410 : memref<64xi32, #tpu.memory_space<hbm>>) dst(%arg33 : memref<64xi32, #tpu.memory_space<vmem>>)
        %dma_start3A_411 = arith.constant 0 : i32
        %dma_start3A_412 = arith.constant 0 : i32
        %dma_start3A_413 = tpu.memref_slice %arg3[%dma_start3A_411, %dma_start3A_412] : memref<10000x128xf32, #tpu.memory_space<hbm>> -> memref<10000x128xf32, #tpu.memory_space<hbm>>
        tpu.enqueue_indirect_dma source(%dma_start3A_413 : memref<10000x128xf32, #tpu.memory_space<hbm>>) target(%arg34 : memref<64x128xf32, #tpu.memory_space<vmem>>) offsets(%arg32 : memref<64xi32, #tpu.memory_space<vmem>>) semaphore(%arg36 : memref<!tpu.dma_semaphore, #tpu.memory_space<semaphore_mem>>)
        %dma_wait3A_414 = arith.constant 0 : i32
        %dma_wait3A_415 = arith.constant 0 : i32
        %dma_wait3A_416 = tpu.memref_slice %arg39[%dma_wait3A_414, %dma_wait3A_415] : memref<10000x128xf32, #tpu.memory_space<vmem_shared>> -> memref<10000x128xf32, #tpu.memory_space<vmem_shared>>
        tpu.wait_indirect_dma semaphore(%arg13 : memref<!tpu.dma_semaphore, #tpu.memory_space<semaphore_mem>>) src(%arg10 : memref<64x128xf32, #tpu.memory_space<vmem>>) dst(%dma_wait3A_416 : memref<10000x128xf32, #tpu.memory_space<vmem_shared>>)
        %add3A_417 = arith.constant 4 : i32
        %add3A_418 = arith.addi %add3A_394, %add3A_417 : i32
        %mul3A_419 = arith.constant 64 : i32
        %mul3A_420 = arith.muli %add3A_418, %mul3A_419 : i32
        %add3A_421 = arith.addi %multiple_of3A, %mul3A_420 : i32
        %multiple_of3A_422 = tpu.assume_multiple %add3A_421, 8 : i32
        %dma_start3A_423 = tpu.memref_slice %arg4[%multiple_of3A_422] : memref<320000xi32, #tpu.memory_space<hbm>> -> memref<64xi32, #tpu.memory_space<hbm>>
        %dma_start3A_424 = tpu.memref_slice %arg4[%multiple_of3A_422] : memref<320000xi32, #tpu.memory_space<hbm>> -> memref<64xi32, #tpu.memory_space<hbm>>
        tpu.enqueue_dma source(%dma_start3A_424 : memref<64xi32, #tpu.memory_space<hbm>>) target(%arg8 : memref<64xi32, #tpu.memory_space<vmem>>) target_semaphore(%arg11 : memref<!tpu.dma_semaphore, #tpu.memory_space<semaphore_mem>>)
        %dma_start3A_425 = tpu.memref_slice %arg5[%multiple_of3A_422] : memref<320000xi32, #tpu.memory_space<hbm>> -> memref<64xi32, #tpu.memory_space<hbm>>
        %dma_start3A_426 = tpu.memref_slice %arg5[%multiple_of3A_422] : memref<320000xi32, #tpu.memory_space<hbm>> -> memref<64xi32, #tpu.memory_space<hbm>>
        tpu.enqueue_dma source(%dma_start3A_426 : memref<64xi32, #tpu.memory_space<hbm>>) target(%arg9 : memref<64xi32, #tpu.memory_space<vmem>>) target_semaphore(%arg11 : memref<!tpu.dma_semaphore, #tpu.memory_space<semaphore_mem>>)
        %mul3A_427 = arith.constant 5 : i32
        %mul3A_428 = arith.muli %scan3A_353, %mul3A_427 : i32
        %add3A_429 = arith.constant 2 : i32
        %add3A_430 = arith.addi %mul3A_428, %add3A_429 : i32
        %dma_wait3A_431 = arith.constant 0 : i32
        %dma_wait3A_432 = arith.constant 0 : i32
        %dma_wait3A_433 = tpu.memref_slice %arg3[%dma_wait3A_431, %dma_wait3A_432] : memref<10000x128xf32, #tpu.memory_space<hbm>> -> memref<10000x128xf32, #tpu.memory_space<hbm>>
        tpu.wait_indirect_dma semaphore(%arg24 : memref<!tpu.dma_semaphore, #tpu.memory_space<semaphore_mem>>) src(%dma_wait3A_433 : memref<10000x128xf32, #tpu.memory_space<hbm>>) dst(%arg22 : memref<64x128xf32, #tpu.memory_space<vmem>>)
        %dma_start3A_434 = arith.constant 0 : i32
        %dma_start3A_435 = arith.constant 0 : i32
        %dma_start3A_436 = tpu.memref_slice %arg39[%dma_start3A_434, %dma_start3A_435] : memref<10000x128xf32, #tpu.memory_space<vmem_shared>> -> memref<10000x128xf32, #tpu.memory_space<vmem_shared>>
        tpu.enqueue_indirect_dma source(%arg22 : memref<64x128xf32, #tpu.memory_space<vmem>>) target(%dma_start3A_436 : memref<10000x128xf32, #tpu.memory_space<vmem_shared>>) offsets(%arg21 : memref<64xi32, #tpu.memory_space<vmem>>) semaphore(%arg25 : memref<!tpu.dma_semaphore, #tpu.memory_space<semaphore_mem>>) {add = true}
        %add3A_437 = arith.constant 3 : i32
        %add3A_438 = arith.addi %add3A_430, %add3A_437 : i32
        %mul3A_439 = arith.constant 64 : i32
        %mul3A_440 = arith.muli %add3A_438, %mul3A_439 : i32
        %add3A_441 = arith.addi %multiple_of3A, %mul3A_440 : i32
        %multiple_of3A_442 = tpu.assume_multiple %add3A_441, 8 : i32
        %dma_wait3A_443 = tpu.memref_slice %arg4[%multiple_of3A_442] : memref<320000xi32, #tpu.memory_space<hbm>> -> memref<64xi32, #tpu.memory_space<hbm>>
        %dma_wait3A_444 = tpu.memref_slice %arg4[%multiple_of3A_442] : memref<320000xi32, #tpu.memory_space<hbm>> -> memref<64xi32, #tpu.memory_space<hbm>>
        tpu.wait_dma2 semaphore(%arg11 : memref<!tpu.dma_semaphore, #tpu.memory_space<semaphore_mem>>) src(%dma_wait3A_444 : memref<64xi32, #tpu.memory_space<hbm>>) dst(%arg8 : memref<64xi32, #tpu.memory_space<vmem>>)
        %dma_wait3A_445 = tpu.memref_slice %arg5[%multiple_of3A_442] : memref<320000xi32, #tpu.memory_space<hbm>> -> memref<64xi32, #tpu.memory_space<hbm>>
        %dma_wait3A_446 = tpu.memref_slice %arg5[%multiple_of3A_442] : memref<320000xi32, #tpu.memory_space<hbm>> -> memref<64xi32, #tpu.memory_space<hbm>>
        tpu.wait_dma2 semaphore(%arg11 : memref<!tpu.dma_semaphore, #tpu.memory_space<semaphore_mem>>) src(%dma_wait3A_446 : memref<64xi32, #tpu.memory_space<hbm>>) dst(%arg9 : memref<64xi32, #tpu.memory_space<vmem>>)
        %dma_start3A_447 = arith.constant 0 : i32
        %dma_start3A_448 = arith.constant 0 : i32
        %dma_start3A_449 = tpu.memref_slice %arg3[%dma_start3A_447, %dma_start3A_448] : memref<10000x128xf32, #tpu.memory_space<hbm>> -> memref<10000x128xf32, #tpu.memory_space<hbm>>
        tpu.enqueue_indirect_dma source(%dma_start3A_449 : memref<10000x128xf32, #tpu.memory_space<hbm>>) target(%arg10 : memref<64x128xf32, #tpu.memory_space<vmem>>) offsets(%arg8 : memref<64xi32, #tpu.memory_space<vmem>>) semaphore(%arg12 : memref<!tpu.dma_semaphore, #tpu.memory_space<semaphore_mem>>)
        %dma_wait3A_450 = arith.constant 0 : i32
        %dma_wait3A_451 = arith.constant 0 : i32
        %dma_wait3A_452 = tpu.memref_slice %arg39[%dma_wait3A_450, %dma_wait3A_451] : memref<10000x128xf32, #tpu.memory_space<vmem_shared>> -> memref<10000x128xf32, #tpu.memory_space<vmem_shared>>
        tpu.wait_indirect_dma semaphore(%arg19 : memref<!tpu.dma_semaphore, #tpu.memory_space<semaphore_mem>>) src(%arg16 : memref<64x128xf32, #tpu.memory_space<vmem>>) dst(%dma_wait3A_452 : memref<10000x128xf32, #tpu.memory_space<vmem_shared>>)
        %add3A_453 = arith.constant 4 : i32
        %add3A_454 = arith.addi %add3A_430, %add3A_453 : i32
        %mul3A_455 = arith.constant 64 : i32
        %mul3A_456 = arith.muli %add3A_454, %mul3A_455 : i32
        %add3A_457 = arith.addi %multiple_of3A, %mul3A_456 : i32
        %multiple_of3A_458 = tpu.assume_multiple %add3A_457, 8 : i32
        %dma_start3A_459 = tpu.memref_slice %arg4[%multiple_of3A_458] : memref<320000xi32, #tpu.memory_space<hbm>> -> memref<64xi32, #tpu.memory_space<hbm>>
        %dma_start3A_460 = tpu.memref_slice %arg4[%multiple_of3A_458] : memref<320000xi32, #tpu.memory_space<hbm>> -> memref<64xi32, #tpu.memory_space<hbm>>
        tpu.enqueue_dma source(%dma_start3A_460 : memref<64xi32, #tpu.memory_space<hbm>>) target(%arg14 : memref<64xi32, #tpu.memory_space<vmem>>) target_semaphore(%arg17 : memref<!tpu.dma_semaphore, #tpu.memory_space<semaphore_mem>>)
        %dma_start3A_461 = tpu.memref_slice %arg5[%multiple_of3A_458] : memref<320000xi32, #tpu.memory_space<hbm>> -> memref<64xi32, #tpu.memory_space<hbm>>
        %dma_start3A_462 = tpu.memref_slice %arg5[%multiple_of3A_458] : memref<320000xi32, #tpu.memory_space<hbm>> -> memref<64xi32, #tpu.memory_space<hbm>>
        tpu.enqueue_dma source(%dma_start3A_462 : memref<64xi32, #tpu.memory_space<hbm>>) target(%arg15 : memref<64xi32, #tpu.memory_space<vmem>>) target_semaphore(%arg17 : memref<!tpu.dma_semaphore, #tpu.memory_space<semaphore_mem>>)
        %mul3A_463 = arith.constant 5 : i32
        %mul3A_464 = arith.muli %scan3A_353, %mul3A_463 : i32
        %add3A_465 = arith.constant 3 : i32
        %add3A_466 = arith.addi %mul3A_464, %add3A_465 : i32
        %dma_wait3A_467 = arith.constant 0 : i32
        %dma_wait3A_468 = arith.constant 0 : i32
        %dma_wait3A_469 = tpu.memref_slice %arg3[%dma_wait3A_467, %dma_wait3A_468] : memref<10000x128xf32, #tpu.memory_space<hbm>> -> memref<10000x128xf32, #tpu.memory_space<hbm>>
        tpu.wait_indirect_dma semaphore(%arg30 : memref<!tpu.dma_semaphore, #tpu.memory_space<semaphore_mem>>) src(%dma_wait3A_469 : memref<10000x128xf32, #tpu.memory_space<hbm>>) dst(%arg28 : memref<64x128xf32, #tpu.memory_space<vmem>>)
        %dma_start3A_470 = arith.constant 0 : i32
        %dma_start3A_471 = arith.constant 0 : i32
        %dma_start3A_472 = tpu.memref_slice %arg39[%dma_start3A_470, %dma_start3A_471] : memref<10000x128xf32, #tpu.memory_space<vmem_shared>> -> memref<10000x128xf32, #tpu.memory_space<vmem_shared>>
        tpu.enqueue_indirect_dma source(%arg28 : memref<64x128xf32, #tpu.memory_space<vmem>>) target(%dma_start3A_472 : memref<10000x128xf32, #tpu.memory_space<vmem_shared>>) offsets(%arg27 : memref<64xi32, #tpu.memory_space<vmem>>) semaphore(%arg31 : memref<!tpu.dma_semaphore, #tpu.memory_space<semaphore_mem>>) {add = true}
        %add3A_473 = arith.constant 3 : i32
        %add3A_474 = arith.addi %add3A_466, %add3A_473 : i32
        %mul3A_475 = arith.constant 64 : i32
        %mul3A_476 = arith.muli %add3A_474, %mul3A_475 : i32
        %add3A_477 = arith.addi %multiple_of3A, %mul3A_476 : i32
        %multiple_of3A_478 = tpu.assume_multiple %add3A_477, 8 : i32
        %dma_wait3A_479 = tpu.memref_slice %arg4[%multiple_of3A_478] : memref<320000xi32, #tpu.memory_space<hbm>> -> memref<64xi32, #tpu.memory_space<hbm>>
        %dma_wait3A_480 = tpu.memref_slice %arg4[%multiple_of3A_478] : memref<320000xi32, #tpu.memory_space<hbm>> -> memref<64xi32, #tpu.memory_space<hbm>>
        tpu.wait_dma2 semaphore(%arg17 : memref<!tpu.dma_semaphore, #tpu.memory_space<semaphore_mem>>) src(%dma_wait3A_480 : memref<64xi32, #tpu.memory_space<hbm>>) dst(%arg14 : memref<64xi32, #tpu.memory_space<vmem>>)
        %dma_wait3A_481 = tpu.memref_slice %arg5[%multiple_of3A_478] : memref<320000xi32, #tpu.memory_space<hbm>> -> memref<64xi32, #tpu.memory_space<hbm>>
        %dma_wait3A_482 = tpu.memref_slice %arg5[%multiple_of3A_478] : memref<320000xi32, #tpu.memory_space<hbm>> -> memref<64xi32, #tpu.memory_space<hbm>>
        tpu.wait_dma2 semaphore(%arg17 : memref<!tpu.dma_semaphore, #tpu.memory_space<semaphore_mem>>) src(%dma_wait3A_482 : memref<64xi32, #tpu.memory_space<hbm>>) dst(%arg15 : memref<64xi32, #tpu.memory_space<vmem>>)
        %dma_start3A_483 = arith.constant 0 : i32
        %dma_start3A_484 = arith.constant 0 : i32
        %dma_start3A_485 = tpu.memref_slice %arg3[%dma_start3A_483, %dma_start3A_484] : memref<10000x128xf32, #tpu.memory_space<hbm>> -> memref<10000x128xf32, #tpu.memory_space<hbm>>
        tpu.enqueue_indirect_dma source(%dma_start3A_485 : memref<10000x128xf32, #tpu.memory_space<hbm>>) target(%arg16 : memref<64x128xf32, #tpu.memory_space<vmem>>) offsets(%arg14 : memref<64xi32, #tpu.memory_space<vmem>>) semaphore(%arg18 : memref<!tpu.dma_semaphore, #tpu.memory_space<semaphore_mem>>)
        %dma_wait3A_486 = arith.constant 0 : i32
        %dma_wait3A_487 = arith.constant 0 : i32
        %dma_wait3A_488 = tpu.memref_slice %arg39[%dma_wait3A_486, %dma_wait3A_487] : memref<10000x128xf32, #tpu.memory_space<vmem_shared>> -> memref<10000x128xf32, #tpu.memory_space<vmem_shared>>
        tpu.wait_indirect_dma semaphore(%arg25 : memref<!tpu.dma_semaphore, #tpu.memory_space<semaphore_mem>>) src(%arg22 : memref<64x128xf32, #tpu.memory_space<vmem>>) dst(%dma_wait3A_488 : memref<10000x128xf32, #tpu.memory_space<vmem_shared>>)
        %le3A = arith.constant 60 : i32
        %le3A_489 = arith.cmpi sle, %scan3A_353, %le3A : i32
        %convert_element_type3A_490 = arith.extui %le3A_489 : i1 to i32
        %cond3A_491 = arith.constant 0 : i32
        %cond3A_492 = arith.cmpi ne, %convert_element_type3A_490, %cond3A_491 : i32
        scf.if %cond3A_492 {
          %add3A_516 = arith.constant 4 : i32
          %add3A_517 = arith.addi %add3A_466, %add3A_516 : i32
          %mul3A_518 = arith.constant 64 : i32
          %mul3A_519 = arith.muli %add3A_517, %mul3A_518 : i32
          %add3A_520 = arith.addi %multiple_of3A, %mul3A_519 : i32
          %multiple_of3A_521 = tpu.assume_multiple %add3A_520, 8 : i32
          %dma_start3A_522 = tpu.memref_slice %arg4[%multiple_of3A_521] : memref<320000xi32, #tpu.memory_space<hbm>> -> memref<64xi32, #tpu.memory_space<hbm>>
          %dma_start3A_523 = tpu.memref_slice %arg4[%multiple_of3A_521] : memref<320000xi32, #tpu.memory_space<hbm>> -> memref<64xi32, #tpu.memory_space<hbm>>
          tpu.enqueue_dma source(%dma_start3A_523 : memref<64xi32, #tpu.memory_space<hbm>>) target(%arg20 : memref<64xi32, #tpu.memory_space<vmem>>) target_semaphore(%arg23 : memref<!tpu.dma_semaphore, #tpu.memory_space<semaphore_mem>>)
          %dma_start3A_524 = tpu.memref_slice %arg5[%multiple_of3A_521] : memref<320000xi32, #tpu.memory_space<hbm>> -> memref<64xi32, #tpu.memory_space<hbm>>
          %dma_start3A_525 = tpu.memref_slice %arg5[%multiple_of3A_521] : memref<320000xi32, #tpu.memory_space<hbm>> -> memref<64xi32, #tpu.memory_space<hbm>>
          tpu.enqueue_dma source(%dma_start3A_525 : memref<64xi32, #tpu.memory_space<hbm>>) target(%arg21 : memref<64xi32, #tpu.memory_space<vmem>>) target_semaphore(%arg23 : memref<!tpu.dma_semaphore, #tpu.memory_space<semaphore_mem>>)
        } else {
        }
        %mul3A_493 = arith.constant 5 : i32
        %mul3A_494 = arith.muli %scan3A_353, %mul3A_493 : i32
        %add3A_495 = arith.constant 4 : i32
        %add3A_496 = arith.addi %mul3A_494, %add3A_495 : i32
        %dma_wait3A_497 = arith.constant 0 : i32
        %dma_wait3A_498 = arith.constant 0 : i32
        %dma_wait3A_499 = tpu.memref_slice %arg3[%dma_wait3A_497, %dma_wait3A_498] : memref<10000x128xf32, #tpu.memory_space<hbm>> -> memref<10000x128xf32, #tpu.memory_space<hbm>>
        tpu.wait_indirect_dma semaphore(%arg36 : memref<!tpu.dma_semaphore, #tpu.memory_space<semaphore_mem>>) src(%dma_wait3A_499 : memref<10000x128xf32, #tpu.memory_space<hbm>>) dst(%arg34 : memref<64x128xf32, #tpu.memory_space<vmem>>)
        %dma_start3A_500 = arith.constant 0 : i32
        %dma_start3A_501 = arith.constant 0 : i32
        %dma_start3A_502 = tpu.memref_slice %arg39[%dma_start3A_500, %dma_start3A_501] : memref<10000x128xf32, #tpu.memory_space<vmem_shared>> -> memref<10000x128xf32, #tpu.memory_space<vmem_shared>>
        tpu.enqueue_indirect_dma source(%arg34 : memref<64x128xf32, #tpu.memory_space<vmem>>) target(%dma_start3A_502 : memref<10000x128xf32, #tpu.memory_space<vmem_shared>>) offsets(%arg33 : memref<64xi32, #tpu.memory_space<vmem>>) semaphore(%arg37 : memref<!tpu.dma_semaphore, #tpu.memory_space<semaphore_mem>>) {add = true}
        %le3A_503 = arith.constant 60 : i32
        %le3A_504 = arith.cmpi sle, %scan3A_353, %le3A_503 : i32
        %convert_element_type3A_505 = arith.extui %le3A_504 : i1 to i32
        %cond3A_506 = arith.constant 0 : i32
        %cond3A_507 = arith.cmpi ne, %convert_element_type3A_505, %cond3A_506 : i32
        scf.if %cond3A_507 {
          %add3A_516 = arith.constant 3 : i32
          %add3A_517 = arith.addi %add3A_496, %add3A_516 : i32
          %mul3A_518 = arith.constant 64 : i32
          %mul3A_519 = arith.muli %add3A_517, %mul3A_518 : i32
          %add3A_520 = arith.addi %multiple_of3A, %mul3A_519 : i32
          %multiple_of3A_521 = tpu.assume_multiple %add3A_520, 8 : i32
          %dma_wait3A_522 = tpu.memref_slice %arg4[%multiple_of3A_521] : memref<320000xi32, #tpu.memory_space<hbm>> -> memref<64xi32, #tpu.memory_space<hbm>>
          %dma_wait3A_523 = tpu.memref_slice %arg4[%multiple_of3A_521] : memref<320000xi32, #tpu.memory_space<hbm>> -> memref<64xi32, #tpu.memory_space<hbm>>
          tpu.wait_dma2 semaphore(%arg23 : memref<!tpu.dma_semaphore, #tpu.memory_space<semaphore_mem>>) src(%dma_wait3A_523 : memref<64xi32, #tpu.memory_space<hbm>>) dst(%arg20 : memref<64xi32, #tpu.memory_space<vmem>>)
          %dma_wait3A_524 = tpu.memref_slice %arg5[%multiple_of3A_521] : memref<320000xi32, #tpu.memory_space<hbm>> -> memref<64xi32, #tpu.memory_space<hbm>>
          %dma_wait3A_525 = tpu.memref_slice %arg5[%multiple_of3A_521] : memref<320000xi32, #tpu.memory_space<hbm>> -> memref<64xi32, #tpu.memory_space<hbm>>
          tpu.wait_dma2 semaphore(%arg23 : memref<!tpu.dma_semaphore, #tpu.memory_space<semaphore_mem>>) src(%dma_wait3A_525 : memref<64xi32, #tpu.memory_space<hbm>>) dst(%arg21 : memref<64xi32, #tpu.memory_space<vmem>>)
          %dma_start3A_526 = arith.constant 0 : i32
          %dma_start3A_527 = arith.constant 0 : i32
          %dma_start3A_528 = tpu.memref_slice %arg3[%dma_start3A_526, %dma_start3A_527] : memref<10000x128xf32, #tpu.memory_space<hbm>> -> memref<10000x128xf32, #tpu.memory_space<hbm>>
          tpu.enqueue_indirect_dma source(%dma_start3A_528 : memref<10000x128xf32, #tpu.memory_space<hbm>>) target(%arg22 : memref<64x128xf32, #tpu.memory_space<vmem>>) offsets(%arg20 : memref<64xi32, #tpu.memory_space<vmem>>) semaphore(%arg24 : memref<!tpu.dma_semaphore, #tpu.memory_space<semaphore_mem>>)
        } else {
        }
        %dma_wait3A_508 = arith.constant 0 : i32
        %dma_wait3A_509 = arith.constant 0 : i32
        %dma_wait3A_510 = tpu.memref_slice %arg39[%dma_wait3A_508, %dma_wait3A_509] : memref<10000x128xf32, #tpu.memory_space<vmem_shared>> -> memref<10000x128xf32, #tpu.memory_space<vmem_shared>>
        tpu.wait_indirect_dma semaphore(%arg31 : memref<!tpu.dma_semaphore, #tpu.memory_space<semaphore_mem>>) src(%arg28 : memref<64x128xf32, #tpu.memory_space<vmem>>) dst(%dma_wait3A_510 : memref<10000x128xf32, #tpu.memory_space<vmem_shared>>)
        %le3A_511 = arith.constant 60 : i32
        %le3A_512 = arith.cmpi sle, %scan3A_353, %le3A_511 : i32
        %convert_element_type3A_513 = arith.extui %le3A_512 : i1 to i32
        %cond3A_514 = arith.constant 0 : i32
        %cond3A_515 = arith.cmpi ne, %convert_element_type3A_513, %cond3A_514 : i32
        scf.if %cond3A_515 {
          %add3A_516 = arith.constant 4 : i32
          %add3A_517 = arith.addi %add3A_496, %add3A_516 : i32
          %mul3A_518 = arith.constant 64 : i32
          %mul3A_519 = arith.muli %add3A_517, %mul3A_518 : i32
          %add3A_520 = arith.addi %multiple_of3A, %mul3A_519 : i32
          %multiple_of3A_521 = tpu.assume_multiple %add3A_520, 8 : i32
          %dma_start3A_522 = tpu.memref_slice %arg4[%multiple_of3A_521] : memref<320000xi32, #tpu.memory_space<hbm>> -> memref<64xi32, #tpu.memory_space<hbm>>
          %dma_start3A_523 = tpu.memref_slice %arg4[%multiple_of3A_521] : memref<320000xi32, #tpu.memory_space<hbm>> -> memref<64xi32, #tpu.memory_space<hbm>>
          tpu.enqueue_dma source(%dma_start3A_523 : memref<64xi32, #tpu.memory_space<hbm>>) target(%arg26 : memref<64xi32, #tpu.memory_space<vmem>>) target_semaphore(%arg29 : memref<!tpu.dma_semaphore, #tpu.memory_space<semaphore_mem>>)
          %dma_start3A_524 = tpu.memref_slice %arg5[%multiple_of3A_521] : memref<320000xi32, #tpu.memory_space<hbm>> -> memref<64xi32, #tpu.memory_space<hbm>>
          %dma_start3A_525 = tpu.memref_slice %arg5[%multiple_of3A_521] : memref<320000xi32, #tpu.memory_space<hbm>> -> memref<64xi32, #tpu.memory_space<hbm>>
          tpu.enqueue_dma source(%dma_start3A_525 : memref<64xi32, #tpu.memory_space<hbm>>) target(%arg27 : memref<64xi32, #tpu.memory_space<vmem>>) target_semaphore(%arg29 : memref<!tpu.dma_semaphore, #tpu.memory_space<semaphore_mem>>)
        } else {
        }
      }
      %scan3A_308 = arith.constant 62 : i32
      %dma_wait3A_309 = arith.constant 0 : i32
      %dma_wait3A_310 = arith.constant 0 : i32
      %dma_wait3A_311 = tpu.memref_slice %arg3[%dma_wait3A_309, %dma_wait3A_310] : memref<10000x128xf32, #tpu.memory_space<hbm>> -> memref<10000x128xf32, #tpu.memory_space<hbm>>
      tpu.wait_indirect_dma semaphore(%arg12 : memref<!tpu.dma_semaphore, #tpu.memory_space<semaphore_mem>>) src(%dma_wait3A_311 : memref<10000x128xf32, #tpu.memory_space<hbm>>) dst(%arg10 : memref<64x128xf32, #tpu.memory_space<vmem>>)
      %dma_start3A_312 = arith.constant 0 : i32
      %dma_start3A_313 = arith.constant 0 : i32
      %dma_start3A_314 = tpu.memref_slice %arg39[%dma_start3A_312, %dma_start3A_313] : memref<10000x128xf32, #tpu.memory_space<vmem_shared>> -> memref<10000x128xf32, #tpu.memory_space<vmem_shared>>
      tpu.enqueue_indirect_dma source(%arg10 : memref<64x128xf32, #tpu.memory_space<vmem>>) target(%dma_start3A_314 : memref<10000x128xf32, #tpu.memory_space<vmem_shared>>) offsets(%arg9 : memref<64xi32, #tpu.memory_space<vmem>>) semaphore(%arg13 : memref<!tpu.dma_semaphore, #tpu.memory_space<semaphore_mem>>) {add = true}
      %dma_wait3A_315 = arith.constant 0 : i32
      %dma_wait3A_316 = arith.constant 0 : i32
      %dma_wait3A_317 = tpu.memref_slice %arg39[%dma_wait3A_315, %dma_wait3A_316] : memref<10000x128xf32, #tpu.memory_space<vmem_shared>> -> memref<10000x128xf32, #tpu.memory_space<vmem_shared>>
      tpu.wait_indirect_dma semaphore(%arg37 : memref<!tpu.dma_semaphore, #tpu.memory_space<semaphore_mem>>) src(%arg34 : memref<64x128xf32, #tpu.memory_space<vmem>>) dst(%dma_wait3A_317 : memref<10000x128xf32, #tpu.memory_space<vmem_shared>>)
      %dma_wait3A_318 = arith.constant 0 : i32
      %dma_wait3A_319 = arith.constant 0 : i32
      %dma_wait3A_320 = tpu.memref_slice %arg3[%dma_wait3A_318, %dma_wait3A_319] : memref<10000x128xf32, #tpu.memory_space<hbm>> -> memref<10000x128xf32, #tpu.memory_space<hbm>>
      tpu.wait_indirect_dma semaphore(%arg18 : memref<!tpu.dma_semaphore, #tpu.memory_space<semaphore_mem>>) src(%dma_wait3A_320 : memref<10000x128xf32, #tpu.memory_space<hbm>>) dst(%arg16 : memref<64x128xf32, #tpu.memory_space<vmem>>)
      %dma_start3A_321 = arith.constant 0 : i32
      %dma_start3A_322 = arith.constant 0 : i32
      %dma_start3A_323 = tpu.memref_slice %arg39[%dma_start3A_321, %dma_start3A_322] : memref<10000x128xf32, #tpu.memory_space<vmem_shared>> -> memref<10000x128xf32, #tpu.memory_space<vmem_shared>>
      tpu.enqueue_indirect_dma source(%arg16 : memref<64x128xf32, #tpu.memory_space<vmem>>) target(%dma_start3A_323 : memref<10000x128xf32, #tpu.memory_space<vmem_shared>>) offsets(%arg15 : memref<64xi32, #tpu.memory_space<vmem>>) semaphore(%arg19 : memref<!tpu.dma_semaphore, #tpu.memory_space<semaphore_mem>>) {add = true}
      %dma_wait3A_324 = arith.constant 0 : i32
      %dma_wait3A_325 = arith.constant 0 : i32
      %dma_wait3A_326 = tpu.memref_slice %arg39[%dma_wait3A_324, %dma_wait3A_325] : memref<10000x128xf32, #tpu.memory_space<vmem_shared>> -> memref<10000x128xf32, #tpu.memory_space<vmem_shared>>
      tpu.wait_indirect_dma semaphore(%arg13 : memref<!tpu.dma_semaphore, #tpu.memory_space<semaphore_mem>>) src(%arg10 : memref<64x128xf32, #tpu.memory_space<vmem>>) dst(%dma_wait3A_326 : memref<10000x128xf32, #tpu.memory_space<vmem_shared>>)
      %add3A_327 = arith.constant 19968 : i32
      %add3A_328 = arith.addi %multiple_of3A, %add3A_327 : i32
      %multiple_of3A_329 = tpu.assume_multiple %add3A_328, 8 : i32
      %dma_start3A_330 = tpu.memref_slice %arg4[%multiple_of3A_329] : memref<320000xi32, #tpu.memory_space<hbm>> -> memref<32xi32, #tpu.memory_space<hbm>>
      %dma_start3A_331 = tpu.memref_slice %arg4[%multiple_of3A_329] : memref<320000xi32, #tpu.memory_space<hbm>> -> memref<32xi32, #tpu.memory_space<hbm>>
      tpu.enqueue_dma source(%dma_start3A_331 : memref<32xi32, #tpu.memory_space<hbm>>) target(%arg40 : memref<32xi32, #tpu.memory_space<vmem>>) target_semaphore(%arg11 : memref<!tpu.dma_semaphore, #tpu.memory_space<semaphore_mem>>)
      %dma_start3A_332 = tpu.memref_slice %arg5[%multiple_of3A_329] : memref<320000xi32, #tpu.memory_space<hbm>> -> memref<32xi32, #tpu.memory_space<hbm>>
      %dma_start3A_333 = tpu.memref_slice %arg5[%multiple_of3A_329] : memref<320000xi32, #tpu.memory_space<hbm>> -> memref<32xi32, #tpu.memory_space<hbm>>
      tpu.enqueue_dma source(%dma_start3A_333 : memref<32xi32, #tpu.memory_space<hbm>>) target(%arg41 : memref<32xi32, #tpu.memory_space<vmem>>) target_semaphore(%arg11 : memref<!tpu.dma_semaphore, #tpu.memory_space<semaphore_mem>>)
      %dma_wait3A_334 = tpu.memref_slice %arg4[%multiple_of3A_329] : memref<320000xi32, #tpu.memory_space<hbm>> -> memref<32xi32, #tpu.memory_space<hbm>>
      %dma_wait3A_335 = tpu.memref_slice %arg4[%multiple_of3A_329] : memref<320000xi32, #tpu.memory_space<hbm>> -> memref<32xi32, #tpu.memory_space<hbm>>
      tpu.wait_dma2 semaphore(%arg11 : memref<!tpu.dma_semaphore, #tpu.memory_space<semaphore_mem>>) src(%dma_wait3A_335 : memref<32xi32, #tpu.memory_space<hbm>>) dst(%arg40 : memref<32xi32, #tpu.memory_space<vmem>>)
      %dma_wait3A_336 = tpu.memref_slice %arg5[%multiple_of3A_329] : memref<320000xi32, #tpu.memory_space<hbm>> -> memref<32xi32, #tpu.memory_space<hbm>>
      %dma_wait3A_337 = tpu.memref_slice %arg5[%multiple_of3A_329] : memref<320000xi32, #tpu.memory_space<hbm>> -> memref<32xi32, #tpu.memory_space<hbm>>
      tpu.wait_dma2 semaphore(%arg11 : memref<!tpu.dma_semaphore, #tpu.memory_space<semaphore_mem>>) src(%dma_wait3A_337 : memref<32xi32, #tpu.memory_space<hbm>>) dst(%arg41 : memref<32xi32, #tpu.memory_space<vmem>>)
      %dma_start3A_338 = arith.constant 0 : i32
      %dma_start3A_339 = arith.constant 0 : i32
      %dma_start3A_340 = tpu.memref_slice %arg10[%dma_start3A_338, %dma_start3A_339] : memref<64x128xf32, #tpu.memory_space<vmem>> -> memref<32x128xf32, #tpu.memory_space<vmem>>
      %dma_start3A_341 = arith.constant 0 : i32
      %dma_start3A_342 = arith.constant 0 : i32
      %dma_start3A_343 = tpu.memref_slice %arg3[%dma_start3A_341, %dma_start3A_342] : memref<10000x128xf32, #tpu.memory_space<hbm>> -> memref<10000x128xf32, #tpu.memory_space<hbm>>
      tpu.enqueue_indirect_dma source(%dma_start3A_343 : memref<10000x128xf32, #tpu.memory_space<hbm>>) target(%dma_start3A_340 : memref<32x128xf32, #tpu.memory_space<vmem>>) offsets(%arg40 : memref<32xi32, #tpu.memory_space<vmem>>) semaphore(%arg12 : memref<!tpu.dma_semaphore, #tpu.memory_space<semaphore_mem>>)
      %dma_wait3A_344 = arith.constant 0 : i32
      %dma_wait3A_345 = arith.constant 0 : i32
      %dma_wait3A_346 = tpu.memref_slice %arg10[%dma_wait3A_344, %dma_wait3A_345] : memref<64x128xf32, #tpu.memory_space<vmem>> -> memref<32x128xf32, #tpu.memory_space<vmem>>
      %dma_wait3A_347 = arith.constant 0 : i32
      %dma_wait3A_348 = arith.constant 0 : i32
      %dma_wait3A_349 = tpu.memref_slice %arg3[%dma_wait3A_347, %dma_wait3A_348] : memref<10000x128xf32, #tpu.memory_space<hbm>> -> memref<10000x128xf32, #tpu.memory_space<hbm>>
      tpu.wait_indirect_dma semaphore(%arg12 : memref<!tpu.dma_semaphore, #tpu.memory_space<semaphore_mem>>) src(%dma_wait3A_349 : memref<10000x128xf32, #tpu.memory_space<hbm>>) dst(%dma_wait3A_346 : memref<32x128xf32, #tpu.memory_space<vmem>>)
      "tpu.region"() ({
        %run_scoped3A = tpu.sem_alloc : memref<!tpu.dma_semaphore, #tpu.memory_space<semaphore_mem>>
        %dma_start3A_353 = arith.constant 0 : i32
        %dma_start3A_354 = arith.constant 0 : i32
        %dma_start3A_355 = tpu.memref_slice %arg10[%dma_start3A_353, %dma_start3A_354] : memref<64x128xf32, #tpu.memory_space<vmem>> -> memref<32x128xf32, #tpu.memory_space<vmem>>
        %dma_start3A_356 = arith.constant 0 : i32
        %dma_start3A_357 = arith.constant 0 : i32
        %dma_start3A_358 = tpu.memref_slice %arg39[%dma_start3A_356, %dma_start3A_357] : memref<10000x128xf32, #tpu.memory_space<vmem_shared>> -> memref<10000x128xf32, #tpu.memory_space<vmem_shared>>
        tpu.enqueue_indirect_dma source(%dma_start3A_355 : memref<32x128xf32, #tpu.memory_space<vmem>>) target(%dma_start3A_358 : memref<10000x128xf32, #tpu.memory_space<vmem_shared>>) offsets(%arg41 : memref<32xi32, #tpu.memory_space<vmem>>) semaphore(%run_scoped3A : memref<!tpu.dma_semaphore, #tpu.memory_space<semaphore_mem>>) {add = true}
        %dma_wait3A_359 = arith.constant 0 : i32
        %dma_wait3A_360 = arith.constant 0 : i32
        %dma_wait3A_361 = tpu.memref_slice %arg10[%dma_wait3A_359, %dma_wait3A_360] : memref<64x128xf32, #tpu.memory_space<vmem>> -> memref<32x128xf32, #tpu.memory_space<vmem>>
        %dma_wait3A_362 = arith.constant 0 : i32
        %dma_wait3A_363 = arith.constant 0 : i32
        %dma_wait3A_364 = tpu.memref_slice %arg39[%dma_wait3A_362, %dma_wait3A_363] : memref<10000x128xf32, #tpu.memory_space<vmem_shared>> -> memref<10000x128xf32, #tpu.memory_space<vmem_shared>>
        tpu.wait_indirect_dma semaphore(%run_scoped3A : memref<!tpu.dma_semaphore, #tpu.memory_space<semaphore_mem>>) src(%dma_wait3A_361 : memref<32x128xf32, #tpu.memory_space<vmem>>) dst(%dma_wait3A_364 : memref<10000x128xf32, #tpu.memory_space<vmem_shared>>)
        tpu.yield
      }) : () -> ()
      %dma_wait3A_350 = arith.constant 0 : i32
      %dma_wait3A_351 = arith.constant 0 : i32
      %dma_wait3A_352 = tpu.memref_slice %arg39[%dma_wait3A_350, %dma_wait3A_351] : memref<10000x128xf32, #tpu.memory_space<vmem_shared>> -> memref<10000x128xf32, #tpu.memory_space<vmem_shared>>
      tpu.wait_indirect_dma semaphore(%arg19 : memref<!tpu.dma_semaphore, #tpu.memory_space<semaphore_mem>>) src(%arg16 : memref<64x128xf32, #tpu.memory_space<vmem>>) dst(%dma_wait3A_352 : memref<10000x128xf32, #tpu.memory_space<vmem_shared>>)
    } else {
    }
    %barrier3A_263 = arith.constant 0 : index
    tpu.barrier barrier_id(%barrier3A_263)
    %eq3A_264 = arith.constant 0 : i32
    %eq3A_265 = arith.cmpi eq, %arg0, %eq3A_264 : i32
    %convert_element_type3A_266 = arith.extui %eq3A_265 : i1 to i32
    %cond3A_267 = arith.constant 0 : i32
    %cond3A_268 = arith.cmpi ne, %convert_element_type3A_266, %cond3A_267 : i32
    scf.if %cond3A_268 {
      %add3A_274 = arith.constant 0 : i32
      %add3A_275 = arith.addi %add3A_274, %arg1 : i32
      %lt3A_276 = arith.constant 250 : i32
      %lt3A_277 = arith.cmpi slt, %add3A_275, %lt3A_276 : i32
      %convert_element_type3A_278 = arith.extui %lt3A_277 : i1 to i32
      %cond3A_279 = arith.constant 0 : i32
      %cond3A_280 = arith.cmpi ne, %convert_element_type3A_278, %cond3A_279 : i32
      scf.if %cond3A_280 {
        %mul3A_498 = arith.constant 40 : i32
        %mul3A_499 = arith.muli %add3A_275, %mul3A_498 : i32
        %multiple_of3A_500 = tpu.assume_multiple %mul3A_499, 8 : i32
        %dma_start3A_501 = arith.constant 0 : i32
        %dma_start3A_502 = tpu.memref_slice %arg6[%multiple_of3A_500, %dma_start3A_501] : memref<10000x128xf32, #tpu.memory_space<hbm>> -> memref<40x128xf32, #tpu.memory_space<hbm>>
        %dma_start3A_503 = arith.constant 0 : i32
        %dma_start3A_504 = tpu.memref_slice %arg39[%multiple_of3A_500, %dma_start3A_503] : memref<10000x128xf32, #tpu.memory_space<vmem_shared>> -> memref<40x128xf32, #tpu.memory_space<vmem_shared>>
        tpu.enqueue_dma source(%dma_start3A_504 : memref<40x128xf32, #tpu.memory_space<vmem_shared>>) target(%dma_start3A_502 : memref<40x128xf32, #tpu.memory_space<hbm>>) target_semaphore(%arg13 : memref<!tpu.dma_semaphore, #tpu.memory_space<semaphore_mem>>)
      } else {
      }
      %add3A_281 = arith.constant 16 : i32
      %add3A_282 = arith.addi %add3A_281, %arg1 : i32
      %lt3A_283 = arith.constant 250 : i32
      %lt3A_284 = arith.cmpi slt, %add3A_282, %lt3A_283 : i32
      %convert_element_type3A_285 = arith.extui %lt3A_284 : i1 to i32
      %cond3A_286 = arith.constant 0 : i32
      %cond3A_287 = arith.cmpi ne, %convert_element_type3A_285, %cond3A_286 : i32
      scf.if %cond3A_287 {
        %mul3A_498 = arith.constant 40 : i32
        %mul3A_499 = arith.muli %add3A_282, %mul3A_498 : i32
        %multiple_of3A_500 = tpu.assume_multiple %mul3A_499, 8 : i32
        %dma_start3A_501 = arith.constant 0 : i32
        %dma_start3A_502 = tpu.memref_slice %arg6[%multiple_of3A_500, %dma_start3A_501] : memref<10000x128xf32, #tpu.memory_space<hbm>> -> memref<40x128xf32, #tpu.memory_space<hbm>>
        %dma_start3A_503 = arith.constant 0 : i32
        %dma_start3A_504 = tpu.memref_slice %arg39[%multiple_of3A_500, %dma_start3A_503] : memref<10000x128xf32, #tpu.memory_space<vmem_shared>> -> memref<40x128xf32, #tpu.memory_space<vmem_shared>>
        tpu.enqueue_dma source(%dma_start3A_504 : memref<40x128xf32, #tpu.memory_space<vmem_shared>>) target(%dma_start3A_502 : memref<40x128xf32, #tpu.memory_space<hbm>>) target_semaphore(%arg13 : memref<!tpu.dma_semaphore, #tpu.memory_space<semaphore_mem>>)
      } else {
      }
      %add3A_288 = arith.constant 32 : i32
      %add3A_289 = arith.addi %add3A_288, %arg1 : i32
      %lt3A_290 = arith.constant 250 : i32
      %lt3A_291 = arith.cmpi slt, %add3A_289, %lt3A_290 : i32
      %convert_element_type3A_292 = arith.extui %lt3A_291 : i1 to i32
      %cond3A_293 = arith.constant 0 : i32
      %cond3A_294 = arith.cmpi ne, %convert_element_type3A_292, %cond3A_293 : i32
      scf.if %cond3A_294 {
        %mul3A_498 = arith.constant 40 : i32
        %mul3A_499 = arith.muli %add3A_289, %mul3A_498 : i32
        %multiple_of3A_500 = tpu.assume_multiple %mul3A_499, 8 : i32
        %dma_start3A_501 = arith.constant 0 : i32
        %dma_start3A_502 = tpu.memref_slice %arg6[%multiple_of3A_500, %dma_start3A_501] : memref<10000x128xf32, #tpu.memory_space<hbm>> -> memref<40x128xf32, #tpu.memory_space<hbm>>
        %dma_start3A_503 = arith.constant 0 : i32
        %dma_start3A_504 = tpu.memref_slice %arg39[%multiple_of3A_500, %dma_start3A_503] : memref<10000x128xf32, #tpu.memory_space<vmem_shared>> -> memref<40x128xf32, #tpu.memory_space<vmem_shared>>
        tpu.enqueue_dma source(%dma_start3A_504 : memref<40x128xf32, #tpu.memory_space<vmem_shared>>) target(%dma_start3A_502 : memref<40x128xf32, #tpu.memory_space<hbm>>) target_semaphore(%arg13 : memref<!tpu.dma_semaphore, #tpu.memory_space<semaphore_mem>>)
      } else {
      }
      %add3A_295 = arith.constant 48 : i32
      %add3A_296 = arith.addi %add3A_295, %arg1 : i32
      %lt3A_297 = arith.constant 250 : i32
      %lt3A_298 = arith.cmpi slt, %add3A_296, %lt3A_297 : i32
      %convert_element_type3A_299 = arith.extui %lt3A_298 : i1 to i32
      %cond3A_300 = arith.constant 0 : i32
      %cond3A_301 = arith.cmpi ne, %convert_element_type3A_299, %cond3A_300 : i32
      scf.if %cond3A_301 {
        %mul3A_498 = arith.constant 40 : i32
        %mul3A_499 = arith.muli %add3A_296, %mul3A_498 : i32
        %multiple_of3A_500 = tpu.assume_multiple %mul3A_499, 8 : i32
        %dma_start3A_501 = arith.constant 0 : i32
        %dma_start3A_502 = tpu.memref_slice %arg6[%multiple_of3A_500, %dma_start3A_501] : memref<10000x128xf32, #tpu.memory_space<hbm>> -> memref<40x128xf32, #tpu.memory_space<hbm>>
        %dma_start3A_503 = arith.constant 0 : i32
        %dma_start3A_504 = tpu.memref_slice %arg39[%multiple_of3A_500, %dma_start3A_503] : memref<10000x128xf32, #tpu.memory_space<vmem_shared>> -> memref<40x128xf32, #tpu.memory_space<vmem_shared>>
        tpu.enqueue_dma source(%dma_start3A_504 : memref<40x128xf32, #tpu.memory_space<vmem_shared>>) target(%dma_start3A_502 : memref<40x128xf32, #tpu.memory_space<hbm>>) target_semaphore(%arg13 : memref<!tpu.dma_semaphore, #tpu.memory_space<semaphore_mem>>)
      } else {
      }
      %add3A_302 = arith.constant 64 : i32
      %add3A_303 = arith.addi %add3A_302, %arg1 : i32
      %lt3A_304 = arith.constant 250 : i32
      %lt3A_305 = arith.cmpi slt, %add3A_303, %lt3A_304 : i32
      %convert_element_type3A_306 = arith.extui %lt3A_305 : i1 to i32
      %cond3A_307 = arith.constant 0 : i32
      %cond3A_308 = arith.cmpi ne, %convert_element_type3A_306, %cond3A_307 : i32
      scf.if %cond3A_308 {
        %mul3A_498 = arith.constant 40 : i32
        %mul3A_499 = arith.muli %add3A_303, %mul3A_498 : i32
        %multiple_of3A_500 = tpu.assume_multiple %mul3A_499, 8 : i32
        %dma_start3A_501 = arith.constant 0 : i32
        %dma_start3A_502 = tpu.memref_slice %arg6[%multiple_of3A_500, %dma_start3A_501] : memref<10000x128xf32, #tpu.memory_space<hbm>> -> memref<40x128xf32, #tpu.memory_space<hbm>>
        %dma_start3A_503 = arith.constant 0 : i32
        %dma_start3A_504 = tpu.memref_slice %arg39[%multiple_of3A_500, %dma_start3A_503] : memref<10000x128xf32, #tpu.memory_space<vmem_shared>> -> memref<40x128xf32, #tpu.memory_space<vmem_shared>>
        tpu.enqueue_dma source(%dma_start3A_504 : memref<40x128xf32, #tpu.memory_space<vmem_shared>>) target(%dma_start3A_502 : memref<40x128xf32, #tpu.memory_space<hbm>>) target_semaphore(%arg13 : memref<!tpu.dma_semaphore, #tpu.memory_space<semaphore_mem>>)
      } else {
      }
      %add3A_309 = arith.constant 80 : i32
      %add3A_310 = arith.addi %add3A_309, %arg1 : i32
      %lt3A_311 = arith.constant 250 : i32
      %lt3A_312 = arith.cmpi slt, %add3A_310, %lt3A_311 : i32
      %convert_element_type3A_313 = arith.extui %lt3A_312 : i1 to i32
      %cond3A_314 = arith.constant 0 : i32
      %cond3A_315 = arith.cmpi ne, %convert_element_type3A_313, %cond3A_314 : i32
      scf.if %cond3A_315 {
        %mul3A_498 = arith.constant 40 : i32
        %mul3A_499 = arith.muli %add3A_310, %mul3A_498 : i32
        %multiple_of3A_500 = tpu.assume_multiple %mul3A_499, 8 : i32
        %dma_start3A_501 = arith.constant 0 : i32
        %dma_start3A_502 = tpu.memref_slice %arg6[%multiple_of3A_500, %dma_start3A_501] : memref<10000x128xf32, #tpu.memory_space<hbm>> -> memref<40x128xf32, #tpu.memory_space<hbm>>
        %dma_start3A_503 = arith.constant 0 : i32
        %dma_start3A_504 = tpu.memref_slice %arg39[%multiple_of3A_500, %dma_start3A_503] : memref<10000x128xf32, #tpu.memory_space<vmem_shared>> -> memref<40x128xf32, #tpu.memory_space<vmem_shared>>
        tpu.enqueue_dma source(%dma_start3A_504 : memref<40x128xf32, #tpu.memory_space<vmem_shared>>) target(%dma_start3A_502 : memref<40x128xf32, #tpu.memory_space<hbm>>) target_semaphore(%arg13 : memref<!tpu.dma_semaphore, #tpu.memory_space<semaphore_mem>>)
      } else {
      }
      %add3A_316 = arith.constant 96 : i32
      %add3A_317 = arith.addi %add3A_316, %arg1 : i32
      %lt3A_318 = arith.constant 250 : i32
      %lt3A_319 = arith.cmpi slt, %add3A_317, %lt3A_318 : i32
      %convert_element_type3A_320 = arith.extui %lt3A_319 : i1 to i32
      %cond3A_321 = arith.constant 0 : i32
      %cond3A_322 = arith.cmpi ne, %convert_element_type3A_320, %cond3A_321 : i32
      scf.if %cond3A_322 {
        %mul3A_498 = arith.constant 40 : i32
        %mul3A_499 = arith.muli %add3A_317, %mul3A_498 : i32
        %multiple_of3A_500 = tpu.assume_multiple %mul3A_499, 8 : i32
        %dma_start3A_501 = arith.constant 0 : i32
        %dma_start3A_502 = tpu.memref_slice %arg6[%multiple_of3A_500, %dma_start3A_501] : memref<10000x128xf32, #tpu.memory_space<hbm>> -> memref<40x128xf32, #tpu.memory_space<hbm>>
        %dma_start3A_503 = arith.constant 0 : i32
        %dma_start3A_504 = tpu.memref_slice %arg39[%multiple_of3A_500, %dma_start3A_503] : memref<10000x128xf32, #tpu.memory_space<vmem_shared>> -> memref<40x128xf32, #tpu.memory_space<vmem_shared>>
        tpu.enqueue_dma source(%dma_start3A_504 : memref<40x128xf32, #tpu.memory_space<vmem_shared>>) target(%dma_start3A_502 : memref<40x128xf32, #tpu.memory_space<hbm>>) target_semaphore(%arg13 : memref<!tpu.dma_semaphore, #tpu.memory_space<semaphore_mem>>)
      } else {
      }
      %add3A_323 = arith.constant 112 : i32
      %add3A_324 = arith.addi %add3A_323, %arg1 : i32
      %lt3A_325 = arith.constant 250 : i32
      %lt3A_326 = arith.cmpi slt, %add3A_324, %lt3A_325 : i32
      %convert_element_type3A_327 = arith.extui %lt3A_326 : i1 to i32
      %cond3A_328 = arith.constant 0 : i32
      %cond3A_329 = arith.cmpi ne, %convert_element_type3A_327, %cond3A_328 : i32
      scf.if %cond3A_329 {
        %mul3A_498 = arith.constant 40 : i32
        %mul3A_499 = arith.muli %add3A_324, %mul3A_498 : i32
        %multiple_of3A_500 = tpu.assume_multiple %mul3A_499, 8 : i32
        %dma_start3A_501 = arith.constant 0 : i32
        %dma_start3A_502 = tpu.memref_slice %arg6[%multiple_of3A_500, %dma_start3A_501] : memref<10000x128xf32, #tpu.memory_space<hbm>> -> memref<40x128xf32, #tpu.memory_space<hbm>>
        %dma_start3A_503 = arith.constant 0 : i32
        %dma_start3A_504 = tpu.memref_slice %arg39[%multiple_of3A_500, %dma_start3A_503] : memref<10000x128xf32, #tpu.memory_space<vmem_shared>> -> memref<40x128xf32, #tpu.memory_space<vmem_shared>>
        tpu.enqueue_dma source(%dma_start3A_504 : memref<40x128xf32, #tpu.memory_space<vmem_shared>>) target(%dma_start3A_502 : memref<40x128xf32, #tpu.memory_space<hbm>>) target_semaphore(%arg13 : memref<!tpu.dma_semaphore, #tpu.memory_space<semaphore_mem>>)
      } else {
      }
      %add3A_330 = arith.constant 128 : i32
      %add3A_331 = arith.addi %add3A_330, %arg1 : i32
      %lt3A_332 = arith.constant 250 : i32
      %lt3A_333 = arith.cmpi slt, %add3A_331, %lt3A_332 : i32
      %convert_element_type3A_334 = arith.extui %lt3A_333 : i1 to i32
      %cond3A_335 = arith.constant 0 : i32
      %cond3A_336 = arith.cmpi ne, %convert_element_type3A_334, %cond3A_335 : i32
      scf.if %cond3A_336 {
        %mul3A_498 = arith.constant 40 : i32
        %mul3A_499 = arith.muli %add3A_331, %mul3A_498 : i32
        %multiple_of3A_500 = tpu.assume_multiple %mul3A_499, 8 : i32
        %dma_start3A_501 = arith.constant 0 : i32
        %dma_start3A_502 = tpu.memref_slice %arg6[%multiple_of3A_500, %dma_start3A_501] : memref<10000x128xf32, #tpu.memory_space<hbm>> -> memref<40x128xf32, #tpu.memory_space<hbm>>
        %dma_start3A_503 = arith.constant 0 : i32
        %dma_start3A_504 = tpu.memref_slice %arg39[%multiple_of3A_500, %dma_start3A_503] : memref<10000x128xf32, #tpu.memory_space<vmem_shared>> -> memref<40x128xf32, #tpu.memory_space<vmem_shared>>
        tpu.enqueue_dma source(%dma_start3A_504 : memref<40x128xf32, #tpu.memory_space<vmem_shared>>) target(%dma_start3A_502 : memref<40x128xf32, #tpu.memory_space<hbm>>) target_semaphore(%arg13 : memref<!tpu.dma_semaphore, #tpu.memory_space<semaphore_mem>>)
      } else {
      }
      %add3A_337 = arith.constant 144 : i32
      %add3A_338 = arith.addi %add3A_337, %arg1 : i32
      %lt3A_339 = arith.constant 250 : i32
      %lt3A_340 = arith.cmpi slt, %add3A_338, %lt3A_339 : i32
      %convert_element_type3A_341 = arith.extui %lt3A_340 : i1 to i32
      %cond3A_342 = arith.constant 0 : i32
      %cond3A_343 = arith.cmpi ne, %convert_element_type3A_341, %cond3A_342 : i32
      scf.if %cond3A_343 {
        %mul3A_498 = arith.constant 40 : i32
        %mul3A_499 = arith.muli %add3A_338, %mul3A_498 : i32
        %multiple_of3A_500 = tpu.assume_multiple %mul3A_499, 8 : i32
        %dma_start3A_501 = arith.constant 0 : i32
        %dma_start3A_502 = tpu.memref_slice %arg6[%multiple_of3A_500, %dma_start3A_501] : memref<10000x128xf32, #tpu.memory_space<hbm>> -> memref<40x128xf32, #tpu.memory_space<hbm>>
        %dma_start3A_503 = arith.constant 0 : i32
        %dma_start3A_504 = tpu.memref_slice %arg39[%multiple_of3A_500, %dma_start3A_503] : memref<10000x128xf32, #tpu.memory_space<vmem_shared>> -> memref<40x128xf32, #tpu.memory_space<vmem_shared>>
        tpu.enqueue_dma source(%dma_start3A_504 : memref<40x128xf32, #tpu.memory_space<vmem_shared>>) target(%dma_start3A_502 : memref<40x128xf32, #tpu.memory_space<hbm>>) target_semaphore(%arg13 : memref<!tpu.dma_semaphore, #tpu.memory_space<semaphore_mem>>)
      } else {
      }
      %add3A_344 = arith.constant 160 : i32
      %add3A_345 = arith.addi %add3A_344, %arg1 : i32
      %lt3A_346 = arith.constant 250 : i32
      %lt3A_347 = arith.cmpi slt, %add3A_345, %lt3A_346 : i32
      %convert_element_type3A_348 = arith.extui %lt3A_347 : i1 to i32
      %cond3A_349 = arith.constant 0 : i32
      %cond3A_350 = arith.cmpi ne, %convert_element_type3A_348, %cond3A_349 : i32
      scf.if %cond3A_350 {
        %mul3A_498 = arith.constant 40 : i32
        %mul3A_499 = arith.muli %add3A_345, %mul3A_498 : i32
        %multiple_of3A_500 = tpu.assume_multiple %mul3A_499, 8 : i32
        %dma_start3A_501 = arith.constant 0 : i32
        %dma_start3A_502 = tpu.memref_slice %arg6[%multiple_of3A_500, %dma_start3A_501] : memref<10000x128xf32, #tpu.memory_space<hbm>> -> memref<40x128xf32, #tpu.memory_space<hbm>>
        %dma_start3A_503 = arith.constant 0 : i32
        %dma_start3A_504 = tpu.memref_slice %arg39[%multiple_of3A_500, %dma_start3A_503] : memref<10000x128xf32, #tpu.memory_space<vmem_shared>> -> memref<40x128xf32, #tpu.memory_space<vmem_shared>>
        tpu.enqueue_dma source(%dma_start3A_504 : memref<40x128xf32, #tpu.memory_space<vmem_shared>>) target(%dma_start3A_502 : memref<40x128xf32, #tpu.memory_space<hbm>>) target_semaphore(%arg13 : memref<!tpu.dma_semaphore, #tpu.memory_space<semaphore_mem>>)
      } else {
      }
      %add3A_351 = arith.constant 176 : i32
      %add3A_352 = arith.addi %add3A_351, %arg1 : i32
      %lt3A_353 = arith.constant 250 : i32
      %lt3A_354 = arith.cmpi slt, %add3A_352, %lt3A_353 : i32
      %convert_element_type3A_355 = arith.extui %lt3A_354 : i1 to i32
      %cond3A_356 = arith.constant 0 : i32
      %cond3A_357 = arith.cmpi ne, %convert_element_type3A_355, %cond3A_356 : i32
      scf.if %cond3A_357 {
        %mul3A_498 = arith.constant 40 : i32
        %mul3A_499 = arith.muli %add3A_352, %mul3A_498 : i32
        %multiple_of3A_500 = tpu.assume_multiple %mul3A_499, 8 : i32
        %dma_start3A_501 = arith.constant 0 : i32
        %dma_start3A_502 = tpu.memref_slice %arg6[%multiple_of3A_500, %dma_start3A_501] : memref<10000x128xf32, #tpu.memory_space<hbm>> -> memref<40x128xf32, #tpu.memory_space<hbm>>
        %dma_start3A_503 = arith.constant 0 : i32
        %dma_start3A_504 = tpu.memref_slice %arg39[%multiple_of3A_500, %dma_start3A_503] : memref<10000x128xf32, #tpu.memory_space<vmem_shared>> -> memref<40x128xf32, #tpu.memory_space<vmem_shared>>
        tpu.enqueue_dma source(%dma_start3A_504 : memref<40x128xf32, #tpu.memory_space<vmem_shared>>) target(%dma_start3A_502 : memref<40x128xf32, #tpu.memory_space<hbm>>) target_semaphore(%arg13 : memref<!tpu.dma_semaphore, #tpu.memory_space<semaphore_mem>>)
      } else {
      }
      %add3A_358 = arith.constant 192 : i32
      %add3A_359 = arith.addi %add3A_358, %arg1 : i32
      %lt3A_360 = arith.constant 250 : i32
      %lt3A_361 = arith.cmpi slt, %add3A_359, %lt3A_360 : i32
      %convert_element_type3A_362 = arith.extui %lt3A_361 : i1 to i32
      %cond3A_363 = arith.constant 0 : i32
      %cond3A_364 = arith.cmpi ne, %convert_element_type3A_362, %cond3A_363 : i32
      scf.if %cond3A_364 {
        %mul3A_498 = arith.constant 40 : i32
        %mul3A_499 = arith.muli %add3A_359, %mul3A_498 : i32
        %multiple_of3A_500 = tpu.assume_multiple %mul3A_499, 8 : i32
        %dma_start3A_501 = arith.constant 0 : i32
        %dma_start3A_502 = tpu.memref_slice %arg6[%multiple_of3A_500, %dma_start3A_501] : memref<10000x128xf32, #tpu.memory_space<hbm>> -> memref<40x128xf32, #tpu.memory_space<hbm>>
        %dma_start3A_503 = arith.constant 0 : i32
        %dma_start3A_504 = tpu.memref_slice %arg39[%multiple_of3A_500, %dma_start3A_503] : memref<10000x128xf32, #tpu.memory_space<vmem_shared>> -> memref<40x128xf32, #tpu.memory_space<vmem_shared>>
        tpu.enqueue_dma source(%dma_start3A_504 : memref<40x128xf32, #tpu.memory_space<vmem_shared>>) target(%dma_start3A_502 : memref<40x128xf32, #tpu.memory_space<hbm>>) target_semaphore(%arg13 : memref<!tpu.dma_semaphore, #tpu.memory_space<semaphore_mem>>)
      } else {
      }
      %add3A_365 = arith.constant 208 : i32
      %add3A_366 = arith.addi %add3A_365, %arg1 : i32
      %lt3A_367 = arith.constant 250 : i32
      %lt3A_368 = arith.cmpi slt, %add3A_366, %lt3A_367 : i32
      %convert_element_type3A_369 = arith.extui %lt3A_368 : i1 to i32
      %cond3A_370 = arith.constant 0 : i32
      %cond3A_371 = arith.cmpi ne, %convert_element_type3A_369, %cond3A_370 : i32
      scf.if %cond3A_371 {
        %mul3A_498 = arith.constant 40 : i32
        %mul3A_499 = arith.muli %add3A_366, %mul3A_498 : i32
        %multiple_of3A_500 = tpu.assume_multiple %mul3A_499, 8 : i32
        %dma_start3A_501 = arith.constant 0 : i32
        %dma_start3A_502 = tpu.memref_slice %arg6[%multiple_of3A_500, %dma_start3A_501] : memref<10000x128xf32, #tpu.memory_space<hbm>> -> memref<40x128xf32, #tpu.memory_space<hbm>>
        %dma_start3A_503 = arith.constant 0 : i32
        %dma_start3A_504 = tpu.memref_slice %arg39[%multiple_of3A_500, %dma_start3A_503] : memref<10000x128xf32, #tpu.memory_space<vmem_shared>> -> memref<40x128xf32, #tpu.memory_space<vmem_shared>>
        tpu.enqueue_dma source(%dma_start3A_504 : memref<40x128xf32, #tpu.memory_space<vmem_shared>>) target(%dma_start3A_502 : memref<40x128xf32, #tpu.memory_space<hbm>>) target_semaphore(%arg13 : memref<!tpu.dma_semaphore, #tpu.memory_space<semaphore_mem>>)
      } else {
      }
      %add3A_372 = arith.constant 224 : i32
      %add3A_373 = arith.addi %add3A_372, %arg1 : i32
      %lt3A_374 = arith.constant 250 : i32
      %lt3A_375 = arith.cmpi slt, %add3A_373, %lt3A_374 : i32
      %convert_element_type3A_376 = arith.extui %lt3A_375 : i1 to i32
      %cond3A_377 = arith.constant 0 : i32
      %cond3A_378 = arith.cmpi ne, %convert_element_type3A_376, %cond3A_377 : i32
      scf.if %cond3A_378 {
        %mul3A_498 = arith.constant 40 : i32
        %mul3A_499 = arith.muli %add3A_373, %mul3A_498 : i32
        %multiple_of3A_500 = tpu.assume_multiple %mul3A_499, 8 : i32
        %dma_start3A_501 = arith.constant 0 : i32
        %dma_start3A_502 = tpu.memref_slice %arg6[%multiple_of3A_500, %dma_start3A_501] : memref<10000x128xf32, #tpu.memory_space<hbm>> -> memref<40x128xf32, #tpu.memory_space<hbm>>
        %dma_start3A_503 = arith.constant 0 : i32
        %dma_start3A_504 = tpu.memref_slice %arg39[%multiple_of3A_500, %dma_start3A_503] : memref<10000x128xf32, #tpu.memory_space<vmem_shared>> -> memref<40x128xf32, #tpu.memory_space<vmem_shared>>
        tpu.enqueue_dma source(%dma_start3A_504 : memref<40x128xf32, #tpu.memory_space<vmem_shared>>) target(%dma_start3A_502 : memref<40x128xf32, #tpu.memory_space<hbm>>) target_semaphore(%arg13 : memref<!tpu.dma_semaphore, #tpu.memory_space<semaphore_mem>>)
      } else {
      }
      %add3A_379 = arith.constant 240 : i32
      %add3A_380 = arith.addi %add3A_379, %arg1 : i32
      %lt3A_381 = arith.constant 250 : i32
      %lt3A_382 = arith.cmpi slt, %add3A_380, %lt3A_381 : i32
      %convert_element_type3A_383 = arith.extui %lt3A_382 : i1 to i32
      %cond3A_384 = arith.constant 0 : i32
      %cond3A_385 = arith.cmpi ne, %convert_element_type3A_383, %cond3A_384 : i32
      scf.if %cond3A_385 {
        %mul3A_498 = arith.constant 40 : i32
        %mul3A_499 = arith.muli %add3A_380, %mul3A_498 : i32
        %multiple_of3A_500 = tpu.assume_multiple %mul3A_499, 8 : i32
        %dma_start3A_501 = arith.constant 0 : i32
        %dma_start3A_502 = tpu.memref_slice %arg6[%multiple_of3A_500, %dma_start3A_501] : memref<10000x128xf32, #tpu.memory_space<hbm>> -> memref<40x128xf32, #tpu.memory_space<hbm>>
        %dma_start3A_503 = arith.constant 0 : i32
        %dma_start3A_504 = tpu.memref_slice %arg39[%multiple_of3A_500, %dma_start3A_503] : memref<10000x128xf32, #tpu.memory_space<vmem_shared>> -> memref<40x128xf32, #tpu.memory_space<vmem_shared>>
        tpu.enqueue_dma source(%dma_start3A_504 : memref<40x128xf32, #tpu.memory_space<vmem_shared>>) target(%dma_start3A_502 : memref<40x128xf32, #tpu.memory_space<hbm>>) target_semaphore(%arg13 : memref<!tpu.dma_semaphore, #tpu.memory_space<semaphore_mem>>)
      } else {
      }
      %add3A_386 = arith.constant 0 : i32
      %add3A_387 = arith.addi %add3A_386, %arg1 : i32
      %lt3A_388 = arith.constant 250 : i32
      %lt3A_389 = arith.cmpi slt, %add3A_387, %lt3A_388 : i32
      %convert_element_type3A_390 = arith.extui %lt3A_389 : i1 to i32
      %cond3A_391 = arith.constant 0 : i32
      %cond3A_392 = arith.cmpi ne, %convert_element_type3A_390, %cond3A_391 : i32
      scf.if %cond3A_392 {
        %mul3A_498 = arith.constant 40 : i32
        %mul3A_499 = arith.muli %add3A_387, %mul3A_498 : i32
        %multiple_of3A_500 = tpu.assume_multiple %mul3A_499, 8 : i32
        %dma_wait3A = arith.constant 0 : i32
        %dma_wait3A_501 = tpu.memref_slice %arg6[%multiple_of3A_500, %dma_wait3A] : memref<10000x128xf32, #tpu.memory_space<hbm>> -> memref<40x128xf32, #tpu.memory_space<hbm>>
        %dma_wait3A_502 = arith.constant 0 : i32
        %dma_wait3A_503 = tpu.memref_slice %arg39[%multiple_of3A_500, %dma_wait3A_502] : memref<10000x128xf32, #tpu.memory_space<vmem_shared>> -> memref<40x128xf32, #tpu.memory_space<vmem_shared>>
        tpu.wait_dma2 semaphore(%arg13 : memref<!tpu.dma_semaphore, #tpu.memory_space<semaphore_mem>>) src(%dma_wait3A_503 : memref<40x128xf32, #tpu.memory_space<vmem_shared>>) dst(%dma_wait3A_501 : memref<40x128xf32, #tpu.memory_space<hbm>>)
      } else {
      }
      %add3A_393 = arith.constant 16 : i32
      %add3A_394 = arith.addi %add3A_393, %arg1 : i32
      %lt3A_395 = arith.constant 250 : i32
      %lt3A_396 = arith.cmpi slt, %add3A_394, %lt3A_395 : i32
      %convert_element_type3A_397 = arith.extui %lt3A_396 : i1 to i32
      %cond3A_398 = arith.constant 0 : i32
      %cond3A_399 = arith.cmpi ne, %convert_element_type3A_397, %cond3A_398 : i32
      scf.if %cond3A_399 {
        %mul3A_498 = arith.constant 40 : i32
        %mul3A_499 = arith.muli %add3A_394, %mul3A_498 : i32
        %multiple_of3A_500 = tpu.assume_multiple %mul3A_499, 8 : i32
        %dma_wait3A = arith.constant 0 : i32
        %dma_wait3A_501 = tpu.memref_slice %arg6[%multiple_of3A_500, %dma_wait3A] : memref<10000x128xf32, #tpu.memory_space<hbm>> -> memref<40x128xf32, #tpu.memory_space<hbm>>
        %dma_wait3A_502 = arith.constant 0 : i32
        %dma_wait3A_503 = tpu.memref_slice %arg39[%multiple_of3A_500, %dma_wait3A_502] : memref<10000x128xf32, #tpu.memory_space<vmem_shared>> -> memref<40x128xf32, #tpu.memory_space<vmem_shared>>
        tpu.wait_dma2 semaphore(%arg13 : memref<!tpu.dma_semaphore, #tpu.memory_space<semaphore_mem>>) src(%dma_wait3A_503 : memref<40x128xf32, #tpu.memory_space<vmem_shared>>) dst(%dma_wait3A_501 : memref<40x128xf32, #tpu.memory_space<hbm>>)
      } else {
      }
      %add3A_400 = arith.constant 32 : i32
      %add3A_401 = arith.addi %add3A_400, %arg1 : i32
      %lt3A_402 = arith.constant 250 : i32
      %lt3A_403 = arith.cmpi slt, %add3A_401, %lt3A_402 : i32
      %convert_element_type3A_404 = arith.extui %lt3A_403 : i1 to i32
      %cond3A_405 = arith.constant 0 : i32
      %cond3A_406 = arith.cmpi ne, %convert_element_type3A_404, %cond3A_405 : i32
      scf.if %cond3A_406 {
        %mul3A_498 = arith.constant 40 : i32
        %mul3A_499 = arith.muli %add3A_401, %mul3A_498 : i32
        %multiple_of3A_500 = tpu.assume_multiple %mul3A_499, 8 : i32
        %dma_wait3A = arith.constant 0 : i32
        %dma_wait3A_501 = tpu.memref_slice %arg6[%multiple_of3A_500, %dma_wait3A] : memref<10000x128xf32, #tpu.memory_space<hbm>> -> memref<40x128xf32, #tpu.memory_space<hbm>>
        %dma_wait3A_502 = arith.constant 0 : i32
        %dma_wait3A_503 = tpu.memref_slice %arg39[%multiple_of3A_500, %dma_wait3A_502] : memref<10000x128xf32, #tpu.memory_space<vmem_shared>> -> memref<40x128xf32, #tpu.memory_space<vmem_shared>>
        tpu.wait_dma2 semaphore(%arg13 : memref<!tpu.dma_semaphore, #tpu.memory_space<semaphore_mem>>) src(%dma_wait3A_503 : memref<40x128xf32, #tpu.memory_space<vmem_shared>>) dst(%dma_wait3A_501 : memref<40x128xf32, #tpu.memory_space<hbm>>)
      } else {
      }
      %add3A_407 = arith.constant 48 : i32
      %add3A_408 = arith.addi %add3A_407, %arg1 : i32
      %lt3A_409 = arith.constant 250 : i32
      %lt3A_410 = arith.cmpi slt, %add3A_408, %lt3A_409 : i32
      %convert_element_type3A_411 = arith.extui %lt3A_410 : i1 to i32
      %cond3A_412 = arith.constant 0 : i32
      %cond3A_413 = arith.cmpi ne, %convert_element_type3A_411, %cond3A_412 : i32
      scf.if %cond3A_413 {
        %mul3A_498 = arith.constant 40 : i32
        %mul3A_499 = arith.muli %add3A_408, %mul3A_498 : i32
        %multiple_of3A_500 = tpu.assume_multiple %mul3A_499, 8 : i32
        %dma_wait3A = arith.constant 0 : i32
        %dma_wait3A_501 = tpu.memref_slice %arg6[%multiple_of3A_500, %dma_wait3A] : memref<10000x128xf32, #tpu.memory_space<hbm>> -> memref<40x128xf32, #tpu.memory_space<hbm>>
        %dma_wait3A_502 = arith.constant 0 : i32
        %dma_wait3A_503 = tpu.memref_slice %arg39[%multiple_of3A_500, %dma_wait3A_502] : memref<10000x128xf32, #tpu.memory_space<vmem_shared>> -> memref<40x128xf32, #tpu.memory_space<vmem_shared>>
        tpu.wait_dma2 semaphore(%arg13 : memref<!tpu.dma_semaphore, #tpu.memory_space<semaphore_mem>>) src(%dma_wait3A_503 : memref<40x128xf32, #tpu.memory_space<vmem_shared>>) dst(%dma_wait3A_501 : memref<40x128xf32, #tpu.memory_space<hbm>>)
      } else {
      }
      %add3A_414 = arith.constant 64 : i32
      %add3A_415 = arith.addi %add3A_414, %arg1 : i32
      %lt3A_416 = arith.constant 250 : i32
      %lt3A_417 = arith.cmpi slt, %add3A_415, %lt3A_416 : i32
      %convert_element_type3A_418 = arith.extui %lt3A_417 : i1 to i32
      %cond3A_419 = arith.constant 0 : i32
      %cond3A_420 = arith.cmpi ne, %convert_element_type3A_418, %cond3A_419 : i32
      scf.if %cond3A_420 {
        %mul3A_498 = arith.constant 40 : i32
        %mul3A_499 = arith.muli %add3A_415, %mul3A_498 : i32
        %multiple_of3A_500 = tpu.assume_multiple %mul3A_499, 8 : i32
        %dma_wait3A = arith.constant 0 : i32
        %dma_wait3A_501 = tpu.memref_slice %arg6[%multiple_of3A_500, %dma_wait3A] : memref<10000x128xf32, #tpu.memory_space<hbm>> -> memref<40x128xf32, #tpu.memory_space<hbm>>
        %dma_wait3A_502 = arith.constant 0 : i32
        %dma_wait3A_503 = tpu.memref_slice %arg39[%multiple_of3A_500, %dma_wait3A_502] : memref<10000x128xf32, #tpu.memory_space<vmem_shared>> -> memref<40x128xf32, #tpu.memory_space<vmem_shared>>
        tpu.wait_dma2 semaphore(%arg13 : memref<!tpu.dma_semaphore, #tpu.memory_space<semaphore_mem>>) src(%dma_wait3A_503 : memref<40x128xf32, #tpu.memory_space<vmem_shared>>) dst(%dma_wait3A_501 : memref<40x128xf32, #tpu.memory_space<hbm>>)
      } else {
      }
      %add3A_421 = arith.constant 80 : i32
      %add3A_422 = arith.addi %add3A_421, %arg1 : i32
      %lt3A_423 = arith.constant 250 : i32
      %lt3A_424 = arith.cmpi slt, %add3A_422, %lt3A_423 : i32
      %convert_element_type3A_425 = arith.extui %lt3A_424 : i1 to i32
      %cond3A_426 = arith.constant 0 : i32
      %cond3A_427 = arith.cmpi ne, %convert_element_type3A_425, %cond3A_426 : i32
      scf.if %cond3A_427 {
        %mul3A_498 = arith.constant 40 : i32
        %mul3A_499 = arith.muli %add3A_422, %mul3A_498 : i32
        %multiple_of3A_500 = tpu.assume_multiple %mul3A_499, 8 : i32
        %dma_wait3A = arith.constant 0 : i32
        %dma_wait3A_501 = tpu.memref_slice %arg6[%multiple_of3A_500, %dma_wait3A] : memref<10000x128xf32, #tpu.memory_space<hbm>> -> memref<40x128xf32, #tpu.memory_space<hbm>>
        %dma_wait3A_502 = arith.constant 0 : i32
        %dma_wait3A_503 = tpu.memref_slice %arg39[%multiple_of3A_500, %dma_wait3A_502] : memref<10000x128xf32, #tpu.memory_space<vmem_shared>> -> memref<40x128xf32, #tpu.memory_space<vmem_shared>>
        tpu.wait_dma2 semaphore(%arg13 : memref<!tpu.dma_semaphore, #tpu.memory_space<semaphore_mem>>) src(%dma_wait3A_503 : memref<40x128xf32, #tpu.memory_space<vmem_shared>>) dst(%dma_wait3A_501 : memref<40x128xf32, #tpu.memory_space<hbm>>)
      } else {
      }
      %add3A_428 = arith.constant 96 : i32
      %add3A_429 = arith.addi %add3A_428, %arg1 : i32
      %lt3A_430 = arith.constant 250 : i32
      %lt3A_431 = arith.cmpi slt, %add3A_429, %lt3A_430 : i32
      %convert_element_type3A_432 = arith.extui %lt3A_431 : i1 to i32
      %cond3A_433 = arith.constant 0 : i32
      %cond3A_434 = arith.cmpi ne, %convert_element_type3A_432, %cond3A_433 : i32
      scf.if %cond3A_434 {
        %mul3A_498 = arith.constant 40 : i32
        %mul3A_499 = arith.muli %add3A_429, %mul3A_498 : i32
        %multiple_of3A_500 = tpu.assume_multiple %mul3A_499, 8 : i32
        %dma_wait3A = arith.constant 0 : i32
        %dma_wait3A_501 = tpu.memref_slice %arg6[%multiple_of3A_500, %dma_wait3A] : memref<10000x128xf32, #tpu.memory_space<hbm>> -> memref<40x128xf32, #tpu.memory_space<hbm>>
        %dma_wait3A_502 = arith.constant 0 : i32
        %dma_wait3A_503 = tpu.memref_slice %arg39[%multiple_of3A_500, %dma_wait3A_502] : memref<10000x128xf32, #tpu.memory_space<vmem_shared>> -> memref<40x128xf32, #tpu.memory_space<vmem_shared>>
        tpu.wait_dma2 semaphore(%arg13 : memref<!tpu.dma_semaphore, #tpu.memory_space<semaphore_mem>>) src(%dma_wait3A_503 : memref<40x128xf32, #tpu.memory_space<vmem_shared>>) dst(%dma_wait3A_501 : memref<40x128xf32, #tpu.memory_space<hbm>>)
      } else {
      }
      %add3A_435 = arith.constant 112 : i32
      %add3A_436 = arith.addi %add3A_435, %arg1 : i32
      %lt3A_437 = arith.constant 250 : i32
      %lt3A_438 = arith.cmpi slt, %add3A_436, %lt3A_437 : i32
      %convert_element_type3A_439 = arith.extui %lt3A_438 : i1 to i32
      %cond3A_440 = arith.constant 0 : i32
      %cond3A_441 = arith.cmpi ne, %convert_element_type3A_439, %cond3A_440 : i32
      scf.if %cond3A_441 {
        %mul3A_498 = arith.constant 40 : i32
        %mul3A_499 = arith.muli %add3A_436, %mul3A_498 : i32
        %multiple_of3A_500 = tpu.assume_multiple %mul3A_499, 8 : i32
        %dma_wait3A = arith.constant 0 : i32
        %dma_wait3A_501 = tpu.memref_slice %arg6[%multiple_of3A_500, %dma_wait3A] : memref<10000x128xf32, #tpu.memory_space<hbm>> -> memref<40x128xf32, #tpu.memory_space<hbm>>
        %dma_wait3A_502 = arith.constant 0 : i32
        %dma_wait3A_503 = tpu.memref_slice %arg39[%multiple_of3A_500, %dma_wait3A_502] : memref<10000x128xf32, #tpu.memory_space<vmem_shared>> -> memref<40x128xf32, #tpu.memory_space<vmem_shared>>
        tpu.wait_dma2 semaphore(%arg13 : memref<!tpu.dma_semaphore, #tpu.memory_space<semaphore_mem>>) src(%dma_wait3A_503 : memref<40x128xf32, #tpu.memory_space<vmem_shared>>) dst(%dma_wait3A_501 : memref<40x128xf32, #tpu.memory_space<hbm>>)
      } else {
      }
      %add3A_442 = arith.constant 128 : i32
      %add3A_443 = arith.addi %add3A_442, %arg1 : i32
      %lt3A_444 = arith.constant 250 : i32
      %lt3A_445 = arith.cmpi slt, %add3A_443, %lt3A_444 : i32
      %convert_element_type3A_446 = arith.extui %lt3A_445 : i1 to i32
      %cond3A_447 = arith.constant 0 : i32
      %cond3A_448 = arith.cmpi ne, %convert_element_type3A_446, %cond3A_447 : i32
      scf.if %cond3A_448 {
        %mul3A_498 = arith.constant 40 : i32
        %mul3A_499 = arith.muli %add3A_443, %mul3A_498 : i32
        %multiple_of3A_500 = tpu.assume_multiple %mul3A_499, 8 : i32
        %dma_wait3A = arith.constant 0 : i32
        %dma_wait3A_501 = tpu.memref_slice %arg6[%multiple_of3A_500, %dma_wait3A] : memref<10000x128xf32, #tpu.memory_space<hbm>> -> memref<40x128xf32, #tpu.memory_space<hbm>>
        %dma_wait3A_502 = arith.constant 0 : i32
        %dma_wait3A_503 = tpu.memref_slice %arg39[%multiple_of3A_500, %dma_wait3A_502] : memref<10000x128xf32, #tpu.memory_space<vmem_shared>> -> memref<40x128xf32, #tpu.memory_space<vmem_shared>>
        tpu.wait_dma2 semaphore(%arg13 : memref<!tpu.dma_semaphore, #tpu.memory_space<semaphore_mem>>) src(%dma_wait3A_503 : memref<40x128xf32, #tpu.memory_space<vmem_shared>>) dst(%dma_wait3A_501 : memref<40x128xf32, #tpu.memory_space<hbm>>)
      } else {
      }
      %add3A_449 = arith.constant 144 : i32
      %add3A_450 = arith.addi %add3A_449, %arg1 : i32
      %lt3A_451 = arith.constant 250 : i32
      %lt3A_452 = arith.cmpi slt, %add3A_450, %lt3A_451 : i32
      %convert_element_type3A_453 = arith.extui %lt3A_452 : i1 to i32
      %cond3A_454 = arith.constant 0 : i32
      %cond3A_455 = arith.cmpi ne, %convert_element_type3A_453, %cond3A_454 : i32
      scf.if %cond3A_455 {
        %mul3A_498 = arith.constant 40 : i32
        %mul3A_499 = arith.muli %add3A_450, %mul3A_498 : i32
        %multiple_of3A_500 = tpu.assume_multiple %mul3A_499, 8 : i32
        %dma_wait3A = arith.constant 0 : i32
        %dma_wait3A_501 = tpu.memref_slice %arg6[%multiple_of3A_500, %dma_wait3A] : memref<10000x128xf32, #tpu.memory_space<hbm>> -> memref<40x128xf32, #tpu.memory_space<hbm>>
        %dma_wait3A_502 = arith.constant 0 : i32
        %dma_wait3A_503 = tpu.memref_slice %arg39[%multiple_of3A_500, %dma_wait3A_502] : memref<10000x128xf32, #tpu.memory_space<vmem_shared>> -> memref<40x128xf32, #tpu.memory_space<vmem_shared>>
        tpu.wait_dma2 semaphore(%arg13 : memref<!tpu.dma_semaphore, #tpu.memory_space<semaphore_mem>>) src(%dma_wait3A_503 : memref<40x128xf32, #tpu.memory_space<vmem_shared>>) dst(%dma_wait3A_501 : memref<40x128xf32, #tpu.memory_space<hbm>>)
      } else {
      }
      %add3A_456 = arith.constant 160 : i32
      %add3A_457 = arith.addi %add3A_456, %arg1 : i32
      %lt3A_458 = arith.constant 250 : i32
      %lt3A_459 = arith.cmpi slt, %add3A_457, %lt3A_458 : i32
      %convert_element_type3A_460 = arith.extui %lt3A_459 : i1 to i32
      %cond3A_461 = arith.constant 0 : i32
      %cond3A_462 = arith.cmpi ne, %convert_element_type3A_460, %cond3A_461 : i32
      scf.if %cond3A_462 {
        %mul3A_498 = arith.constant 40 : i32
        %mul3A_499 = arith.muli %add3A_457, %mul3A_498 : i32
        %multiple_of3A_500 = tpu.assume_multiple %mul3A_499, 8 : i32
        %dma_wait3A = arith.constant 0 : i32
        %dma_wait3A_501 = tpu.memref_slice %arg6[%multiple_of3A_500, %dma_wait3A] : memref<10000x128xf32, #tpu.memory_space<hbm>> -> memref<40x128xf32, #tpu.memory_space<hbm>>
        %dma_wait3A_502 = arith.constant 0 : i32
        %dma_wait3A_503 = tpu.memref_slice %arg39[%multiple_of3A_500, %dma_wait3A_502] : memref<10000x128xf32, #tpu.memory_space<vmem_shared>> -> memref<40x128xf32, #tpu.memory_space<vmem_shared>>
        tpu.wait_dma2 semaphore(%arg13 : memref<!tpu.dma_semaphore, #tpu.memory_space<semaphore_mem>>) src(%dma_wait3A_503 : memref<40x128xf32, #tpu.memory_space<vmem_shared>>) dst(%dma_wait3A_501 : memref<40x128xf32, #tpu.memory_space<hbm>>)
      } else {
      }
      %add3A_463 = arith.constant 176 : i32
      %add3A_464 = arith.addi %add3A_463, %arg1 : i32
      %lt3A_465 = arith.constant 250 : i32
      %lt3A_466 = arith.cmpi slt, %add3A_464, %lt3A_465 : i32
      %convert_element_type3A_467 = arith.extui %lt3A_466 : i1 to i32
      %cond3A_468 = arith.constant 0 : i32
      %cond3A_469 = arith.cmpi ne, %convert_element_type3A_467, %cond3A_468 : i32
      scf.if %cond3A_469 {
        %mul3A_498 = arith.constant 40 : i32
        %mul3A_499 = arith.muli %add3A_464, %mul3A_498 : i32
        %multiple_of3A_500 = tpu.assume_multiple %mul3A_499, 8 : i32
        %dma_wait3A = arith.constant 0 : i32
        %dma_wait3A_501 = tpu.memref_slice %arg6[%multiple_of3A_500, %dma_wait3A] : memref<10000x128xf32, #tpu.memory_space<hbm>> -> memref<40x128xf32, #tpu.memory_space<hbm>>
        %dma_wait3A_502 = arith.constant 0 : i32
        %dma_wait3A_503 = tpu.memref_slice %arg39[%multiple_of3A_500, %dma_wait3A_502] : memref<10000x128xf32, #tpu.memory_space<vmem_shared>> -> memref<40x128xf32, #tpu.memory_space<vmem_shared>>
        tpu.wait_dma2 semaphore(%arg13 : memref<!tpu.dma_semaphore, #tpu.memory_space<semaphore_mem>>) src(%dma_wait3A_503 : memref<40x128xf32, #tpu.memory_space<vmem_shared>>) dst(%dma_wait3A_501 : memref<40x128xf32, #tpu.memory_space<hbm>>)
      } else {
      }
      %add3A_470 = arith.constant 192 : i32
      %add3A_471 = arith.addi %add3A_470, %arg1 : i32
      %lt3A_472 = arith.constant 250 : i32
      %lt3A_473 = arith.cmpi slt, %add3A_471, %lt3A_472 : i32
      %convert_element_type3A_474 = arith.extui %lt3A_473 : i1 to i32
      %cond3A_475 = arith.constant 0 : i32
      %cond3A_476 = arith.cmpi ne, %convert_element_type3A_474, %cond3A_475 : i32
      scf.if %cond3A_476 {
        %mul3A_498 = arith.constant 40 : i32
        %mul3A_499 = arith.muli %add3A_471, %mul3A_498 : i32
        %multiple_of3A_500 = tpu.assume_multiple %mul3A_499, 8 : i32
        %dma_wait3A = arith.constant 0 : i32
        %dma_wait3A_501 = tpu.memref_slice %arg6[%multiple_of3A_500, %dma_wait3A] : memref<10000x128xf32, #tpu.memory_space<hbm>> -> memref<40x128xf32, #tpu.memory_space<hbm>>
        %dma_wait3A_502 = arith.constant 0 : i32
        %dma_wait3A_503 = tpu.memref_slice %arg39[%multiple_of3A_500, %dma_wait3A_502] : memref<10000x128xf32, #tpu.memory_space<vmem_shared>> -> memref<40x128xf32, #tpu.memory_space<vmem_shared>>
        tpu.wait_dma2 semaphore(%arg13 : memref<!tpu.dma_semaphore, #tpu.memory_space<semaphore_mem>>) src(%dma_wait3A_503 : memref<40x128xf32, #tpu.memory_space<vmem_shared>>) dst(%dma_wait3A_501 : memref<40x128xf32, #tpu.memory_space<hbm>>)
      } else {
      }
      %add3A_477 = arith.constant 208 : i32
      %add3A_478 = arith.addi %add3A_477, %arg1 : i32
      %lt3A_479 = arith.constant 250 : i32
      %lt3A_480 = arith.cmpi slt, %add3A_478, %lt3A_479 : i32
      %convert_element_type3A_481 = arith.extui %lt3A_480 : i1 to i32
      %cond3A_482 = arith.constant 0 : i32
      %cond3A_483 = arith.cmpi ne, %convert_element_type3A_481, %cond3A_482 : i32
      scf.if %cond3A_483 {
        %mul3A_498 = arith.constant 40 : i32
        %mul3A_499 = arith.muli %add3A_478, %mul3A_498 : i32
        %multiple_of3A_500 = tpu.assume_multiple %mul3A_499, 8 : i32
        %dma_wait3A = arith.constant 0 : i32
        %dma_wait3A_501 = tpu.memref_slice %arg6[%multiple_of3A_500, %dma_wait3A] : memref<10000x128xf32, #tpu.memory_space<hbm>> -> memref<40x128xf32, #tpu.memory_space<hbm>>
        %dma_wait3A_502 = arith.constant 0 : i32
        %dma_wait3A_503 = tpu.memref_slice %arg39[%multiple_of3A_500, %dma_wait3A_502] : memref<10000x128xf32, #tpu.memory_space<vmem_shared>> -> memref<40x128xf32, #tpu.memory_space<vmem_shared>>
        tpu.wait_dma2 semaphore(%arg13 : memref<!tpu.dma_semaphore, #tpu.memory_space<semaphore_mem>>) src(%dma_wait3A_503 : memref<40x128xf32, #tpu.memory_space<vmem_shared>>) dst(%dma_wait3A_501 : memref<40x128xf32, #tpu.memory_space<hbm>>)
      } else {
      }
      %add3A_484 = arith.constant 224 : i32
      %add3A_485 = arith.addi %add3A_484, %arg1 : i32
      %lt3A_486 = arith.constant 250 : i32
      %lt3A_487 = arith.cmpi slt, %add3A_485, %lt3A_486 : i32
      %convert_element_type3A_488 = arith.extui %lt3A_487 : i1 to i32
      %cond3A_489 = arith.constant 0 : i32
      %cond3A_490 = arith.cmpi ne, %convert_element_type3A_488, %cond3A_489 : i32
      scf.if %cond3A_490 {
        %mul3A_498 = arith.constant 40 : i32
        %mul3A_499 = arith.muli %add3A_485, %mul3A_498 : i32
        %multiple_of3A_500 = tpu.assume_multiple %mul3A_499, 8 : i32
        %dma_wait3A = arith.constant 0 : i32
        %dma_wait3A_501 = tpu.memref_slice %arg6[%multiple_of3A_500, %dma_wait3A] : memref<10000x128xf32, #tpu.memory_space<hbm>> -> memref<40x128xf32, #tpu.memory_space<hbm>>
        %dma_wait3A_502 = arith.constant 0 : i32
        %dma_wait3A_503 = tpu.memref_slice %arg39[%multiple_of3A_500, %dma_wait3A_502] : memref<10000x128xf32, #tpu.memory_space<vmem_shared>> -> memref<40x128xf32, #tpu.memory_space<vmem_shared>>
        tpu.wait_dma2 semaphore(%arg13 : memref<!tpu.dma_semaphore, #tpu.memory_space<semaphore_mem>>) src(%dma_wait3A_503 : memref<40x128xf32, #tpu.memory_space<vmem_shared>>) dst(%dma_wait3A_501 : memref<40x128xf32, #tpu.memory_space<hbm>>)
      } else {
      }
      %add3A_491 = arith.constant 240 : i32
      %add3A_492 = arith.addi %add3A_491, %arg1 : i32
      %lt3A_493 = arith.constant 250 : i32
      %lt3A_494 = arith.cmpi slt, %add3A_492, %lt3A_493 : i32
      %convert_element_type3A_495 = arith.extui %lt3A_494 : i1 to i32
      %cond3A_496 = arith.constant 0 : i32
      %cond3A_497 = arith.cmpi ne, %convert_element_type3A_495, %cond3A_496 : i32
      scf.if %cond3A_497 {
        %mul3A_498 = arith.constant 40 : i32
        %mul3A_499 = arith.muli %add3A_492, %mul3A_498 : i32
        %multiple_of3A_500 = tpu.assume_multiple %mul3A_499, 8 : i32
        %dma_wait3A = arith.constant 0 : i32
        %dma_wait3A_501 = tpu.memref_slice %arg6[%multiple_of3A_500, %dma_wait3A] : memref<10000x128xf32, #tpu.memory_space<hbm>> -> memref<40x128xf32, #tpu.memory_space<hbm>>
        %dma_wait3A_502 = arith.constant 0 : i32
        %dma_wait3A_503 = tpu.memref_slice %arg39[%multiple_of3A_500, %dma_wait3A_502] : memref<10000x128xf32, #tpu.memory_space<vmem_shared>> -> memref<40x128xf32, #tpu.memory_space<vmem_shared>>
        tpu.wait_dma2 semaphore(%arg13 : memref<!tpu.dma_semaphore, #tpu.memory_space<semaphore_mem>>) src(%dma_wait3A_503 : memref<40x128xf32, #tpu.memory_space<vmem_shared>>) dst(%dma_wait3A_501 : memref<40x128xf32, #tpu.memory_space<hbm>>)
      } else {
      }
    } else {
    }
    %eq3A_269 = arith.constant 1 : i32
    %eq3A_270 = arith.cmpi eq, %arg0, %eq3A_269 : i32
    %convert_element_type3A_271 = arith.extui %eq3A_270 : i1 to i32
    %cond3A_272 = arith.constant 0 : i32
    %cond3A_273 = arith.cmpi ne, %convert_element_type3A_271, %cond3A_272 : i32
    scf.if %cond3A_273 {
      %add3A_274 = arith.constant 0 : i32
      %add3A_275 = arith.addi %add3A_274, %arg1 : i32
      %lt3A_276 = arith.constant 250 : i32
      %lt3A_277 = arith.cmpi slt, %add3A_275, %lt3A_276 : i32
      %convert_element_type3A_278 = arith.extui %lt3A_277 : i1 to i32
      %cond3A_279 = arith.constant 0 : i32
      %cond3A_280 = arith.cmpi ne, %convert_element_type3A_278, %cond3A_279 : i32
      scf.if %cond3A_280 {
        %mul3A_498 = arith.constant 40 : i32
        %mul3A_499 = arith.muli %add3A_275, %mul3A_498 : i32
        %multiple_of3A_500 = tpu.assume_multiple %mul3A_499, 8 : i32
        %dma_start3A_501 = arith.constant 0 : i32
        %dma_start3A_502 = tpu.memref_slice %arg7[%multiple_of3A_500, %dma_start3A_501] : memref<10000x128xf32, #tpu.memory_space<hbm>> -> memref<40x128xf32, #tpu.memory_space<hbm>>
        %dma_start3A_503 = arith.constant 0 : i32
        %dma_start3A_504 = tpu.memref_slice %arg39[%multiple_of3A_500, %dma_start3A_503] : memref<10000x128xf32, #tpu.memory_space<vmem_shared>> -> memref<40x128xf32, #tpu.memory_space<vmem_shared>>
        tpu.enqueue_dma source(%dma_start3A_504 : memref<40x128xf32, #tpu.memory_space<vmem_shared>>) target(%dma_start3A_502 : memref<40x128xf32, #tpu.memory_space<hbm>>) target_semaphore(%arg13 : memref<!tpu.dma_semaphore, #tpu.memory_space<semaphore_mem>>)
      } else {
      }
      %add3A_281 = arith.constant 16 : i32
      %add3A_282 = arith.addi %add3A_281, %arg1 : i32
      %lt3A_283 = arith.constant 250 : i32
      %lt3A_284 = arith.cmpi slt, %add3A_282, %lt3A_283 : i32
      %convert_element_type3A_285 = arith.extui %lt3A_284 : i1 to i32
      %cond3A_286 = arith.constant 0 : i32
      %cond3A_287 = arith.cmpi ne, %convert_element_type3A_285, %cond3A_286 : i32
      scf.if %cond3A_287 {
        %mul3A_498 = arith.constant 40 : i32
        %mul3A_499 = arith.muli %add3A_282, %mul3A_498 : i32
        %multiple_of3A_500 = tpu.assume_multiple %mul3A_499, 8 : i32
        %dma_start3A_501 = arith.constant 0 : i32
        %dma_start3A_502 = tpu.memref_slice %arg7[%multiple_of3A_500, %dma_start3A_501] : memref<10000x128xf32, #tpu.memory_space<hbm>> -> memref<40x128xf32, #tpu.memory_space<hbm>>
        %dma_start3A_503 = arith.constant 0 : i32
        %dma_start3A_504 = tpu.memref_slice %arg39[%multiple_of3A_500, %dma_start3A_503] : memref<10000x128xf32, #tpu.memory_space<vmem_shared>> -> memref<40x128xf32, #tpu.memory_space<vmem_shared>>
        tpu.enqueue_dma source(%dma_start3A_504 : memref<40x128xf32, #tpu.memory_space<vmem_shared>>) target(%dma_start3A_502 : memref<40x128xf32, #tpu.memory_space<hbm>>) target_semaphore(%arg13 : memref<!tpu.dma_semaphore, #tpu.memory_space<semaphore_mem>>)
      } else {
      }
      %add3A_288 = arith.constant 32 : i32
      %add3A_289 = arith.addi %add3A_288, %arg1 : i32
      %lt3A_290 = arith.constant 250 : i32
      %lt3A_291 = arith.cmpi slt, %add3A_289, %lt3A_290 : i32
      %convert_element_type3A_292 = arith.extui %lt3A_291 : i1 to i32
      %cond3A_293 = arith.constant 0 : i32
      %cond3A_294 = arith.cmpi ne, %convert_element_type3A_292, %cond3A_293 : i32
      scf.if %cond3A_294 {
        %mul3A_498 = arith.constant 40 : i32
        %mul3A_499 = arith.muli %add3A_289, %mul3A_498 : i32
        %multiple_of3A_500 = tpu.assume_multiple %mul3A_499, 8 : i32
        %dma_start3A_501 = arith.constant 0 : i32
        %dma_start3A_502 = tpu.memref_slice %arg7[%multiple_of3A_500, %dma_start3A_501] : memref<10000x128xf32, #tpu.memory_space<hbm>> -> memref<40x128xf32, #tpu.memory_space<hbm>>
        %dma_start3A_503 = arith.constant 0 : i32
        %dma_start3A_504 = tpu.memref_slice %arg39[%multiple_of3A_500, %dma_start3A_503] : memref<10000x128xf32, #tpu.memory_space<vmem_shared>> -> memref<40x128xf32, #tpu.memory_space<vmem_shared>>
        tpu.enqueue_dma source(%dma_start3A_504 : memref<40x128xf32, #tpu.memory_space<vmem_shared>>) target(%dma_start3A_502 : memref<40x128xf32, #tpu.memory_space<hbm>>) target_semaphore(%arg13 : memref<!tpu.dma_semaphore, #tpu.memory_space<semaphore_mem>>)
      } else {
      }
      %add3A_295 = arith.constant 48 : i32
      %add3A_296 = arith.addi %add3A_295, %arg1 : i32
      %lt3A_297 = arith.constant 250 : i32
      %lt3A_298 = arith.cmpi slt, %add3A_296, %lt3A_297 : i32
      %convert_element_type3A_299 = arith.extui %lt3A_298 : i1 to i32
      %cond3A_300 = arith.constant 0 : i32
      %cond3A_301 = arith.cmpi ne, %convert_element_type3A_299, %cond3A_300 : i32
      scf.if %cond3A_301 {
        %mul3A_498 = arith.constant 40 : i32
        %mul3A_499 = arith.muli %add3A_296, %mul3A_498 : i32
        %multiple_of3A_500 = tpu.assume_multiple %mul3A_499, 8 : i32
        %dma_start3A_501 = arith.constant 0 : i32
        %dma_start3A_502 = tpu.memref_slice %arg7[%multiple_of3A_500, %dma_start3A_501] : memref<10000x128xf32, #tpu.memory_space<hbm>> -> memref<40x128xf32, #tpu.memory_space<hbm>>
        %dma_start3A_503 = arith.constant 0 : i32
        %dma_start3A_504 = tpu.memref_slice %arg39[%multiple_of3A_500, %dma_start3A_503] : memref<10000x128xf32, #tpu.memory_space<vmem_shared>> -> memref<40x128xf32, #tpu.memory_space<vmem_shared>>
        tpu.enqueue_dma source(%dma_start3A_504 : memref<40x128xf32, #tpu.memory_space<vmem_shared>>) target(%dma_start3A_502 : memref<40x128xf32, #tpu.memory_space<hbm>>) target_semaphore(%arg13 : memref<!tpu.dma_semaphore, #tpu.memory_space<semaphore_mem>>)
      } else {
      }
      %add3A_302 = arith.constant 64 : i32
      %add3A_303 = arith.addi %add3A_302, %arg1 : i32
      %lt3A_304 = arith.constant 250 : i32
      %lt3A_305 = arith.cmpi slt, %add3A_303, %lt3A_304 : i32
      %convert_element_type3A_306 = arith.extui %lt3A_305 : i1 to i32
      %cond3A_307 = arith.constant 0 : i32
      %cond3A_308 = arith.cmpi ne, %convert_element_type3A_306, %cond3A_307 : i32
      scf.if %cond3A_308 {
        %mul3A_498 = arith.constant 40 : i32
        %mul3A_499 = arith.muli %add3A_303, %mul3A_498 : i32
        %multiple_of3A_500 = tpu.assume_multiple %mul3A_499, 8 : i32
        %dma_start3A_501 = arith.constant 0 : i32
        %dma_start3A_502 = tpu.memref_slice %arg7[%multiple_of3A_500, %dma_start3A_501] : memref<10000x128xf32, #tpu.memory_space<hbm>> -> memref<40x128xf32, #tpu.memory_space<hbm>>
        %dma_start3A_503 = arith.constant 0 : i32
        %dma_start3A_504 = tpu.memref_slice %arg39[%multiple_of3A_500, %dma_start3A_503] : memref<10000x128xf32, #tpu.memory_space<vmem_shared>> -> memref<40x128xf32, #tpu.memory_space<vmem_shared>>
        tpu.enqueue_dma source(%dma_start3A_504 : memref<40x128xf32, #tpu.memory_space<vmem_shared>>) target(%dma_start3A_502 : memref<40x128xf32, #tpu.memory_space<hbm>>) target_semaphore(%arg13 : memref<!tpu.dma_semaphore, #tpu.memory_space<semaphore_mem>>)
      } else {
      }
      %add3A_309 = arith.constant 80 : i32
      %add3A_310 = arith.addi %add3A_309, %arg1 : i32
      %lt3A_311 = arith.constant 250 : i32
      %lt3A_312 = arith.cmpi slt, %add3A_310, %lt3A_311 : i32
      %convert_element_type3A_313 = arith.extui %lt3A_312 : i1 to i32
      %cond3A_314 = arith.constant 0 : i32
      %cond3A_315 = arith.cmpi ne, %convert_element_type3A_313, %cond3A_314 : i32
      scf.if %cond3A_315 {
        %mul3A_498 = arith.constant 40 : i32
        %mul3A_499 = arith.muli %add3A_310, %mul3A_498 : i32
        %multiple_of3A_500 = tpu.assume_multiple %mul3A_499, 8 : i32
        %dma_start3A_501 = arith.constant 0 : i32
        %dma_start3A_502 = tpu.memref_slice %arg7[%multiple_of3A_500, %dma_start3A_501] : memref<10000x128xf32, #tpu.memory_space<hbm>> -> memref<40x128xf32, #tpu.memory_space<hbm>>
        %dma_start3A_503 = arith.constant 0 : i32
        %dma_start3A_504 = tpu.memref_slice %arg39[%multiple_of3A_500, %dma_start3A_503] : memref<10000x128xf32, #tpu.memory_space<vmem_shared>> -> memref<40x128xf32, #tpu.memory_space<vmem_shared>>
        tpu.enqueue_dma source(%dma_start3A_504 : memref<40x128xf32, #tpu.memory_space<vmem_shared>>) target(%dma_start3A_502 : memref<40x128xf32, #tpu.memory_space<hbm>>) target_semaphore(%arg13 : memref<!tpu.dma_semaphore, #tpu.memory_space<semaphore_mem>>)
      } else {
      }
      %add3A_316 = arith.constant 96 : i32
      %add3A_317 = arith.addi %add3A_316, %arg1 : i32
      %lt3A_318 = arith.constant 250 : i32
      %lt3A_319 = arith.cmpi slt, %add3A_317, %lt3A_318 : i32
      %convert_element_type3A_320 = arith.extui %lt3A_319 : i1 to i32
      %cond3A_321 = arith.constant 0 : i32
      %cond3A_322 = arith.cmpi ne, %convert_element_type3A_320, %cond3A_321 : i32
      scf.if %cond3A_322 {
        %mul3A_498 = arith.constant 40 : i32
        %mul3A_499 = arith.muli %add3A_317, %mul3A_498 : i32
        %multiple_of3A_500 = tpu.assume_multiple %mul3A_499, 8 : i32
        %dma_start3A_501 = arith.constant 0 : i32
        %dma_start3A_502 = tpu.memref_slice %arg7[%multiple_of3A_500, %dma_start3A_501] : memref<10000x128xf32, #tpu.memory_space<hbm>> -> memref<40x128xf32, #tpu.memory_space<hbm>>
        %dma_start3A_503 = arith.constant 0 : i32
        %dma_start3A_504 = tpu.memref_slice %arg39[%multiple_of3A_500, %dma_start3A_503] : memref<10000x128xf32, #tpu.memory_space<vmem_shared>> -> memref<40x128xf32, #tpu.memory_space<vmem_shared>>
        tpu.enqueue_dma source(%dma_start3A_504 : memref<40x128xf32, #tpu.memory_space<vmem_shared>>) target(%dma_start3A_502 : memref<40x128xf32, #tpu.memory_space<hbm>>) target_semaphore(%arg13 : memref<!tpu.dma_semaphore, #tpu.memory_space<semaphore_mem>>)
      } else {
      }
      %add3A_323 = arith.constant 112 : i32
      %add3A_324 = arith.addi %add3A_323, %arg1 : i32
      %lt3A_325 = arith.constant 250 : i32
      %lt3A_326 = arith.cmpi slt, %add3A_324, %lt3A_325 : i32
      %convert_element_type3A_327 = arith.extui %lt3A_326 : i1 to i32
      %cond3A_328 = arith.constant 0 : i32
      %cond3A_329 = arith.cmpi ne, %convert_element_type3A_327, %cond3A_328 : i32
      scf.if %cond3A_329 {
        %mul3A_498 = arith.constant 40 : i32
        %mul3A_499 = arith.muli %add3A_324, %mul3A_498 : i32
        %multiple_of3A_500 = tpu.assume_multiple %mul3A_499, 8 : i32
        %dma_start3A_501 = arith.constant 0 : i32
        %dma_start3A_502 = tpu.memref_slice %arg7[%multiple_of3A_500, %dma_start3A_501] : memref<10000x128xf32, #tpu.memory_space<hbm>> -> memref<40x128xf32, #tpu.memory_space<hbm>>
        %dma_start3A_503 = arith.constant 0 : i32
        %dma_start3A_504 = tpu.memref_slice %arg39[%multiple_of3A_500, %dma_start3A_503] : memref<10000x128xf32, #tpu.memory_space<vmem_shared>> -> memref<40x128xf32, #tpu.memory_space<vmem_shared>>
        tpu.enqueue_dma source(%dma_start3A_504 : memref<40x128xf32, #tpu.memory_space<vmem_shared>>) target(%dma_start3A_502 : memref<40x128xf32, #tpu.memory_space<hbm>>) target_semaphore(%arg13 : memref<!tpu.dma_semaphore, #tpu.memory_space<semaphore_mem>>)
      } else {
      }
      %add3A_330 = arith.constant 128 : i32
      %add3A_331 = arith.addi %add3A_330, %arg1 : i32
      %lt3A_332 = arith.constant 250 : i32
      %lt3A_333 = arith.cmpi slt, %add3A_331, %lt3A_332 : i32
      %convert_element_type3A_334 = arith.extui %lt3A_333 : i1 to i32
      %cond3A_335 = arith.constant 0 : i32
      %cond3A_336 = arith.cmpi ne, %convert_element_type3A_334, %cond3A_335 : i32
      scf.if %cond3A_336 {
        %mul3A_498 = arith.constant 40 : i32
        %mul3A_499 = arith.muli %add3A_331, %mul3A_498 : i32
        %multiple_of3A_500 = tpu.assume_multiple %mul3A_499, 8 : i32
        %dma_start3A_501 = arith.constant 0 : i32
        %dma_start3A_502 = tpu.memref_slice %arg7[%multiple_of3A_500, %dma_start3A_501] : memref<10000x128xf32, #tpu.memory_space<hbm>> -> memref<40x128xf32, #tpu.memory_space<hbm>>
        %dma_start3A_503 = arith.constant 0 : i32
        %dma_start3A_504 = tpu.memref_slice %arg39[%multiple_of3A_500, %dma_start3A_503] : memref<10000x128xf32, #tpu.memory_space<vmem_shared>> -> memref<40x128xf32, #tpu.memory_space<vmem_shared>>
        tpu.enqueue_dma source(%dma_start3A_504 : memref<40x128xf32, #tpu.memory_space<vmem_shared>>) target(%dma_start3A_502 : memref<40x128xf32, #tpu.memory_space<hbm>>) target_semaphore(%arg13 : memref<!tpu.dma_semaphore, #tpu.memory_space<semaphore_mem>>)
      } else {
      }
      %add3A_337 = arith.constant 144 : i32
      %add3A_338 = arith.addi %add3A_337, %arg1 : i32
      %lt3A_339 = arith.constant 250 : i32
      %lt3A_340 = arith.cmpi slt, %add3A_338, %lt3A_339 : i32
      %convert_element_type3A_341 = arith.extui %lt3A_340 : i1 to i32
      %cond3A_342 = arith.constant 0 : i32
      %cond3A_343 = arith.cmpi ne, %convert_element_type3A_341, %cond3A_342 : i32
      scf.if %cond3A_343 {
        %mul3A_498 = arith.constant 40 : i32
        %mul3A_499 = arith.muli %add3A_338, %mul3A_498 : i32
        %multiple_of3A_500 = tpu.assume_multiple %mul3A_499, 8 : i32
        %dma_start3A_501 = arith.constant 0 : i32
        %dma_start3A_502 = tpu.memref_slice %arg7[%multiple_of3A_500, %dma_start3A_501] : memref<10000x128xf32, #tpu.memory_space<hbm>> -> memref<40x128xf32, #tpu.memory_space<hbm>>
        %dma_start3A_503 = arith.constant 0 : i32
        %dma_start3A_504 = tpu.memref_slice %arg39[%multiple_of3A_500, %dma_start3A_503] : memref<10000x128xf32, #tpu.memory_space<vmem_shared>> -> memref<40x128xf32, #tpu.memory_space<vmem_shared>>
        tpu.enqueue_dma source(%dma_start3A_504 : memref<40x128xf32, #tpu.memory_space<vmem_shared>>) target(%dma_start3A_502 : memref<40x128xf32, #tpu.memory_space<hbm>>) target_semaphore(%arg13 : memref<!tpu.dma_semaphore, #tpu.memory_space<semaphore_mem>>)
      } else {
      }
      %add3A_344 = arith.constant 160 : i32
      %add3A_345 = arith.addi %add3A_344, %arg1 : i32
      %lt3A_346 = arith.constant 250 : i32
      %lt3A_347 = arith.cmpi slt, %add3A_345, %lt3A_346 : i32
      %convert_element_type3A_348 = arith.extui %lt3A_347 : i1 to i32
      %cond3A_349 = arith.constant 0 : i32
      %cond3A_350 = arith.cmpi ne, %convert_element_type3A_348, %cond3A_349 : i32
      scf.if %cond3A_350 {
        %mul3A_498 = arith.constant 40 : i32
        %mul3A_499 = arith.muli %add3A_345, %mul3A_498 : i32
        %multiple_of3A_500 = tpu.assume_multiple %mul3A_499, 8 : i32
        %dma_start3A_501 = arith.constant 0 : i32
        %dma_start3A_502 = tpu.memref_slice %arg7[%multiple_of3A_500, %dma_start3A_501] : memref<10000x128xf32, #tpu.memory_space<hbm>> -> memref<40x128xf32, #tpu.memory_space<hbm>>
        %dma_start3A_503 = arith.constant 0 : i32
        %dma_start3A_504 = tpu.memref_slice %arg39[%multiple_of3A_500, %dma_start3A_503] : memref<10000x128xf32, #tpu.memory_space<vmem_shared>> -> memref<40x128xf32, #tpu.memory_space<vmem_shared>>
        tpu.enqueue_dma source(%dma_start3A_504 : memref<40x128xf32, #tpu.memory_space<vmem_shared>>) target(%dma_start3A_502 : memref<40x128xf32, #tpu.memory_space<hbm>>) target_semaphore(%arg13 : memref<!tpu.dma_semaphore, #tpu.memory_space<semaphore_mem>>)
      } else {
      }
      %add3A_351 = arith.constant 176 : i32
      %add3A_352 = arith.addi %add3A_351, %arg1 : i32
      %lt3A_353 = arith.constant 250 : i32
      %lt3A_354 = arith.cmpi slt, %add3A_352, %lt3A_353 : i32
      %convert_element_type3A_355 = arith.extui %lt3A_354 : i1 to i32
      %cond3A_356 = arith.constant 0 : i32
      %cond3A_357 = arith.cmpi ne, %convert_element_type3A_355, %cond3A_356 : i32
      scf.if %cond3A_357 {
        %mul3A_498 = arith.constant 40 : i32
        %mul3A_499 = arith.muli %add3A_352, %mul3A_498 : i32
        %multiple_of3A_500 = tpu.assume_multiple %mul3A_499, 8 : i32
        %dma_start3A_501 = arith.constant 0 : i32
        %dma_start3A_502 = tpu.memref_slice %arg7[%multiple_of3A_500, %dma_start3A_501] : memref<10000x128xf32, #tpu.memory_space<hbm>> -> memref<40x128xf32, #tpu.memory_space<hbm>>
        %dma_start3A_503 = arith.constant 0 : i32
        %dma_start3A_504 = tpu.memref_slice %arg39[%multiple_of3A_500, %dma_start3A_503] : memref<10000x128xf32, #tpu.memory_space<vmem_shared>> -> memref<40x128xf32, #tpu.memory_space<vmem_shared>>
        tpu.enqueue_dma source(%dma_start3A_504 : memref<40x128xf32, #tpu.memory_space<vmem_shared>>) target(%dma_start3A_502 : memref<40x128xf32, #tpu.memory_space<hbm>>) target_semaphore(%arg13 : memref<!tpu.dma_semaphore, #tpu.memory_space<semaphore_mem>>)
      } else {
      }
      %add3A_358 = arith.constant 192 : i32
      %add3A_359 = arith.addi %add3A_358, %arg1 : i32
      %lt3A_360 = arith.constant 250 : i32
      %lt3A_361 = arith.cmpi slt, %add3A_359, %lt3A_360 : i32
      %convert_element_type3A_362 = arith.extui %lt3A_361 : i1 to i32
      %cond3A_363 = arith.constant 0 : i32
      %cond3A_364 = arith.cmpi ne, %convert_element_type3A_362, %cond3A_363 : i32
      scf.if %cond3A_364 {
        %mul3A_498 = arith.constant 40 : i32
        %mul3A_499 = arith.muli %add3A_359, %mul3A_498 : i32
        %multiple_of3A_500 = tpu.assume_multiple %mul3A_499, 8 : i32
        %dma_start3A_501 = arith.constant 0 : i32
        %dma_start3A_502 = tpu.memref_slice %arg7[%multiple_of3A_500, %dma_start3A_501] : memref<10000x128xf32, #tpu.memory_space<hbm>> -> memref<40x128xf32, #tpu.memory_space<hbm>>
        %dma_start3A_503 = arith.constant 0 : i32
        %dma_start3A_504 = tpu.memref_slice %arg39[%multiple_of3A_500, %dma_start3A_503] : memref<10000x128xf32, #tpu.memory_space<vmem_shared>> -> memref<40x128xf32, #tpu.memory_space<vmem_shared>>
        tpu.enqueue_dma source(%dma_start3A_504 : memref<40x128xf32, #tpu.memory_space<vmem_shared>>) target(%dma_start3A_502 : memref<40x128xf32, #tpu.memory_space<hbm>>) target_semaphore(%arg13 : memref<!tpu.dma_semaphore, #tpu.memory_space<semaphore_mem>>)
      } else {
      }
      %add3A_365 = arith.constant 208 : i32
      %add3A_366 = arith.addi %add3A_365, %arg1 : i32
      %lt3A_367 = arith.constant 250 : i32
      %lt3A_368 = arith.cmpi slt, %add3A_366, %lt3A_367 : i32
      %convert_element_type3A_369 = arith.extui %lt3A_368 : i1 to i32
      %cond3A_370 = arith.constant 0 : i32
      %cond3A_371 = arith.cmpi ne, %convert_element_type3A_369, %cond3A_370 : i32
      scf.if %cond3A_371 {
        %mul3A_498 = arith.constant 40 : i32
        %mul3A_499 = arith.muli %add3A_366, %mul3A_498 : i32
        %multiple_of3A_500 = tpu.assume_multiple %mul3A_499, 8 : i32
        %dma_start3A_501 = arith.constant 0 : i32
        %dma_start3A_502 = tpu.memref_slice %arg7[%multiple_of3A_500, %dma_start3A_501] : memref<10000x128xf32, #tpu.memory_space<hbm>> -> memref<40x128xf32, #tpu.memory_space<hbm>>
        %dma_start3A_503 = arith.constant 0 : i32
        %dma_start3A_504 = tpu.memref_slice %arg39[%multiple_of3A_500, %dma_start3A_503] : memref<10000x128xf32, #tpu.memory_space<vmem_shared>> -> memref<40x128xf32, #tpu.memory_space<vmem_shared>>
        tpu.enqueue_dma source(%dma_start3A_504 : memref<40x128xf32, #tpu.memory_space<vmem_shared>>) target(%dma_start3A_502 : memref<40x128xf32, #tpu.memory_space<hbm>>) target_semaphore(%arg13 : memref<!tpu.dma_semaphore, #tpu.memory_space<semaphore_mem>>)
      } else {
      }
      %add3A_372 = arith.constant 224 : i32
      %add3A_373 = arith.addi %add3A_372, %arg1 : i32
      %lt3A_374 = arith.constant 250 : i32
      %lt3A_375 = arith.cmpi slt, %add3A_373, %lt3A_374 : i32
      %convert_element_type3A_376 = arith.extui %lt3A_375 : i1 to i32
      %cond3A_377 = arith.constant 0 : i32
      %cond3A_378 = arith.cmpi ne, %convert_element_type3A_376, %cond3A_377 : i32
      scf.if %cond3A_378 {
        %mul3A_498 = arith.constant 40 : i32
        %mul3A_499 = arith.muli %add3A_373, %mul3A_498 : i32
        %multiple_of3A_500 = tpu.assume_multiple %mul3A_499, 8 : i32
        %dma_start3A_501 = arith.constant 0 : i32
        %dma_start3A_502 = tpu.memref_slice %arg7[%multiple_of3A_500, %dma_start3A_501] : memref<10000x128xf32, #tpu.memory_space<hbm>> -> memref<40x128xf32, #tpu.memory_space<hbm>>
        %dma_start3A_503 = arith.constant 0 : i32
        %dma_start3A_504 = tpu.memref_slice %arg39[%multiple_of3A_500, %dma_start3A_503] : memref<10000x128xf32, #tpu.memory_space<vmem_shared>> -> memref<40x128xf32, #tpu.memory_space<vmem_shared>>
        tpu.enqueue_dma source(%dma_start3A_504 : memref<40x128xf32, #tpu.memory_space<vmem_shared>>) target(%dma_start3A_502 : memref<40x128xf32, #tpu.memory_space<hbm>>) target_semaphore(%arg13 : memref<!tpu.dma_semaphore, #tpu.memory_space<semaphore_mem>>)
      } else {
      }
      %add3A_379 = arith.constant 240 : i32
      %add3A_380 = arith.addi %add3A_379, %arg1 : i32
      %lt3A_381 = arith.constant 250 : i32
      %lt3A_382 = arith.cmpi slt, %add3A_380, %lt3A_381 : i32
      %convert_element_type3A_383 = arith.extui %lt3A_382 : i1 to i32
      %cond3A_384 = arith.constant 0 : i32
      %cond3A_385 = arith.cmpi ne, %convert_element_type3A_383, %cond3A_384 : i32
      scf.if %cond3A_385 {
        %mul3A_498 = arith.constant 40 : i32
        %mul3A_499 = arith.muli %add3A_380, %mul3A_498 : i32
        %multiple_of3A_500 = tpu.assume_multiple %mul3A_499, 8 : i32
        %dma_start3A_501 = arith.constant 0 : i32
        %dma_start3A_502 = tpu.memref_slice %arg7[%multiple_of3A_500, %dma_start3A_501] : memref<10000x128xf32, #tpu.memory_space<hbm>> -> memref<40x128xf32, #tpu.memory_space<hbm>>
        %dma_start3A_503 = arith.constant 0 : i32
        %dma_start3A_504 = tpu.memref_slice %arg39[%multiple_of3A_500, %dma_start3A_503] : memref<10000x128xf32, #tpu.memory_space<vmem_shared>> -> memref<40x128xf32, #tpu.memory_space<vmem_shared>>
        tpu.enqueue_dma source(%dma_start3A_504 : memref<40x128xf32, #tpu.memory_space<vmem_shared>>) target(%dma_start3A_502 : memref<40x128xf32, #tpu.memory_space<hbm>>) target_semaphore(%arg13 : memref<!tpu.dma_semaphore, #tpu.memory_space<semaphore_mem>>)
      } else {
      }
      %add3A_386 = arith.constant 0 : i32
      %add3A_387 = arith.addi %add3A_386, %arg1 : i32
      %lt3A_388 = arith.constant 250 : i32
      %lt3A_389 = arith.cmpi slt, %add3A_387, %lt3A_388 : i32
      %convert_element_type3A_390 = arith.extui %lt3A_389 : i1 to i32
      %cond3A_391 = arith.constant 0 : i32
      %cond3A_392 = arith.cmpi ne, %convert_element_type3A_390, %cond3A_391 : i32
      scf.if %cond3A_392 {
        %mul3A_498 = arith.constant 40 : i32
        %mul3A_499 = arith.muli %add3A_387, %mul3A_498 : i32
        %multiple_of3A_500 = tpu.assume_multiple %mul3A_499, 8 : i32
        %dma_wait3A = arith.constant 0 : i32
        %dma_wait3A_501 = tpu.memref_slice %arg7[%multiple_of3A_500, %dma_wait3A] : memref<10000x128xf32, #tpu.memory_space<hbm>> -> memref<40x128xf32, #tpu.memory_space<hbm>>
        %dma_wait3A_502 = arith.constant 0 : i32
        %dma_wait3A_503 = tpu.memref_slice %arg39[%multiple_of3A_500, %dma_wait3A_502] : memref<10000x128xf32, #tpu.memory_space<vmem_shared>> -> memref<40x128xf32, #tpu.memory_space<vmem_shared>>
        tpu.wait_dma2 semaphore(%arg13 : memref<!tpu.dma_semaphore, #tpu.memory_space<semaphore_mem>>) src(%dma_wait3A_503 : memref<40x128xf32, #tpu.memory_space<vmem_shared>>) dst(%dma_wait3A_501 : memref<40x128xf32, #tpu.memory_space<hbm>>)
      } else {
      }
      %add3A_393 = arith.constant 16 : i32
      %add3A_394 = arith.addi %add3A_393, %arg1 : i32
      %lt3A_395 = arith.constant 250 : i32
      %lt3A_396 = arith.cmpi slt, %add3A_394, %lt3A_395 : i32
      %convert_element_type3A_397 = arith.extui %lt3A_396 : i1 to i32
      %cond3A_398 = arith.constant 0 : i32
      %cond3A_399 = arith.cmpi ne, %convert_element_type3A_397, %cond3A_398 : i32
      scf.if %cond3A_399 {
        %mul3A_498 = arith.constant 40 : i32
        %mul3A_499 = arith.muli %add3A_394, %mul3A_498 : i32
        %multiple_of3A_500 = tpu.assume_multiple %mul3A_499, 8 : i32
        %dma_wait3A = arith.constant 0 : i32
        %dma_wait3A_501 = tpu.memref_slice %arg7[%multiple_of3A_500, %dma_wait3A] : memref<10000x128xf32, #tpu.memory_space<hbm>> -> memref<40x128xf32, #tpu.memory_space<hbm>>
        %dma_wait3A_502 = arith.constant 0 : i32
        %dma_wait3A_503 = tpu.memref_slice %arg39[%multiple_of3A_500, %dma_wait3A_502] : memref<10000x128xf32, #tpu.memory_space<vmem_shared>> -> memref<40x128xf32, #tpu.memory_space<vmem_shared>>
        tpu.wait_dma2 semaphore(%arg13 : memref<!tpu.dma_semaphore, #tpu.memory_space<semaphore_mem>>) src(%dma_wait3A_503 : memref<40x128xf32, #tpu.memory_space<vmem_shared>>) dst(%dma_wait3A_501 : memref<40x128xf32, #tpu.memory_space<hbm>>)
      } else {
      }
      %add3A_400 = arith.constant 32 : i32
      %add3A_401 = arith.addi %add3A_400, %arg1 : i32
      %lt3A_402 = arith.constant 250 : i32
      %lt3A_403 = arith.cmpi slt, %add3A_401, %lt3A_402 : i32
      %convert_element_type3A_404 = arith.extui %lt3A_403 : i1 to i32
      %cond3A_405 = arith.constant 0 : i32
      %cond3A_406 = arith.cmpi ne, %convert_element_type3A_404, %cond3A_405 : i32
      scf.if %cond3A_406 {
        %mul3A_498 = arith.constant 40 : i32
        %mul3A_499 = arith.muli %add3A_401, %mul3A_498 : i32
        %multiple_of3A_500 = tpu.assume_multiple %mul3A_499, 8 : i32
        %dma_wait3A = arith.constant 0 : i32
        %dma_wait3A_501 = tpu.memref_slice %arg7[%multiple_of3A_500, %dma_wait3A] : memref<10000x128xf32, #tpu.memory_space<hbm>> -> memref<40x128xf32, #tpu.memory_space<hbm>>
        %dma_wait3A_502 = arith.constant 0 : i32
        %dma_wait3A_503 = tpu.memref_slice %arg39[%multiple_of3A_500, %dma_wait3A_502] : memref<10000x128xf32, #tpu.memory_space<vmem_shared>> -> memref<40x128xf32, #tpu.memory_space<vmem_shared>>
        tpu.wait_dma2 semaphore(%arg13 : memref<!tpu.dma_semaphore, #tpu.memory_space<semaphore_mem>>) src(%dma_wait3A_503 : memref<40x128xf32, #tpu.memory_space<vmem_shared>>) dst(%dma_wait3A_501 : memref<40x128xf32, #tpu.memory_space<hbm>>)
      } else {
      }
      %add3A_407 = arith.constant 48 : i32
      %add3A_408 = arith.addi %add3A_407, %arg1 : i32
      %lt3A_409 = arith.constant 250 : i32
      %lt3A_410 = arith.cmpi slt, %add3A_408, %lt3A_409 : i32
      %convert_element_type3A_411 = arith.extui %lt3A_410 : i1 to i32
      %cond3A_412 = arith.constant 0 : i32
      %cond3A_413 = arith.cmpi ne, %convert_element_type3A_411, %cond3A_412 : i32
      scf.if %cond3A_413 {
        %mul3A_498 = arith.constant 40 : i32
        %mul3A_499 = arith.muli %add3A_408, %mul3A_498 : i32
        %multiple_of3A_500 = tpu.assume_multiple %mul3A_499, 8 : i32
        %dma_wait3A = arith.constant 0 : i32
        %dma_wait3A_501 = tpu.memref_slice %arg7[%multiple_of3A_500, %dma_wait3A] : memref<10000x128xf32, #tpu.memory_space<hbm>> -> memref<40x128xf32, #tpu.memory_space<hbm>>
        %dma_wait3A_502 = arith.constant 0 : i32
        %dma_wait3A_503 = tpu.memref_slice %arg39[%multiple_of3A_500, %dma_wait3A_502] : memref<10000x128xf32, #tpu.memory_space<vmem_shared>> -> memref<40x128xf32, #tpu.memory_space<vmem_shared>>
        tpu.wait_dma2 semaphore(%arg13 : memref<!tpu.dma_semaphore, #tpu.memory_space<semaphore_mem>>) src(%dma_wait3A_503 : memref<40x128xf32, #tpu.memory_space<vmem_shared>>) dst(%dma_wait3A_501 : memref<40x128xf32, #tpu.memory_space<hbm>>)
      } else {
      }
      %add3A_414 = arith.constant 64 : i32
      %add3A_415 = arith.addi %add3A_414, %arg1 : i32
      %lt3A_416 = arith.constant 250 : i32
      %lt3A_417 = arith.cmpi slt, %add3A_415, %lt3A_416 : i32
      %convert_element_type3A_418 = arith.extui %lt3A_417 : i1 to i32
      %cond3A_419 = arith.constant 0 : i32
      %cond3A_420 = arith.cmpi ne, %convert_element_type3A_418, %cond3A_419 : i32
      scf.if %cond3A_420 {
        %mul3A_498 = arith.constant 40 : i32
        %mul3A_499 = arith.muli %add3A_415, %mul3A_498 : i32
        %multiple_of3A_500 = tpu.assume_multiple %mul3A_499, 8 : i32
        %dma_wait3A = arith.constant 0 : i32
        %dma_wait3A_501 = tpu.memref_slice %arg7[%multiple_of3A_500, %dma_wait3A] : memref<10000x128xf32, #tpu.memory_space<hbm>> -> memref<40x128xf32, #tpu.memory_space<hbm>>
        %dma_wait3A_502 = arith.constant 0 : i32
        %dma_wait3A_503 = tpu.memref_slice %arg39[%multiple_of3A_500, %dma_wait3A_502] : memref<10000x128xf32, #tpu.memory_space<vmem_shared>> -> memref<40x128xf32, #tpu.memory_space<vmem_shared>>
        tpu.wait_dma2 semaphore(%arg13 : memref<!tpu.dma_semaphore, #tpu.memory_space<semaphore_mem>>) src(%dma_wait3A_503 : memref<40x128xf32, #tpu.memory_space<vmem_shared>>) dst(%dma_wait3A_501 : memref<40x128xf32, #tpu.memory_space<hbm>>)
      } else {
      }
      %add3A_421 = arith.constant 80 : i32
      %add3A_422 = arith.addi %add3A_421, %arg1 : i32
      %lt3A_423 = arith.constant 250 : i32
      %lt3A_424 = arith.cmpi slt, %add3A_422, %lt3A_423 : i32
      %convert_element_type3A_425 = arith.extui %lt3A_424 : i1 to i32
      %cond3A_426 = arith.constant 0 : i32
      %cond3A_427 = arith.cmpi ne, %convert_element_type3A_425, %cond3A_426 : i32
      scf.if %cond3A_427 {
        %mul3A_498 = arith.constant 40 : i32
        %mul3A_499 = arith.muli %add3A_422, %mul3A_498 : i32
        %multiple_of3A_500 = tpu.assume_multiple %mul3A_499, 8 : i32
        %dma_wait3A = arith.constant 0 : i32
        %dma_wait3A_501 = tpu.memref_slice %arg7[%multiple_of3A_500, %dma_wait3A] : memref<10000x128xf32, #tpu.memory_space<hbm>> -> memref<40x128xf32, #tpu.memory_space<hbm>>
        %dma_wait3A_502 = arith.constant 0 : i32
        %dma_wait3A_503 = tpu.memref_slice %arg39[%multiple_of3A_500, %dma_wait3A_502] : memref<10000x128xf32, #tpu.memory_space<vmem_shared>> -> memref<40x128xf32, #tpu.memory_space<vmem_shared>>
        tpu.wait_dma2 semaphore(%arg13 : memref<!tpu.dma_semaphore, #tpu.memory_space<semaphore_mem>>) src(%dma_wait3A_503 : memref<40x128xf32, #tpu.memory_space<vmem_shared>>) dst(%dma_wait3A_501 : memref<40x128xf32, #tpu.memory_space<hbm>>)
      } else {
      }
      %add3A_428 = arith.constant 96 : i32
      %add3A_429 = arith.addi %add3A_428, %arg1 : i32
      %lt3A_430 = arith.constant 250 : i32
      %lt3A_431 = arith.cmpi slt, %add3A_429, %lt3A_430 : i32
      %convert_element_type3A_432 = arith.extui %lt3A_431 : i1 to i32
      %cond3A_433 = arith.constant 0 : i32
      %cond3A_434 = arith.cmpi ne, %convert_element_type3A_432, %cond3A_433 : i32
      scf.if %cond3A_434 {
        %mul3A_498 = arith.constant 40 : i32
        %mul3A_499 = arith.muli %add3A_429, %mul3A_498 : i32
        %multiple_of3A_500 = tpu.assume_multiple %mul3A_499, 8 : i32
        %dma_wait3A = arith.constant 0 : i32
        %dma_wait3A_501 = tpu.memref_slice %arg7[%multiple_of3A_500, %dma_wait3A] : memref<10000x128xf32, #tpu.memory_space<hbm>> -> memref<40x128xf32, #tpu.memory_space<hbm>>
        %dma_wait3A_502 = arith.constant 0 : i32
        %dma_wait3A_503 = tpu.memref_slice %arg39[%multiple_of3A_500, %dma_wait3A_502] : memref<10000x128xf32, #tpu.memory_space<vmem_shared>> -> memref<40x128xf32, #tpu.memory_space<vmem_shared>>
        tpu.wait_dma2 semaphore(%arg13 : memref<!tpu.dma_semaphore, #tpu.memory_space<semaphore_mem>>) src(%dma_wait3A_503 : memref<40x128xf32, #tpu.memory_space<vmem_shared>>) dst(%dma_wait3A_501 : memref<40x128xf32, #tpu.memory_space<hbm>>)
      } else {
      }
      %add3A_435 = arith.constant 112 : i32
      %add3A_436 = arith.addi %add3A_435, %arg1 : i32
      %lt3A_437 = arith.constant 250 : i32
      %lt3A_438 = arith.cmpi slt, %add3A_436, %lt3A_437 : i32
      %convert_element_type3A_439 = arith.extui %lt3A_438 : i1 to i32
      %cond3A_440 = arith.constant 0 : i32
      %cond3A_441 = arith.cmpi ne, %convert_element_type3A_439, %cond3A_440 : i32
      scf.if %cond3A_441 {
        %mul3A_498 = arith.constant 40 : i32
        %mul3A_499 = arith.muli %add3A_436, %mul3A_498 : i32
        %multiple_of3A_500 = tpu.assume_multiple %mul3A_499, 8 : i32
        %dma_wait3A = arith.constant 0 : i32
        %dma_wait3A_501 = tpu.memref_slice %arg7[%multiple_of3A_500, %dma_wait3A] : memref<10000x128xf32, #tpu.memory_space<hbm>> -> memref<40x128xf32, #tpu.memory_space<hbm>>
        %dma_wait3A_502 = arith.constant 0 : i32
        %dma_wait3A_503 = tpu.memref_slice %arg39[%multiple_of3A_500, %dma_wait3A_502] : memref<10000x128xf32, #tpu.memory_space<vmem_shared>> -> memref<40x128xf32, #tpu.memory_space<vmem_shared>>
        tpu.wait_dma2 semaphore(%arg13 : memref<!tpu.dma_semaphore, #tpu.memory_space<semaphore_mem>>) src(%dma_wait3A_503 : memref<40x128xf32, #tpu.memory_space<vmem_shared>>) dst(%dma_wait3A_501 : memref<40x128xf32, #tpu.memory_space<hbm>>)
      } else {
      }
      %add3A_442 = arith.constant 128 : i32
      %add3A_443 = arith.addi %add3A_442, %arg1 : i32
      %lt3A_444 = arith.constant 250 : i32
      %lt3A_445 = arith.cmpi slt, %add3A_443, %lt3A_444 : i32
      %convert_element_type3A_446 = arith.extui %lt3A_445 : i1 to i32
      %cond3A_447 = arith.constant 0 : i32
      %cond3A_448 = arith.cmpi ne, %convert_element_type3A_446, %cond3A_447 : i32
      scf.if %cond3A_448 {
        %mul3A_498 = arith.constant 40 : i32
        %mul3A_499 = arith.muli %add3A_443, %mul3A_498 : i32
        %multiple_of3A_500 = tpu.assume_multiple %mul3A_499, 8 : i32
        %dma_wait3A = arith.constant 0 : i32
        %dma_wait3A_501 = tpu.memref_slice %arg7[%multiple_of3A_500, %dma_wait3A] : memref<10000x128xf32, #tpu.memory_space<hbm>> -> memref<40x128xf32, #tpu.memory_space<hbm>>
        %dma_wait3A_502 = arith.constant 0 : i32
        %dma_wait3A_503 = tpu.memref_slice %arg39[%multiple_of3A_500, %dma_wait3A_502] : memref<10000x128xf32, #tpu.memory_space<vmem_shared>> -> memref<40x128xf32, #tpu.memory_space<vmem_shared>>
        tpu.wait_dma2 semaphore(%arg13 : memref<!tpu.dma_semaphore, #tpu.memory_space<semaphore_mem>>) src(%dma_wait3A_503 : memref<40x128xf32, #tpu.memory_space<vmem_shared>>) dst(%dma_wait3A_501 : memref<40x128xf32, #tpu.memory_space<hbm>>)
      } else {
      }
      %add3A_449 = arith.constant 144 : i32
      %add3A_450 = arith.addi %add3A_449, %arg1 : i32
      %lt3A_451 = arith.constant 250 : i32
      %lt3A_452 = arith.cmpi slt, %add3A_450, %lt3A_451 : i32
      %convert_element_type3A_453 = arith.extui %lt3A_452 : i1 to i32
      %cond3A_454 = arith.constant 0 : i32
      %cond3A_455 = arith.cmpi ne, %convert_element_type3A_453, %cond3A_454 : i32
      scf.if %cond3A_455 {
        %mul3A_498 = arith.constant 40 : i32
        %mul3A_499 = arith.muli %add3A_450, %mul3A_498 : i32
        %multiple_of3A_500 = tpu.assume_multiple %mul3A_499, 8 : i32
        %dma_wait3A = arith.constant 0 : i32
        %dma_wait3A_501 = tpu.memref_slice %arg7[%multiple_of3A_500, %dma_wait3A] : memref<10000x128xf32, #tpu.memory_space<hbm>> -> memref<40x128xf32, #tpu.memory_space<hbm>>
        %dma_wait3A_502 = arith.constant 0 : i32
        %dma_wait3A_503 = tpu.memref_slice %arg39[%multiple_of3A_500, %dma_wait3A_502] : memref<10000x128xf32, #tpu.memory_space<vmem_shared>> -> memref<40x128xf32, #tpu.memory_space<vmem_shared>>
        tpu.wait_dma2 semaphore(%arg13 : memref<!tpu.dma_semaphore, #tpu.memory_space<semaphore_mem>>) src(%dma_wait3A_503 : memref<40x128xf32, #tpu.memory_space<vmem_shared>>) dst(%dma_wait3A_501 : memref<40x128xf32, #tpu.memory_space<hbm>>)
      } else {
      }
      %add3A_456 = arith.constant 160 : i32
      %add3A_457 = arith.addi %add3A_456, %arg1 : i32
      %lt3A_458 = arith.constant 250 : i32
      %lt3A_459 = arith.cmpi slt, %add3A_457, %lt3A_458 : i32
      %convert_element_type3A_460 = arith.extui %lt3A_459 : i1 to i32
      %cond3A_461 = arith.constant 0 : i32
      %cond3A_462 = arith.cmpi ne, %convert_element_type3A_460, %cond3A_461 : i32
      scf.if %cond3A_462 {
        %mul3A_498 = arith.constant 40 : i32
        %mul3A_499 = arith.muli %add3A_457, %mul3A_498 : i32
        %multiple_of3A_500 = tpu.assume_multiple %mul3A_499, 8 : i32
        %dma_wait3A = arith.constant 0 : i32
        %dma_wait3A_501 = tpu.memref_slice %arg7[%multiple_of3A_500, %dma_wait3A] : memref<10000x128xf32, #tpu.memory_space<hbm>> -> memref<40x128xf32, #tpu.memory_space<hbm>>
        %dma_wait3A_502 = arith.constant 0 : i32
        %dma_wait3A_503 = tpu.memref_slice %arg39[%multiple_of3A_500, %dma_wait3A_502] : memref<10000x128xf32, #tpu.memory_space<vmem_shared>> -> memref<40x128xf32, #tpu.memory_space<vmem_shared>>
        tpu.wait_dma2 semaphore(%arg13 : memref<!tpu.dma_semaphore, #tpu.memory_space<semaphore_mem>>) src(%dma_wait3A_503 : memref<40x128xf32, #tpu.memory_space<vmem_shared>>) dst(%dma_wait3A_501 : memref<40x128xf32, #tpu.memory_space<hbm>>)
      } else {
      }
      %add3A_463 = arith.constant 176 : i32
      %add3A_464 = arith.addi %add3A_463, %arg1 : i32
      %lt3A_465 = arith.constant 250 : i32
      %lt3A_466 = arith.cmpi slt, %add3A_464, %lt3A_465 : i32
      %convert_element_type3A_467 = arith.extui %lt3A_466 : i1 to i32
      %cond3A_468 = arith.constant 0 : i32
      %cond3A_469 = arith.cmpi ne, %convert_element_type3A_467, %cond3A_468 : i32
      scf.if %cond3A_469 {
        %mul3A_498 = arith.constant 40 : i32
        %mul3A_499 = arith.muli %add3A_464, %mul3A_498 : i32
        %multiple_of3A_500 = tpu.assume_multiple %mul3A_499, 8 : i32
        %dma_wait3A = arith.constant 0 : i32
        %dma_wait3A_501 = tpu.memref_slice %arg7[%multiple_of3A_500, %dma_wait3A] : memref<10000x128xf32, #tpu.memory_space<hbm>> -> memref<40x128xf32, #tpu.memory_space<hbm>>
        %dma_wait3A_502 = arith.constant 0 : i32
        %dma_wait3A_503 = tpu.memref_slice %arg39[%multiple_of3A_500, %dma_wait3A_502] : memref<10000x128xf32, #tpu.memory_space<vmem_shared>> -> memref<40x128xf32, #tpu.memory_space<vmem_shared>>
        tpu.wait_dma2 semaphore(%arg13 : memref<!tpu.dma_semaphore, #tpu.memory_space<semaphore_mem>>) src(%dma_wait3A_503 : memref<40x128xf32, #tpu.memory_space<vmem_shared>>) dst(%dma_wait3A_501 : memref<40x128xf32, #tpu.memory_space<hbm>>)
      } else {
      }
      %add3A_470 = arith.constant 192 : i32
      %add3A_471 = arith.addi %add3A_470, %arg1 : i32
      %lt3A_472 = arith.constant 250 : i32
      %lt3A_473 = arith.cmpi slt, %add3A_471, %lt3A_472 : i32
      %convert_element_type3A_474 = arith.extui %lt3A_473 : i1 to i32
      %cond3A_475 = arith.constant 0 : i32
      %cond3A_476 = arith.cmpi ne, %convert_element_type3A_474, %cond3A_475 : i32
      scf.if %cond3A_476 {
        %mul3A_498 = arith.constant 40 : i32
        %mul3A_499 = arith.muli %add3A_471, %mul3A_498 : i32
        %multiple_of3A_500 = tpu.assume_multiple %mul3A_499, 8 : i32
        %dma_wait3A = arith.constant 0 : i32
        %dma_wait3A_501 = tpu.memref_slice %arg7[%multiple_of3A_500, %dma_wait3A] : memref<10000x128xf32, #tpu.memory_space<hbm>> -> memref<40x128xf32, #tpu.memory_space<hbm>>
        %dma_wait3A_502 = arith.constant 0 : i32
        %dma_wait3A_503 = tpu.memref_slice %arg39[%multiple_of3A_500, %dma_wait3A_502] : memref<10000x128xf32, #tpu.memory_space<vmem_shared>> -> memref<40x128xf32, #tpu.memory_space<vmem_shared>>
        tpu.wait_dma2 semaphore(%arg13 : memref<!tpu.dma_semaphore, #tpu.memory_space<semaphore_mem>>) src(%dma_wait3A_503 : memref<40x128xf32, #tpu.memory_space<vmem_shared>>) dst(%dma_wait3A_501 : memref<40x128xf32, #tpu.memory_space<hbm>>)
      } else {
      }
      %add3A_477 = arith.constant 208 : i32
      %add3A_478 = arith.addi %add3A_477, %arg1 : i32
      %lt3A_479 = arith.constant 250 : i32
      %lt3A_480 = arith.cmpi slt, %add3A_478, %lt3A_479 : i32
      %convert_element_type3A_481 = arith.extui %lt3A_480 : i1 to i32
      %cond3A_482 = arith.constant 0 : i32
      %cond3A_483 = arith.cmpi ne, %convert_element_type3A_481, %cond3A_482 : i32
      scf.if %cond3A_483 {
        %mul3A_498 = arith.constant 40 : i32
        %mul3A_499 = arith.muli %add3A_478, %mul3A_498 : i32
        %multiple_of3A_500 = tpu.assume_multiple %mul3A_499, 8 : i32
        %dma_wait3A = arith.constant 0 : i32
        %dma_wait3A_501 = tpu.memref_slice %arg7[%multiple_of3A_500, %dma_wait3A] : memref<10000x128xf32, #tpu.memory_space<hbm>> -> memref<40x128xf32, #tpu.memory_space<hbm>>
        %dma_wait3A_502 = arith.constant 0 : i32
        %dma_wait3A_503 = tpu.memref_slice %arg39[%multiple_of3A_500, %dma_wait3A_502] : memref<10000x128xf32, #tpu.memory_space<vmem_shared>> -> memref<40x128xf32, #tpu.memory_space<vmem_shared>>
        tpu.wait_dma2 semaphore(%arg13 : memref<!tpu.dma_semaphore, #tpu.memory_space<semaphore_mem>>) src(%dma_wait3A_503 : memref<40x128xf32, #tpu.memory_space<vmem_shared>>) dst(%dma_wait3A_501 : memref<40x128xf32, #tpu.memory_space<hbm>>)
      } else {
      }
      %add3A_484 = arith.constant 224 : i32
      %add3A_485 = arith.addi %add3A_484, %arg1 : i32
      %lt3A_486 = arith.constant 250 : i32
      %lt3A_487 = arith.cmpi slt, %add3A_485, %lt3A_486 : i32
      %convert_element_type3A_488 = arith.extui %lt3A_487 : i1 to i32
      %cond3A_489 = arith.constant 0 : i32
      %cond3A_490 = arith.cmpi ne, %convert_element_type3A_488, %cond3A_489 : i32
      scf.if %cond3A_490 {
        %mul3A_498 = arith.constant 40 : i32
        %mul3A_499 = arith.muli %add3A_485, %mul3A_498 : i32
        %multiple_of3A_500 = tpu.assume_multiple %mul3A_499, 8 : i32
        %dma_wait3A = arith.constant 0 : i32
        %dma_wait3A_501 = tpu.memref_slice %arg7[%multiple_of3A_500, %dma_wait3A] : memref<10000x128xf32, #tpu.memory_space<hbm>> -> memref<40x128xf32, #tpu.memory_space<hbm>>
        %dma_wait3A_502 = arith.constant 0 : i32
        %dma_wait3A_503 = tpu.memref_slice %arg39[%multiple_of3A_500, %dma_wait3A_502] : memref<10000x128xf32, #tpu.memory_space<vmem_shared>> -> memref<40x128xf32, #tpu.memory_space<vmem_shared>>
        tpu.wait_dma2 semaphore(%arg13 : memref<!tpu.dma_semaphore, #tpu.memory_space<semaphore_mem>>) src(%dma_wait3A_503 : memref<40x128xf32, #tpu.memory_space<vmem_shared>>) dst(%dma_wait3A_501 : memref<40x128xf32, #tpu.memory_space<hbm>>)
      } else {
      }
      %add3A_491 = arith.constant 240 : i32
      %add3A_492 = arith.addi %add3A_491, %arg1 : i32
      %lt3A_493 = arith.constant 250 : i32
      %lt3A_494 = arith.cmpi slt, %add3A_492, %lt3A_493 : i32
      %convert_element_type3A_495 = arith.extui %lt3A_494 : i1 to i32
      %cond3A_496 = arith.constant 0 : i32
      %cond3A_497 = arith.cmpi ne, %convert_element_type3A_495, %cond3A_496 : i32
      scf.if %cond3A_497 {
        %mul3A_498 = arith.constant 40 : i32
        %mul3A_499 = arith.muli %add3A_492, %mul3A_498 : i32
        %multiple_of3A_500 = tpu.assume_multiple %mul3A_499, 8 : i32
        %dma_wait3A = arith.constant 0 : i32
        %dma_wait3A_501 = tpu.memref_slice %arg7[%multiple_of3A_500, %dma_wait3A] : memref<10000x128xf32, #tpu.memory_space<hbm>> -> memref<40x128xf32, #tpu.memory_space<hbm>>
        %dma_wait3A_502 = arith.constant 0 : i32
        %dma_wait3A_503 = tpu.memref_slice %arg39[%multiple_of3A_500, %dma_wait3A_502] : memref<10000x128xf32, #tpu.memory_space<vmem_shared>> -> memref<40x128xf32, #tpu.memory_space<vmem_shared>>
        tpu.wait_dma2 semaphore(%arg13 : memref<!tpu.dma_semaphore, #tpu.memory_space<semaphore_mem>>) src(%dma_wait3A_503 : memref<40x128xf32, #tpu.memory_space<vmem_shared>>) dst(%dma_wait3A_501 : memref<40x128xf32, #tpu.memory_space<hbm>>)
      } else {
      }
    } else {
    }
    return
  }
}

module attributes {stable_mosaic.version = 14 : i64} {
  func.func @_dense_body(%arg0: i32, %arg1: memref<2000x128xf32, #tpu.memory_space<vmem>>, %arg2: memref<2000x3xf32, #tpu.memory_space<vmem>>, %arg3: memref<2000x128xf32, #tpu.memory_space<vmem>>, %arg4: memref<2000x128xf32, #tpu.memory_space<vmem>>, %arg5: memref<4x64xf32, #tpu.memory_space<vmem>>, %arg6: memref<131x128xf32, #tpu.memory_space<vmem>>, %arg7: memref<128xf32, #tpu.memory_space<vmem>>, %arg8: memref<256x128xf32, #tpu.memory_space<vmem>>, %arg9: memref<128xf32, #tpu.memory_space<vmem>>, %arg10: memref<64x128xf32, #tpu.memory_space<vmem>>, %arg11: memref<64x128xf32, #tpu.memory_space<vmem>>, %arg12: memref<128x128xf32, #tpu.memory_space<vmem>>, %arg13: memref<128xf32, #tpu.memory_space<vmem>>, %arg14: memref<131x128xf32, #tpu.memory_space<vmem>>, %arg15: memref<128xf32, #tpu.memory_space<vmem>>, %arg16: memref<256x128xf32, #tpu.memory_space<vmem>>, %arg17: memref<128xf32, #tpu.memory_space<vmem>>, %arg18: memref<64x128xf32, #tpu.memory_space<vmem>>, %arg19: memref<64x128xf32, #tpu.memory_space<vmem>>, %arg20: memref<128x128xf32, #tpu.memory_space<vmem>>, %arg21: memref<128xf32, #tpu.memory_space<vmem>>, %arg22: memref<2000x256xf32, #tpu.memory_space<vmem>>) attributes {dimension_semantics = [#tpu.dimension_semantics<arbitrary>], iteration_bounds = array<i64: 5>, scalar_prefetch = 0 : i64, scratch_operands = 0 : i64, tpu.core_type = #tpu.core_type<tc>, window_params = [{transform_indices = @transform_0, window_bounds = array<i64: 2000, 128>}, {transform_indices = @transform_1, window_bounds = array<i64: 2000, 3>}, {transform_indices = @transform_2, window_bounds = array<i64: 2000, 128>}, {transform_indices = @transform_3, window_bounds = array<i64: 2000, 128>}, {pipeline_mode = #tpu.pipeline_mode<synchronous>, transform_indices = @transform_4, window_bounds = array<i64: 4, 64>}, {pipeline_mode = #tpu.pipeline_mode<synchronous>, transform_indices = @transform_5, window_bounds = array<i64: 131, 128>}, {pipeline_mode = #tpu.pipeline_mode<synchronous>, transform_indices = @transform_6, window_bounds = array<i64: 128>}, {pipeline_mode = #tpu.pipeline_mode<synchronous>, transform_indices = @transform_7, window_bounds = array<i64: 256, 128>}, {pipeline_mode = #tpu.pipeline_mode<synchronous>, transform_indices = @transform_8, window_bounds = array<i64: 128>}, {pipeline_mode = #tpu.pipeline_mode<synchronous>, transform_indices = @transform_9, window_bounds = array<i64: 64, 128>}, {pipeline_mode = #tpu.pipeline_mode<synchronous>, transform_indices = @transform_10, window_bounds = array<i64: 64, 128>}, {pipeline_mode = #tpu.pipeline_mode<synchronous>, transform_indices = @transform_11, window_bounds = array<i64: 128, 128>}, {pipeline_mode = #tpu.pipeline_mode<synchronous>, transform_indices = @transform_12, window_bounds = array<i64: 128>}, {pipeline_mode = #tpu.pipeline_mode<synchronous>, transform_indices = @transform_13, window_bounds = array<i64: 131, 128>}, {pipeline_mode = #tpu.pipeline_mode<synchronous>, transform_indices = @transform_14, window_bounds = array<i64: 128>}, {pipeline_mode = #tpu.pipeline_mode<synchronous>, transform_indices = @transform_15, window_bounds = array<i64: 256, 128>}, {pipeline_mode = #tpu.pipeline_mode<synchronous>, transform_indices = @transform_16, window_bounds = array<i64: 128>}, {pipeline_mode = #tpu.pipeline_mode<synchronous>, transform_indices = @transform_17, window_bounds = array<i64: 64, 128>}, {pipeline_mode = #tpu.pipeline_mode<synchronous>, transform_indices = @transform_18, window_bounds = array<i64: 64, 128>}, {pipeline_mode = #tpu.pipeline_mode<synchronous>, transform_indices = @transform_19, window_bounds = array<i64: 128, 128>}, {pipeline_mode = #tpu.pipeline_mode<synchronous>, transform_indices = @transform_20, window_bounds = array<i64: 128>}, {transform_indices = @transform_21, window_bounds = array<i64: 2000, 256>}]} {
    %get3A = arith.constant 0 : index
    %get3A_0 = arith.constant 0 : index
    %get3A_1 = vector.load %arg1[%get3A, %get3A_0] : memref<2000x128xf32, #tpu.memory_space<vmem>>, vector<2000x128xf32>
    %get3A_2 = arith.constant 0 : index
    %get3A_3 = arith.constant 0 : index
    %get3A_4 = vector.load %arg2[%get3A_2, %get3A_3] : memref<2000x3xf32, #tpu.memory_space<vmem>>, vector<2000x3xf32>
    %concatenate3A = tpu.concatenate %get3A_1, %get3A_4 in 1 : vector<2000x128xf32>, vector<2000x3xf32> -> vector<2000x131xf32>
    %get3A_5 = arith.constant 0 : index
    %get3A_6 = arith.constant 0 : index
    %get3A_7 = vector.load %arg5[%get3A_5, %get3A_6] : memref<4x64xf32, #tpu.memory_space<vmem>>, vector<4x64xf32>
    %slice3A = vector.extract_strided_slice %get3A_7 {offsets = [0, 0], sizes = [1, 64], strides = [1, 1]} : vector<4x64xf32> to vector<1x64xf32>
    %slice3A_8 = vector.extract_strided_slice %get3A_7 {offsets = [1, 0], sizes = [1, 64], strides = [1, 1]} : vector<4x64xf32> to vector<1x64xf32>
    %add3A = arith.addf %slice3A, %slice3A_8 : vector<1x64xf32>
    %mul3A = arith.constant 5.000000e-01 : f32
    %mul3A_9 = vector.broadcast %mul3A : f32 to vector<1x64xf32>
    %mul3A_10 = arith.mulf %add3A, %mul3A_9 : vector<1x64xf32>
    %slice3A_11 = vector.extract_strided_slice %get3A_7 {offsets = [2, 0], sizes = [1, 64], strides = [1, 1]} : vector<4x64xf32> to vector<1x64xf32>
    %slice3A_12 = vector.extract_strided_slice %get3A_7 {offsets = [3, 0], sizes = [1, 64], strides = [1, 1]} : vector<4x64xf32> to vector<1x64xf32>
    %add3A_13 = arith.addf %slice3A_11, %slice3A_12 : vector<1x64xf32>
    %mul3A_14 = arith.constant 5.000000e-01 : f32
    %mul3A_15 = vector.broadcast %mul3A_14 : f32 to vector<1x64xf32>
    %mul3A_16 = arith.mulf %add3A_13, %mul3A_15 : vector<1x64xf32>
    %get3A_17 = arith.constant 0 : index
    %get3A_18 = arith.constant 0 : index
    %get3A_19 = vector.load %arg3[%get3A_17, %get3A_18] : memref<2000x128xf32, #tpu.memory_space<vmem>>, vector<2000x128xf32>
    %get3A_20 = arith.constant 0 : index
    %get3A_21 = arith.constant 0 : index
    %get3A_22 = vector.load %arg6[%get3A_20, %get3A_21] : memref<131x128xf32, #tpu.memory_space<vmem>>, vector<131x128xf32>
    %dot_general3A = arith.constant dense<0.000000e+00> : vector<2000x128xf32>
    %dot_general3A_23 = tpu.matmul %concatenate3A, %get3A_22, %dot_general3A {dimension_numbers = #tpu.dot_dimension_numbers<[1], [0], [0], [1], [0, 0, 1, 1], [], []>, transpose_lhs_hint = false} : vector<2000x131xf32>, vector<131x128xf32>, vector<2000x128xf32> -> vector<2000x128xf32>
    %get3A_24 = arith.constant 0 : index
    %get3A_25 = vector.load %arg7[%get3A_24] : memref<128xf32, #tpu.memory_space<vmem>>, vector<128xf32>
    %broadcast_in_dim3A = vector.shape_cast %get3A_25 : vector<128xf32> to vector<1x128xf32>
    %add3A_26 = vector.broadcast %broadcast_in_dim3A : vector<1x128xf32> to vector<2000x128xf32>
    %add3A_27 = arith.addf %dot_general3A_23, %add3A_26 : vector<2000x128xf32>
    %max3A = arith.constant 0.000000e+00 : f32
    %max3A_28 = vector.broadcast %max3A : f32 to vector<2000x128xf32>
    %max3A_29 = arith.maximumf %add3A_27, %max3A_28 : vector<2000x128xf32>
    %concatenate3A_30 = tpu.concatenate %get3A_19, %max3A_29 in 1 : vector<2000x128xf32>, vector<2000x128xf32> -> vector<2000x256xf32>
    %get3A_31 = arith.constant 0 : index
    %get3A_32 = arith.constant 0 : index
    %get3A_33 = vector.load %arg8[%get3A_31, %get3A_32] : memref<256x128xf32, #tpu.memory_space<vmem>>, vector<256x128xf32>
    %dot_general3A_34 = arith.constant dense<0.000000e+00> : vector<2000x128xf32>
    %dot_general3A_35 = tpu.matmul %concatenate3A_30, %get3A_33, %dot_general3A_34 {dimension_numbers = #tpu.dot_dimension_numbers<[1], [0], [0], [1], [0, 0, 1, 1], [], []>, transpose_lhs_hint = false} : vector<2000x256xf32>, vector<256x128xf32>, vector<2000x128xf32> -> vector<2000x128xf32>
    %get3A_36 = arith.constant 0 : index
    %get3A_37 = vector.load %arg9[%get3A_36] : memref<128xf32, #tpu.memory_space<vmem>>, vector<128xf32>
    %broadcast_in_dim3A_38 = vector.shape_cast %get3A_37 : vector<128xf32> to vector<1x128xf32>
    %add3A_39 = vector.broadcast %broadcast_in_dim3A_38 : vector<1x128xf32> to vector<2000x128xf32>
    %add3A_40 = arith.addf %dot_general3A_35, %add3A_39 : vector<2000x128xf32>
    %add3A_41 = arith.addf %add3A_40, %get3A_19 : vector<2000x128xf32>
    %add3A_42 = arith.addf %add3A_41, %max3A_29 : vector<2000x128xf32>
    %max3A_43 = arith.constant 0.000000e+00 : f32
    %max3A_44 = vector.broadcast %max3A_43 : f32 to vector<2000x128xf32>
    %max3A_45 = arith.maximumf %add3A_42, %max3A_44 : vector<2000x128xf32>
    %get3A_46 = arith.constant 0 : index
    %get3A_47 = arith.constant 0 : index
    %get3A_48 = vector.load %arg10[%get3A_46, %get3A_47] : memref<64x128xf32, #tpu.memory_space<vmem>>, vector<64x128xf32>
    %dot_general3A_49 = arith.constant dense<0.000000e+00> : vector<1x128xf32>
    %dot_general3A_50 = tpu.matmul %mul3A_10, %get3A_48, %dot_general3A_49 {dimension_numbers = #tpu.dot_dimension_numbers<[1], [0], [0], [1], [0, 0, 1, 1], [], []>, transpose_lhs_hint = false} : vector<1x64xf32>, vector<64x128xf32>, vector<1x128xf32> -> vector<1x128xf32>
    %add3A_51 = arith.constant 1.000000e+00 : f32
    %add3A_52 = vector.broadcast %add3A_51 : f32 to vector<1x128xf32>
    %add3A_53 = arith.addf %add3A_52, %dot_general3A_50 : vector<1x128xf32>
    %get3A_54 = arith.constant 0 : index
    %get3A_55 = arith.constant 0 : index
    %get3A_56 = vector.load %arg11[%get3A_54, %get3A_55] : memref<64x128xf32, #tpu.memory_space<vmem>>, vector<64x128xf32>
    %dot_general3A_57 = arith.constant dense<0.000000e+00> : vector<1x128xf32>
    %dot_general3A_58 = tpu.matmul %mul3A_10, %get3A_56, %dot_general3A_57 {dimension_numbers = #tpu.dot_dimension_numbers<[1], [0], [0], [1], [0, 0, 1, 1], [], []>, transpose_lhs_hint = false} : vector<1x64xf32>, vector<64x128xf32>, vector<1x128xf32> -> vector<1x128xf32>
    %mul3A_59 = vector.broadcast %add3A_53 : vector<1x128xf32> to vector<2000x128xf32>
    %mul3A_60 = arith.mulf %max3A_45, %mul3A_59 : vector<2000x128xf32>
    %add3A_61 = vector.broadcast %dot_general3A_58 : vector<1x128xf32> to vector<2000x128xf32>
    %add3A_62 = arith.addf %mul3A_60, %add3A_61 : vector<2000x128xf32>
    %get3A_63 = arith.constant 0 : index
    %get3A_64 = arith.constant 0 : index
    %get3A_65 = vector.load %arg12[%get3A_63, %get3A_64] : memref<128x128xf32, #tpu.memory_space<vmem>>, vector<128x128xf32>
    %dot_general3A_66 = arith.constant dense<0.000000e+00> : vector<2000x128xf32>
    %dot_general3A_67 = tpu.matmul %add3A_62, %get3A_65, %dot_general3A_66 {dimension_numbers = #tpu.dot_dimension_numbers<[1], [0], [0], [1], [0, 0, 1, 1], [], []>, transpose_lhs_hint = false} : vector<2000x128xf32>, vector<128x128xf32>, vector<2000x128xf32> -> vector<2000x128xf32>
    %get3A_68 = arith.constant 0 : index
    %get3A_69 = vector.load %arg13[%get3A_68] : memref<128xf32, #tpu.memory_space<vmem>>, vector<128xf32>
    %broadcast_in_dim3A_70 = vector.shape_cast %get3A_69 : vector<128xf32> to vector<1x128xf32>
    %add3A_71 = vector.broadcast %broadcast_in_dim3A_70 : vector<1x128xf32> to vector<2000x128xf32>
    %add3A_72 = arith.addf %dot_general3A_67, %add3A_71 : vector<2000x128xf32>
    %max3A_73 = arith.constant 0.000000e+00 : f32
    %max3A_74 = vector.broadcast %max3A_73 : f32 to vector<2000x128xf32>
    %max3A_75 = arith.maximumf %add3A_72, %max3A_74 : vector<2000x128xf32>
    %get3A_76 = arith.constant 0 : index
    %get3A_77 = arith.constant 0 : index
    %get3A_78 = vector.load %arg2[%get3A_76, %get3A_77] : memref<2000x3xf32, #tpu.memory_space<vmem>>, vector<2000x3xf32>
    %concatenate3A_79 = tpu.concatenate %max3A_75, %get3A_78 in 1 : vector<2000x128xf32>, vector<2000x3xf32> -> vector<2000x131xf32>
    %get3A_80 = arith.constant 0 : index
    %get3A_81 = arith.constant 0 : index
    %get3A_82 = vector.load %arg4[%get3A_80, %get3A_81] : memref<2000x128xf32, #tpu.memory_space<vmem>>, vector<2000x128xf32>
    %get3A_83 = arith.constant 0 : index
    %get3A_84 = arith.constant 0 : index
    %get3A_85 = vector.load %arg14[%get3A_83, %get3A_84] : memref<131x128xf32, #tpu.memory_space<vmem>>, vector<131x128xf32>
    %dot_general3A_86 = arith.constant dense<0.000000e+00> : vector<2000x128xf32>
    %dot_general3A_87 = tpu.matmul %concatenate3A_79, %get3A_85, %dot_general3A_86 {dimension_numbers = #tpu.dot_dimension_numbers<[1], [0], [0], [1], [0, 0, 1, 1], [], []>, transpose_lhs_hint = false} : vector<2000x131xf32>, vector<131x128xf32>, vector<2000x128xf32> -> vector<2000x128xf32>
    %get3A_88 = arith.constant 0 : index
    %get3A_89 = vector.load %arg15[%get3A_88] : memref<128xf32, #tpu.memory_space<vmem>>, vector<128xf32>
    %broadcast_in_dim3A_90 = vector.shape_cast %get3A_89 : vector<128xf32> to vector<1x128xf32>
    %add3A_91 = vector.broadcast %broadcast_in_dim3A_90 : vector<1x128xf32> to vector<2000x128xf32>
    %add3A_92 = arith.addf %dot_general3A_87, %add3A_91 : vector<2000x128xf32>
    %max3A_93 = arith.constant 0.000000e+00 : f32
    %max3A_94 = vector.broadcast %max3A_93 : f32 to vector<2000x128xf32>
    %max3A_95 = arith.maximumf %add3A_92, %max3A_94 : vector<2000x128xf32>
    %concatenate3A_96 = tpu.concatenate %get3A_82, %max3A_95 in 1 : vector<2000x128xf32>, vector<2000x128xf32> -> vector<2000x256xf32>
    %get3A_97 = arith.constant 0 : index
    %get3A_98 = arith.constant 0 : index
    %get3A_99 = vector.load %arg16[%get3A_97, %get3A_98] : memref<256x128xf32, #tpu.memory_space<vmem>>, vector<256x128xf32>
    %dot_general3A_100 = arith.constant dense<0.000000e+00> : vector<2000x128xf32>
    %dot_general3A_101 = tpu.matmul %concatenate3A_96, %get3A_99, %dot_general3A_100 {dimension_numbers = #tpu.dot_dimension_numbers<[1], [0], [0], [1], [0, 0, 1, 1], [], []>, transpose_lhs_hint = false} : vector<2000x256xf32>, vector<256x128xf32>, vector<2000x128xf32> -> vector<2000x128xf32>
    %get3A_102 = arith.constant 0 : index
    %get3A_103 = vector.load %arg17[%get3A_102] : memref<128xf32, #tpu.memory_space<vmem>>, vector<128xf32>
    %broadcast_in_dim3A_104 = vector.shape_cast %get3A_103 : vector<128xf32> to vector<1x128xf32>
    %add3A_105 = vector.broadcast %broadcast_in_dim3A_104 : vector<1x128xf32> to vector<2000x128xf32>
    %add3A_106 = arith.addf %dot_general3A_101, %add3A_105 : vector<2000x128xf32>
    %add3A_107 = arith.addf %add3A_106, %get3A_82 : vector<2000x128xf32>
    %add3A_108 = arith.addf %add3A_107, %max3A_95 : vector<2000x128xf32>
    %max3A_109 = arith.constant 0.000000e+00 : f32
    %max3A_110 = vector.broadcast %max3A_109 : f32 to vector<2000x128xf32>
    %max3A_111 = arith.maximumf %add3A_108, %max3A_110 : vector<2000x128xf32>
    %get3A_112 = arith.constant 0 : index
    %get3A_113 = arith.constant 0 : index
    %get3A_114 = vector.load %arg18[%get3A_112, %get3A_113] : memref<64x128xf32, #tpu.memory_space<vmem>>, vector<64x128xf32>
    %dot_general3A_115 = arith.constant dense<0.000000e+00> : vector<1x128xf32>
    %dot_general3A_116 = tpu.matmul %mul3A_16, %get3A_114, %dot_general3A_115 {dimension_numbers = #tpu.dot_dimension_numbers<[1], [0], [0], [1], [0, 0, 1, 1], [], []>, transpose_lhs_hint = false} : vector<1x64xf32>, vector<64x128xf32>, vector<1x128xf32> -> vector<1x128xf32>
    %add3A_117 = arith.constant 1.000000e+00 : f32
    %add3A_118 = vector.broadcast %add3A_117 : f32 to vector<1x128xf32>
    %add3A_119 = arith.addf %add3A_118, %dot_general3A_116 : vector<1x128xf32>
    %get3A_120 = arith.constant 0 : index
    %get3A_121 = arith.constant 0 : index
    %get3A_122 = vector.load %arg19[%get3A_120, %get3A_121] : memref<64x128xf32, #tpu.memory_space<vmem>>, vector<64x128xf32>
    %dot_general3A_123 = arith.constant dense<0.000000e+00> : vector<1x128xf32>
    %dot_general3A_124 = tpu.matmul %mul3A_16, %get3A_122, %dot_general3A_123 {dimension_numbers = #tpu.dot_dimension_numbers<[1], [0], [0], [1], [0, 0, 1, 1], [], []>, transpose_lhs_hint = false} : vector<1x64xf32>, vector<64x128xf32>, vector<1x128xf32> -> vector<1x128xf32>
    %mul3A_125 = vector.broadcast %add3A_119 : vector<1x128xf32> to vector<2000x128xf32>
    %mul3A_126 = arith.mulf %max3A_111, %mul3A_125 : vector<2000x128xf32>
    %add3A_127 = vector.broadcast %dot_general3A_124 : vector<1x128xf32> to vector<2000x128xf32>
    %add3A_128 = arith.addf %mul3A_126, %add3A_127 : vector<2000x128xf32>
    %get3A_129 = arith.constant 0 : index
    %get3A_130 = arith.constant 0 : index
    %get3A_131 = vector.load %arg20[%get3A_129, %get3A_130] : memref<128x128xf32, #tpu.memory_space<vmem>>, vector<128x128xf32>
    %dot_general3A_132 = arith.constant dense<0.000000e+00> : vector<2000x128xf32>
    %dot_general3A_133 = tpu.matmul %add3A_128, %get3A_131, %dot_general3A_132 {dimension_numbers = #tpu.dot_dimension_numbers<[1], [0], [0], [1], [0, 0, 1, 1], [], []>, transpose_lhs_hint = false} : vector<2000x128xf32>, vector<128x128xf32>, vector<2000x128xf32> -> vector<2000x128xf32>
    %get3A_134 = arith.constant 0 : index
    %get3A_135 = vector.load %arg21[%get3A_134] : memref<128xf32, #tpu.memory_space<vmem>>, vector<128xf32>
    %broadcast_in_dim3A_136 = vector.shape_cast %get3A_135 : vector<128xf32> to vector<1x128xf32>
    %add3A_137 = vector.broadcast %broadcast_in_dim3A_136 : vector<1x128xf32> to vector<2000x128xf32>
    %add3A_138 = arith.addf %dot_general3A_133, %add3A_137 : vector<2000x128xf32>
    %max3A_139 = arith.constant 0.000000e+00 : f32
    %max3A_140 = vector.broadcast %max3A_139 : f32 to vector<2000x128xf32>
    %max3A_141 = arith.maximumf %add3A_138, %max3A_140 : vector<2000x128xf32>
    %swap3A = arith.constant 0 : index
    %swap3A_142 = arith.constant 0 : index
    %swap3A_143 = vector.load %arg22[%swap3A, %swap3A_142] : memref<2000x256xf32, #tpu.memory_space<vmem>>, vector<2000x128xf32>
    tpu.vector_store %arg22[%swap3A, %swap3A_142], %max3A_141 {strides = array<i32>} : memref<2000x256xf32, #tpu.memory_space<vmem>>, vector<2000x128xf32>,
    %swap3A_144 = arith.constant 0 : index
    %swap3A_145 = arith.constant 128 : index
    %swap3A_146 = vector.load %arg22[%swap3A_144, %swap3A_145] : memref<2000x256xf32, #tpu.memory_space<vmem>>, vector<2000x128xf32>
    tpu.vector_store %arg22[%swap3A_144, %swap3A_145], %get3A_1 {strides = array<i32>} : memref<2000x256xf32, #tpu.memory_space<vmem>>, vector<2000x128xf32>,
    return
  }
  func.func @transform_0(%arg0: i32) -> (i32, i32) {
    %c0_i32 = arith.constant 0 : i32
    %c0_i32_0 = arith.constant 0 : i32
    return %arg0, %c0_i32 : i32, i32
  }
  func.func @transform_1(%arg0: i32) -> (i32, i32) {
    %c0_i32 = arith.constant 0 : i32
    %c0_i32_0 = arith.constant 0 : i32
    return %arg0, %c0_i32 : i32, i32
  }
  func.func @transform_2(%arg0: i32) -> (i32, i32) {
    %c0_i32 = arith.constant 0 : i32
    %c0_i32_0 = arith.constant 0 : i32
    return %arg0, %c0_i32 : i32, i32
  }
  func.func @transform_3(%arg0: i32) -> (i32, i32) {
    %c0_i32 = arith.constant 0 : i32
    %c0_i32_0 = arith.constant 0 : i32
    return %arg0, %c0_i32 : i32, i32
  }
  func.func @transform_4(%arg0: i32) -> (i32, i32) {
    %c0_i32 = arith.constant 0 : i32
    %c0_i32_0 = arith.constant 0 : i32
    %c0_i32_1 = arith.constant 0 : i32
    return %c0_i32, %c0_i32_0 : i32, i32
  }
  func.func @transform_5(%arg0: i32) -> (i32, i32) {
    %c0_i32 = arith.constant 0 : i32
    %c0_i32_0 = arith.constant 0 : i32
    %c0_i32_1 = arith.constant 0 : i32
    return %c0_i32, %c0_i32_0 : i32, i32
  }
  func.func @transform_6(%arg0: i32) -> i32 {
    %c0_i32 = arith.constant 0 : i32
    %c0_i32_0 = arith.constant 0 : i32
    return %c0_i32 : i32
  }
  func.func @transform_7(%arg0: i32) -> (i32, i32) {
    %c0_i32 = arith.constant 0 : i32
    %c0_i32_0 = arith.constant 0 : i32
    %c0_i32_1 = arith.constant 0 : i32
    return %c0_i32, %c0_i32_0 : i32, i32
  }
  func.func @transform_8(%arg0: i32) -> i32 {
    %c0_i32 = arith.constant 0 : i32
    %c0_i32_0 = arith.constant 0 : i32
    return %c0_i32 : i32
  }
  func.func @transform_9(%arg0: i32) -> (i32, i32) {
    %c0_i32 = arith.constant 0 : i32
    %c0_i32_0 = arith.constant 0 : i32
    %c0_i32_1 = arith.constant 0 : i32
    return %c0_i32, %c0_i32_0 : i32, i32
  }
  func.func @transform_10(%arg0: i32) -> (i32, i32) {
    %c0_i32 = arith.constant 0 : i32
    %c0_i32_0 = arith.constant 0 : i32
    %c0_i32_1 = arith.constant 0 : i32
    return %c0_i32, %c0_i32_0 : i32, i32
  }
  func.func @transform_11(%arg0: i32) -> (i32, i32) {
    %c0_i32 = arith.constant 0 : i32
    %c0_i32_0 = arith.constant 0 : i32
    %c0_i32_1 = arith.constant 0 : i32
    return %c0_i32, %c0_i32_0 : i32, i32
  }
  func.func @transform_12(%arg0: i32) -> i32 {
    %c0_i32 = arith.constant 0 : i32
    %c0_i32_0 = arith.constant 0 : i32
    return %c0_i32 : i32
  }
  func.func @transform_13(%arg0: i32) -> (i32, i32) {
    %c0_i32 = arith.constant 0 : i32
    %c0_i32_0 = arith.constant 0 : i32
    %c0_i32_1 = arith.constant 0 : i32
    return %c0_i32, %c0_i32_0 : i32, i32
  }
  func.func @transform_14(%arg0: i32) -> i32 {
    %c0_i32 = arith.constant 0 : i32
    %c0_i32_0 = arith.constant 0 : i32
    return %c0_i32 : i32
  }
  func.func @transform_15(%arg0: i32) -> (i32, i32) {
    %c0_i32 = arith.constant 0 : i32
    %c0_i32_0 = arith.constant 0 : i32
    %c0_i32_1 = arith.constant 0 : i32
    return %c0_i32, %c0_i32_0 : i32, i32
  }
  func.func @transform_16(%arg0: i32) -> i32 {
    %c0_i32 = arith.constant 0 : i32
    %c0_i32_0 = arith.constant 0 : i32
    return %c0_i32 : i32
  }
  func.func @transform_17(%arg0: i32) -> (i32, i32) {
    %c0_i32 = arith.constant 0 : i32
    %c0_i32_0 = arith.constant 0 : i32
    %c0_i32_1 = arith.constant 0 : i32
    return %c0_i32, %c0_i32_0 : i32, i32
  }
  func.func @transform_18(%arg0: i32) -> (i32, i32) {
    %c0_i32 = arith.constant 0 : i32
    %c0_i32_0 = arith.constant 0 : i32
    %c0_i32_1 = arith.constant 0 : i32
    return %c0_i32, %c0_i32_0 : i32, i32
  }
  func.func @transform_19(%arg0: i32) -> (i32, i32) {
    %c0_i32 = arith.constant 0 : i32
    %c0_i32_0 = arith.constant 0 : i32
    %c0_i32_1 = arith.constant 0 : i32
    return %c0_i32, %c0_i32_0 : i32, i32
  }
  func.func @transform_20(%arg0: i32) -> i32 {
    %c0_i32 = arith.constant 0 : i32
    %c0_i32_0 = arith.constant 0 : i32
    return %c0_i32 : i32
  }
  func.func @transform_21(%arg0: i32) -> (i32, i32) {
    %c0_i32 = arith.constant 0 : i32
    %c0_i32_0 = arith.constant 0 : i32
    return %arg0, %c0_i32 : i32, i32
  }
}

</mosaic_0001>

<sc_bundles>
// kernel: kernel.4.cloned.1.call-start
scs
__scs_entry_jumppad:
0x0: {  	(pc) =	sbr.rel $0x88, $3  }
0x1: {  	(tag) =	ssettag $0x0;
	lr =	simm.s32 $0x1  }
0x2: {  	[smem:$0x3F8B] =	sst lr;
	_ =	strace $0xD0000000  }
0x3: {  	_ = 	snop  }
0x4: {  	_ = 	snop  }
0x5: {  	_ = 	snop  }
0x6: {  	_ = 	snop  }
0x7: {  	_ = 	snop  }
__scs_overlays_trampoline_lowered:
0x8: {  	[smem:$0x3F9A] =	sst s0  }
0x9: {  	[smem:$0x3F9B] =	sst s1  }
0xa: {  	[smem:$0x3F9C] =	sst s2  }
0xb: {  	[smem:$0x3F9D] =	sst s3  }
0xc: {  	[smem:$0x3F9E] =	sst s4  }
0xd: {  	[smem:$0x3F9F] =	sst s5  }
0xe: {  	[smem:$0x3FA0] =	sst s6  }
0xf: {  	[smem:$0x3FA1] =	sst s7  }
0x10: {  	[smem:$0x3FA2] =	sst s8  }
0x11: {  	[smem:$0x3FA3] =	sst s9;
	s0 =	simm.s32 @!p0 $0x0  }
0x12: {  	s1 =	sld [smem:$0x3F89];
	s0 =	simm.s32 @p0 $0x1  }
0x13: {  	[smem:$0x3FA4] =	sst s0;
	s0 =	simm.s32 @!p1 $0x0  }
0x14: {  	s2 =	sld [smem:$0x3F88];
	s0 =	simm.s32 @p1 $0x1  }
0x15: {  	[smem:$0x3FA5] =	sst s0;
	s0 =	simm.s32 @!p2 $0x0  }
0x16: {  	s3 =	sld [smem:$0x3FDB];
	s0 =	simm.s32 @p2 $0x1  }
0x17: {  	s4 =	simm.s32 $0x1BF5;
	[smem:$0x3FA7] =	sst s0  }
0x18: {  	s0 =	sld [smem:$0x3F8A];
	_ =	swait.ge [sflag:s4], $0x0  }
0x19: {  	s7 =	sld [smem:$0x3F8B]  }
0x1a: {  	s8 =	sadd.s32 $0xFFFFE003, lr  }
0x1b: {  	s9 =	sadd.s32 $0xFFFFFEF7, lr;
	s5 =	simm.s32 $0xFFFFFFFF;
	p2 =	slt.u32 s8, $0xFFFFF086  }
0x1c: {  	p1 =	slt.u32 s9, $0xF7A;
	s5 =	simm.s32 @!p2 $0x0  }
0x1d: {  	s5 =	simm.s32 @p1 $0x1;
	p0 =	seq.s32 s7, s2  }
0x1e: {  	s7 =	smul.u32 @!p0 $0xF7A, s2;
	p2 =	seq.s32 @!p0 s5, $0x0  }
0x1f: {  	s9 =	smul.u32 $0xF7A, s1;
	s8 =	simm.s32 @!p0 $0x1BF5;
	p2 =	por !p2, p0  }
0x20: {  	[sflag:s8] =	ssyncset.s32 @!p0 $0xFFFFF086;
	s6 =	sadd.s32 @!p0 s3, s7;
	s7 =	simm.s32 @!p0 $0x108  }
0x21: {  	s3 =	sadd.s32 s3, s9;
	s6 =	sadd.s32 @!p0 $0x88, s6;
	s7 =	simm.s32 @p2 $0x1082  }
0x22: {  	[simem:s7], [sflag:s8] =	dma.local @!p0 [hbm:s6], $0xF7A  }
0x23: {  	s9 =	sor.u32 $0xD0000000, s2;
	s6 =	simm.s32 $0x108;
	_ =	swait.ge @!p0 [sflag:s8], $0x0  }
0x24: {  	s3 =	sadd.s32 $0x88, s3;
	s6 =	simm.s32 @!p1 $0x1082;
	[sflag:s4] =	ssyncset.s32 $0xFFFFF086  }
0x25: {  	[simem:s6], [sflag:s4] =	dma.local [hbm:s3], $0xF7A  }
0x26: {  	[smem:$0x3F8B] =	sst s1;
	(tag) =	ssettag s2;
	_ =	strace s9  }
0x27: {  	s1 =	sld [smem:$0x3F9B]  }
0x28: {  	s2 =	sld [smem:$0x3F9C]  }
0x29: {  	s4 =	sld [smem:$0x3F9E]  }
0x2a: {  	p0 =	seq.s32 s5, $0x0;
	s5 =	sld [smem:$0x3F9F]  }
0x2b: {  	s6 =	sld [smem:$0x3FA0]  }
0x2c: {  	s7 =	sld [smem:$0x3FA1]  }
0x2d: {  	s3 =	simm.s32 $0x108;
	s8 =	sld [smem:$0x3FA2]  }
0x2e: {  	s3 =	simm.s32 @!p0 $0x1082;
	s9 =	sld [smem:$0x3FA3]  }
0x2f: {  	lr =	sadd.s32 s0, s3;
	s0 =	sld [smem:$0x3F9A]  }
0x30: {  	s3 =	sld [smem:$0x3F9D]  }
0x31: {  	[smem:$0x3FA6] =	sst s10  }
0x32: {  	s10 =	sld [smem:$0x3FA4];
	_ =	sdelay $0x3  }
0x33: {  	p0 =	seq.s32 s10, $0x1;
	s10 =	sld [smem:$0x3FA6];
	_ =	sdelay $0x3  }
0x34: {  	[smem:$0x3FA6] =	sst s10  }
0x35: {  	s10 =	sld [smem:$0x3FA5];
	_ =	sdelay $0x3  }
0x36: {  	p1 =	seq.s32 s10, $0x1;
	s10 =	sld [smem:$0x3FA6];
	_ =	sdelay $0x3  }
0x37: {  	[smem:$0x3FA6] =	sst s10  }
0x38: {  	s10 =	sld [smem:$0x3FA7]  }
0x39: {  	_ = 	snop;
	(pc) =	sbr.ind lr, $3  }
0x3a: {  	_ = 	snop  }
0x3b: {  	_ = 	snop  }
0x3c: {  	p2 =	seq.s32 s10, $0x1;
	s10 =	sld [smem:$0x3FA6]  }
0x3d: {  	_ =	shalt  }
0x3e: {  	_ =	shalt  }
0x3f: {  	_ =	shalt  }
0x40: {  	_ =	shalt  }
0x41: {  	_ =	shalt  }
0x42: {  	_ =	shalt  }
0x43: {  	_ =	shalt  }
0x44: {  	_ =	shalt  }
0x45: {  	_ =	shalt  }
0x46: {  	_ =	shalt  }
0x47: {  	_ =	shalt  }
0x48: {  	_ =	shalt  }
0x49: {  	_ =	shalt  }
0x4a: {  	_ =	shalt  }
0x4b: {  	_ =	shalt  }
0x4c: {  	_ =	shalt  }
0x4d: {  	_ =	shalt  }
0x4e: {  	_ =	shalt  }
0x4f: {  	_ =	shalt  }
0x50: {  	_ =	shalt  }
0x51: {  	_ =	shalt  }
0x52: {  	_ =	shalt  }
0x53: {  	_ =	shalt  }
0x54: {  	_ =	shalt  }
0x55: {  	_ =	shalt  }
0x56: {  	_ =	shalt  }
0x57: {  	_ =	shalt  }
0x58: {  	_ =	shalt  }
0x59: {  	_ =	shalt  }
0x5a: {  	_ =	shalt  }
0x5b: {  	_ =	shalt  }
0x5c: {  	_ =	shalt  }
0x5d: {  	_ =	shalt  }
0x5e: {  	_ =	shalt  }
0x5f: {  	_ =	shalt  }
0x60: {  	_ =	shalt  }
0x61: {  	_ =	shalt  }
0x62: {  	_ =	shalt  }
0x63: {  	_ =	shalt  }
0x64: {  	_ =	shalt  }
0x65: {  	_ =	shalt  }
0x66: {  	_ =	shalt  }
0x67: {  	_ =	shalt  }
0x68: {  	_ =	shalt  }
0x69: {  	_ =	shalt  }
0x6a: {  	_ =	shalt  }
0x6b: {  	_ =	shalt  }
0x6c: {  	_ =	shalt  }
0x6d: {  	_ =	shalt  }
0x6e: {  	_ =	shalt  }
0x6f: {  	_ =	shalt  }
0x70: {  	_ =	shalt  }
0x71: {  	_ =	shalt  }
0x72: {  	_ =	shalt  }
0x73: {  	_ =	shalt  }
0x74: {  	_ =	shalt  }
0x75: {  	_ =	shalt  }
0x76: {  	_ =	shalt  }
0x77: {  	_ =	shalt  }
0x78: {  	_ =	shalt  }
0x79: {  	_ =	shalt  }
0x7a: {  	_ =	shalt  }
0x7b: {  	_ =	shalt  }
0x7c: {  	_ =	shalt  }
0x7d: {  	_ =	shalt  }
0x7e: {  	_ =	shalt  }
0x7f: {  	_ =	shalt  }
0x80: {  	_ =	shalt  }
0x81: {  	_ =	shalt  }
0x82: {  	_ =	shalt  }
0x83: {  	_ =	shalt  }
0x84: {  	_ =	shalt  }
0x85: {  	_ =	shalt  }
0x86: {  	_ =	shalt  }
0x87: {  	_ =	shalt  }
.Lfunc_end0:
.L_simem_size_0:
called_computation_lowered:
.L_overlay_start_0:
0x88: {  	s2 =	sld [smem:$0x3FD9]  }
0x89: {  	s3 =	sld [smem:$0x3FFE];
	_ =	sdelay $0x1  }
0x8a: {  	s1 =	srdreg.scid  }
0x8b: {  	s0 =	sand.u32 $0x1, s1  }
0x8c: {  	s17 =	sshll.u32 s0, $0xA;
	s2 =	sadd.s32 s3, s2  }
0x8d: {  	s2 =	sadd.s32 s2, s17  }
0x8e: {  	[smem:$0x3FB2] =	sst s2  }
0x8f: {  	_ = 	snop  }
0x90: {  	s2 =	sld [smem:$0x3FC5]  }
0x91: {  	s18 =	sld [smem:$0x3FBC]  }
0x92: {  	s4 =	sld [smem:$0x3FD0];
	(tm) =	ssettm $0x1  }
0x93: {  	s5 =	sld [smem:$0x3FFB];
	_ =	sdelay $0x3  }
0x94: {  	_ =	strace s5  }
0x95: {  	s5 =	sld [smem:$0x3FFC];
	_ =	sdelay $0x3  }
0x96: {  	_ =	strace s5  }
0x97: {  	s5 =	sld [smem:$0x3FFD];
	_ =	sdelay $0x3  }
0x98: {  	_ =	strace s5  }
0x99: {  	_ =	strace $0x8FFFFFFF  }
0x9a: {  	s19 =	sld [smem:$0x3FDB];
	_ =	sdelay $0x1  }
0x9b: {  	s6 =	simm.s32 $_scs_section_size  }
0x9c: {  	s7 =	simm.s32 $_size__tile_overlayer_lowered;
	s8 =	simm.s32 $_tile_overlayer_lowered  }
0x9d: {  	s22 =	simm.s32 $0x1BFF;
	s21 =	sshll.u32 s8, $0x1;
	s5 =	sadd.s32 s6, s19  }
0x9e: {  	s9 =	simm.s32 $0x0;
	s20 =	sshll.u32 s7, $0x1;
	s7 =	sadd.s32 s21, s5  }
0x9f: {  	[timem:s9], [sflag:s22] =	dma.local [hbm:s7], s20  }
0xa0: {  	_ =	swait.ge [sflag:s22], s20  }
0xa1: {  	s6 =	ssub.s32 $0x0, s20;
	[sflag:s22] =	ssyncset.done $0x0  }
0xa2: {  	[sflag:s22] =	ssyncadd.s32 s6;
	_ =	sdelay $0x1  }
0xa3: {  	s23 =	simm.s32 $0x1B8B  }
0xa4: {  	_ =	swait.ge [sflag:s23], $0x1  }
0xa5: {  	[sflag:s23] =	ssyncset.done $0x0  }
0xa6: {  	s25 =	simm.s32 $0x1B8E;
	s24 =	sld [smem:$0x3FFE];
	[sflag:s23] =	ssyncadd.s32 $0xFFFFFFFF  }
0xa7: {  	s26 =	simm.s32 $execute0_lowered;
	[smem:$0x3FD2] =	sst s25  }
0xa8: {  	s7 =	sshll.u32 s26, $0x1;
	_ =	strace $0x80000046;
	[dreg:$0x1] =	wrdreg $0xFFFFFFFF  }
0xa9: {  	s28 =	simm.s32 $_size_execute0_lowered;
	s5 =	sadd.s32 s5, s7;
	[dreg:$0x0] =	wrdreg $0x0  }
0xaa: {  	s7 =	sshll.u32 s28, $0x1;
	[dreg:$0x2] =	wrdreg s5  }
0xab: {  	[dreg:$0x3] =	wrdreg s7  }
0xac: {  	[dreg:$0x4] =	wrdreg $0xC0  }
0xad: {  	_ =	task [dreg:s9], $0x5FFFF  }
0xae: {  	[dreg:$0x1] =	wrdreg $0xFFFFFFFF  }
0xaf: {  	[dreg:$0x0] =	wrdreg $0x60  }
0xb0: {  	[dreg:$0x2] =	wrdreg s2  }
0xb1: {  	[dreg:$0x3] =	wrdreg s18  }
0xb2: {  	[dreg:$0x4] =	wrdreg s24  }
0xb3: {  	[dreg:$0x5] =	wrdreg s4  }
0xb4: {  	[dreg:$0x6] =	wrdreg $0xB9000  }
0xb5: {  	[dreg:$0x7] =	wrdreg $0x9  }
0xb6: {  	_ =	task.clear_ibuf [dreg:s9], $0x8FFFF;
	_ =	strace $0x90000046  }
0xb7: {  	s29 =	simm.s32 $0x9;
	_ =	strace $0x80000048  }
0xb8: {  	_ =	swait.ge [sflag:s29], $0x1  }
0xb9: {  	[sflag:s29] =	ssyncadd.s32 $0xFFFFFFFF  }
0xba: {  	_ =	strace $0x90000048  }
0xbb: {  	_ =	sfence  }
0xbc: {  	s30 =	sld [smem:$0x0];
	_ =	sdelay $0x2  }
0xbd: {  	s31 =	sshll.u32 s1, $0xD;
	s1 =	sshrl.u32 s1, $0x2  }
0xbe: {  	s3 =	sand.u32 $0x4000, s31;
	s1 =	sadd.s32 s1, s30  }
0xbf: {  	s0 =	sor.u32 s3, s0;
	s1 =	sshll.u32 s1, $0x11  }
0xc0: {  	s0 =	sor.u32 s1, s0  }
0xc1: {  	s0 =	sadd.s32 $0x8F2B, s0  }
0xc2: {  	[sflag:s0] =	ssyncadd.remote.s32 $0x1  }
0xc3: {  	_ =	sfence.sel $0xFFFF  }
0xc4: {  	[dreg:$0x0] =	wrdreg $0xFFFFFFFF;
	(pc) =	sbr.abs _section_cstart, $3  }
0xc5: {  	[dreg:$0x1] =	wrdreg $0xFFFFFFFF  }
0xc6: {  	_ =	task.clear_ibuf [dreg:s9], $0x2FFFF;
	_ =	strace $0x9FFFFFFF  }
0xc7: {  	(tm) =	ssettm $0x7FFFFFFF  }
tec
execute0_lowered:
.L_overlay_start_1:
0x0: {  	(tag) =	ssettag $0x1  }
0x1: {  	s0 =	rddreg [dreg:$0x2]  }
0x2: {  	s4 =	stileid.u32;
	s2 =	srdreg.scid  }
0x3: {  	s3 =	sadd.s32 $0x16C00, s0;
	s16 =	sor.u32 $0x10, s4;
	s19 =	smul.u32 $0x280, s4  }
0x4: {  	s18 =	sor.u32 $0x20, s4;
	s15 =	sand.u32 $0x1, s2;
	s17 =	sor.u32 $0x30, s4  }
0x5: {  	s11 =	sor.u32 $0x40, s4;
	s13 =	sor.u32 $0x50, s4;
	s14 =	sor.u32 $0x60, s4  }
0x6: {  	s10 =	sor.u32 $0x70, s4;
	s9 =	sor.u32 $0x80, s4;
	s8 =	sor.u32 $0x90, s4  }
0x7: {  	s7 =	sor.u32 $0xA0, s4;
	s5 =	sor.u32 $0xB0, s4;
	s2 =	sor.u32 $0xC0, s4  }
0x8: {  	s6 =	sor.u32 $0xD0, s4;
	s12 =	sor.u32 $0xF0, s4;
	[smem:$0x7ED] =	sst s5  }
0x9: {  	s20 =	smul.u32 $0x280, s16;
	s0 =	ssub.s32 $0x2, s15;
	[smem:$0x7EF] =	sst s2  }
0xa: {  	s21 =	smul.u32 $0x280, s18;
	[smem:$0x7F1] =	sst s6;
	s1 =	sshrl.u32 s0, $0x1  }
0xb: {  	s22 =	smul.u32 $0x280, s17;
	[smem:$0x7F4] =	sst s12;
	s0 =	ssub.s32 s0, s1  }
0xc: {  	s23 =	smul.u32 $0x280, s11;
	s1 =	sor.u32 $0xE0, s4;
	[smem:$0x7FB] =	sst s0  }
0xd: {  	s31 =	smul.u32 $0x280, s5;
	s5 =	sadd.s32 s3, s22;
	[smem:$0x7F3] =	sst s1  }
0xe: {  	s24 =	smul.u32 $0x280, s13;
	s0 =	sadd.s32 s3, s19;
	[dreg:$0x9] =	wrdreg s5  }
0xf: {  	s25 =	smul.u32 $0x280, s14;
	s5 =	sadd.s32 s3, s23;
	[dreg:$0x6] =	wrdreg s0  }
0x10: {  	s26 =	smul.u32 $0x280, s10;
	s0 =	sadd.s32 s3, s20;
	[dreg:$0xa] =	wrdreg s5  }
0x11: {  	s5 =	smul.u32 $0x280, s2;
	s2 =	sadd.s32 s3, s24;
	[dreg:$0x7] =	wrdreg s0  }
0x12: {  	s28 =	smul.u32 $0x280, s9;
	s0 =	sadd.s32 s3, s21;
	[dreg:$0xb] =	wrdreg s2  }
0x13: {  	s29 =	smul.u32 $0x280, s8;
	s2 =	sadd.s32 s3, s25;
	[dreg:$0x8] =	wrdreg s0  }
0x14: {  	[dreg:$0xc] =	wrdreg s2;
	s2 =	smul.u32 $0x280, s6;
	s6 =	sadd.s32 s3, s26  }
0x15: {  	s30 =	smul.u32 $0x280, s7;
	[dreg:$0xd] =	wrdreg s6;
	s6 =	sadd.s32 s3, s28  }
0x16: {  	[dreg:$0xe] =	wrdreg s6;
	s6 =	smul.u32 $0x280, s1;
	s1 =	sadd.s32 s3, s29  }
0x17: {  	[dreg:$0xf] =	wrdreg s1;
	s1 =	sadd.s32 s3, s30  }
0x18: {  	[dreg:$0x10] =	wrdreg s1;
	s1 =	sadd.s32 s3, s31  }
0x19: {  	s0 =	smul.u32 $0x280, s12;
	[dreg:$0x11] =	wrdreg s1;
	s1 =	sadd.s32 s3, s5  }
0x1a: {  	[dreg:$0x12] =	wrdreg s1;
	s1 =	sadd.s32 s3, s2  }
0x1b: {  	[dreg:$0x13] =	wrdreg s1;
	s1 =	sadd.s32 s3, s6;
	s3 =	sadd.s32 s3, s0  }
0x1c: {  	[dreg:$0x15] =	wrdreg s3  }
0x1d: {  	s3 =	rddreg [dreg:$0x3]  }
0x1e: {  	[dreg:$0x14] =	wrdreg s1;
	s19 =	sadd.s32 s3, s19  }
0x1f: {  	s20 =	sadd.s32 s3, s20;
	[dreg:$0x16] =	wrdreg s19  }
0x20: {  	s21 =	sadd.s32 s3, s21;
	[dreg:$0x17] =	wrdreg s20  }
0x21: {  	s22 =	sadd.s32 s3, s22;
	[dreg:$0x18] =	wrdreg s21  }
0x22: {  	s23 =	sadd.s32 s3, s23;
	[dreg:$0x19] =	wrdreg s22  }
0x23: {  	s24 =	sadd.s32 s3, s24;
	[dreg:$0x1a] =	wrdreg s23  }
0x24: {  	s25 =	sadd.s32 s3, s25;
	[dreg:$0x1b] =	wrdreg s24  }
0x25: {  	s26 =	sadd.s32 s3, s26;
	[dreg:$0x1c] =	wrdreg s25  }
0x26: {  	p1 =	sgt.u32 s4, $0x9;
	s1 =	sadd.s32 s3, s28;
	[dreg:$0x1d] =	wrdreg s26  }
0x27: {  	p2 =	slt.u32 s4, $0xA;
	s5 =	sadd.s32 s3, s5;
	[dreg:$0x1e] =	wrdreg s1  }
0x28: {  	p0 =	sne.s32 s15, $0x0;
	s2 =	sadd.s32 s3, s2;
	[smem:$0x7D7] =	sst s5  }
0x29: {  	s11 =	smul.u32 $0x5000, s11;
	s0 =	sadd.s32 s3, s0;
	[smem:$0x7D8] =	sst s2  }
0x2a: {  	s7 =	smul.u32 $0x5000, s7;
	s28 =	simm.s32 $0xA;
	[smem:$0x7DA] =	sst s0  }
0x2b: {  	s19 =	sadd.s32 s3, s29;
	s20 =	sadd.s32 s3, s30;
	s23 =	rddreg [dreg:$0x2]  }
0x2c: {  	s21 =	sadd.s32 s3, s31;
	s22 =	smul.u32 $0x4E20, s4;
	[dreg:$0x1f] =	wrdreg s19  }
0x2d: {  	s1 =	sadd.s32 s3, s6;
	s5 =	smul.u32 $0x5000, s16;
	[smem:$0x7D5] =	sst s20  }
0x2e: {  	s3 =	simm.s32 $0x0;
	s16 =	smul.u32 $0x5000, s13;
	[smem:$0x7D6] =	sst s21  }
0x2f: {  	[smem:$0x7D9] =	sst s1;
	s1 =	sadd.s32 $0xCE00, s23;
	s0 =	sshrl.u32 s22, $0x3  }
0x30: {  	[smem:$0x7FF] =	sst s3;
	s2 =	sadd.s32 $0x3000, s23;
	s20 =	sadd.s32 s1, s0  }
0x31: {  	s24 =	sadd.s32 $0x8, s0;
	s21 =	sadd.s32 s2, s0;
	[smem:$0x7DF] =	sst s20  }
0x32: {  	s30 =	simm.s32 $0x4280;
	s25 =	sadd.s32 s1, s24;
	[smem:$0x7E0] =	sst s21  }
0x33: {  	s26 =	sadd.s32 $0x10, s0;
	s12 =	sadd.s32 s2, s24;
	[smem:$0x7DB] =	sst s25  }
0x34: {  	s19 =	smul.u32 $0x5000, s18;
	s6 =	sadd.s32 s1, s26;
	[smem:$0x7DC] =	sst s12  }
0x35: {  	s22 =	sadd.s32 $0x18, s0;
	s18 =	sadd.s32 s2, s26;
	[smem:$0x7DD] =	sst s6  }
0x36: {  	s31 =	simm.s32 $0x6300;
	s23 =	sadd.s32 s1, s22;
	[smem:$0x7DE] =	sst s18  }
0x37: {  	s15 =	sshrl.u32 s5, $0x2;
	s0 =	sadd.s32 $0x9C0, s0;
	[smem:$0x7E1] =	sst s23  }
0x38: {  	s24 =	smul.u32 $0x9C4, s4;
	s12 =	sadd.s32 s2, s22;
	s18 =	rddreg [dreg:$0x4]  }
0x39: {  	s21 =	smul.u32 $0x5000, s10;
	s25 =	sadd.s32 s1, s0;
	[smem:$0x7E2] =	sst s12  }
0x3a: {  	s0 =	sadd.s32 s2, s0;
	s6 =	smul.u32 $0x5000, s17;
	[smem:$0x7E3] =	sst s25  }
0x3b: {  	s17 =	sshrl.u32 s19, $0x2;
	[smem:$0x7E4] =	sst s0;
	s26 =	sadd.s32 s24, s2  }
0x3c: {  	s19 =	smul.u32 $0x5000, s14;
	s1 =	sadd.s32 s24, s1;
	[smem:$0x7E5] =	sst s26  }
0x3d: {  	s22 =	sshrl.u32 s11, $0x2;
	s23 =	smul.u32 $0x5000, s9;
	[smem:$0x7E6] =	sst s1  }
0x3e: {  	s12 =	rddreg [dreg:$0x0];
	s2 =	smul.u32 $0x5000, s4;
	_ =	strace $0x80000047  }
0x3f: {  	s24 =	sshrl.u32 s16, $0x2;
	s25 =	smul.u32 $0x5000, s8;
	s8 =	sld [smem:$0x7ED]  }
0x40: {  	s4 =	simm.s32 $0x0;
	s20 =	sshrl.u32 s6, $0x2;
	s10 =	sld [smem:$0x7EF]  }
0x41: {  	s26 =	sshrl.u32 s19, $0x2;
	s0 =	sshrl.u32 s2, $0x2;
	s13 =	sld [smem:$0x7F1]  }
0x42: {  	s29 =	sadd.s32 s0, s18;
	s0 =	sadd.s32 s15, s18;
	s16 =	sld [smem:$0x7F3]  }
0x43: {  	s6 =	sshrl.u32 s21, $0x2;
	s9 =	sshrl.u32 s23, $0x2;
	[smem:$0x7E7] =	sst s0  }
0x44: {  	s11 =	sshrl.u32 s25, $0x2;
	s0 =	sadd.s32 s17, s18;
	s17 =	sld [smem:$0x7F4]  }
0x45: {  	s15 =	sshrl.u32 s7, $0x2;
	[smem:$0x7FD] =	sst s29;
	s1 =	smul.u32 $0x5000, s8  }
0x46: {  	[smem:$0x7E8] =	sst s0;
	s0 =	sadd.s32 s20, s18;
	s2 =	smul.u32 $0x5000, s10  }
0x47: {  	s7 =	simm.s32 $0x3;
	[smem:$0x7E9] =	sst s0;
	s14 =	smul.u32 $0x5000, s13  }
0x48: {  	s0 =	sadd.s32 s22, s18;
	s5 =	smul.u32 $0x5000, s16;
	s10 =	simm.s32 $0x100  }
0x49: {  	s13 =	simm.s32 $0xC;
	[smem:$0x7EA] =	sst s0;
	s0 =	sadd.s32 s24, s18  }
0x4a: {  	[smem:$0x7EB] =	sst s0;
	s0 =	sadd.s32 s26, s18;
	s1 =	sshrl.u32 s1, $0x2  }
0x4b: {  	s2 =	sshrl.u32 s2, $0x2;
	s21 =	sshrl.u32 s14, $0x2;
	s26 =	sld [smem:$0x7FB]  }
0x4c: {  	s22 =	sshrl.u32 s5, $0x2;
	[smem:$0x7EC] =	sst s0;
	s0 =	sadd.s32 s6, s18  }
0x4d: {  	s6 =	smul.u32 $0x5000, s17;
	s19 =	sadd.s32 s1, s18;
	[smem:$0x7EE] =	sst s0  }
0x4e: {  	s20 =	sadd.s32 s2, s18;
	s24 =	sadd.s32 s22, s18;
	[smem:$0x7F6] =	sst s19  }
0x4f: {  	s22 =	simm.s32 $0x4;
	s1 =	simm.s32 $0x5;
	[smem:$0x7F7] =	sst s20  }
0x50: {  	s2 =	simm.s32 $0xD;
	s0 =	sadd.s32 s9, s18;
	[smem:$0x7F9] =	sst s24  }
0x51: {  	s9 =	simm.s32 $0x2100;
	s19 =	simm.s32 $0x1;
	s20 =	simm.s32 $0x40  }
0x52: {  	s24 =	simm.s32 $0x7;
	[smem:$0x7F0] =	sst s0;
	s0 =	sadd.s32 s11, s18  }
0x53: {  	s23 =	sshrl.u32 s6, $0x2;
	s6 =	simm.s32 $0x6;
	s11 =	simm.s32 $0xE  }
.Ltmp0:
0x54: {  	[smem:$0x7F2] =	sst s0;
	s0 =	sadd.s32 s15, s18;
	(pc) =	sbr.rel .LBB2_1-.Ltmp0, $4  }
0x55: {  	s25 =	sadd.s32 s23, s18;
	s23 =	simm.s32 $0x2180;
	[smem:$0x7F5] =	sst s0  }
0x56: {  	s0 =	sadd.s32 s21, s18;
	[smem:$0x7FA] =	sst s25;
	s25 =	simm.s32 $0x4200  }
0x57: {  	s21 =	simm.s32 $0x2200;
	[smem:$0x7F8] =	sst s0;
	s0 =	smax.u32 s26, $0x1  }
0x58: {  	v0 =	vimm.f32 $0.0e+00;
	s26 =	simm.s32 $0x2;
	[smem:$0x7FC] =	sst s0;
	s0 =	simm.s32 $0x80  }
.LBB2_12:
0x59: {  	_ =	swait.ge [sflag:s7], $0x280  }
0x5a: {  	[sflag:s7] =	ssyncset.done $0x0  }
0x5b: {  	[sflag:s7] =	ssyncadd.s32 $0xFFFFFD80  }
.LBB2_13:
0x5c: {  	s5 =	sld [smem:$0x7FC];
	_ =	sdelay $0x1  }
0x5d: {  	s4 =	sadd.s32 $0x1, s4  }
0x5e: {  	p3 =	sne.s32 s4, s5  }
.Ltmp1:
0x5f: {  	_ = 	snop;
	(pc) =	sbr.rel @!p3 .LBB2_14-.Ltmp1, $1  }
0x60: {  	_ =	sdelay $0x3  }
.LBB2_1:
0x61: {  	s5 =	simm.s32 $0x0;
	s14 =	simm.s32 $0x200  }
.LBB2_2:
0x62: {  	p3 =	sne.s32 s14, $0x4E00;
	[tilespmem:s5+$0xA570] =	vst v0  }
0x63: {  	[tilespmem:s5+$0xA500] =	vst v0  }
0x64: {  	[tilespmem:s5+$0xA510] =	vst v0  }
.Ltmp2:
0x65: {  	[tilespmem:s5+$0xA520] =	vst v0;
	(pc) =	sbr.rel @p3 .LBB2_2-.Ltmp2, $4  }
0x66: {  	[tilespmem:s5+$0xA530] =	vst v0  }
0x67: {  	[tilespmem:s5+$0xA540] =	vst v0  }
0x68: {  	[tilespmem:s5+$0xA550] =	vst v0  }
0x69: {  	[tilespmem:s5+$0xA560] =	vst v0;
	s5 =	sshra.s32 s14, $0x2;
	s14 =	sadd.s32 $0x200, s14  }
0x6a: {  	[tilespmem:s5+$0xA570] =	vst v0  }
0x6b: {  	[tilespmem:s5+$0xA500] =	vst v0  }
0x6c: {  	[tilespmem:s5+$0xA510] =	vst v0  }
0x6d: {  	[tilespmem:s5+$0xA520] =	vst v0  }
0x6e: {  	[tilespmem:s5+$0xA530] =	vst v0  }
0x6f: {  	[tilespmem:s5+$0xA540] =	vst v0  }
0x70: {  	[smem:$0x7D3] =	sst s4;
	[tilespmem:s5+$0xA550] =	vst v0  }
0x71: {  	[tilespmem:s5+$0xA560] =	vst v0;
	s14 =	simm.s32 $0xA500;
	s16 =	sld [smem:$0x7E7]  }
0x72: {  	[spmem:s29] =	stream.linear.scatter [tilespmem:s14], [sflag:$0x3], $0x1400, $0x38;
	[tilespmem:$0x1F280] =	vst v63  }
0x73: {  	s17 =	sld [smem:$0x7E8]  }
0x74: {  	[spmem:s16] =	stream.linear.scatter [tilespmem:s14], [sflag:$0x3], $0x1400, $0x38;
	[tilespmem:$0x1F280] =	vst v63  }
0x75: {  	s29 =	sld [smem:$0x7E9]  }
0x76: {  	[spmem:s17] =	stream.linear.scatter [tilespmem:s14], [sflag:$0x3], $0x1400, $0x38;
	[tilespmem:$0x1F280] =	vst v63  }
0x77: {  	s4 =	sld [smem:$0x7EA]  }
0x78: {  	[spmem:s29] =	stream.linear.scatter [tilespmem:s14], [sflag:$0x3], $0x1400, $0x38;
	[tilespmem:$0x1F280] =	vst v63  }
0x79: {  	s8 =	sld [smem:$0x7EB]  }
0x7a: {  	[spmem:s4] =	stream.linear.scatter [tilespmem:s14], [sflag:$0x3], $0x1400, $0x38;
	[tilespmem:$0x1F280] =	vst v63  }
0x7b: {  	s15 =	sld [smem:$0x7EC]  }
0x7c: {  	[spmem:s8] =	stream.linear.scatter [tilespmem:s14], [sflag:$0x3], $0x1400, $0x38;
	[tilespmem:$0x1F280] =	vst v63  }
0x7d: {  	s16 =	sld [smem:$0x7EE]  }
0x7e: {  	[spmem:s15] =	stream.linear.scatter [tilespmem:s14], [sflag:$0x3], $0x1400, $0x38;
	[tilespmem:$0x1F280] =	vst v63  }
0x7f: {  	s17 =	sld [smem:$0x7F0]  }
0x80: {  	[spmem:s16] =	stream.linear.scatter [tilespmem:s14], [sflag:$0x3], $0x1400, $0x38;
	[tilespmem:$0x1F280] =	vst v63  }
0x81: {  	s29 =	sld [smem:$0x7F2]  }
0x82: {  	[spmem:s17] =	stream.linear.scatter [tilespmem:s14], [sflag:$0x3], $0x1400, $0x38;
	[tilespmem:$0x1F280] =	vst v63  }
0x83: {  	s4 =	sld [smem:$0x7F5]  }
0x84: {  	[spmem:s29] =	stream.linear.scatter [tilespmem:s14], [sflag:$0x3], $0x1400, $0x38;
	[tilespmem:$0x1F280] =	vst v63  }
0x85: {  	s8 =	sld [smem:$0x7F6]  }
0x86: {  	[spmem:s4] =	stream.linear.scatter [tilespmem:s14], [sflag:$0x3], $0x1400, $0x38;
	[tilespmem:$0x1F280] =	vst v63  }
0x87: {  	s15 =	sld [smem:$0x7F7]  }
0x88: {  	[spmem:s8] =	stream.linear.scatter [tilespmem:s14], [sflag:$0x3], $0x1400, $0x38;
	[tilespmem:$0x1F280] =	vst v63  }
0x89: {  	s16 =	sld [smem:$0x7F8]  }
0x8a: {  	[spmem:s15] =	stream.linear.scatter [tilespmem:s14], [sflag:$0x3], $0x1400, $0x38;
	[tilespmem:$0x1F280] =	vst v63  }
0x8b: {  	s17 =	sld [smem:$0x7F9]  }
0x8c: {  	[spmem:s16] =	stream.linear.scatter [tilespmem:s14], [sflag:$0x3], $0x1400, $0x38;
	[tilespmem:$0x1F280] =	vst v63  }
0x8d: {  	_ = 	snop  }
0x8e: {  	[spmem:s17] =	stream.linear.scatter [tilespmem:s14], [sflag:$0x3], $0x1400, $0x38;
	[tilespmem:$0x1F280] =	vst v63  }
0x8f: {  	s14 =	sld [smem:$0x7FA];
	_ =	sdelay $0x1  }
0x90: {  	s5 =	simm.s32 @!p1 $0xA500  }
0x91: {  	[spmem:s14] =	stream.linear.scatter @!p1 [tilespmem:s5], [sflag:$0x3], $0x1400, $0x38;
	[tilespmem:$0x1F280] =	vst v63  }
0x92: {  	_ =	swait.ge [sflag:s7], $0x1400  }
0x93: {  	[sflag:s7] =	ssyncset.done $0x0  }
0x94: {  	[sflag:s7] =	ssyncadd.s32 $0xFFFFEC00  }
0x95: {  	_ =	swait.ge [sflag:s7], $0x1400  }
0x96: {  	[sflag:s7] =	ssyncset.done $0x0  }
0x97: {  	[sflag:s7] =	ssyncadd.s32 $0xFFFFEC00  }
0x98: {  	_ =	swait.ge [sflag:s7], $0x1400  }
0x99: {  	[sflag:s7] =	ssyncset.done $0x0  }
0x9a: {  	[sflag:s7] =	ssyncadd.s32 $0xFFFFEC00  }
0x9b: {  	_ =	swait.ge [sflag:s7], $0x1400  }
0x9c: {  	[sflag:s7] =	ssyncset.done $0x0  }
0x9d: {  	[sflag:s7] =	ssyncadd.s32 $0xFFFFEC00  }
0x9e: {  	_ =	swait.ge [sflag:s7], $0x1400  }
0x9f: {  	[sflag:s7] =	ssyncset.done $0x0  }
0xa0: {  	[sflag:s7] =	ssyncadd.s32 $0xFFFFEC00  }
0xa1: {  	_ =	swait.ge [sflag:s7], $0x1400  }
0xa2: {  	[sflag:s7] =	ssyncset.done $0x0  }
0xa3: {  	[sflag:s7] =	ssyncadd.s32 $0xFFFFEC00  }
0xa4: {  	_ =	swait.ge [sflag:s7], $0x1400  }
0xa5: {  	[sflag:s7] =	ssyncset.done $0x0  }
0xa6: {  	[sflag:s7] =	ssyncadd.s32 $0xFFFFEC00  }
0xa7: {  	_ =	swait.ge [sflag:s7], $0x1400  }
0xa8: {  	[sflag:s7] =	ssyncset.done $0x0  }
0xa9: {  	[sflag:s7] =	ssyncadd.s32 $0xFFFFEC00  }
0xaa: {  	_ =	swait.ge [sflag:s7], $0x1400  }
0xab: {  	[sflag:s7] =	ssyncset.done $0x0  }
0xac: {  	[sflag:s7] =	ssyncadd.s32 $0xFFFFEC00  }
0xad: {  	_ =	swait.ge [sflag:s7], $0x1400  }
0xae: {  	[sflag:s7] =	ssyncset.done $0x0  }
0xaf: {  	[sflag:s7] =	ssyncadd.s32 $0xFFFFEC00  }
0xb0: {  	_ =	swait.ge [sflag:s7], $0x1400  }
0xb1: {  	[sflag:s7] =	ssyncset.done $0x0  }
0xb2: {  	[sflag:s7] =	ssyncadd.s32 $0xFFFFEC00  }
0xb3: {  	_ =	swait.ge [sflag:s7], $0x1400  }
0xb4: {  	[sflag:s7] =	ssyncset.done $0x0  }
0xb5: {  	[sflag:s7] =	ssyncadd.s32 $0xFFFFEC00  }
0xb6: {  	_ =	swait.ge [sflag:s7], $0x1400  }
0xb7: {  	[sflag:s7] =	ssyncset.done $0x0  }
0xb8: {  	[sflag:s7] =	ssyncadd.s32 $0xFFFFEC00  }
0xb9: {  	_ =	swait.ge [sflag:s7], $0x1400  }
0xba: {  	[sflag:s7] =	ssyncset.done $0x0  }
0xbb: {  	[sflag:s7] =	ssyncadd.s32 $0xFFFFEC00  }
0xbc: {  	_ =	swait.ge [sflag:s7], $0x1400  }
0xbd: {  	[sflag:s7] =	ssyncset.done $0x0  }
0xbe: {  	s5 =	simm.s32 @!p1 $0x3;
	[sflag:s7] =	ssyncadd.s32 $0xFFFFEC00  }
0xbf: {  	_ =	swait.ge @!p1 [sflag:s5], $0x1400  }
0xc0: {  	s29 =	sld [smem:$0x7DF]  }
0xc1: {  	[sflag:s5] =	ssyncset.done @!p1 $0x0  }
0xc2: {  	s4 =	sld [smem:$0x7E0];
	[sflag:s5] =	ssyncadd.s32 @!p1 $0xFFFFEC00  }
0xc3: {  	[tilespmem:s3], [sflag:$0x1] =	stream.linear.gather [hbm4b:s29+s3], $0x40, $0x38;
	[tilespmem:$0x1F280] =	vst v63  }
0xc4: {  	s8 =	sld [smem:$0x7DB]  }
0xc5: {  	[tilespmem:s0], [sflag:$0x1] =	stream.linear.gather [hbm4b:s4+s3], $0x40, $0x38;
	[tilespmem:$0x1F280] =	vst v63  }
0xc6: {  	s15 =	sld [smem:$0x7DC]  }
0xc7: {  	[tilespmem:s9], [sflag:$0x4] =	stream.linear.gather [hbm4b:s8+s3], $0x40, $0x38;
	[tilespmem:$0x1F280] =	vst v63  }
0xc8: {  	s16 =	sld [smem:$0x7DD]  }
0xc9: {  	[tilespmem:s23], [sflag:$0x4] =	stream.linear.gather [hbm4b:s15+s3], $0x40, $0x38;
	[tilespmem:$0x1F280] =	vst v63  }
0xca: {  	s17 =	sld [smem:$0x7DE]  }
0xcb: {  	[tilespmem:s25], [sflag:$0x7] =	stream.linear.gather [hbm4b:s16+s3], $0x40, $0x38;
	[tilespmem:$0x1F280] =	vst v63  }
0xcc: {  	s23 =	sld [smem:$0x7E1]  }
0xcd: {  	[tilespmem:s30], [sflag:$0x7] =	stream.linear.gather [hbm4b:s17+s3], $0x40, $0x38;
	[tilespmem:$0x1F280] =	vst v63  }
0xce: {  	s29 =	sld [smem:$0x7E2]  }
0xcf: {  	[tilespmem:s31], [sflag:$0xA] =	stream.linear.gather [hbm4b:s23+s3], $0x40, $0x38;
	[tilespmem:$0x1F280] =	vst v63  }
0xd0: {  	s8 =	simm.s32 $0x6380  }
0xd1: {  	[tilespmem:s8], [sflag:$0xA] =	stream.linear.gather [hbm4b:s29+s3], $0x40, $0x38;
	[tilespmem:$0x1F280] =	vst v63  }
0xd2: {  	[bflag:$0x0] =	sbarrier.arrive $0xFFFF  }
0xd3: {  	_ =	swait.ge [sflag:s19], $0x40  }
.Ltmp3:
0xd4: {  	[sflag:s19] =	ssyncset.done $0x0;
	(pc) =	sbr.rel @p0 .LBB2_7-.Ltmp3, $4  }
0xd5: {  	[sflag:s19] =	ssyncadd.s32 $0xFFFFFFC0  }
0xd6: {  	_ =	swait.ge [sflag:s19], $0x40  }
0xd7: {  	s0 =	sshrl.u32 @p2 s14, $0x3;
	[sflag:s19] =	ssyncset.done $0x0  }
0xd8: {  	s14 =	simm.s32 $0x0;
	[smem:$0x7D4] =	sst s0;
	[sflag:s19] =	ssyncadd.s32 $0xFFFFFFC0  }
0xd9: {  	[tilespmem:s10], [sflag:$0x2] =	stream.indirect.gather [hbm4b:s12+s20], $0x80, s14, s20, $0xb8;
	[tilespmem:$0x1F280] =	vst v63  }
0xda: {  	_ =	swait.ge [sflag:s22], $0x40  }
0xdb: {  	[sflag:s22] =	ssyncset.done $0x0  }
0xdc: {  	[sflag:s22] =	ssyncadd.s32 $0xFFFFFFC0  }
0xdd: {  	_ =	swait.ge [sflag:s22], $0x40  }
0xde: {  	[sflag:s22] =	ssyncset.done $0x0  }
0xdf: {  	[sflag:s22] =	ssyncadd.s32 $0xFFFFFFC0  }
0xe0: {  	[tilespmem:s21], [sflag:$0x5] =	stream.indirect.gather [hbm4b:s12+s20], $0x80, s9, s20, $0xb8;
	[tilespmem:$0x1F280] =	vst v63  }
0xe1: {  	_ =	swait.ge [sflag:s24], $0x40  }
0xe2: {  	[sflag:s24] =	ssyncset.done $0x0  }
0xe3: {  	[sflag:s24] =	ssyncadd.s32 $0xFFFFFFC0  }
0xe4: {  	_ =	swait.ge [sflag:s24], $0x40  }
0xe5: {  	s10 =	simm.s32 $0x4300;
	s8 =	simm.s32 $0x6380;
	[sflag:s24] =	ssyncset.done $0x0  }
0xe6: {  	s0 =	simm.s32 $0x8480;
	s17 =	simm.s32 $0x8500;
	[sflag:s24] =	ssyncadd.s32 $0xFFFFFFC0  }
0xe7: {  	[tilespmem:s10], [sflag:$0x8] =	stream.indirect.gather [hbm4b:s12+s20], $0x80, s25, s20, $0xb8;
	[tilespmem:$0x1F280] =	vst v63  }
.LBB2_5:
0xe8: {  	_ =	swait.ge [sflag:s26], $0x2000  }
0xe9: {  	[sflag:s26] =	ssyncset.done $0x0  }
0xea: {  	s9 =	simm.s32 $0x80;
	s23 =	simm.s32 $0x100;
	[sflag:s26] =	ssyncadd.s32 $0xFFFFE000  }
0xeb: {  	[spmem:s18] =	stream.indirect.scatter.add.f32 [tilespmem:s23], [sflag:$0x3], $0x80, s9, s20, $0xb8;
	[tilespmem:$0x1F280] =	vst v63  }
0xec: {  	_ =	swait.ge [sflag:s28], $0x40  }
0xed: {  	[sflag:s28] =	ssyncset.done $0x0  }
0xee: {  	[sflag:s28] =	ssyncadd.s32 $0xFFFFFFC0  }
0xef: {  	_ =	swait.ge [sflag:s28], $0x40  }
0xf0: {  	p3 =	seq.s32 s14, $0x0;
	[sflag:s28] =	ssyncset.done $0x0  }
0xf1: {  	s16 =	simm.s32 $0x6400;
	s25 =	simm.s32 @!p3 $0xF;
	[sflag:s28] =	ssyncadd.s32 $0xFFFFFFC0  }
0xf2: {  	[tilespmem:s16], [sflag:$0xB] =	stream.indirect.gather [hbm4b:s12+s20], $0x80, s31, s20, $0xb8;
	[tilespmem:$0x1F280] =	vst v63  }
0xf3: {  	_ =	swait.ge @!p3 [sflag:s25], $0x2000  }
0xf4: {  	s5 =	sld [smem:$0x7E6]  }
0xf5: {  	s21 =	sld [smem:$0x7E5];
	_ =	sdelay $0x1  }
0xf6: {  	s4 =	simm.s32 $0x8400;
	[sflag:s25] =	ssyncset.done @!p3 $0x0;
	s5 =	sadd.s32 s14, s5  }
0xf7: {  	[sflag:s25] =	ssyncadd.s32 @!p3 $0xFFFFE000;
	s25 =	sadd.s32 s14, s21;
	s15 =	sadd.s32 $0x20, s5  }
0xf8: {  	[tilespmem:s4], [sflag:$0xD] =	stream.linear.gather [hbm4b:s15+s3], $0x40, $0x38;
	[tilespmem:$0x1F280] =	vst v63  }
0xf9: {  	s29 =	sadd.s32 $0x20, s25  }
0xfa: {  	[tilespmem:s0], [sflag:$0xD] =	stream.linear.gather [hbm4b:s29+s3], $0x40, $0x38;
	[tilespmem:$0x1F280] =	vst v63  }
0xfb: {  	_ =	swait.ge [sflag:s1], $0x2000  }
0xfc: {  	[sflag:s1] =	ssyncset.done $0x0  }
0xfd: {  	s12 =	simm.s32 $0x2200;
	s21 =	simm.s32 $0x2180;
	[sflag:s1] =	ssyncadd.s32 $0xFFFFE000  }
0xfe: {  	[spmem:s18] =	stream.indirect.scatter.add.f32 [tilespmem:s12], [sflag:$0x6], $0x80, s21, s20, $0xb8;
	[tilespmem:$0x1F280] =	vst v63  }
0xff: {  	_ =	swait.ge [sflag:s2], $0x40  }
0x100: {  	[sflag:s2] =	ssyncset.done $0x0  }
0x101: {  	[sflag:s2] =	ssyncadd.s32 $0xFFFFFFC0  }
0x102: {  	_ =	swait.ge [sflag:s2], $0x40  }
0x103: {  	[sflag:s2] =	ssyncset.done $0x0  }
0x104: {  	[sflag:s2] =	ssyncadd.s32 $0xFFFFFFC0  }
0x105: {  	s29 =	rddreg [dreg:$0x0]  }
0x106: {  	[tilespmem:s17], [sflag:$0xE] =	stream.indirect.gather [hbm4b:s29+s20], $0x80, s4, s20, $0xb8;
	[tilespmem:$0x1F280] =	vst v63  }
0x107: {  	_ =	swait.ge [sflag:s7], $0x2000  }
0x108: {  	[sflag:s7] =	ssyncset.done $0x0  }
0x109: {  	s0 =	sadd.s32 $0x28, s5;
	[sflag:s7] =	ssyncadd.s32 $0xFFFFE000  }
0x10a: {  	[tilespmem:s3], [sflag:$0x1] =	stream.linear.gather [hbm4b:s0+s3], $0x40, $0x38;
	[tilespmem:$0x1F280] =	vst v63  }
0x10b: {  	s4 =	sadd.s32 $0x28, s25;
	s17 =	simm.s32 $0x8  }
0x10c: {  	[tilespmem:s9], [sflag:$0x1] =	stream.linear.gather [hbm4b:s4+s3], $0x40, $0x38;
	[tilespmem:$0x1F280] =	vst v63  }
0x10d: {  	_ =	swait.ge [sflag:s17], $0x2000  }
0x10e: {  	[sflag:s17] =	ssyncset.done $0x0  }
0x10f: {  	[sflag:s17] =	ssyncadd.s32 $0xFFFFE000  }
0x110: {  	[spmem:s18] =	stream.indirect.scatter.add.f32 [tilespmem:s10], [sflag:$0x9], $0x80, s30, s20, $0xb8;
	[tilespmem:$0x1F280] =	vst v63  }
0x111: {  	_ =	swait.ge [sflag:s19], $0x40  }
0x112: {  	[sflag:s19] =	ssyncset.done $0x0  }
0x113: {  	[sflag:s19] =	ssyncadd.s32 $0xFFFFFFC0  }
0x114: {  	_ =	swait.ge [sflag:s19], $0x40  }
0x115: {  	[sflag:s19] =	ssyncset.done $0x0  }
0x116: {  	[sflag:s19] =	ssyncadd.s32 $0xFFFFFFC0  }
0x117: {  	s29 =	rddreg [dreg:$0x0]  }
0x118: {  	[tilespmem:s23], [sflag:$0x2] =	stream.indirect.gather [hbm4b:s29+s20], $0x80, s3, s20, $0xb8;
	[tilespmem:$0x1F280] =	vst v63  }
0x119: {  	_ =	swait.ge [sflag:s6], $0x2000  }
0x11a: {  	[sflag:s6] =	ssyncset.done $0x0  }
0x11b: {  	s4 =	sadd.s32 $0x30, s5;
	s9 =	simm.s32 $0x2100;
	[sflag:s6] =	ssyncadd.s32 $0xFFFFE000  }
0x11c: {  	[tilespmem:s9], [sflag:$0x4] =	stream.linear.gather [hbm4b:s4+s3], $0x40, $0x38;
	[tilespmem:$0x1F280] =	vst v63  }
0x11d: {  	s17 =	sadd.s32 $0x30, s25;
	s29 =	simm.s32 $0xB  }
0x11e: {  	[tilespmem:s21], [sflag:$0x4] =	stream.linear.gather [hbm4b:s17+s3], $0x40, $0x38;
	[tilespmem:$0x1F280] =	vst v63  }
0x11f: {  	_ =	swait.ge [sflag:s29], $0x2000  }
0x120: {  	[sflag:s29] =	ssyncset.done $0x0  }
0x121: {  	[sflag:s29] =	ssyncadd.s32 $0xFFFFE000  }
0x122: {  	[spmem:s18] =	stream.indirect.scatter.add.f32 [tilespmem:s16], [sflag:$0xC], $0x80, s8, s20, $0xb8;
	[tilespmem:$0x1F280] =	vst v63  }
0x123: {  	_ =	swait.ge [sflag:s22], $0x40  }
0x124: {  	[sflag:s22] =	ssyncset.done $0x0  }
0x125: {  	[sflag:s22] =	ssyncadd.s32 $0xFFFFFFC0  }
0x126: {  	_ =	swait.ge [sflag:s22], $0x40  }
0x127: {  	[sflag:s22] =	ssyncset.done $0x0  }
0x128: {  	p3 =	seq.s32 s14, $0x988;
	[sflag:s22] =	ssyncadd.s32 $0xFFFFFFC0  }
.Ltmp4:
0x129: {  	s29 =	simm.s32 $0x9;
	s17 =	rddreg [dreg:$0x0];
	(pc) =	sbr.rel @p3 .LBB2_10-.Ltmp4, $4  }
0x12a: {  	[tilespmem:s12], [sflag:$0x5] =	stream.indirect.gather [hbm4b:s17+s20], $0x80, s9, s20, $0xb8;
	[tilespmem:$0x1F280] =	vst v63  }
0x12b: {  	s15 =	simm.s32 $0x8480;
	s12 =	rddreg [dreg:$0x0];
	_ =	swait.ge [sflag:s29], $0x2000  }
0x12c: {  	s0 =	simm.s32 $0x80;
	s23 =	simm.s32 $0x2180;
	[sflag:s29] =	ssyncset.done $0x0  }
0x12d: {  	s4 =	simm.s32 $0x8500;
	s21 =	simm.s32 $0x2200;
	[sflag:s29] =	ssyncadd.s32 $0xFFFFE000  }
0x12e: {  	s29 =	sadd.s32 $0x38, s5;
	s30 =	simm.s32 $0x4200  }
0x12f: {  	[tilespmem:s30], [sflag:$0x7] =	stream.linear.gather [hbm4b:s29+s3], $0x40, $0x38;
	[tilespmem:$0x1F280] =	vst v63  }
0x130: {  	s31 =	simm.s32 $0x4280;
	s21 =	sadd.s32 $0x38, s25  }
0x131: {  	[tilespmem:s31], [sflag:$0x7] =	stream.linear.gather [hbm4b:s21+s3], $0x40, $0x38;
	[tilespmem:$0x1F280] =	vst v63  }
0x132: {  	_ =	swait.ge [sflag:s11], $0x2000  }
0x133: {  	[sflag:s11] =	ssyncset.done $0x0  }
0x134: {  	[sflag:s11] =	ssyncadd.s32 $0xFFFFE000  }
0x135: {  	[spmem:s18] =	stream.indirect.scatter.add.f32 [tilespmem:s4], [sflag:$0xF], $0x80, s15, s20, $0xb8;
	[tilespmem:$0x1F280] =	vst v63  }
0x136: {  	_ =	swait.ge [sflag:s24], $0x40  }
0x137: {  	[sflag:s24] =	ssyncset.done $0x0  }
0x138: {  	[sflag:s24] =	ssyncadd.s32 $0xFFFFFFC0  }
0x139: {  	_ =	swait.ge [sflag:s24], $0x40  }
0x13a: {  	[sflag:s24] =	ssyncset.done $0x0  }
0x13b: {  	[sflag:s24] =	ssyncadd.s32 $0xFFFFFFC0  }
0x13c: {  	[tilespmem:s10], [sflag:$0x8] =	stream.indirect.gather [hbm4b:s12+s20], $0x80, s30, s20, $0xb8;
	[tilespmem:$0x1F280] =	vst v63  }
0x13d: {  	s23 =	sadd.s32 $0x40, s5;
	_ =	swait.ge [sflag:s13], $0x2000  }
.Ltmp5:
0x13e: {  	s14 =	sadd.s32 $0x28, s14;
	[sflag:s13] =	ssyncset.done $0x0;
	(pc) =	sbr.rel .LBB2_5-.Ltmp5, $4  }
0x13f: {  	s0 =	simm.s32 $0x8480;
	s31 =	simm.s32 $0x6300;
	[sflag:s13] =	ssyncadd.s32 $0xFFFFE000  }
0x140: {  	[tilespmem:s31], [sflag:$0xA] =	stream.linear.gather [hbm4b:s23+s3], $0x40, $0x38;
	[tilespmem:$0x1F280] =	vst v63  }
0x141: {  	s17 =	simm.s32 $0x8500;
	s29 =	sadd.s32 $0x40, s25;
	s30 =	simm.s32 $0x4280  }
0x142: {  	[tilespmem:s8], [sflag:$0xA] =	stream.linear.gather [hbm4b:s29+s3], $0x40, $0x38;
	[tilespmem:$0x1F280] =	vst v63  }
.LBB2_7:
0x143: {  	s12 =	rddreg [dreg:$0x1]  }
0x144: {  	[tilespmem:s10], [sflag:$0x2] =	stream.indirect.gather [hbm4b:s12+s20], $0x80, s14, s20, $0xb8;
	[tilespmem:$0x1F280] =	vst v63  }
0x145: {  	_ =	swait.ge [sflag:s22], $0x40  }
0x146: {  	[sflag:s22] =	ssyncset.done $0x0  }
0x147: {  	[sflag:s22] =	ssyncadd.s32 $0xFFFFFFC0  }
0x148: {  	_ =	swait.ge [sflag:s22], $0x40  }
0x149: {  	[sflag:s22] =	ssyncset.done $0x0  }
0x14a: {  	[sflag:s22] =	ssyncadd.s32 $0xFFFFFFC0  }
0x14b: {  	[tilespmem:s21], [sflag:$0x5] =	stream.indirect.gather [hbm4b:s12+s20], $0x80, s9, s20, $0xb8;
	[tilespmem:$0x1F280] =	vst v63  }
0x14c: {  	_ =	swait.ge [sflag:s24], $0x40  }
0x14d: {  	[sflag:s24] =	ssyncset.done $0x0  }
0x14e: {  	[sflag:s24] =	ssyncadd.s32 $0xFFFFFFC0  }
0x14f: {  	_ =	swait.ge [sflag:s24], $0x40  }
0x150: {  	s8 =	simm.s32 $0x6380;
	s0 =	simm.s32 $0x8480;
	[sflag:s24] =	ssyncset.done $0x0  }
0x151: {  	s17 =	simm.s32 $0x8500;
	s10 =	simm.s32 $0x4300;
	[sflag:s24] =	ssyncadd.s32 $0xFFFFFFC0  }
0x152: {  	[tilespmem:s10], [sflag:$0x8] =	stream.indirect.gather [hbm4b:s12+s20], $0x80, s25, s20, $0xb8;
	[tilespmem:$0x1F280] =	vst v63  }
.LBB2_8:
0x153: {  	_ =	swait.ge [sflag:s26], $0x2000  }
0x154: {  	[sflag:s26] =	ssyncset.done $0x0  }
0x155: {  	s9 =	simm.s32 $0x80;
	s23 =	simm.s32 $0x100;
	[sflag:s26] =	ssyncadd.s32 $0xFFFFE000  }
0x156: {  	[spmem:s18] =	stream.indirect.scatter.add.f32 [tilespmem:s23], [sflag:$0x3], $0x80, s9, s20, $0xb8;
	[tilespmem:$0x1F280] =	vst v63  }
0x157: {  	_ =	swait.ge [sflag:s28], $0x40  }
0x158: {  	[sflag:s28] =	ssyncset.done $0x0  }
0x159: {  	[sflag:s28] =	ssyncadd.s32 $0xFFFFFFC0  }
0x15a: {  	_ =	swait.ge [sflag:s28], $0x40  }
0x15b: {  	p3 =	seq.s32 s14, $0x0;
	[sflag:s28] =	ssyncset.done $0x0  }
0x15c: {  	s16 =	simm.s32 $0x6400;
	s25 =	simm.s32 @!p3 $0xF;
	[sflag:s28] =	ssyncadd.s32 $0xFFFFFFC0  }
0x15d: {  	[tilespmem:s16], [sflag:$0xB] =	stream.indirect.gather [hbm4b:s12+s20], $0x80, s31, s20, $0xb8;
	[tilespmem:$0x1F280] =	vst v63  }
0x15e: {  	_ =	swait.ge @!p3 [sflag:s25], $0x2000  }
0x15f: {  	s5 =	sld [smem:$0x7E6]  }
0x160: {  	s21 =	sld [smem:$0x7E5];
	_ =	sdelay $0x1  }
0x161: {  	s4 =	simm.s32 $0x8400;
	[sflag:s25] =	ssyncset.done @!p3 $0x0;
	s5 =	sadd.s32 s14, s5  }
0x162: {  	[sflag:s25] =	ssyncadd.s32 @!p3 $0xFFFFE000;
	s25 =	sadd.s32 s14, s21;
	s15 =	sadd.s32 $0x20, s5  }
0x163: {  	[tilespmem:s4], [sflag:$0xD] =	stream.linear.gather [hbm4b:s15+s3], $0x40, $0x38;
	[tilespmem:$0x1F280] =	vst v63  }
0x164: {  	s29 =	sadd.s32 $0x20, s25  }
0x165: {  	[tilespmem:s0], [sflag:$0xD] =	stream.linear.gather [hbm4b:s29+s3], $0x40, $0x38;
	[tilespmem:$0x1F280] =	vst v63  }
0x166: {  	_ =	swait.ge [sflag:s1], $0x2000  }
0x167: {  	[sflag:s1] =	ssyncset.done $0x0  }
0x168: {  	s12 =	simm.s32 $0x2200;
	s21 =	simm.s32 $0x2180;
	[sflag:s1] =	ssyncadd.s32 $0xFFFFE000  }
0x169: {  	[spmem:s18] =	stream.indirect.scatter.add.f32 [tilespmem:s12], [sflag:$0x6], $0x80, s21, s20, $0xb8;
	[tilespmem:$0x1F280] =	vst v63  }
0x16a: {  	_ =	swait.ge [sflag:s2], $0x40  }
0x16b: {  	[sflag:s2] =	ssyncset.done $0x0  }
0x16c: {  	[sflag:s2] =	ssyncadd.s32 $0xFFFFFFC0  }
0x16d: {  	_ =	swait.ge [sflag:s2], $0x40  }
0x16e: {  	[sflag:s2] =	ssyncset.done $0x0  }
0x16f: {  	[sflag:s2] =	ssyncadd.s32 $0xFFFFFFC0  }
0x170: {  	s29 =	rddreg [dreg:$0x1]  }
0x171: {  	[tilespmem:s17], [sflag:$0xE] =	stream.indirect.gather [hbm4b:s29+s20], $0x80, s4, s20, $0xb8;
	[tilespmem:$0x1F280] =	vst v63  }
0x172: {  	_ =	swait.ge [sflag:s7], $0x2000  }
0x173: {  	[sflag:s7] =	ssyncset.done $0x0  }
0x174: {  	s0 =	sadd.s32 $0x28, s5;
	[sflag:s7] =	ssyncadd.s32 $0xFFFFE000  }
0x175: {  	[tilespmem:s3], [sflag:$0x1] =	stream.linear.gather [hbm4b:s0+s3], $0x40, $0x38;
	[tilespmem:$0x1F280] =	vst v63  }
0x176: {  	s4 =	sadd.s32 $0x28, s25;
	s17 =	simm.s32 $0x8  }
0x177: {  	[tilespmem:s9], [sflag:$0x1] =	stream.linear.gather [hbm4b:s4+s3], $0x40, $0x38;
	[tilespmem:$0x1F280] =	vst v63  }
0x178: {  	_ =	swait.ge [sflag:s17], $0x2000  }
0x179: {  	[sflag:s17] =	ssyncset.done $0x0  }
0x17a: {  	[sflag:s17] =	ssyncadd.s32 $0xFFFFE000  }
0x17b: {  	[spmem:s18] =	stream.indirect.scatter.add.f32 [tilespmem:s10], [sflag:$0x9], $0x80, s30, s20, $0xb8;
	[tilespmem:$0x1F280] =	vst v63  }
0x17c: {  	_ =	swait.ge [sflag:s19], $0x40  }
0x17d: {  	[sflag:s19] =	ssyncset.done $0x0  }
0x17e: {  	[sflag:s19] =	ssyncadd.s32 $0xFFFFFFC0  }
0x17f: {  	_ =	swait.ge [sflag:s19], $0x40  }
0x180: {  	[sflag:s19] =	ssyncset.done $0x0  }
0x181: {  	[sflag:s19] =	ssyncadd.s32 $0xFFFFFFC0  }
0x182: {  	s29 =	rddreg [dreg:$0x1]  }
0x183: {  	[tilespmem:s23], [sflag:$0x2] =	stream.indirect.gather [hbm4b:s29+s20], $0x80, s3, s20, $0xb8;
	[tilespmem:$0x1F280] =	vst v63  }
0x184: {  	_ =	swait.ge [sflag:s6], $0x2000  }
0x185: {  	[sflag:s6] =	ssyncset.done $0x0  }
0x186: {  	s4 =	sadd.s32 $0x30, s5;
	s9 =	simm.s32 $0x2100;
	[sflag:s6] =	ssyncadd.s32 $0xFFFFE000  }
0x187: {  	[tilespmem:s9], [sflag:$0x4] =	stream.linear.gather [hbm4b:s4+s3], $0x40, $0x38;
	[tilespmem:$0x1F280] =	vst v63  }
0x188: {  	s17 =	sadd.s32 $0x30, s25;
	s29 =	simm.s32 $0xB  }
0x189: {  	[tilespmem:s21], [sflag:$0x4] =	stream.linear.gather [hbm4b:s17+s3], $0x40, $0x38;
	[tilespmem:$0x1F280] =	vst v63  }
0x18a: {  	_ =	swait.ge [sflag:s29], $0x2000  }
0x18b: {  	[sflag:s29] =	ssyncset.done $0x0  }
0x18c: {  	[sflag:s29] =	ssyncadd.s32 $0xFFFFE000  }
0x18d: {  	[spmem:s18] =	stream.indirect.scatter.add.f32 [tilespmem:s16], [sflag:$0xC], $0x80, s8, s20, $0xb8;
	[tilespmem:$0x1F280] =	vst v63  }
0x18e: {  	_ =	swait.ge [sflag:s22], $0x40  }
0x18f: {  	[sflag:s22] =	ssyncset.done $0x0  }
0x190: {  	[sflag:s22] =	ssyncadd.s32 $0xFFFFFFC0  }
0x191: {  	_ =	swait.ge [sflag:s22], $0x40  }
0x192: {  	[sflag:s22] =	ssyncset.done $0x0  }
0x193: {  	p3 =	seq.s32 s14, $0x988;
	[sflag:s22] =	ssyncadd.s32 $0xFFFFFFC0  }
.Ltmp6:
0x194: {  	s29 =	simm.s32 $0x9;
	s17 =	rddreg [dreg:$0x1];
	(pc) =	sbr.rel @p3 .LBB2_11-.Ltmp6, $4  }
0x195: {  	[tilespmem:s12], [sflag:$0x5] =	stream.indirect.gather [hbm4b:s17+s20], $0x80, s9, s20, $0xb8;
	[tilespmem:$0x1F280] =	vst v63  }
0x196: {  	s15 =	simm.s32 $0x8480;
	s12 =	rddreg [dreg:$0x1];
	_ =	swait.ge [sflag:s29], $0x2000  }
0x197: {  	s0 =	simm.s32 $0x80;
	s23 =	simm.s32 $0x2180;
	[sflag:s29] =	ssyncset.done $0x0  }
0x198: {  	s4 =	simm.s32 $0x8500;
	s21 =	simm.s32 $0x2200;
	[sflag:s29] =	ssyncadd.s32 $0xFFFFE000  }
0x199: {  	s29 =	sadd.s32 $0x38, s5;
	s30 =	simm.s32 $0x4200  }
0x19a: {  	[tilespmem:s30], [sflag:$0x7] =	stream.linear.gather [hbm4b:s29+s3], $0x40, $0x38;
	[tilespmem:$0x1F280] =	vst v63  }
0x19b: {  	s31 =	simm.s32 $0x4280;
	s21 =	sadd.s32 $0x38, s25  }
0x19c: {  	[tilespmem:s31], [sflag:$0x7] =	stream.linear.gather [hbm4b:s21+s3], $0x40, $0x38;
	[tilespmem:$0x1F280] =	vst v63  }
0x19d: {  	_ =	swait.ge [sflag:s11], $0x2000  }
0x19e: {  	[sflag:s11] =	ssyncset.done $0x0  }
0x19f: {  	[sflag:s11] =	ssyncadd.s32 $0xFFFFE000  }
0x1a0: {  	[spmem:s18] =	stream.indirect.scatter.add.f32 [tilespmem:s4], [sflag:$0xF], $0x80, s15, s20, $0xb8;
	[tilespmem:$0x1F280] =	vst v63  }
0x1a1: {  	_ =	swait.ge [sflag:s24], $0x40  }
0x1a2: {  	[sflag:s24] =	ssyncset.done $0x0  }
0x1a3: {  	[sflag:s24] =	ssyncadd.s32 $0xFFFFFFC0  }
0x1a4: {  	_ =	swait.ge [sflag:s24], $0x40  }
0x1a5: {  	[sflag:s24] =	ssyncset.done $0x0  }
0x1a6: {  	[sflag:s24] =	ssyncadd.s32 $0xFFFFFFC0  }
0x1a7: {  	[tilespmem:s10], [sflag:$0x8] =	stream.indirect.gather [hbm4b:s12+s20], $0x80, s30, s20, $0xb8;
	[tilespmem:$0x1F280] =	vst v63  }
0x1a8: {  	s23 =	sadd.s32 $0x40, s5;
	_ =	swait.ge [sflag:s13], $0x2000  }
.Ltmp7:
0x1a9: {  	s14 =	sadd.s32 $0x28, s14;
	[sflag:s13] =	ssyncset.done $0x0;
	(pc) =	sbr.rel .LBB2_8-.Ltmp7, $4  }
0x1aa: {  	s0 =	simm.s32 $0x8480;
	s31 =	simm.s32 $0x6300;
	[sflag:s13] =	ssyncadd.s32 $0xFFFFE000  }
0x1ab: {  	[tilespmem:s31], [sflag:$0xA] =	stream.linear.gather [hbm4b:s23+s3], $0x40, $0x38;
	[tilespmem:$0x1F280] =	vst v63  }
0x1ac: {  	s17 =	simm.s32 $0x8500;
	s29 =	sadd.s32 $0x40, s25;
	s30 =	simm.s32 $0x4280  }
0x1ad: {  	[tilespmem:s8], [sflag:$0xA] =	stream.linear.gather [hbm4b:s29+s3], $0x40, $0x38;
	[tilespmem:$0x1F280] =	vst v63  }
.LBB2_10:
0x1ae: {  	_ =	swait.ge [sflag:s11], $0x2000  }
0x1af: {  	[sflag:s11] =	ssyncset.done $0x0  }
0x1b0: {  	[sflag:s11] =	ssyncadd.s32 $0xFFFFE000  }
0x1b1: {  	[spmem:s18] =	stream.indirect.scatter.add.f32 [tilespmem:s4], [sflag:$0xF], $0x80, s15, s20, $0xb8;
	[tilespmem:$0x1F280] =	vst v63  }
0x1b2: {  	_ =	swait.ge [sflag:s13], $0x2000  }
0x1b3: {  	[sflag:s13] =	ssyncset.done $0x0  }
0x1b4: {  	[sflag:s13] =	ssyncadd.s32 $0xFFFFE000  }
0x1b5: {  	_ =	swait.ge [sflag:s26], $0x2000  }
0x1b6: {  	[sflag:s26] =	ssyncset.done $0x0  }
0x1b7: {  	s8 =	simm.s32 $0x100;
	s15 =	simm.s32 $0xF;
	[sflag:s26] =	ssyncadd.s32 $0xFFFFE000  }
0x1b8: {  	[spmem:s18] =	stream.indirect.scatter.add.f32 [tilespmem:s8], [sflag:$0x3], $0x80, s0, s20, $0xb8;
	[tilespmem:$0x1F280] =	vst v63  }
0x1b9: {  	_ =	swait.ge [sflag:s15], $0x2000  }
0x1ba: {  	[sflag:s15] =	ssyncset.done $0x0  }
0x1bb: {  	[sflag:s15] =	ssyncadd.s32 $0xFFFFE000  }
0x1bc: {  	_ =	swait.ge [sflag:s1], $0x2000  }
0x1bd: {  	[sflag:s1] =	ssyncset.done $0x0  }
0x1be: {  	[sflag:s1] =	ssyncadd.s32 $0xFFFFE000  }
0x1bf: {  	[spmem:s18] =	stream.indirect.scatter.add.f32 [tilespmem:s21], [sflag:$0x6], $0x80, s23, s20, $0xb8;
	[tilespmem:$0x1F280] =	vst v63  }
0x1c0: {  	_ =	swait.ge [sflag:s7], $0x2000  }
0x1c1: {  	s5 =	sld [smem:$0x7E3]  }
0x1c2: {  	[sflag:s7] =	ssyncset.done $0x0  }
0x1c3: {  	s16 =	simm.s32 $0x1F180;
	s17 =	sld [smem:$0x7E4];
	[sflag:s7] =	ssyncadd.s32 $0xFFFFE000  }
0x1c4: {  	[tilespmem:s16], [sflag:$0x1] =	stream.linear.gather [hbm4b:s5+s3], $0x20, $0x38;
	[tilespmem:$0x1F280] =	vst v63  }
0x1c5: {  	s14 =	simm.s32 $0x1F200  }
0x1c6: {  	[tilespmem:s14], [sflag:$0x1] =	stream.linear.gather [hbm4b:s17+s3], $0x20, $0x38;
	[tilespmem:$0x1F280] =	vst v63  }
0x1c7: {  	_ =	swait.ge [sflag:s19], $0x20  }
0x1c8: {  	[sflag:s19] =	ssyncset.done $0x0  }
0x1c9: {  	[sflag:s19] =	ssyncadd.s32 $0xFFFFFFE0  }
0x1ca: {  	_ =	swait.ge [sflag:s19], $0x20  }
0x1cb: {  	[sflag:s19] =	ssyncset.done $0x0  }
0x1cc: {  	s25 =	simm.s32 $0x20;
	[sflag:s19] =	ssyncadd.s32 $0xFFFFFFE0  }
0x1cd: {  	[tilespmem:s8], [sflag:$0x2] =	stream.indirect.gather [hbm4b:s12+s25], $0x80, s16, s25, $0xb8;
	[tilespmem:$0x1F280] =	vst v63  }
0x1ce: {  	_ =	swait.ge [sflag:s26], $0x1000  }
0x1cf: {  	[sflag:s26] =	ssyncset.done $0x0  }
0x1d0: {  	s15 =	simm.s32 $0x10;
	[sflag:s26] =	ssyncadd.s32 $0xFFFFF000  }
0x1d1: {  	[spmem:s18] =	stream.indirect.scatter.add.f32 [tilespmem:s8], [sflag:$0x10], $0x80, s14, s25, $0xb8;
	[tilespmem:$0x1F280] =	vst v63  }
0x1d2: {  	_ =	swait.ge [sflag:s15], $0x1000  }
0x1d3: {  	[sflag:s15] =	ssyncset.done $0x0  }
0x1d4: {  	[sflag:s15] =	ssyncadd.s32 $0xFFFFF000  }
0x1d5: {  	_ =	swait.ge [sflag:s6], $0x2000  }
0x1d6: {  	[sflag:s6] =	ssyncset.done $0x0  }
0x1d7: {  	[sflag:s6] =	ssyncadd.s32 $0xFFFFE000  }
0x1d8: {  	[bflag:$0x0] =	sbarrier.arrive $0xFFFF  }
0x1d9: {  	s29 =	sld [smem:$0x7FD]  }
0x1da: {  	s16 =	stileid.u32  }
0x1db: {  	s5 =	sshll.u32 s16, $0x6  }
0x1dc: {  	s5 =	sor.u32 $0x1C03, s5;
	s25 =	rddreg [dreg:$0x16];
	s17 =	sshrl.u32 s29, $0x3  }
0x1dd: {  	[hbm:s25], [sflag:s5] =	dma.local [spmem:s17], $0x280  }
0x1de: {  	s14 =	sld [smem:$0x7E7];
	_ =	sdelay $0x2  }
0x1df: {  	s25 =	rddreg [dreg:$0x17];
	s14 =	sshrl.u32 s14, $0x3  }
0x1e0: {  	[hbm:s25], [sflag:s5] =	dma.local [spmem:s14], $0x280  }
0x1e1: {  	s14 =	sld [smem:$0x7E8];
	_ =	sdelay $0x2  }
0x1e2: {  	s25 =	rddreg [dreg:$0x18];
	s14 =	sshrl.u32 s14, $0x3  }
0x1e3: {  	[hbm:s25], [sflag:s5] =	dma.local [spmem:s14], $0x280  }
0x1e4: {  	s14 =	sld [smem:$0x7E9];
	_ =	sdelay $0x2  }
0x1e5: {  	s25 =	rddreg [dreg:$0x19];
	s14 =	sshrl.u32 s14, $0x3  }
0x1e6: {  	[hbm:s25], [sflag:s5] =	dma.local [spmem:s14], $0x280  }
0x1e7: {  	s14 =	sld [smem:$0x7EA];
	_ =	sdelay $0x2  }
0x1e8: {  	s25 =	rddreg [dreg:$0x1a];
	s14 =	sshrl.u32 s14, $0x3  }
0x1e9: {  	[hbm:s25], [sflag:s5] =	dma.local [spmem:s14], $0x280  }
0x1ea: {  	s14 =	sld [smem:$0x7EB];
	_ =	sdelay $0x2  }
0x1eb: {  	s25 =	rddreg [dreg:$0x1b];
	s14 =	sshrl.u32 s14, $0x3  }
0x1ec: {  	[hbm:s25], [sflag:s5] =	dma.local [spmem:s14], $0x280  }
0x1ed: {  	s14 =	sld [smem:$0x7EC];
	_ =	sdelay $0x2  }
0x1ee: {  	s25 =	rddreg [dreg:$0x1c];
	s14 =	sshrl.u32 s14, $0x3  }
0x1ef: {  	[hbm:s25], [sflag:s5] =	dma.local [spmem:s14], $0x280  }
0x1f0: {  	s14 =	sld [smem:$0x7EE];
	_ =	sdelay $0x2  }
0x1f1: {  	s25 =	rddreg [dreg:$0x1d];
	s14 =	sshrl.u32 s14, $0x3  }
0x1f2: {  	[hbm:s25], [sflag:s5] =	dma.local [spmem:s14], $0x280  }
0x1f3: {  	s14 =	sld [smem:$0x7F0];
	_ =	sdelay $0x2  }
0x1f4: {  	s25 =	rddreg [dreg:$0x1e];
	s14 =	sshrl.u32 s14, $0x3  }
0x1f5: {  	[hbm:s25], [sflag:s5] =	dma.local [spmem:s14], $0x280  }
0x1f6: {  	s14 =	sld [smem:$0x7F2];
	_ =	sdelay $0x2  }
0x1f7: {  	s25 =	rddreg [dreg:$0x1f];
	s14 =	sshrl.u32 s14, $0x3  }
0x1f8: {  	[hbm:s25], [sflag:s5] =	dma.local [spmem:s14], $0x280  }
0x1f9: {  	s14 =	sld [smem:$0x7F5]  }
0x1fa: {  	s25 =	sld [smem:$0x7D5];
	_ =	sdelay $0x1  }
0x1fb: {  	s14 =	sshrl.u32 s14, $0x3  }
0x1fc: {  	[hbm:s25], [sflag:s5] =	dma.local [spmem:s14], $0x280  }
0x1fd: {  	s14 =	sld [smem:$0x7F6]  }
0x1fe: {  	s25 =	sld [smem:$0x7D6];
	_ =	sdelay $0x1  }
0x1ff: {  	s14 =	sshrl.u32 s14, $0x3  }
0x200: {  	[hbm:s25], [sflag:s5] =	dma.local [spmem:s14], $0x280  }
0x201: {  	s14 =	sld [smem:$0x7F7]  }
0x202: {  	s25 =	sld [smem:$0x7D7];
	_ =	sdelay $0x1  }
0x203: {  	s14 =	sshrl.u32 s14, $0x3  }
0x204: {  	[hbm:s25], [sflag:s5] =	dma.local [spmem:s14], $0x280  }
0x205: {  	s14 =	sld [smem:$0x7F8]  }
0x206: {  	s25 =	sld [smem:$0x7D8];
	_ =	sdelay $0x1  }
0x207: {  	s14 =	sshrl.u32 s14, $0x3  }
0x208: {  	[hbm:s25], [sflag:s5] =	dma.local [spmem:s14], $0x280  }
0x209: {  	s14 =	sld [smem:$0x7F9]  }
0x20a: {  	s25 =	sld [smem:$0x7D9];
	_ =	sdelay $0x1  }
0x20b: {  	s14 =	sshrl.u32 s14, $0x3  }
0x20c: {  	[hbm:s25], [sflag:s5] =	dma.local [spmem:s14], $0x280  }
0x20d: {  	s14 =	sld [smem:$0x7DA]  }
0x20e: {  	s4 =	sld [smem:$0x7D4];
	_ =	sdelay $0x2  }
0x20f: {  	[hbm:s14], [sflag:s5] =	dma.local @p2 [spmem:s4], $0x280  }
0x210: {  	_ =	swait.ge [sflag:s7], $0x280  }
0x211: {  	[sflag:s7] =	ssyncset.done $0x0  }
0x212: {  	[sflag:s7] =	ssyncadd.s32 $0xFFFFFD80  }
0x213: {  	_ =	swait.ge [sflag:s7], $0x280  }
0x214: {  	[sflag:s7] =	ssyncset.done $0x0  }
0x215: {  	[sflag:s7] =	ssyncadd.s32 $0xFFFFFD80  }
0x216: {  	_ =	swait.ge [sflag:s7], $0x280  }
0x217: {  	[sflag:s7] =	ssyncset.done $0x0  }
0x218: {  	[sflag:s7] =	ssyncadd.s32 $0xFFFFFD80  }
0x219: {  	_ =	swait.ge [sflag:s7], $0x280  }
0x21a: {  	[sflag:s7] =	ssyncset.done $0x0  }
0x21b: {  	[sflag:s7] =	ssyncadd.s32 $0xFFFFFD80  }
0x21c: {  	_ =	swait.ge [sflag:s7], $0x280  }
0x21d: {  	[sflag:s7] =	ssyncset.done $0x0  }
0x21e: {  	[sflag:s7] =	ssyncadd.s32 $0xFFFFFD80  }
0x21f: {  	_ =	swait.ge [sflag:s7], $0x280  }
0x220: {  	[sflag:s7] =	ssyncset.done $0x0  }
0x221: {  	[sflag:s7] =	ssyncadd.s32 $0xFFFFFD80  }
0x222: {  	_ =	swait.ge [sflag:s7], $0x280  }
0x223: {  	[sflag:s7] =	ssyncset.done $0x0  }
0x224: {  	[sflag:s7] =	ssyncadd.s32 $0xFFFFFD80  }
0x225: {  	_ =	swait.ge [sflag:s7], $0x280  }
0x226: {  	[sflag:s7] =	ssyncset.done $0x0  }
0x227: {  	[sflag:s7] =	ssyncadd.s32 $0xFFFFFD80  }
0x228: {  	_ =	swait.ge [sflag:s7], $0x280  }
0x229: {  	[sflag:s7] =	ssyncset.done $0x0  }
0x22a: {  	[sflag:s7] =	ssyncadd.s32 $0xFFFFFD80  }
0x22b: {  	_ =	swait.ge [sflag:s7], $0x280  }
0x22c: {  	[sflag:s7] =	ssyncset.done $0x0  }
0x22d: {  	[sflag:s7] =	ssyncadd.s32 $0xFFFFFD80  }
0x22e: {  	_ =	swait.ge [sflag:s7], $0x280  }
0x22f: {  	[sflag:s7] =	ssyncset.done $0x0  }
0x230: {  	[sflag:s7] =	ssyncadd.s32 $0xFFFFFD80  }
0x231: {  	_ =	swait.ge [sflag:s7], $0x280  }
0x232: {  	[sflag:s7] =	ssyncset.done $0x0  }
0x233: {  	[sflag:s7] =	ssyncadd.s32 $0xFFFFFD80  }
0x234: {  	_ =	swait.ge [sflag:s7], $0x280  }
0x235: {  	[sflag:s7] =	ssyncset.done $0x0  }
0x236: {  	[sflag:s7] =	ssyncadd.s32 $0xFFFFFD80  }
0x237: {  	_ =	swait.ge [sflag:s7], $0x280  }
.Ltmp8:
0x238: {  	[sflag:s7] =	ssyncset.done $0x0;
	(pc) =	sbr.rel @p2 .LBB2_12-.Ltmp8, $4  }
.Ltmp9:
0x239: {  	[sflag:s7] =	ssyncadd.s32 $0xFFFFFD80;
	(pc) =	sbr.rel @!p2 .LBB2_13-.Ltmp9, $4  }
0x23a: {  	_ =	swait.ge [sflag:s7], $0x280  }
0x23b: {  	s10 =	simm.s32 $0x100;
	[sflag:s7] =	ssyncset.done $0x0  }
0x23c: {  	s25 =	simm.s32 $0x4200;
	s4 =	sld [smem:$0x7D3];
	[sflag:s7] =	ssyncadd.s32 $0xFFFFFD80  }
0x23d: {  	_ = 	snop  }
.LBB2_11:
0x23e: {  	_ =	swait.ge [sflag:s11], $0x2000  }
0x23f: {  	[sflag:s11] =	ssyncset.done $0x0  }
0x240: {  	[sflag:s11] =	ssyncadd.s32 $0xFFFFE000  }
0x241: {  	[spmem:s18] =	stream.indirect.scatter.add.f32 [tilespmem:s4], [sflag:$0xF], $0x80, s15, s20, $0xb8;
	[tilespmem:$0x1F280] =	vst v63  }
0x242: {  	_ =	swait.ge [sflag:s13], $0x2000  }
0x243: {  	[sflag:s13] =	ssyncset.done $0x0  }
0x244: {  	[sflag:s13] =	ssyncadd.s32 $0xFFFFE000  }
0x245: {  	_ =	swait.ge [sflag:s26], $0x2000  }
0x246: {  	[sflag:s26] =	ssyncset.done $0x0  }
0x247: {  	s8 =	simm.s32 $0x100;
	s15 =	simm.s32 $0xF;
	[sflag:s26] =	ssyncadd.s32 $0xFFFFE000  }
0x248: {  	[spmem:s18] =	stream.indirect.scatter.add.f32 [tilespmem:s8], [sflag:$0x3], $0x80, s0, s20, $0xb8;
	[tilespmem:$0x1F280] =	vst v63  }
0x249: {  	_ =	swait.ge [sflag:s15], $0x2000  }
0x24a: {  	[sflag:s15] =	ssyncset.done $0x0  }
0x24b: {  	[sflag:s15] =	ssyncadd.s32 $0xFFFFE000  }
0x24c: {  	_ =	swait.ge [sflag:s1], $0x2000  }
0x24d: {  	[sflag:s1] =	ssyncset.done $0x0  }
0x24e: {  	[sflag:s1] =	ssyncadd.s32 $0xFFFFE000  }
0x24f: {  	[spmem:s18] =	stream.indirect.scatter.add.f32 [tilespmem:s21], [sflag:$0x6], $0x80, s23, s20, $0xb8;
	[tilespmem:$0x1F280] =	vst v63  }
0x250: {  	_ =	swait.ge [sflag:s7], $0x2000  }
0x251: {  	s5 =	sld [smem:$0x7E3]  }
0x252: {  	[sflag:s7] =	ssyncset.done $0x0  }
0x253: {  	s16 =	simm.s32 $0x1F180;
	s17 =	sld [smem:$0x7E4];
	[sflag:s7] =	ssyncadd.s32 $0xFFFFE000  }
0x254: {  	[tilespmem:s16], [sflag:$0x1] =	stream.linear.gather [hbm4b:s5+s3], $0x20, $0x38;
	[tilespmem:$0x1F280] =	vst v63  }
0x255: {  	s14 =	simm.s32 $0x1F200  }
0x256: {  	[tilespmem:s14], [sflag:$0x1] =	stream.linear.gather [hbm4b:s17+s3], $0x20, $0x38;
	[tilespmem:$0x1F280] =	vst v63  }
0x257: {  	_ =	swait.ge [sflag:s19], $0x20  }
0x258: {  	[sflag:s19] =	ssyncset.done $0x0  }
0x259: {  	[sflag:s19] =	ssyncadd.s32 $0xFFFFFFE0  }
0x25a: {  	_ =	swait.ge [sflag:s19], $0x20  }
0x25b: {  	[sflag:s19] =	ssyncset.done $0x0  }
0x25c: {  	s25 =	simm.s32 $0x20;
	[sflag:s19] =	ssyncadd.s32 $0xFFFFFFE0  }
0x25d: {  	[tilespmem:s8], [sflag:$0x2] =	stream.indirect.gather [hbm4b:s12+s25], $0x80, s16, s25, $0xb8;
	[tilespmem:$0x1F280] =	vst v63  }
0x25e: {  	_ =	swait.ge [sflag:s26], $0x1000  }
0x25f: {  	[sflag:s26] =	ssyncset.done $0x0  }
0x260: {  	s15 =	simm.s32 $0x10;
	[sflag:s26] =	ssyncadd.s32 $0xFFFFF000  }
0x261: {  	[spmem:s18] =	stream.indirect.scatter.add.f32 [tilespmem:s8], [sflag:$0x10], $0x80, s14, s25, $0xb8;
	[tilespmem:$0x1F280] =	vst v63  }
0x262: {  	_ =	swait.ge [sflag:s15], $0x1000  }
0x263: {  	[sflag:s15] =	ssyncset.done $0x0  }
0x264: {  	[sflag:s15] =	ssyncadd.s32 $0xFFFFF000  }
0x265: {  	_ =	swait.ge [sflag:s6], $0x2000  }
0x266: {  	[sflag:s6] =	ssyncset.done $0x0  }
0x267: {  	[sflag:s6] =	ssyncadd.s32 $0xFFFFE000  }
0x268: {  	[bflag:$0x0] =	sbarrier.arrive $0xFFFF  }
0x269: {  	s29 =	sld [smem:$0x7FD]  }
0x26a: {  	s16 =	stileid.u32  }
0x26b: {  	s5 =	sshll.u32 s16, $0x6  }
0x26c: {  	s5 =	sor.u32 $0x1C03, s5;
	s25 =	rddreg [dreg:$0x6];
	s17 =	sshrl.u32 s29, $0x3  }
0x26d: {  	[hbm:s25], [sflag:s5] =	dma.local [spmem:s17], $0x280  }
0x26e: {  	s14 =	sld [smem:$0x7E7];
	_ =	sdelay $0x2  }
0x26f: {  	s25 =	rddreg [dreg:$0x7];
	s14 =	sshrl.u32 s14, $0x3  }
0x270: {  	[hbm:s25], [sflag:s5] =	dma.local [spmem:s14], $0x280  }
0x271: {  	s14 =	sld [smem:$0x7E8];
	_ =	sdelay $0x2  }
0x272: {  	s25 =	rddreg [dreg:$0x8];
	s14 =	sshrl.u32 s14, $0x3  }
0x273: {  	[hbm:s25], [sflag:s5] =	dma.local [spmem:s14], $0x280  }
0x274: {  	s14 =	sld [smem:$0x7E9];
	_ =	sdelay $0x2  }
0x275: {  	s25 =	rddreg [dreg:$0x9];
	s14 =	sshrl.u32 s14, $0x3  }
0x276: {  	[hbm:s25], [sflag:s5] =	dma.local [spmem:s14], $0x280  }
0x277: {  	s14 =	sld [smem:$0x7EA];
	_ =	sdelay $0x2  }
0x278: {  	s25 =	rddreg [dreg:$0xa];
	s14 =	sshrl.u32 s14, $0x3  }
0x279: {  	[hbm:s25], [sflag:s5] =	dma.local [spmem:s14], $0x280  }
0x27a: {  	s14 =	sld [smem:$0x7EB];
	_ =	sdelay $0x2  }
0x27b: {  	s25 =	rddreg [dreg:$0xb];
	s14 =	sshrl.u32 s14, $0x3  }
0x27c: {  	[hbm:s25], [sflag:s5] =	dma.local [spmem:s14], $0x280  }
0x27d: {  	s14 =	sld [smem:$0x7EC];
	_ =	sdelay $0x2  }
0x27e: {  	s25 =	rddreg [dreg:$0xc];
	s14 =	sshrl.u32 s14, $0x3  }
0x27f: {  	[hbm:s25], [sflag:s5] =	dma.local [spmem:s14], $0x280  }
0x280: {  	s14 =	sld [smem:$0x7EE];
	_ =	sdelay $0x2  }
0x281: {  	s25 =	rddreg [dreg:$0xd];
	s14 =	sshrl.u32 s14, $0x3  }
0x282: {  	[hbm:s25], [sflag:s5] =	dma.local [spmem:s14], $0x280  }
0x283: {  	s14 =	sld [smem:$0x7F0];
	_ =	sdelay $0x2  }
0x284: {  	s25 =	rddreg [dreg:$0xe];
	s14 =	sshrl.u32 s14, $0x3  }
0x285: {  	[hbm:s25], [sflag:s5] =	dma.local [spmem:s14], $0x280  }
0x286: {  	s14 =	sld [smem:$0x7F2];
	_ =	sdelay $0x2  }
0x287: {  	s25 =	rddreg [dreg:$0xf];
	s14 =	sshrl.u32 s14, $0x3  }
0x288: {  	[hbm:s25], [sflag:s5] =	dma.local [spmem:s14], $0x280  }
0x289: {  	s14 =	sld [smem:$0x7F5];
	_ =	sdelay $0x2  }
0x28a: {  	s25 =	rddreg [dreg:$0x10];
	s14 =	sshrl.u32 s14, $0x3  }
0x28b: {  	[hbm:s25], [sflag:s5] =	dma.local [spmem:s14], $0x280  }
0x28c: {  	s14 =	sld [smem:$0x7F6];
	_ =	sdelay $0x2  }
0x28d: {  	s25 =	rddreg [dreg:$0x11];
	s14 =	sshrl.u32 s14, $0x3  }
0x28e: {  	[hbm:s25], [sflag:s5] =	dma.local [spmem:s14], $0x280  }
0x28f: {  	s14 =	sld [smem:$0x7F7];
	_ =	sdelay $0x2  }
0x290: {  	s25 =	rddreg [dreg:$0x12];
	s14 =	sshrl.u32 s14, $0x3  }
0x291: {  	[hbm:s25], [sflag:s5] =	dma.local [spmem:s14], $0x280  }
0x292: {  	s14 =	sld [smem:$0x7F8];
	_ =	sdelay $0x2  }
0x293: {  	s25 =	rddreg [dreg:$0x13];
	s14 =	sshrl.u32 s14, $0x3  }
0x294: {  	[hbm:s25], [sflag:s5] =	dma.local [spmem:s14], $0x280  }
0x295: {  	s14 =	sld [smem:$0x7F9];
	_ =	sdelay $0x2  }
0x296: {  	s25 =	rddreg [dreg:$0x14];
	s14 =	sshrl.u32 s14, $0x3  }
0x297: {  	[hbm:s25], [sflag:s5] =	dma.local [spmem:s14], $0x280  }
0x298: {  	s4 =	sld [smem:$0x7D4];
	_ =	sdelay $0x1  }
0x299: {  	s14 =	rddreg [dreg:$0x15]  }
0x29a: {  	[hbm:s14], [sflag:s5] =	dma.local @p2 [spmem:s4], $0x280  }
0x29b: {  	_ =	swait.ge [sflag:s7], $0x280  }
0x29c: {  	[sflag:s7] =	ssyncset.done $0x0  }
0x29d: {  	[sflag:s7] =	ssyncadd.s32 $0xFFFFFD80  }
0x29e: {  	_ =	swait.ge [sflag:s7], $0x280  }
0x29f: {  	[sflag:s7] =	ssyncset.done $0x0  }
0x2a0: {  	[sflag:s7] =	ssyncadd.s32 $0xFFFFFD80  }
0x2a1: {  	_ =	swait.ge [sflag:s7], $0x280  }
0x2a2: {  	[sflag:s7] =	ssyncset.done $0x0  }
0x2a3: {  	[sflag:s7] =	ssyncadd.s32 $0xFFFFFD80  }
0x2a4: {  	_ =	swait.ge [sflag:s7], $0x280  }
0x2a5: {  	[sflag:s7] =	ssyncset.done $0x0  }
0x2a6: {  	[sflag:s7] =	ssyncadd.s32 $0xFFFFFD80  }
0x2a7: {  	_ =	swait.ge [sflag:s7], $0x280  }
0x2a8: {  	[sflag:s7] =	ssyncset.done $0x0  }
0x2a9: {  	[sflag:s7] =	ssyncadd.s32 $0xFFFFFD80  }
0x2aa: {  	_ =	swait.ge [sflag:s7], $0x280  }
0x2ab: {  	[sflag:s7] =	ssyncset.done $0x0  }
0x2ac: {  	[sflag:s7] =	ssyncadd.s32 $0xFFFFFD80  }
0x2ad: {  	_ =	swait.ge [sflag:s7], $0x280  }
0x2ae: {  	[sflag:s7] =	ssyncset.done $0x0  }
0x2af: {  	[sflag:s7] =	ssyncadd.s32 $0xFFFFFD80  }
0x2b0: {  	_ =	swait.ge [sflag:s7], $0x280  }
0x2b1: {  	[sflag:s7] =	ssyncset.done $0x0  }
0x2b2: {  	[sflag:s7] =	ssyncadd.s32 $0xFFFFFD80  }
0x2b3: {  	_ =	swait.ge [sflag:s7], $0x280  }
0x2b4: {  	[sflag:s7] =	ssyncset.done $0x0  }
0x2b5: {  	[sflag:s7] =	ssyncadd.s32 $0xFFFFFD80  }
0x2b6: {  	_ =	swait.ge [sflag:s7], $0x280  }
0x2b7: {  	[sflag:s7] =	ssyncset.done $0x0  }
0x2b8: {  	[sflag:s7] =	ssyncadd.s32 $0xFFFFFD80  }
0x2b9: {  	_ =	swait.ge [sflag:s7], $0x280  }
0x2ba: {  	[sflag:s7] =	ssyncset.done $0x0  }
0x2bb: {  	[sflag:s7] =	ssyncadd.s32 $0xFFFFFD80  }
0x2bc: {  	_ =	swait.ge [sflag:s7], $0x280  }
0x2bd: {  	[sflag:s7] =	ssyncset.done $0x0  }
0x2be: {  	[sflag:s7] =	ssyncadd.s32 $0xFFFFFD80  }
0x2bf: {  	_ =	swait.ge [sflag:s7], $0x280  }
0x2c0: {  	[sflag:s7] =	ssyncset.done $0x0  }
0x2c1: {  	[sflag:s7] =	ssyncadd.s32 $0xFFFFFD80  }
0x2c2: {  	_ =	swait.ge [sflag:s7], $0x280  }
0x2c3: {  	[sflag:s7] =	ssyncset.done $0x0  }
.Ltmp10:
0x2c4: {  	[sflag:s7] =	ssyncadd.s32 $0xFFFFFD80;
	(pc) =	sbr.rel @p1 .LBB2_13-.Ltmp10, $4  }
.Ltmp11:
0x2c5: {  	_ =	swait.ge [sflag:s7], $0x280;
	(pc) =	sbr.rel @!p1 .LBB2_12-.Ltmp11, $4  }
0x2c6: {  	[sflag:s7] =	ssyncset.done $0x0  }
0x2c7: {  	s4 =	sld [smem:$0x7D3];
	[sflag:s7] =	ssyncadd.s32 $0xFFFFFD80  }
0x2c8: {  	s10 =	simm.s32 $0x100;
	s25 =	simm.s32 $0x4200;
	s12 =	rddreg [dreg:$0x0]  }
0x2c9: {  	_ = 	snop  }
.LBB2_14:
0x2ca: {  	_ =	sfence.sel $0x180000  }
0x2cb: {  	[bflag:$0x0] =	sbarrier.arrive $0xFFFF  }
0x2cc: {  	_ =	strace $0x90000047  }
0x2cd: {  	s0 =	stileid.u32;
	[bflag:$0x2] =	sbarrier.arrive $0xFFFF  }
0x2ce: {  	p0 =	sne.s32 s0, $0x0;
	s0 =	rddreg [dreg:$0x5]  }
0x2cf: {  	s0 =	sadd.s32 @!p0 $0x100000, s0  }
0x2d0: {  	[sflag:s0] =	ssyncadd.tile.s32 @!p0 $0x1;
	_ =	shalt  }
.Lfunc_end2:
_tile_overlayer_lowered:
.L_overlay_start_2:
0x2d1: {  	(tag) =	ssettag $0x2  }
0x2d2: {  	s0 =	rddreg [dreg:$0x0];
	s2 =	stileid.u32  }
0x2d3: {  	s1 =	rddreg [dreg:$0x1];
	p0 =	sne.s32 s2, $0x0  }
0x2d4: {  	s3 =	rddreg [dreg:$0x2];
	[bflag:$0x3] =	sbarrier.arrive $0xFFFF;
	s2 =	simm.s32 @!p0 $0x1C10  }
0x2d5: {  	[timem:s3], [sflag:s2] =	dma.local @!p0 [hbm:s0], s1  }
0x2d6: {  	s0 =	simm.s32 @!p0 $0x10  }
0x2d7: {  	_ =	swait.ge @!p0 [sflag:s0], s1  }
0x2d8: {  	s1 =	ssub.s32 @!p0 $0x0, s1;
	[sflag:s0] =	ssyncset.done @!p0 $0x0  }
0x2d9: {  	[sflag:s0] =	ssyncadd.s32 @!p0 s1  }
0x2da: {  	[bflag:$0x3] =	sbarrier.arrive $0xFFFF  }
0x2db: {  	_ =	shalt  }

</sc_bundles>
